<compile_context>
chip_gen: v7x
topology: tpu7x:2x2x1
jax: 0.10.2.dev20260603
libtpu: 0.0.44.dev20260713+nightly
codegen_flags: <defaults>
</compile_context>

<pallas_src>
import functools

import jax
import jax.numpy as jnp
from jax import lax
from jax.experimental import pallas as pl
from jax.experimental.pallas import tpu as pltpu
from jax.experimental.pallas import tpu_sc as plsc

_B, _P, _K = 8, 2048, 20
_BH = 2
_NH = _BH * _P
_R = 256
_NRB = _P // _R
_CHUNK = 128
_NCHUNKS = (_K * _NH) // _CHUNK
_NW = 32
_CPW = _NCHUNKS // _NW


def _topk_body(xall_ref, xr_ref, idx_ref):
    b = pl.program_id(0)
    xa = xall_ref[0]
    xr = xr_ref[0]
    dots = lax.dot_general(xa, xr, (((1,), (1,)), ((), ())),
                           preferred_element_type=jnp.float32)
    sqa = jnp.sum(xa * xa, axis=1, keepdims=True)
    xr2 = xr * xr
    ones = jnp.ones((1, xr.shape[1]), jnp.float32)
    sqr = lax.dot_general(ones, xr2, (((1,), (1,)), ((), ())),
                          preferred_element_type=jnp.float32)
    d2 = jnp.maximum(sqa + sqr - 2.0 * dots, 0.0)
    bits = lax.bitcast_convert_type(d2, jnp.int32)
    cand_id = lax.broadcasted_iota(jnp.int32, d2.shape, 0)
    packed = lax.bitwise_or(lax.bitwise_and(bits, jnp.int32(-2048)), cand_id)
    pu = lax.bitcast_convert_type(packed, jnp.uint32)
    m1g = jnp.full((1, _R), 0x80000000, jnp.uint32)
    base = b * _P
    for k in range(_K):
        mn = jnp.min(lax.bitcast_convert_type(pu - m1g, jnp.int32),
                     axis=0, keepdims=True)
        mval = m1g + lax.bitcast_convert_type(mn, jnp.uint32)
        idx_ref[k:k + 1, :] = (
            lax.bitwise_and(lax.bitcast_convert_type(mval, jnp.int32),
                            jnp.int32(2047)) + base)
        m1g = mval + jnp.uint32(0x80000001)


def _topk(x3d, d):
    return pl.pallas_call(
        _topk_body,
        grid=(_BH, _NRB),
        in_specs=[
            pl.BlockSpec((1, _P, d), lambda b, r: (b, 0, 0)),
            pl.BlockSpec((1, _R, d), lambda b, r: (b, r, 0)),
        ],
        out_specs=pl.BlockSpec((_K, _R), lambda b, r: (0, b * _NRB + r)),
        out_shape=jax.ShapeDtypeStruct((_K, _NH), jnp.int32),
    )(x3d, x3d)


@functools.cache
def _sc_gather_fn(d, dtype):
    mesh = plsc.VectorSubcoreMesh(core_axis_name="c", subcore_axis_name="s")

    @functools.partial(
        pl.kernel,
        mesh=mesh,
        out_type=jax.ShapeDtypeStruct((_NCHUNKS, _CHUNK, d), dtype),
        scratch_types=[
            pltpu.VMEM((_CHUNK,), jnp.int32),
            pltpu.VMEM((_CHUNK, d), dtype),
            pltpu.SemaphoreType.DMA,
        ],
    )
    def gather(table_hbm, idx_hbm, out_hbm, idx_v, rows_v, sem):
        wid = lax.axis_index("s") * 2 + lax.axis_index("c")

        def body(t, carry):
            c = wid * _CPW + t
            pltpu.sync_copy(idx_hbm.at[c], idx_v)
            pltpu.async_copy(table_hbm.at[idx_v], rows_v, sem).wait()
            pltpu.sync_copy(rows_v, out_hbm.at[c])
            return carry

        lax.fori_loop(0, _CPW, body, 0)

    return gather


def _sc_gather(table, idx2d):
    return _sc_gather_fn(table.shape[1], table.dtype)(table, idx2d)


def _conv1_body(p0_ref, pj_ref, w1a_ref, b1a_ref, w1b_ref, b1b_ref,
                w2b_ref, w2d_ref, b2_ref, x1_ref, y_ref, z_ref):
    p0 = p0_ref[...]
    w1a = w1a_ref[...]
    w1b = w1b_ref[...]
    b1a = b1a_ref[...]
    acc = None
    for k in range(_K):
        e = p0 + pj_ref[k]
        pre = jnp.maximum(
            jnp.dot(e, w1a, preferred_element_type=jnp.float32) + b1a, 0.0)
        h = jnp.dot(pre, w1b, preferred_element_type=jnp.float32)
        acc = h if acc is None else jnp.maximum(acc, h)
    x1 = acc + b1b_ref[...]
    x1_ref[...] = x1
    y_ref[...] = jnp.dot(x1, w2b_ref[...], preferred_element_type=jnp.float32)
    z_ref[...] = jnp.dot(x1, w2d_ref[...],
                         preferred_element_type=jnp.float32) + b2_ref[...]


def _conv1(p0, pj, w1a128, b1a_r, w1b, b1b_r, w2b, w2d, b2_r):
    t = 512
    return pl.pallas_call(
        _conv1_body,
        grid=(_NH // t,),
        in_specs=[
            pl.BlockSpec((t, 128), lambda i: (i, 0)),
            pl.BlockSpec((_K, t, 128), lambda i: (0, i, 0)),
            pl.BlockSpec((128, 64), lambda i: (0, 0)),
            pl.BlockSpec((1, 64), lambda i: (0, 0)),
            pl.BlockSpec((64, 64), lambda i: (0, 0)),
            pl.BlockSpec((1, 64), lambda i: (0, 0)),
            pl.BlockSpec((64, 128), lambda i: (0, 0)),
            pl.BlockSpec((64, 128), lambda i: (0, 0)),
            pl.BlockSpec((1, 128), lambda i: (0, 0)),
        ],
        out_specs=[
            pl.BlockSpec((t, 64), lambda i: (i, 0)),
            pl.BlockSpec((t, 128), lambda i: (i, 0)),
            pl.BlockSpec((t, 128), lambda i: (i, 0)),
        ],
        out_shape=[
            jax.ShapeDtypeStruct((_NH, 64), jnp.float32),
            jax.ShapeDtypeStruct((_NH, 128), jnp.float32),
            jax.ShapeDtypeStruct((_NH, 128), jnp.float32),
        ],
    )(p0, pj, w1a128, b1a_r, w1b, b1b_r, w2b, w2d, b2_r)


def _final_body(x1_ref, z_ref, yj_ref, wla_ref, wlb_ref, bl_ref, out_ref):
    mx = yj_ref[0]
    for k in range(1, _K):
        mx = jnp.maximum(mx, yj_ref[k])
    x2 = z_ref[...] + mx
    h = (jnp.dot(x1_ref[...], wla_ref[...], preferred_element_type=jnp.float32)
         + jnp.dot(x2, wlb_ref[...], preferred_element_type=jnp.float32)
         + bl_ref[...])
    part = jnp.max(h, axis=0, keepdims=True)

    @pl.when(pl.program_id(1) == 0)
    def _():
        out_ref[0] = part

    @pl.when(pl.program_id(1) != 0)
    def _():
        out_ref[0] = jnp.maximum(out_ref[0], part)


def _final(x1, z, yj, wla, wlb, bl_r):
    t = 512
    npt = _P // t
    return pl.pallas_call(
        _final_body,
        grid=(_BH, npt),
        in_specs=[
            pl.BlockSpec((t, 64), lambda b, i: (b * npt + i, 0)),
            pl.BlockSpec((t, 128), lambda b, i: (b * npt + i, 0)),
            pl.BlockSpec((_K, t, 128), lambda b, i: (0, b * npt + i, 0)),
            pl.BlockSpec((64, 128), lambda b, i: (0, 0)),
            pl.BlockSpec((128, 128), lambda b, i: (0, 0)),
            pl.BlockSpec((1, 128), lambda b, i: (0, 0)),
        ],
        out_specs=pl.BlockSpec((1, 1, 128), lambda b, i: (b, 0, 0)),
        out_shape=jax.ShapeDtypeStruct((_BH, 1, 128), jnp.float32),
    )(x1, z, yj, wla, wlb, bl_r)


def _half(posp, p0, p1, w1a128, b1a_r, W1b, b1b_r, w2b, w2d, b2_r,
          wla, wlb, bl_r):
    idx1 = _topk(posp.reshape(_BH, _P, 8), 8)
    pj = _sc_gather(p1, idx1.reshape(_NCHUNKS, _CHUNK))
    pj = pj.reshape(_K, _NH, 128)
    x1, y, z = _conv1(p0, pj, w1a128, b1a_r, W1b, b1b_r, w2b, w2d, b2_r)

    idx2 = _topk(x1.reshape(_BH, _P, 64), 64)
    yj = _sc_gather(y, idx2.reshape(_NCHUNKS, _CHUNK))
    yj = yj.reshape(_K, _NH, 128)
    return _final(x1, z, yj, wla, wlb, bl_r)


def kernel(pos, batch, W1a, b1a, W1b, b1b, W2, b2, Wl, bl):
    w1a128 = jnp.concatenate([W1a, jnp.zeros((122, 64), jnp.float32)], axis=0)
    w2a, w2b = W2[:64], W2[64:]
    w2d = w2a - w2b
    wla, wlb = Wl[:64], Wl[64:]
    b1a_r = b1a.reshape(1, 64)
    b1b_r = b1b.reshape(1, 64)
    b2_r = b2.reshape(1, 128)
    bl_r = bl.reshape(1, 128)
    n = _B * _P
    posp = jnp.concatenate([pos, jnp.zeros((n, 5), jnp.float32)], axis=1)
    z122 = jnp.zeros((n, 122), jnp.float32)
    p0 = jnp.concatenate([pos, -pos, z122], axis=1)
    p1 = jnp.concatenate([jnp.zeros((n, 3), jnp.float32), pos, z122], axis=1)

    outs = [
        _half(posp[h * _NH:(h + 1) * _NH], p0[h * _NH:(h + 1) * _NH],
              p1[h * _NH:(h + 1) * _NH], w1a128, b1a_r, W1b, b1b_r,
              w2b, w2d, b2_r, wla, wlb, bl_r)
        for h in range(_B // _BH)
    ]
    return jnp.concatenate(outs, axis=0).reshape(_B, 128)

# --- scband reference (transcript-rebuilt; emitter-appended) ---
"""Pipeline reference for scband-model-88493506167170 (READ-ONLY COPY).

The authoritative reference and input builder live on the scoring server;
editing this copy changes nothing except your own understanding.
"""

import jax, jax.numpy as jnp
import numpy as np

B, P, K = 8, 2048, 20

def setup_inputs(seed: int = 0) -> dict:
    key = jax.random.key(seed)
    ks = jax.random.split(key, 10)
    pos = jax.random.normal(ks[0], (B * P, 3), dtype=jnp.float32)
    batch = jnp.repeat(jnp.arange(B, dtype=jnp.int32), P)
    def lin(k, fi, fo):
        k1, k2 = jax.random.split(k)
        W = jax.random.normal(k1, (fi, fo), dtype=jnp.float32) / np.sqrt(fi)
        b = jax.random.normal(k2, (fo,), dtype=jnp.float32) * 0.01
        return W, b
    W1a, b1a = lin(ks[1], 2 * 3, 64)
    W1b, b1b = lin(ks[2], 64, 64)
    W2, b2 = lin(ks[3], 2 * 64, 128)
    Wl, bl = lin(ks[4], 128 + 64, 128)
    return {"pos": pos, "batch": batch, "W1a": W1a, "b1a": b1a, "W1b": W1b, "b1b": b1b, "W2": W2, "b2": b2, "Wl": Wl, "bl": bl}

def _knn_idx(x):
    # x: [B, P, D]; includes self (dist 0), matching torch_cluster.knn(x, x, k)
    sq = jnp.sum(x * x, axis=-1)
    d2 = sq[:, :, None] + sq[:, None, :] - 2.0 * jnp.einsum('bpd,bqd->bpq', x, x)
    _, idx = jax.lax.top_k(-d2, K)
    return idx  # [B, P, K]

def _edge_conv(x, mlp):
    idx = _knn_idx(x)
    xj = jax.vmap(lambda xb, ib: xb[ib])(x, idx)          # [B, P, K, D]
    xi = jnp.broadcast_to(x[:, :, None, :], xj.shape)
    e = jnp.concatenate([xi, xj - xi], axis=-1)            # [B, P, K, 2D]
    h = mlp(e)
    return jnp.max(h, axis=2)                              # max aggregation

def reference(pos, batch, W1a, b1a, W1b, b1b, W2, b2, Wl, bl):
    # eval path of Model.forward (train=False): conv1 -> conv2 -> lin1 -> global_max_pool
    x = pos.reshape(B, P, 3)
    mlp1 = lambda e: jax.nn.relu(e @ W1a + b1a) @ W1b + b1b  # PyG MLP([6,64,64]), plain last
    mlp2 = lambda e: e @ W2 + b2                              # PyG MLP([128,128]), plain last
    x1 = _edge_conv(x, mlp1)                                  # [B, P, 64]
    x2 = _edge_conv(x1, mlp2)                                 # [B, P, 128]
    h_points = jnp.concatenate([x1, x2], axis=-1) @ Wl + bl   # [B, P, 128]
    return jnp.max(h_points, axis=1)                          # global_max_pool -> [B, 128]

if __name__ == "__main__":
    import jax
    _d = setup_inputs()
    print(jax.jit(kernel)(*tuple(_d.values())))

</pallas_src>

<mosaic_0001>
#map = affine_map<(d0, d1) -> (0, 0)>
#map1 = affine_map<(d0, d1) -> (0, 0, 0)>
module attributes {stable_mosaic.version = 14 : i64} {
  func.func @gather(%arg0: i32, %arg1: i32, %arg2: memref<4096x128xf32, #tpu.memory_space<hbm>>, %arg3: memref<640x128xi32, #tpu.memory_space<hbm>>, %arg4: memref<640x128x128xf32, #tpu.memory_space<hbm>>, %arg5: memref<128xi32, #tpu.memory_space<vmem>>, %arg6: memref<128x128xf32, #tpu.memory_space<vmem>>, %arg7: memref<!tpu.dma_semaphore, #tpu.memory_space<semaphore_mem>>) attributes {dimension_semantics = [#tpu.dimension_semantics<core_parallel>, #tpu.dimension_semantics<subcore_parallel>], iteration_bounds = array<i64: 2, 16>, scalar_prefetch = 0 : i64, scratch_operands = 3 : i64, tpu.core_type = #tpu.core_type<sc_vector_subcore>, window_params = [{transform_indices = #map}, {transform_indices = #map}, {transform_indices = #map1}]} {
    %mul3A = arith.constant 2 : i32
    %mul3A_0 = arith.muli %arg1, %mul3A : i32
    %add3A = arith.addi %mul3A_0, %arg0 : i32
    %scan3A = arith.constant 0 : i32
    %scan3A_1 = arith.constant 0 : i32
    %scan3A_2 = arith.constant 20 : i32
    %scan3A_3 = arith.addi %scan3A_1, %scan3A_2 : i32
    %scan3A_4 = arith.constant 1 : i32
    scf.for %scan3A_6 = %scan3A_1 to %scan3A_3 step %scan3A_4  : i32 {
      %mul3A_7 = arith.constant 20 : i32
      %mul3A_8 = arith.muli %add3A, %mul3A_7 : i32
      %add3A_9 = arith.addi %mul3A_8, %scan3A_6 : i32
      "tpu.region"() ({
        %run_scoped3A = tpu.sem_alloc : memref<!tpu.dma_semaphore, #tpu.memory_space<semaphore_mem>>
        %dma_start3A_14 = arith.constant 0 : i32
        %dma_start3A_15 = tpu.memref_slice %arg3[%add3A_9, %dma_start3A_14] : memref<640x128xi32, #tpu.memory_space<hbm>> -> memref<1x128xi32, #tpu.memory_space<hbm>>
        %dma_start3A_16 = tpu.memref_squeeze %dma_start3A_15 : memref<1x128xi32, #tpu.memory_space<hbm>> -> memref<128xi32, #tpu.memory_space<hbm>>
        %dma_start3A_17 = arith.constant 0 : i32
        %dma_start3A_18 = tpu.memref_slice %arg3[%add3A_9, %dma_start3A_17] : memref<640x128xi32, #tpu.memory_space<hbm>> -> memref<1x128xi32, #tpu.memory_space<hbm>>
        %dma_start3A_19 = tpu.memref_squeeze %dma_start3A_18 : memref<1x128xi32, #tpu.memory_space<hbm>> -> memref<128xi32, #tpu.memory_space<hbm>>
        tpu.enqueue_dma source(%dma_start3A_19 : memref<128xi32, #tpu.memory_space<hbm>>) target(%arg5 : memref<128xi32, #tpu.memory_space<vmem>>) target_semaphore(%run_scoped3A : memref<!tpu.dma_semaphore, #tpu.memory_space<semaphore_mem>>)
        %dma_wait3A_20 = arith.constant 0 : i32
        %dma_wait3A_21 = tpu.memref_slice %arg3[%add3A_9, %dma_wait3A_20] : memref<640x128xi32, #tpu.memory_space<hbm>> -> memref<1x128xi32, #tpu.memory_space<hbm>>
        %dma_wait3A_22 = tpu.memref_squeeze %dma_wait3A_21 : memref<1x128xi32, #tpu.memory_space<hbm>> -> memref<128xi32, #tpu.memory_space<hbm>>
        %dma_wait3A_23 = arith.constant 0 : i32
        %dma_wait3A_24 = tpu.memref_slice %arg3[%add3A_9, %dma_wait3A_23] : memref<640x128xi32, #tpu.memory_space<hbm>> -> memref<1x128xi32, #tpu.memory_space<hbm>>
        %dma_wait3A_25 = tpu.memref_squeeze %dma_wait3A_24 : memref<1x128xi32, #tpu.memory_space<hbm>> -> memref<128xi32, #tpu.memory_space<hbm>>
        tpu.wait_dma2 semaphore(%run_scoped3A : memref<!tpu.dma_semaphore, #tpu.memory_space<semaphore_mem>>) src(%dma_wait3A_25 : memref<128xi32, #tpu.memory_space<hbm>>) dst(%arg5 : memref<128xi32, #tpu.memory_space<vmem>>)
        tpu.yield
      }) : () -> ()
      %dma_start3A = arith.constant 0 : i32
      %dma_start3A_10 = arith.constant 0 : i32
      %dma_start3A_11 = tpu.memref_slice %arg2[%dma_start3A, %dma_start3A_10] : memref<4096x128xf32, #tpu.memory_space<hbm>> -> memref<4096x128xf32, #tpu.memory_space<hbm>>
      tpu.enqueue_indirect_dma source(%dma_start3A_11 : memref<4096x128xf32, #tpu.memory_space<hbm>>) target(%arg6 : memref<128x128xf32, #tpu.memory_space<vmem>>) offsets(%arg5 : memref<128xi32, #tpu.memory_space<vmem>>) semaphore(%arg7 : memref<!tpu.dma_semaphore, #tpu.memory_space<semaphore_mem>>)
      %dma_wait3A = arith.constant 0 : i32
      %dma_wait3A_12 = arith.constant 0 : i32
      %dma_wait3A_13 = tpu.memref_slice %arg2[%dma_wait3A, %dma_wait3A_12] : memref<4096x128xf32, #tpu.memory_space<hbm>> -> memref<4096x128xf32, #tpu.memory_space<hbm>>
      tpu.wait_indirect_dma semaphore(%arg7 : memref<!tpu.dma_semaphore, #tpu.memory_space<semaphore_mem>>) src(%dma_wait3A_13 : memref<4096x128xf32, #tpu.memory_space<hbm>>) dst(%arg6 : memref<128x128xf32, #tpu.memory_space<vmem>>)
      "tpu.region"() ({
        %run_scoped3A = tpu.sem_alloc : memref<!tpu.dma_semaphore, #tpu.memory_space<semaphore_mem>>
        %dma_start3A_14 = arith.constant 0 : i32
        %dma_start3A_15 = arith.constant 0 : i32
        %dma_start3A_16 = tpu.memref_slice %arg4[%add3A_9, %dma_start3A_14, %dma_start3A_15] : memref<640x128x128xf32, #tpu.memory_space<hbm>> -> memref<1x128x128xf32, #tpu.memory_space<hbm>>
        %dma_start3A_17 = tpu.memref_squeeze %dma_start3A_16 : memref<1x128x128xf32, #tpu.memory_space<hbm>> -> memref<128x128xf32, #tpu.memory_space<hbm>>
        %dma_start3A_18 = arith.constant 0 : i32
        %dma_start3A_19 = arith.constant 0 : i32
        %dma_start3A_20 = tpu.memref_slice %arg4[%add3A_9, %dma_start3A_18, %dma_start3A_19] : memref<640x128x128xf32, #tpu.memory_space<hbm>> -> memref<1x128x128xf32, #tpu.memory_space<hbm>>
        %dma_start3A_21 = tpu.memref_squeeze %dma_start3A_20 : memref<1x128x128xf32, #tpu.memory_space<hbm>> -> memref<128x128xf32, #tpu.memory_space<hbm>>
        tpu.enqueue_dma source(%arg6 : memref<128x128xf32, #tpu.memory_space<vmem>>) target(%dma_start3A_21 : memref<128x128xf32, #tpu.memory_space<hbm>>) target_semaphore(%run_scoped3A : memref<!tpu.dma_semaphore, #tpu.memory_space<semaphore_mem>>)
        %dma_wait3A_22 = arith.constant 0 : i32
        %dma_wait3A_23 = arith.constant 0 : i32
        %dma_wait3A_24 = tpu.memref_slice %arg4[%add3A_9, %dma_wait3A_22, %dma_wait3A_23] : memref<640x128x128xf32, #tpu.memory_space<hbm>> -> memref<1x128x128xf32, #tpu.memory_space<hbm>>
        %dma_wait3A_25 = tpu.memref_squeeze %dma_wait3A_24 : memref<1x128x128xf32, #tpu.memory_space<hbm>> -> memref<128x128xf32, #tpu.memory_space<hbm>>
        %dma_wait3A_26 = arith.constant 0 : i32
        %dma_wait3A_27 = arith.constant 0 : i32
        %dma_wait3A_28 = tpu.memref_slice %arg4[%add3A_9, %dma_wait3A_26, %dma_wait3A_27] : memref<640x128x128xf32, #tpu.memory_space<hbm>> -> memref<1x128x128xf32, #tpu.memory_space<hbm>>
        %dma_wait3A_29 = tpu.memref_squeeze %dma_wait3A_28 : memref<1x128x128xf32, #tpu.memory_space<hbm>> -> memref<128x128xf32, #tpu.memory_space<hbm>>
        tpu.wait_dma2 semaphore(%run_scoped3A : memref<!tpu.dma_semaphore, #tpu.memory_space<semaphore_mem>>) src(%arg6 : memref<128x128xf32, #tpu.memory_space<vmem>>) dst(%dma_wait3A_29 : memref<128x128xf32, #tpu.memory_space<hbm>>)
        tpu.yield
      }) : () -> ()
    }
    %scan3A_5 = arith.constant 20 : i32
    return
  }
}

#map = affine_map<(d0, d1) -> (0, 0)>
#map1 = affine_map<(d0, d1) -> (0, 0, 0)>
module attributes {stable_mosaic.version = 14 : i64} {
  func.func @gather(%arg0: i32, %arg1: i32, %arg2: memref<4096x128xf32, #tpu.memory_space<hbm>>, %arg3: memref<640x128xi32, #tpu.memory_space<hbm>>, %arg4: memref<640x128x128xf32, #tpu.memory_space<hbm>>, %arg5: memref<128xi32, #tpu.memory_space<vmem>>, %arg6: memref<128x128xf32, #tpu.memory_space<vmem>>, %arg7: memref<!tpu.dma_semaphore, #tpu.memory_space<semaphore_mem>>) attributes {dimension_semantics = [#tpu.dimension_semantics<core_parallel>, #tpu.dimension_semantics<subcore_parallel>], iteration_bounds = array<i64: 2, 16>, scalar_prefetch = 0 : i64, scratch_operands = 3 : i64, tpu.core_type = #tpu.core_type<sc_vector_subcore>, window_params = [{transform_indices = #map}, {transform_indices = #map}, {transform_indices = #map1}]} {
    %mul3A = arith.constant 2 : i32
    %mul3A_0 = arith.muli %arg1, %mul3A : i32
    %add3A = arith.addi %mul3A_0, %arg0 : i32
    %scan3A = arith.constant 0 : i32
    %scan3A_1 = arith.constant 0 : i32
    %scan3A_2 = arith.constant 20 : i32
    %scan3A_3 = arith.addi %scan3A_1, %scan3A_2 : i32
    %scan3A_4 = arith.constant 1 : i32
    scf.for %scan3A_6 = %scan3A_1 to %scan3A_3 step %scan3A_4  : i32 {
      %mul3A_7 = arith.constant 20 : i32
      %mul3A_8 = arith.muli %add3A, %mul3A_7 : i32
      %add3A_9 = arith.addi %mul3A_8, %scan3A_6 : i32
      "tpu.region"() ({
        %run_scoped3A = tpu.sem_alloc : memref<!tpu.dma_semaphore, #tpu.memory_space<semaphore_mem>>
        %dma_start3A_14 = arith.constant 0 : i32
        %dma_start3A_15 = tpu.memref_slice %arg3[%add3A_9, %dma_start3A_14] : memref<640x128xi32, #tpu.memory_space<hbm>> -> memref<1x128xi32, #tpu.memory_space<hbm>>
        %dma_start3A_16 = tpu.memref_squeeze %dma_start3A_15 : memref<1x128xi32, #tpu.memory_space<hbm>> -> memref<128xi32, #tpu.memory_space<hbm>>
        %dma_start3A_17 = arith.constant 0 : i32
        %dma_start3A_18 = tpu.memref_slice %arg3[%add3A_9, %dma_start3A_17] : memref<640x128xi32, #tpu.memory_space<hbm>> -> memref<1x128xi32, #tpu.memory_space<hbm>>
        %dma_start3A_19 = tpu.memref_squeeze %dma_start3A_18 : memref<1x128xi32, #tpu.memory_space<hbm>> -> memref<128xi32, #tpu.memory_space<hbm>>
        tpu.enqueue_dma source(%dma_start3A_19 : memref<128xi32, #tpu.memory_space<hbm>>) target(%arg5 : memref<128xi32, #tpu.memory_space<vmem>>) target_semaphore(%run_scoped3A : memref<!tpu.dma_semaphore, #tpu.memory_space<semaphore_mem>>)
        %dma_wait3A_20 = arith.constant 0 : i32
        %dma_wait3A_21 = tpu.memref_slice %arg3[%add3A_9, %dma_wait3A_20] : memref<640x128xi32, #tpu.memory_space<hbm>> -> memref<1x128xi32, #tpu.memory_space<hbm>>
        %dma_wait3A_22 = tpu.memref_squeeze %dma_wait3A_21 : memref<1x128xi32, #tpu.memory_space<hbm>> -> memref<128xi32, #tpu.memory_space<hbm>>
        %dma_wait3A_23 = arith.constant 0 : i32
        %dma_wait3A_24 = tpu.memref_slice %arg3[%add3A_9, %dma_wait3A_23] : memref<640x128xi32, #tpu.memory_space<hbm>> -> memref<1x128xi32, #tpu.memory_space<hbm>>
        %dma_wait3A_25 = tpu.memref_squeeze %dma_wait3A_24 : memref<1x128xi32, #tpu.memory_space<hbm>> -> memref<128xi32, #tpu.memory_space<hbm>>
        tpu.wait_dma2 semaphore(%run_scoped3A : memref<!tpu.dma_semaphore, #tpu.memory_space<semaphore_mem>>) src(%dma_wait3A_25 : memref<128xi32, #tpu.memory_space<hbm>>) dst(%arg5 : memref<128xi32, #tpu.memory_space<vmem>>)
        tpu.yield
      }) : () -> ()
      %dma_start3A = arith.constant 0 : i32
      %dma_start3A_10 = arith.constant 0 : i32
      %dma_start3A_11 = tpu.memref_slice %arg2[%dma_start3A, %dma_start3A_10] : memref<4096x128xf32, #tpu.memory_space<hbm>> -> memref<4096x128xf32, #tpu.memory_space<hbm>>
      tpu.enqueue_indirect_dma source(%dma_start3A_11 : memref<4096x128xf32, #tpu.memory_space<hbm>>) target(%arg6 : memref<128x128xf32, #tpu.memory_space<vmem>>) offsets(%arg5 : memref<128xi32, #tpu.memory_space<vmem>>) semaphore(%arg7 : memref<!tpu.dma_semaphore, #tpu.memory_space<semaphore_mem>>)
      %dma_wait3A = arith.constant 0 : i32
      %dma_wait3A_12 = arith.constant 0 : i32
      %dma_wait3A_13 = tpu.memref_slice %arg2[%dma_wait3A, %dma_wait3A_12] : memref<4096x128xf32, #tpu.memory_space<hbm>> -> memref<4096x128xf32, #tpu.memory_space<hbm>>
      tpu.wait_indirect_dma semaphore(%arg7 : memref<!tpu.dma_semaphore, #tpu.memory_space<semaphore_mem>>) src(%dma_wait3A_13 : memref<4096x128xf32, #tpu.memory_space<hbm>>) dst(%arg6 : memref<128x128xf32, #tpu.memory_space<vmem>>)
      "tpu.region"() ({
        %run_scoped3A = tpu.sem_alloc : memref<!tpu.dma_semaphore, #tpu.memory_space<semaphore_mem>>
        %dma_start3A_14 = arith.constant 0 : i32
        %dma_start3A_15 = arith.constant 0 : i32
        %dma_start3A_16 = tpu.memref_slice %arg4[%add3A_9, %dma_start3A_14, %dma_start3A_15] : memref<640x128x128xf32, #tpu.memory_space<hbm>> -> memref<1x128x128xf32, #tpu.memory_space<hbm>>
        %dma_start3A_17 = tpu.memref_squeeze %dma_start3A_16 : memref<1x128x128xf32, #tpu.memory_space<hbm>> -> memref<128x128xf32, #tpu.memory_space<hbm>>
        %dma_start3A_18 = arith.constant 0 : i32
        %dma_start3A_19 = arith.constant 0 : i32
        %dma_start3A_20 = tpu.memref_slice %arg4[%add3A_9, %dma_start3A_18, %dma_start3A_19] : memref<640x128x128xf32, #tpu.memory_space<hbm>> -> memref<1x128x128xf32, #tpu.memory_space<hbm>>
        %dma_start3A_21 = tpu.memref_squeeze %dma_start3A_20 : memref<1x128x128xf32, #tpu.memory_space<hbm>> -> memref<128x128xf32, #tpu.memory_space<hbm>>
        tpu.enqueue_dma source(%arg6 : memref<128x128xf32, #tpu.memory_space<vmem>>) target(%dma_start3A_21 : memref<128x128xf32, #tpu.memory_space<hbm>>) target_semaphore(%run_scoped3A : memref<!tpu.dma_semaphore, #tpu.memory_space<semaphore_mem>>)
        %dma_wait3A_22 = arith.constant 0 : i32
        %dma_wait3A_23 = arith.constant 0 : i32
        %dma_wait3A_24 = tpu.memref_slice %arg4[%add3A_9, %dma_wait3A_22, %dma_wait3A_23] : memref<640x128x128xf32, #tpu.memory_space<hbm>> -> memref<1x128x128xf32, #tpu.memory_space<hbm>>
        %dma_wait3A_25 = tpu.memref_squeeze %dma_wait3A_24 : memref<1x128x128xf32, #tpu.memory_space<hbm>> -> memref<128x128xf32, #tpu.memory_space<hbm>>
        %dma_wait3A_26 = arith.constant 0 : i32
        %dma_wait3A_27 = arith.constant 0 : i32
        %dma_wait3A_28 = tpu.memref_slice %arg4[%add3A_9, %dma_wait3A_26, %dma_wait3A_27] : memref<640x128x128xf32, #tpu.memory_space<hbm>> -> memref<1x128x128xf32, #tpu.memory_space<hbm>>
        %dma_wait3A_29 = tpu.memref_squeeze %dma_wait3A_28 : memref<1x128x128xf32, #tpu.memory_space<hbm>> -> memref<128x128xf32, #tpu.memory_space<hbm>>
        tpu.wait_dma2 semaphore(%run_scoped3A : memref<!tpu.dma_semaphore, #tpu.memory_space<semaphore_mem>>) src(%arg6 : memref<128x128xf32, #tpu.memory_space<vmem>>) dst(%dma_wait3A_29 : memref<128x128xf32, #tpu.memory_space<hbm>>)
        tpu.yield
      }) : () -> ()
    }
    %scan3A_5 = arith.constant 20 : i32
    return
  }
}

#map = affine_map<(d0, d1) -> (0, 0)>
#map1 = affine_map<(d0, d1) -> (0, 0, 0)>
module attributes {stable_mosaic.version = 14 : i64} {
  func.func @gather(%arg0: i32, %arg1: i32, %arg2: memref<4096x128xf32, #tpu.memory_space<hbm>>, %arg3: memref<640x128xi32, #tpu.memory_space<hbm>>, %arg4: memref<640x128x128xf32, #tpu.memory_space<hbm>>, %arg5: memref<128xi32, #tpu.memory_space<vmem>>, %arg6: memref<128x128xf32, #tpu.memory_space<vmem>>, %arg7: memref<!tpu.dma_semaphore, #tpu.memory_space<semaphore_mem>>) attributes {dimension_semantics = [#tpu.dimension_semantics<core_parallel>, #tpu.dimension_semantics<subcore_parallel>], iteration_bounds = array<i64: 2, 16>, scalar_prefetch = 0 : i64, scratch_operands = 3 : i64, tpu.core_type = #tpu.core_type<sc_vector_subcore>, window_params = [{transform_indices = #map}, {transform_indices = #map}, {transform_indices = #map1}]} {
    %mul3A = arith.constant 2 : i32
    %mul3A_0 = arith.muli %arg1, %mul3A : i32
    %add3A = arith.addi %mul3A_0, %arg0 : i32
    %scan3A = arith.constant 0 : i32
    %scan3A_1 = arith.constant 0 : i32
    %scan3A_2 = arith.constant 20 : i32
    %scan3A_3 = arith.addi %scan3A_1, %scan3A_2 : i32
    %scan3A_4 = arith.constant 1 : i32
    scf.for %scan3A_6 = %scan3A_1 to %scan3A_3 step %scan3A_4  : i32 {
      %mul3A_7 = arith.constant 20 : i32
      %mul3A_8 = arith.muli %add3A, %mul3A_7 : i32
      %add3A_9 = arith.addi %mul3A_8, %scan3A_6 : i32
      "tpu.region"() ({
        %run_scoped3A = tpu.sem_alloc : memref<!tpu.dma_semaphore, #tpu.memory_space<semaphore_mem>>
        %dma_start3A_14 = arith.constant 0 : i32
        %dma_start3A_15 = tpu.memref_slice %arg3[%add3A_9, %dma_start3A_14] : memref<640x128xi32, #tpu.memory_space<hbm>> -> memref<1x128xi32, #tpu.memory_space<hbm>>
        %dma_start3A_16 = tpu.memref_squeeze %dma_start3A_15 : memref<1x128xi32, #tpu.memory_space<hbm>> -> memref<128xi32, #tpu.memory_space<hbm>>
        %dma_start3A_17 = arith.constant 0 : i32
        %dma_start3A_18 = tpu.memref_slice %arg3[%add3A_9, %dma_start3A_17] : memref<640x128xi32, #tpu.memory_space<hbm>> -> memref<1x128xi32, #tpu.memory_space<hbm>>
        %dma_start3A_19 = tpu.memref_squeeze %dma_start3A_18 : memref<1x128xi32, #tpu.memory_space<hbm>> -> memref<128xi32, #tpu.memory_space<hbm>>
        tpu.enqueue_dma source(%dma_start3A_19 : memref<128xi32, #tpu.memory_space<hbm>>) target(%arg5 : memref<128xi32, #tpu.memory_space<vmem>>) target_semaphore(%run_scoped3A : memref<!tpu.dma_semaphore, #tpu.memory_space<semaphore_mem>>)
        %dma_wait3A_20 = arith.constant 0 : i32
        %dma_wait3A_21 = tpu.memref_slice %arg3[%add3A_9, %dma_wait3A_20] : memref<640x128xi32, #tpu.memory_space<hbm>> -> memref<1x128xi32, #tpu.memory_space<hbm>>
        %dma_wait3A_22 = tpu.memref_squeeze %dma_wait3A_21 : memref<1x128xi32, #tpu.memory_space<hbm>> -> memref<128xi32, #tpu.memory_space<hbm>>
        %dma_wait3A_23 = arith.constant 0 : i32
        %dma_wait3A_24 = tpu.memref_slice %arg3[%add3A_9, %dma_wait3A_23] : memref<640x128xi32, #tpu.memory_space<hbm>> -> memref<1x128xi32, #tpu.memory_space<hbm>>
        %dma_wait3A_25 = tpu.memref_squeeze %dma_wait3A_24 : memref<1x128xi32, #tpu.memory_space<hbm>> -> memref<128xi32, #tpu.memory_space<hbm>>
        tpu.wait_dma2 semaphore(%run_scoped3A : memref<!tpu.dma_semaphore, #tpu.memory_space<semaphore_mem>>) src(%dma_wait3A_25 : memref<128xi32, #tpu.memory_space<hbm>>) dst(%arg5 : memref<128xi32, #tpu.memory_space<vmem>>)
        tpu.yield
      }) : () -> ()
      %dma_start3A = arith.constant 0 : i32
      %dma_start3A_10 = arith.constant 0 : i32
      %dma_start3A_11 = tpu.memref_slice %arg2[%dma_start3A, %dma_start3A_10] : memref<4096x128xf32, #tpu.memory_space<hbm>> -> memref<4096x128xf32, #tpu.memory_space<hbm>>
      tpu.enqueue_indirect_dma source(%dma_start3A_11 : memref<4096x128xf32, #tpu.memory_space<hbm>>) target(%arg6 : memref<128x128xf32, #tpu.memory_space<vmem>>) offsets(%arg5 : memref<128xi32, #tpu.memory_space<vmem>>) semaphore(%arg7 : memref<!tpu.dma_semaphore, #tpu.memory_space<semaphore_mem>>)
      %dma_wait3A = arith.constant 0 : i32
      %dma_wait3A_12 = arith.constant 0 : i32
      %dma_wait3A_13 = tpu.memref_slice %arg2[%dma_wait3A, %dma_wait3A_12] : memref<4096x128xf32, #tpu.memory_space<hbm>> -> memref<4096x128xf32, #tpu.memory_space<hbm>>
      tpu.wait_indirect_dma semaphore(%arg7 : memref<!tpu.dma_semaphore, #tpu.memory_space<semaphore_mem>>) src(%dma_wait3A_13 : memref<4096x128xf32, #tpu.memory_space<hbm>>) dst(%arg6 : memref<128x128xf32, #tpu.memory_space<vmem>>)
      "tpu.region"() ({
        %run_scoped3A = tpu.sem_alloc : memref<!tpu.dma_semaphore, #tpu.memory_space<semaphore_mem>>
        %dma_start3A_14 = arith.constant 0 : i32
        %dma_start3A_15 = arith.constant 0 : i32
        %dma_start3A_16 = tpu.memref_slice %arg4[%add3A_9, %dma_start3A_14, %dma_start3A_15] : memref<640x128x128xf32, #tpu.memory_space<hbm>> -> memref<1x128x128xf32, #tpu.memory_space<hbm>>
        %dma_start3A_17 = tpu.memref_squeeze %dma_start3A_16 : memref<1x128x128xf32, #tpu.memory_space<hbm>> -> memref<128x128xf32, #tpu.memory_space<hbm>>
        %dma_start3A_18 = arith.constant 0 : i32
        %dma_start3A_19 = arith.constant 0 : i32
        %dma_start3A_20 = tpu.memref_slice %arg4[%add3A_9, %dma_start3A_18, %dma_start3A_19] : memref<640x128x128xf32, #tpu.memory_space<hbm>> -> memref<1x128x128xf32, #tpu.memory_space<hbm>>
        %dma_start3A_21 = tpu.memref_squeeze %dma_start3A_20 : memref<1x128x128xf32, #tpu.memory_space<hbm>> -> memref<128x128xf32, #tpu.memory_space<hbm>>
        tpu.enqueue_dma source(%arg6 : memref<128x128xf32, #tpu.memory_space<vmem>>) target(%dma_start3A_21 : memref<128x128xf32, #tpu.memory_space<hbm>>) target_semaphore(%run_scoped3A : memref<!tpu.dma_semaphore, #tpu.memory_space<semaphore_mem>>)
        %dma_wait3A_22 = arith.constant 0 : i32
        %dma_wait3A_23 = arith.constant 0 : i32
        %dma_wait3A_24 = tpu.memref_slice %arg4[%add3A_9, %dma_wait3A_22, %dma_wait3A_23] : memref<640x128x128xf32, #tpu.memory_space<hbm>> -> memref<1x128x128xf32, #tpu.memory_space<hbm>>
        %dma_wait3A_25 = tpu.memref_squeeze %dma_wait3A_24 : memref<1x128x128xf32, #tpu.memory_space<hbm>> -> memref<128x128xf32, #tpu.memory_space<hbm>>
        %dma_wait3A_26 = arith.constant 0 : i32
        %dma_wait3A_27 = arith.constant 0 : i32
        %dma_wait3A_28 = tpu.memref_slice %arg4[%add3A_9, %dma_wait3A_26, %dma_wait3A_27] : memref<640x128x128xf32, #tpu.memory_space<hbm>> -> memref<1x128x128xf32, #tpu.memory_space<hbm>>
        %dma_wait3A_29 = tpu.memref_squeeze %dma_wait3A_28 : memref<1x128x128xf32, #tpu.memory_space<hbm>> -> memref<128x128xf32, #tpu.memory_space<hbm>>
        tpu.wait_dma2 semaphore(%run_scoped3A : memref<!tpu.dma_semaphore, #tpu.memory_space<semaphore_mem>>) src(%arg6 : memref<128x128xf32, #tpu.memory_space<vmem>>) dst(%dma_wait3A_29 : memref<128x128xf32, #tpu.memory_space<hbm>>)
        tpu.yield
      }) : () -> ()
    }
    %scan3A_5 = arith.constant 20 : i32
    return
  }
}

#map = affine_map<(d0, d1) -> (0, 0)>
#map1 = affine_map<(d0, d1) -> (0, 0, 0)>
module attributes {stable_mosaic.version = 14 : i64} {
  func.func @gather(%arg0: i32, %arg1: i32, %arg2: memref<4096x128xf32, #tpu.memory_space<hbm>>, %arg3: memref<640x128xi32, #tpu.memory_space<hbm>>, %arg4: memref<640x128x128xf32, #tpu.memory_space<hbm>>, %arg5: memref<128xi32, #tpu.memory_space<vmem>>, %arg6: memref<128x128xf32, #tpu.memory_space<vmem>>, %arg7: memref<!tpu.dma_semaphore, #tpu.memory_space<semaphore_mem>>) attributes {dimension_semantics = [#tpu.dimension_semantics<core_parallel>, #tpu.dimension_semantics<subcore_parallel>], iteration_bounds = array<i64: 2, 16>, scalar_prefetch = 0 : i64, scratch_operands = 3 : i64, tpu.core_type = #tpu.core_type<sc_vector_subcore>, window_params = [{transform_indices = #map}, {transform_indices = #map}, {transform_indices = #map1}]} {
    %mul3A = arith.constant 2 : i32
    %mul3A_0 = arith.muli %arg1, %mul3A : i32
    %add3A = arith.addi %mul3A_0, %arg0 : i32
    %scan3A = arith.constant 0 : i32
    %scan3A_1 = arith.constant 0 : i32
    %scan3A_2 = arith.constant 20 : i32
    %scan3A_3 = arith.addi %scan3A_1, %scan3A_2 : i32
    %scan3A_4 = arith.constant 1 : i32
    scf.for %scan3A_6 = %scan3A_1 to %scan3A_3 step %scan3A_4  : i32 {
      %mul3A_7 = arith.constant 20 : i32
      %mul3A_8 = arith.muli %add3A, %mul3A_7 : i32
      %add3A_9 = arith.addi %mul3A_8, %scan3A_6 : i32
      "tpu.region"() ({
        %run_scoped3A = tpu.sem_alloc : memref<!tpu.dma_semaphore, #tpu.memory_space<semaphore_mem>>
        %dma_start3A_14 = arith.constant 0 : i32
        %dma_start3A_15 = tpu.memref_slice %arg3[%add3A_9, %dma_start3A_14] : memref<640x128xi32, #tpu.memory_space<hbm>> -> memref<1x128xi32, #tpu.memory_space<hbm>>
        %dma_start3A_16 = tpu.memref_squeeze %dma_start3A_15 : memref<1x128xi32, #tpu.memory_space<hbm>> -> memref<128xi32, #tpu.memory_space<hbm>>
        %dma_start3A_17 = arith.constant 0 : i32
        %dma_start3A_18 = tpu.memref_slice %arg3[%add3A_9, %dma_start3A_17] : memref<640x128xi32, #tpu.memory_space<hbm>> -> memref<1x128xi32, #tpu.memory_space<hbm>>
        %dma_start3A_19 = tpu.memref_squeeze %dma_start3A_18 : memref<1x128xi32, #tpu.memory_space<hbm>> -> memref<128xi32, #tpu.memory_space<hbm>>
        tpu.enqueue_dma source(%dma_start3A_19 : memref<128xi32, #tpu.memory_space<hbm>>) target(%arg5 : memref<128xi32, #tpu.memory_space<vmem>>) target_semaphore(%run_scoped3A : memref<!tpu.dma_semaphore, #tpu.memory_space<semaphore_mem>>)
        %dma_wait3A_20 = arith.constant 0 : i32
        %dma_wait3A_21 = tpu.memref_slice %arg3[%add3A_9, %dma_wait3A_20] : memref<640x128xi32, #tpu.memory_space<hbm>> -> memref<1x128xi32, #tpu.memory_space<hbm>>
        %dma_wait3A_22 = tpu.memref_squeeze %dma_wait3A_21 : memref<1x128xi32, #tpu.memory_space<hbm>> -> memref<128xi32, #tpu.memory_space<hbm>>
        %dma_wait3A_23 = arith.constant 0 : i32
        %dma_wait3A_24 = tpu.memref_slice %arg3[%add3A_9, %dma_wait3A_23] : memref<640x128xi32, #tpu.memory_space<hbm>> -> memref<1x128xi32, #tpu.memory_space<hbm>>
        %dma_wait3A_25 = tpu.memref_squeeze %dma_wait3A_24 : memref<1x128xi32, #tpu.memory_space<hbm>> -> memref<128xi32, #tpu.memory_space<hbm>>
        tpu.wait_dma2 semaphore(%run_scoped3A : memref<!tpu.dma_semaphore, #tpu.memory_space<semaphore_mem>>) src(%dma_wait3A_25 : memref<128xi32, #tpu.memory_space<hbm>>) dst(%arg5 : memref<128xi32, #tpu.memory_space<vmem>>)
        tpu.yield
      }) : () -> ()
      %dma_start3A = arith.constant 0 : i32
      %dma_start3A_10 = arith.constant 0 : i32
      %dma_start3A_11 = tpu.memref_slice %arg2[%dma_start3A, %dma_start3A_10] : memref<4096x128xf32, #tpu.memory_space<hbm>> -> memref<4096x128xf32, #tpu.memory_space<hbm>>
      tpu.enqueue_indirect_dma source(%dma_start3A_11 : memref<4096x128xf32, #tpu.memory_space<hbm>>) target(%arg6 : memref<128x128xf32, #tpu.memory_space<vmem>>) offsets(%arg5 : memref<128xi32, #tpu.memory_space<vmem>>) semaphore(%arg7 : memref<!tpu.dma_semaphore, #tpu.memory_space<semaphore_mem>>)
      %dma_wait3A = arith.constant 0 : i32
      %dma_wait3A_12 = arith.constant 0 : i32
      %dma_wait3A_13 = tpu.memref_slice %arg2[%dma_wait3A, %dma_wait3A_12] : memref<4096x128xf32, #tpu.memory_space<hbm>> -> memref<4096x128xf32, #tpu.memory_space<hbm>>
      tpu.wait_indirect_dma semaphore(%arg7 : memref<!tpu.dma_semaphore, #tpu.memory_space<semaphore_mem>>) src(%dma_wait3A_13 : memref<4096x128xf32, #tpu.memory_space<hbm>>) dst(%arg6 : memref<128x128xf32, #tpu.memory_space<vmem>>)
      "tpu.region"() ({
        %run_scoped3A = tpu.sem_alloc : memref<!tpu.dma_semaphore, #tpu.memory_space<semaphore_mem>>
        %dma_start3A_14 = arith.constant 0 : i32
        %dma_start3A_15 = arith.constant 0 : i32
        %dma_start3A_16 = tpu.memref_slice %arg4[%add3A_9, %dma_start3A_14, %dma_start3A_15] : memref<640x128x128xf32, #tpu.memory_space<hbm>> -> memref<1x128x128xf32, #tpu.memory_space<hbm>>
        %dma_start3A_17 = tpu.memref_squeeze %dma_start3A_16 : memref<1x128x128xf32, #tpu.memory_space<hbm>> -> memref<128x128xf32, #tpu.memory_space<hbm>>
        %dma_start3A_18 = arith.constant 0 : i32
        %dma_start3A_19 = arith.constant 0 : i32
        %dma_start3A_20 = tpu.memref_slice %arg4[%add3A_9, %dma_start3A_18, %dma_start3A_19] : memref<640x128x128xf32, #tpu.memory_space<hbm>> -> memref<1x128x128xf32, #tpu.memory_space<hbm>>
        %dma_start3A_21 = tpu.memref_squeeze %dma_start3A_20 : memref<1x128x128xf32, #tpu.memory_space<hbm>> -> memref<128x128xf32, #tpu.memory_space<hbm>>
        tpu.enqueue_dma source(%arg6 : memref<128x128xf32, #tpu.memory_space<vmem>>) target(%dma_start3A_21 : memref<128x128xf32, #tpu.memory_space<hbm>>) target_semaphore(%run_scoped3A : memref<!tpu.dma_semaphore, #tpu.memory_space<semaphore_mem>>)
        %dma_wait3A_22 = arith.constant 0 : i32
        %dma_wait3A_23 = arith.constant 0 : i32
        %dma_wait3A_24 = tpu.memref_slice %arg4[%add3A_9, %dma_wait3A_22, %dma_wait3A_23] : memref<640x128x128xf32, #tpu.memory_space<hbm>> -> memref<1x128x128xf32, #tpu.memory_space<hbm>>
        %dma_wait3A_25 = tpu.memref_squeeze %dma_wait3A_24 : memref<1x128x128xf32, #tpu.memory_space<hbm>> -> memref<128x128xf32, #tpu.memory_space<hbm>>
        %dma_wait3A_26 = arith.constant 0 : i32
        %dma_wait3A_27 = arith.constant 0 : i32
        %dma_wait3A_28 = tpu.memref_slice %arg4[%add3A_9, %dma_wait3A_26, %dma_wait3A_27] : memref<640x128x128xf32, #tpu.memory_space<hbm>> -> memref<1x128x128xf32, #tpu.memory_space<hbm>>
        %dma_wait3A_29 = tpu.memref_squeeze %dma_wait3A_28 : memref<1x128x128xf32, #tpu.memory_space<hbm>> -> memref<128x128xf32, #tpu.memory_space<hbm>>
        tpu.wait_dma2 semaphore(%run_scoped3A : memref<!tpu.dma_semaphore, #tpu.memory_space<semaphore_mem>>) src(%arg6 : memref<128x128xf32, #tpu.memory_space<vmem>>) dst(%dma_wait3A_29 : memref<128x128xf32, #tpu.memory_space<hbm>>)
        tpu.yield
      }) : () -> ()
    }
    %scan3A_5 = arith.constant 20 : i32
    return
  }
}

#map = affine_map<(d0, d1) -> (0, 0)>
#map1 = affine_map<(d0, d1) -> (0, 0, 0)>
module attributes {stable_mosaic.version = 14 : i64} {
  func.func @gather(%arg0: i32, %arg1: i32, %arg2: memref<4096x128xf32, #tpu.memory_space<hbm>>, %arg3: memref<640x128xi32, #tpu.memory_space<hbm>>, %arg4: memref<640x128x128xf32, #tpu.memory_space<hbm>>, %arg5: memref<128xi32, #tpu.memory_space<vmem>>, %arg6: memref<128x128xf32, #tpu.memory_space<vmem>>, %arg7: memref<!tpu.dma_semaphore, #tpu.memory_space<semaphore_mem>>) attributes {dimension_semantics = [#tpu.dimension_semantics<core_parallel>, #tpu.dimension_semantics<subcore_parallel>], iteration_bounds = array<i64: 2, 16>, scalar_prefetch = 0 : i64, scratch_operands = 3 : i64, tpu.core_type = #tpu.core_type<sc_vector_subcore>, window_params = [{transform_indices = #map}, {transform_indices = #map}, {transform_indices = #map1}]} {
    %mul3A = arith.constant 2 : i32
    %mul3A_0 = arith.muli %arg1, %mul3A : i32
    %add3A = arith.addi %mul3A_0, %arg0 : i32
    %scan3A = arith.constant 0 : i32
    %scan3A_1 = arith.constant 0 : i32
    %scan3A_2 = arith.constant 20 : i32
    %scan3A_3 = arith.addi %scan3A_1, %scan3A_2 : i32
    %scan3A_4 = arith.constant 1 : i32
    scf.for %scan3A_6 = %scan3A_1 to %scan3A_3 step %scan3A_4  : i32 {
      %mul3A_7 = arith.constant 20 : i32
      %mul3A_8 = arith.muli %add3A, %mul3A_7 : i32
      %add3A_9 = arith.addi %mul3A_8, %scan3A_6 : i32
      "tpu.region"() ({
        %run_scoped3A = tpu.sem_alloc : memref<!tpu.dma_semaphore, #tpu.memory_space<semaphore_mem>>
        %dma_start3A_14 = arith.constant 0 : i32
        %dma_start3A_15 = tpu.memref_slice %arg3[%add3A_9, %dma_start3A_14] : memref<640x128xi32, #tpu.memory_space<hbm>> -> memref<1x128xi32, #tpu.memory_space<hbm>>
        %dma_start3A_16 = tpu.memref_squeeze %dma_start3A_15 : memref<1x128xi32, #tpu.memory_space<hbm>> -> memref<128xi32, #tpu.memory_space<hbm>>
        %dma_start3A_17 = arith.constant 0 : i32
        %dma_start3A_18 = tpu.memref_slice %arg3[%add3A_9, %dma_start3A_17] : memref<640x128xi32, #tpu.memory_space<hbm>> -> memref<1x128xi32, #tpu.memory_space<hbm>>
        %dma_start3A_19 = tpu.memref_squeeze %dma_start3A_18 : memref<1x128xi32, #tpu.memory_space<hbm>> -> memref<128xi32, #tpu.memory_space<hbm>>
        tpu.enqueue_dma source(%dma_start3A_19 : memref<128xi32, #tpu.memory_space<hbm>>) target(%arg5 : memref<128xi32, #tpu.memory_space<vmem>>) target_semaphore(%run_scoped3A : memref<!tpu.dma_semaphore, #tpu.memory_space<semaphore_mem>>)
        %dma_wait3A_20 = arith.constant 0 : i32
        %dma_wait3A_21 = tpu.memref_slice %arg3[%add3A_9, %dma_wait3A_20] : memref<640x128xi32, #tpu.memory_space<hbm>> -> memref<1x128xi32, #tpu.memory_space<hbm>>
        %dma_wait3A_22 = tpu.memref_squeeze %dma_wait3A_21 : memref<1x128xi32, #tpu.memory_space<hbm>> -> memref<128xi32, #tpu.memory_space<hbm>>
        %dma_wait3A_23 = arith.constant 0 : i32
        %dma_wait3A_24 = tpu.memref_slice %arg3[%add3A_9, %dma_wait3A_23] : memref<640x128xi32, #tpu.memory_space<hbm>> -> memref<1x128xi32, #tpu.memory_space<hbm>>
        %dma_wait3A_25 = tpu.memref_squeeze %dma_wait3A_24 : memref<1x128xi32, #tpu.memory_space<hbm>> -> memref<128xi32, #tpu.memory_space<hbm>>
        tpu.wait_dma2 semaphore(%run_scoped3A : memref<!tpu.dma_semaphore, #tpu.memory_space<semaphore_mem>>) src(%dma_wait3A_25 : memref<128xi32, #tpu.memory_space<hbm>>) dst(%arg5 : memref<128xi32, #tpu.memory_space<vmem>>)
        tpu.yield
      }) : () -> ()
      %dma_start3A = arith.constant 0 : i32
      %dma_start3A_10 = arith.constant 0 : i32
      %dma_start3A_11 = tpu.memref_slice %arg2[%dma_start3A, %dma_start3A_10] : memref<4096x128xf32, #tpu.memory_space<hbm>> -> memref<4096x128xf32, #tpu.memory_space<hbm>>
      tpu.enqueue_indirect_dma source(%dma_start3A_11 : memref<4096x128xf32, #tpu.memory_space<hbm>>) target(%arg6 : memref<128x128xf32, #tpu.memory_space<vmem>>) offsets(%arg5 : memref<128xi32, #tpu.memory_space<vmem>>) semaphore(%arg7 : memref<!tpu.dma_semaphore, #tpu.memory_space<semaphore_mem>>)
      %dma_wait3A = arith.constant 0 : i32
      %dma_wait3A_12 = arith.constant 0 : i32
      %dma_wait3A_13 = tpu.memref_slice %arg2[%dma_wait3A, %dma_wait3A_12] : memref<4096x128xf32, #tpu.memory_space<hbm>> -> memref<4096x128xf32, #tpu.memory_space<hbm>>
      tpu.wait_indirect_dma semaphore(%arg7 : memref<!tpu.dma_semaphore, #tpu.memory_space<semaphore_mem>>) src(%dma_wait3A_13 : memref<4096x128xf32, #tpu.memory_space<hbm>>) dst(%arg6 : memref<128x128xf32, #tpu.memory_space<vmem>>)
      "tpu.region"() ({
        %run_scoped3A = tpu.sem_alloc : memref<!tpu.dma_semaphore, #tpu.memory_space<semaphore_mem>>
        %dma_start3A_14 = arith.constant 0 : i32
        %dma_start3A_15 = arith.constant 0 : i32
        %dma_start3A_16 = tpu.memref_slice %arg4[%add3A_9, %dma_start3A_14, %dma_start3A_15] : memref<640x128x128xf32, #tpu.memory_space<hbm>> -> memref<1x128x128xf32, #tpu.memory_space<hbm>>
        %dma_start3A_17 = tpu.memref_squeeze %dma_start3A_16 : memref<1x128x128xf32, #tpu.memory_space<hbm>> -> memref<128x128xf32, #tpu.memory_space<hbm>>
        %dma_start3A_18 = arith.constant 0 : i32
        %dma_start3A_19 = arith.constant 0 : i32
        %dma_start3A_20 = tpu.memref_slice %arg4[%add3A_9, %dma_start3A_18, %dma_start3A_19] : memref<640x128x128xf32, #tpu.memory_space<hbm>> -> memref<1x128x128xf32, #tpu.memory_space<hbm>>
        %dma_start3A_21 = tpu.memref_squeeze %dma_start3A_20 : memref<1x128x128xf32, #tpu.memory_space<hbm>> -> memref<128x128xf32, #tpu.memory_space<hbm>>
        tpu.enqueue_dma source(%arg6 : memref<128x128xf32, #tpu.memory_space<vmem>>) target(%dma_start3A_21 : memref<128x128xf32, #tpu.memory_space<hbm>>) target_semaphore(%run_scoped3A : memref<!tpu.dma_semaphore, #tpu.memory_space<semaphore_mem>>)
        %dma_wait3A_22 = arith.constant 0 : i32
        %dma_wait3A_23 = arith.constant 0 : i32
        %dma_wait3A_24 = tpu.memref_slice %arg4[%add3A_9, %dma_wait3A_22, %dma_wait3A_23] : memref<640x128x128xf32, #tpu.memory_space<hbm>> -> memref<1x128x128xf32, #tpu.memory_space<hbm>>
        %dma_wait3A_25 = tpu.memref_squeeze %dma_wait3A_24 : memref<1x128x128xf32, #tpu.memory_space<hbm>> -> memref<128x128xf32, #tpu.memory_space<hbm>>
        %dma_wait3A_26 = arith.constant 0 : i32
        %dma_wait3A_27 = arith.constant 0 : i32
        %dma_wait3A_28 = tpu.memref_slice %arg4[%add3A_9, %dma_wait3A_26, %dma_wait3A_27] : memref<640x128x128xf32, #tpu.memory_space<hbm>> -> memref<1x128x128xf32, #tpu.memory_space<hbm>>
        %dma_wait3A_29 = tpu.memref_squeeze %dma_wait3A_28 : memref<1x128x128xf32, #tpu.memory_space<hbm>> -> memref<128x128xf32, #tpu.memory_space<hbm>>
        tpu.wait_dma2 semaphore(%run_scoped3A : memref<!tpu.dma_semaphore, #tpu.memory_space<semaphore_mem>>) src(%arg6 : memref<128x128xf32, #tpu.memory_space<vmem>>) dst(%dma_wait3A_29 : memref<128x128xf32, #tpu.memory_space<hbm>>)
        tpu.yield
      }) : () -> ()
    }
    %scan3A_5 = arith.constant 20 : i32
    return
  }
}

#map = affine_map<(d0, d1) -> (0, 0)>
#map1 = affine_map<(d0, d1) -> (0, 0, 0)>
module attributes {stable_mosaic.version = 14 : i64} {
  func.func @gather(%arg0: i32, %arg1: i32, %arg2: memref<4096x128xf32, #tpu.memory_space<hbm>>, %arg3: memref<640x128xi32, #tpu.memory_space<hbm>>, %arg4: memref<640x128x128xf32, #tpu.memory_space<hbm>>, %arg5: memref<128xi32, #tpu.memory_space<vmem>>, %arg6: memref<128x128xf32, #tpu.memory_space<vmem>>, %arg7: memref<!tpu.dma_semaphore, #tpu.memory_space<semaphore_mem>>) attributes {dimension_semantics = [#tpu.dimension_semantics<core_parallel>, #tpu.dimension_semantics<subcore_parallel>], iteration_bounds = array<i64: 2, 16>, scalar_prefetch = 0 : i64, scratch_operands = 3 : i64, tpu.core_type = #tpu.core_type<sc_vector_subcore>, window_params = [{transform_indices = #map}, {transform_indices = #map}, {transform_indices = #map1}]} {
    %mul3A = arith.constant 2 : i32
    %mul3A_0 = arith.muli %arg1, %mul3A : i32
    %add3A = arith.addi %mul3A_0, %arg0 : i32
    %scan3A = arith.constant 0 : i32
    %scan3A_1 = arith.constant 0 : i32
    %scan3A_2 = arith.constant 20 : i32
    %scan3A_3 = arith.addi %scan3A_1, %scan3A_2 : i32
    %scan3A_4 = arith.constant 1 : i32
    scf.for %scan3A_6 = %scan3A_1 to %scan3A_3 step %scan3A_4  : i32 {
      %mul3A_7 = arith.constant 20 : i32
      %mul3A_8 = arith.muli %add3A, %mul3A_7 : i32
      %add3A_9 = arith.addi %mul3A_8, %scan3A_6 : i32
      "tpu.region"() ({
        %run_scoped3A = tpu.sem_alloc : memref<!tpu.dma_semaphore, #tpu.memory_space<semaphore_mem>>
        %dma_start3A_14 = arith.constant 0 : i32
        %dma_start3A_15 = tpu.memref_slice %arg3[%add3A_9, %dma_start3A_14] : memref<640x128xi32, #tpu.memory_space<hbm>> -> memref<1x128xi32, #tpu.memory_space<hbm>>
        %dma_start3A_16 = tpu.memref_squeeze %dma_start3A_15 : memref<1x128xi32, #tpu.memory_space<hbm>> -> memref<128xi32, #tpu.memory_space<hbm>>
        %dma_start3A_17 = arith.constant 0 : i32
        %dma_start3A_18 = tpu.memref_slice %arg3[%add3A_9, %dma_start3A_17] : memref<640x128xi32, #tpu.memory_space<hbm>> -> memref<1x128xi32, #tpu.memory_space<hbm>>
        %dma_start3A_19 = tpu.memref_squeeze %dma_start3A_18 : memref<1x128xi32, #tpu.memory_space<hbm>> -> memref<128xi32, #tpu.memory_space<hbm>>
        tpu.enqueue_dma source(%dma_start3A_19 : memref<128xi32, #tpu.memory_space<hbm>>) target(%arg5 : memref<128xi32, #tpu.memory_space<vmem>>) target_semaphore(%run_scoped3A : memref<!tpu.dma_semaphore, #tpu.memory_space<semaphore_mem>>)
        %dma_wait3A_20 = arith.constant 0 : i32
        %dma_wait3A_21 = tpu.memref_slice %arg3[%add3A_9, %dma_wait3A_20] : memref<640x128xi32, #tpu.memory_space<hbm>> -> memref<1x128xi32, #tpu.memory_space<hbm>>
        %dma_wait3A_22 = tpu.memref_squeeze %dma_wait3A_21 : memref<1x128xi32, #tpu.memory_space<hbm>> -> memref<128xi32, #tpu.memory_space<hbm>>
        %dma_wait3A_23 = arith.constant 0 : i32
        %dma_wait3A_24 = tpu.memref_slice %arg3[%add3A_9, %dma_wait3A_23] : memref<640x128xi32, #tpu.memory_space<hbm>> -> memref<1x128xi32, #tpu.memory_space<hbm>>
        %dma_wait3A_25 = tpu.memref_squeeze %dma_wait3A_24 : memref<1x128xi32, #tpu.memory_space<hbm>> -> memref<128xi32, #tpu.memory_space<hbm>>
        tpu.wait_dma2 semaphore(%run_scoped3A : memref<!tpu.dma_semaphore, #tpu.memory_space<semaphore_mem>>) src(%dma_wait3A_25 : memref<128xi32, #tpu.memory_space<hbm>>) dst(%arg5 : memref<128xi32, #tpu.memory_space<vmem>>)
        tpu.yield
      }) : () -> ()
      %dma_start3A = arith.constant 0 : i32
      %dma_start3A_10 = arith.constant 0 : i32
      %dma_start3A_11 = tpu.memref_slice %arg2[%dma_start3A, %dma_start3A_10] : memref<4096x128xf32, #tpu.memory_space<hbm>> -> memref<4096x128xf32, #tpu.memory_space<hbm>>
      tpu.enqueue_indirect_dma source(%dma_start3A_11 : memref<4096x128xf32, #tpu.memory_space<hbm>>) target(%arg6 : memref<128x128xf32, #tpu.memory_space<vmem>>) offsets(%arg5 : memref<128xi32, #tpu.memory_space<vmem>>) semaphore(%arg7 : memref<!tpu.dma_semaphore, #tpu.memory_space<semaphore_mem>>)
      %dma_wait3A = arith.constant 0 : i32
      %dma_wait3A_12 = arith.constant 0 : i32
      %dma_wait3A_13 = tpu.memref_slice %arg2[%dma_wait3A, %dma_wait3A_12] : memref<4096x128xf32, #tpu.memory_space<hbm>> -> memref<4096x128xf32, #tpu.memory_space<hbm>>
      tpu.wait_indirect_dma semaphore(%arg7 : memref<!tpu.dma_semaphore, #tpu.memory_space<semaphore_mem>>) src(%dma_wait3A_13 : memref<4096x128xf32, #tpu.memory_space<hbm>>) dst(%arg6 : memref<128x128xf32, #tpu.memory_space<vmem>>)
      "tpu.region"() ({
        %run_scoped3A = tpu.sem_alloc : memref<!tpu.dma_semaphore, #tpu.memory_space<semaphore_mem>>
        %dma_start3A_14 = arith.constant 0 : i32
        %dma_start3A_15 = arith.constant 0 : i32
        %dma_start3A_16 = tpu.memref_slice %arg4[%add3A_9, %dma_start3A_14, %dma_start3A_15] : memref<640x128x128xf32, #tpu.memory_space<hbm>> -> memref<1x128x128xf32, #tpu.memory_space<hbm>>
        %dma_start3A_17 = tpu.memref_squeeze %dma_start3A_16 : memref<1x128x128xf32, #tpu.memory_space<hbm>> -> memref<128x128xf32, #tpu.memory_space<hbm>>
        %dma_start3A_18 = arith.constant 0 : i32
        %dma_start3A_19 = arith.constant 0 : i32
        %dma_start3A_20 = tpu.memref_slice %arg4[%add3A_9, %dma_start3A_18, %dma_start3A_19] : memref<640x128x128xf32, #tpu.memory_space<hbm>> -> memref<1x128x128xf32, #tpu.memory_space<hbm>>
        %dma_start3A_21 = tpu.memref_squeeze %dma_start3A_20 : memref<1x128x128xf32, #tpu.memory_space<hbm>> -> memref<128x128xf32, #tpu.memory_space<hbm>>
        tpu.enqueue_dma source(%arg6 : memref<128x128xf32, #tpu.memory_space<vmem>>) target(%dma_start3A_21 : memref<128x128xf32, #tpu.memory_space<hbm>>) target_semaphore(%run_scoped3A : memref<!tpu.dma_semaphore, #tpu.memory_space<semaphore_mem>>)
        %dma_wait3A_22 = arith.constant 0 : i32
        %dma_wait3A_23 = arith.constant 0 : i32
        %dma_wait3A_24 = tpu.memref_slice %arg4[%add3A_9, %dma_wait3A_22, %dma_wait3A_23] : memref<640x128x128xf32, #tpu.memory_space<hbm>> -> memref<1x128x128xf32, #tpu.memory_space<hbm>>
        %dma_wait3A_25 = tpu.memref_squeeze %dma_wait3A_24 : memref<1x128x128xf32, #tpu.memory_space<hbm>> -> memref<128x128xf32, #tpu.memory_space<hbm>>
        %dma_wait3A_26 = arith.constant 0 : i32
        %dma_wait3A_27 = arith.constant 0 : i32
        %dma_wait3A_28 = tpu.memref_slice %arg4[%add3A_9, %dma_wait3A_26, %dma_wait3A_27] : memref<640x128x128xf32, #tpu.memory_space<hbm>> -> memref<1x128x128xf32, #tpu.memory_space<hbm>>
        %dma_wait3A_29 = tpu.memref_squeeze %dma_wait3A_28 : memref<1x128x128xf32, #tpu.memory_space<hbm>> -> memref<128x128xf32, #tpu.memory_space<hbm>>
        tpu.wait_dma2 semaphore(%run_scoped3A : memref<!tpu.dma_semaphore, #tpu.memory_space<semaphore_mem>>) src(%arg6 : memref<128x128xf32, #tpu.memory_space<vmem>>) dst(%dma_wait3A_29 : memref<128x128xf32, #tpu.memory_space<hbm>>)
        tpu.yield
      }) : () -> ()
    }
    %scan3A_5 = arith.constant 20 : i32
    return
  }
}

#map = affine_map<(d0, d1) -> (0, 0)>
#map1 = affine_map<(d0, d1) -> (0, 0, 0)>
module attributes {stable_mosaic.version = 14 : i64} {
  func.func @gather(%arg0: i32, %arg1: i32, %arg2: memref<4096x128xf32, #tpu.memory_space<hbm>>, %arg3: memref<640x128xi32, #tpu.memory_space<hbm>>, %arg4: memref<640x128x128xf32, #tpu.memory_space<hbm>>, %arg5: memref<128xi32, #tpu.memory_space<vmem>>, %arg6: memref<128x128xf32, #tpu.memory_space<vmem>>, %arg7: memref<!tpu.dma_semaphore, #tpu.memory_space<semaphore_mem>>) attributes {dimension_semantics = [#tpu.dimension_semantics<core_parallel>, #tpu.dimension_semantics<subcore_parallel>], iteration_bounds = array<i64: 2, 16>, scalar_prefetch = 0 : i64, scratch_operands = 3 : i64, tpu.core_type = #tpu.core_type<sc_vector_subcore>, window_params = [{transform_indices = #map}, {transform_indices = #map}, {transform_indices = #map1}]} {
    %mul3A = arith.constant 2 : i32
    %mul3A_0 = arith.muli %arg1, %mul3A : i32
    %add3A = arith.addi %mul3A_0, %arg0 : i32
    %scan3A = arith.constant 0 : i32
    %scan3A_1 = arith.constant 0 : i32
    %scan3A_2 = arith.constant 20 : i32
    %scan3A_3 = arith.addi %scan3A_1, %scan3A_2 : i32
    %scan3A_4 = arith.constant 1 : i32
    scf.for %scan3A_6 = %scan3A_1 to %scan3A_3 step %scan3A_4  : i32 {
      %mul3A_7 = arith.constant 20 : i32
      %mul3A_8 = arith.muli %add3A, %mul3A_7 : i32
      %add3A_9 = arith.addi %mul3A_8, %scan3A_6 : i32
      "tpu.region"() ({
        %run_scoped3A = tpu.sem_alloc : memref<!tpu.dma_semaphore, #tpu.memory_space<semaphore_mem>>
        %dma_start3A_14 = arith.constant 0 : i32
        %dma_start3A_15 = tpu.memref_slice %arg3[%add3A_9, %dma_start3A_14] : memref<640x128xi32, #tpu.memory_space<hbm>> -> memref<1x128xi32, #tpu.memory_space<hbm>>
        %dma_start3A_16 = tpu.memref_squeeze %dma_start3A_15 : memref<1x128xi32, #tpu.memory_space<hbm>> -> memref<128xi32, #tpu.memory_space<hbm>>
        %dma_start3A_17 = arith.constant 0 : i32
        %dma_start3A_18 = tpu.memref_slice %arg3[%add3A_9, %dma_start3A_17] : memref<640x128xi32, #tpu.memory_space<hbm>> -> memref<1x128xi32, #tpu.memory_space<hbm>>
        %dma_start3A_19 = tpu.memref_squeeze %dma_start3A_18 : memref<1x128xi32, #tpu.memory_space<hbm>> -> memref<128xi32, #tpu.memory_space<hbm>>
        tpu.enqueue_dma source(%dma_start3A_19 : memref<128xi32, #tpu.memory_space<hbm>>) target(%arg5 : memref<128xi32, #tpu.memory_space<vmem>>) target_semaphore(%run_scoped3A : memref<!tpu.dma_semaphore, #tpu.memory_space<semaphore_mem>>)
        %dma_wait3A_20 = arith.constant 0 : i32
        %dma_wait3A_21 = tpu.memref_slice %arg3[%add3A_9, %dma_wait3A_20] : memref<640x128xi32, #tpu.memory_space<hbm>> -> memref<1x128xi32, #tpu.memory_space<hbm>>
        %dma_wait3A_22 = tpu.memref_squeeze %dma_wait3A_21 : memref<1x128xi32, #tpu.memory_space<hbm>> -> memref<128xi32, #tpu.memory_space<hbm>>
        %dma_wait3A_23 = arith.constant 0 : i32
        %dma_wait3A_24 = tpu.memref_slice %arg3[%add3A_9, %dma_wait3A_23] : memref<640x128xi32, #tpu.memory_space<hbm>> -> memref<1x128xi32, #tpu.memory_space<hbm>>
        %dma_wait3A_25 = tpu.memref_squeeze %dma_wait3A_24 : memref<1x128xi32, #tpu.memory_space<hbm>> -> memref<128xi32, #tpu.memory_space<hbm>>
        tpu.wait_dma2 semaphore(%run_scoped3A : memref<!tpu.dma_semaphore, #tpu.memory_space<semaphore_mem>>) src(%dma_wait3A_25 : memref<128xi32, #tpu.memory_space<hbm>>) dst(%arg5 : memref<128xi32, #tpu.memory_space<vmem>>)
        tpu.yield
      }) : () -> ()
      %dma_start3A = arith.constant 0 : i32
      %dma_start3A_10 = arith.constant 0 : i32
      %dma_start3A_11 = tpu.memref_slice %arg2[%dma_start3A, %dma_start3A_10] : memref<4096x128xf32, #tpu.memory_space<hbm>> -> memref<4096x128xf32, #tpu.memory_space<hbm>>
      tpu.enqueue_indirect_dma source(%dma_start3A_11 : memref<4096x128xf32, #tpu.memory_space<hbm>>) target(%arg6 : memref<128x128xf32, #tpu.memory_space<vmem>>) offsets(%arg5 : memref<128xi32, #tpu.memory_space<vmem>>) semaphore(%arg7 : memref<!tpu.dma_semaphore, #tpu.memory_space<semaphore_mem>>)
      %dma_wait3A = arith.constant 0 : i32
      %dma_wait3A_12 = arith.constant 0 : i32
      %dma_wait3A_13 = tpu.memref_slice %arg2[%dma_wait3A, %dma_wait3A_12] : memref<4096x128xf32, #tpu.memory_space<hbm>> -> memref<4096x128xf32, #tpu.memory_space<hbm>>
      tpu.wait_indirect_dma semaphore(%arg7 : memref<!tpu.dma_semaphore, #tpu.memory_space<semaphore_mem>>) src(%dma_wait3A_13 : memref<4096x128xf32, #tpu.memory_space<hbm>>) dst(%arg6 : memref<128x128xf32, #tpu.memory_space<vmem>>)
      "tpu.region"() ({
        %run_scoped3A = tpu.sem_alloc : memref<!tpu.dma_semaphore, #tpu.memory_space<semaphore_mem>>
        %dma_start3A_14 = arith.constant 0 : i32
        %dma_start3A_15 = arith.constant 0 : i32
        %dma_start3A_16 = tpu.memref_slice %arg4[%add3A_9, %dma_start3A_14, %dma_start3A_15] : memref<640x128x128xf32, #tpu.memory_space<hbm>> -> memref<1x128x128xf32, #tpu.memory_space<hbm>>
        %dma_start3A_17 = tpu.memref_squeeze %dma_start3A_16 : memref<1x128x128xf32, #tpu.memory_space<hbm>> -> memref<128x128xf32, #tpu.memory_space<hbm>>
        %dma_start3A_18 = arith.constant 0 : i32
        %dma_start3A_19 = arith.constant 0 : i32
        %dma_start3A_20 = tpu.memref_slice %arg4[%add3A_9, %dma_start3A_18, %dma_start3A_19] : memref<640x128x128xf32, #tpu.memory_space<hbm>> -> memref<1x128x128xf32, #tpu.memory_space<hbm>>
        %dma_start3A_21 = tpu.memref_squeeze %dma_start3A_20 : memref<1x128x128xf32, #tpu.memory_space<hbm>> -> memref<128x128xf32, #tpu.memory_space<hbm>>
        tpu.enqueue_dma source(%arg6 : memref<128x128xf32, #tpu.memory_space<vmem>>) target(%dma_start3A_21 : memref<128x128xf32, #tpu.memory_space<hbm>>) target_semaphore(%run_scoped3A : memref<!tpu.dma_semaphore, #tpu.memory_space<semaphore_mem>>)
        %dma_wait3A_22 = arith.constant 0 : i32
        %dma_wait3A_23 = arith.constant 0 : i32
        %dma_wait3A_24 = tpu.memref_slice %arg4[%add3A_9, %dma_wait3A_22, %dma_wait3A_23] : memref<640x128x128xf32, #tpu.memory_space<hbm>> -> memref<1x128x128xf32, #tpu.memory_space<hbm>>
        %dma_wait3A_25 = tpu.memref_squeeze %dma_wait3A_24 : memref<1x128x128xf32, #tpu.memory_space<hbm>> -> memref<128x128xf32, #tpu.memory_space<hbm>>
        %dma_wait3A_26 = arith.constant 0 : i32
        %dma_wait3A_27 = arith.constant 0 : i32
        %dma_wait3A_28 = tpu.memref_slice %arg4[%add3A_9, %dma_wait3A_26, %dma_wait3A_27] : memref<640x128x128xf32, #tpu.memory_space<hbm>> -> memref<1x128x128xf32, #tpu.memory_space<hbm>>
        %dma_wait3A_29 = tpu.memref_squeeze %dma_wait3A_28 : memref<1x128x128xf32, #tpu.memory_space<hbm>> -> memref<128x128xf32, #tpu.memory_space<hbm>>
        tpu.wait_dma2 semaphore(%run_scoped3A : memref<!tpu.dma_semaphore, #tpu.memory_space<semaphore_mem>>) src(%arg6 : memref<128x128xf32, #tpu.memory_space<vmem>>) dst(%dma_wait3A_29 : memref<128x128xf32, #tpu.memory_space<hbm>>)
        tpu.yield
      }) : () -> ()
    }
    %scan3A_5 = arith.constant 20 : i32
    return
  }
}

#map = affine_map<(d0, d1) -> (0, 0)>
#map1 = affine_map<(d0, d1) -> (0, 0, 0)>
module attributes {stable_mosaic.version = 14 : i64} {
  func.func @gather(%arg0: i32, %arg1: i32, %arg2: memref<4096x128xf32, #tpu.memory_space<hbm>>, %arg3: memref<640x128xi32, #tpu.memory_space<hbm>>, %arg4: memref<640x128x128xf32, #tpu.memory_space<hbm>>, %arg5: memref<128xi32, #tpu.memory_space<vmem>>, %arg6: memref<128x128xf32, #tpu.memory_space<vmem>>, %arg7: memref<!tpu.dma_semaphore, #tpu.memory_space<semaphore_mem>>) attributes {dimension_semantics = [#tpu.dimension_semantics<core_parallel>, #tpu.dimension_semantics<subcore_parallel>], iteration_bounds = array<i64: 2, 16>, scalar_prefetch = 0 : i64, scratch_operands = 3 : i64, tpu.core_type = #tpu.core_type<sc_vector_subcore>, window_params = [{transform_indices = #map}, {transform_indices = #map}, {transform_indices = #map1}]} {
    %mul3A = arith.constant 2 : i32
    %mul3A_0 = arith.muli %arg1, %mul3A : i32
    %add3A = arith.addi %mul3A_0, %arg0 : i32
    %scan3A = arith.constant 0 : i32
    %scan3A_1 = arith.constant 0 : i32
    %scan3A_2 = arith.constant 20 : i32
    %scan3A_3 = arith.addi %scan3A_1, %scan3A_2 : i32
    %scan3A_4 = arith.constant 1 : i32
    scf.for %scan3A_6 = %scan3A_1 to %scan3A_3 step %scan3A_4  : i32 {
      %mul3A_7 = arith.constant 20 : i32
      %mul3A_8 = arith.muli %add3A, %mul3A_7 : i32
      %add3A_9 = arith.addi %mul3A_8, %scan3A_6 : i32
      "tpu.region"() ({
        %run_scoped3A = tpu.sem_alloc : memref<!tpu.dma_semaphore, #tpu.memory_space<semaphore_mem>>
        %dma_start3A_14 = arith.constant 0 : i32
        %dma_start3A_15 = tpu.memref_slice %arg3[%add3A_9, %dma_start3A_14] : memref<640x128xi32, #tpu.memory_space<hbm>> -> memref<1x128xi32, #tpu.memory_space<hbm>>
        %dma_start3A_16 = tpu.memref_squeeze %dma_start3A_15 : memref<1x128xi32, #tpu.memory_space<hbm>> -> memref<128xi32, #tpu.memory_space<hbm>>
        %dma_start3A_17 = arith.constant 0 : i32
        %dma_start3A_18 = tpu.memref_slice %arg3[%add3A_9, %dma_start3A_17] : memref<640x128xi32, #tpu.memory_space<hbm>> -> memref<1x128xi32, #tpu.memory_space<hbm>>
        %dma_start3A_19 = tpu.memref_squeeze %dma_start3A_18 : memref<1x128xi32, #tpu.memory_space<hbm>> -> memref<128xi32, #tpu.memory_space<hbm>>
        tpu.enqueue_dma source(%dma_start3A_19 : memref<128xi32, #tpu.memory_space<hbm>>) target(%arg5 : memref<128xi32, #tpu.memory_space<vmem>>) target_semaphore(%run_scoped3A : memref<!tpu.dma_semaphore, #tpu.memory_space<semaphore_mem>>)
        %dma_wait3A_20 = arith.constant 0 : i32
        %dma_wait3A_21 = tpu.memref_slice %arg3[%add3A_9, %dma_wait3A_20] : memref<640x128xi32, #tpu.memory_space<hbm>> -> memref<1x128xi32, #tpu.memory_space<hbm>>
        %dma_wait3A_22 = tpu.memref_squeeze %dma_wait3A_21 : memref<1x128xi32, #tpu.memory_space<hbm>> -> memref<128xi32, #tpu.memory_space<hbm>>
        %dma_wait3A_23 = arith.constant 0 : i32
        %dma_wait3A_24 = tpu.memref_slice %arg3[%add3A_9, %dma_wait3A_23] : memref<640x128xi32, #tpu.memory_space<hbm>> -> memref<1x128xi32, #tpu.memory_space<hbm>>
        %dma_wait3A_25 = tpu.memref_squeeze %dma_wait3A_24 : memref<1x128xi32, #tpu.memory_space<hbm>> -> memref<128xi32, #tpu.memory_space<hbm>>
        tpu.wait_dma2 semaphore(%run_scoped3A : memref<!tpu.dma_semaphore, #tpu.memory_space<semaphore_mem>>) src(%dma_wait3A_25 : memref<128xi32, #tpu.memory_space<hbm>>) dst(%arg5 : memref<128xi32, #tpu.memory_space<vmem>>)
        tpu.yield
      }) : () -> ()
      %dma_start3A = arith.constant 0 : i32
      %dma_start3A_10 = arith.constant 0 : i32
      %dma_start3A_11 = tpu.memref_slice %arg2[%dma_start3A, %dma_start3A_10] : memref<4096x128xf32, #tpu.memory_space<hbm>> -> memref<4096x128xf32, #tpu.memory_space<hbm>>
      tpu.enqueue_indirect_dma source(%dma_start3A_11 : memref<4096x128xf32, #tpu.memory_space<hbm>>) target(%arg6 : memref<128x128xf32, #tpu.memory_space<vmem>>) offsets(%arg5 : memref<128xi32, #tpu.memory_space<vmem>>) semaphore(%arg7 : memref<!tpu.dma_semaphore, #tpu.memory_space<semaphore_mem>>)
      %dma_wait3A = arith.constant 0 : i32
      %dma_wait3A_12 = arith.constant 0 : i32
      %dma_wait3A_13 = tpu.memref_slice %arg2[%dma_wait3A, %dma_wait3A_12] : memref<4096x128xf32, #tpu.memory_space<hbm>> -> memref<4096x128xf32, #tpu.memory_space<hbm>>
      tpu.wait_indirect_dma semaphore(%arg7 : memref<!tpu.dma_semaphore, #tpu.memory_space<semaphore_mem>>) src(%dma_wait3A_13 : memref<4096x128xf32, #tpu.memory_space<hbm>>) dst(%arg6 : memref<128x128xf32, #tpu.memory_space<vmem>>)
      "tpu.region"() ({
        %run_scoped3A = tpu.sem_alloc : memref<!tpu.dma_semaphore, #tpu.memory_space<semaphore_mem>>
        %dma_start3A_14 = arith.constant 0 : i32
        %dma_start3A_15 = arith.constant 0 : i32
        %dma_start3A_16 = tpu.memref_slice %arg4[%add3A_9, %dma_start3A_14, %dma_start3A_15] : memref<640x128x128xf32, #tpu.memory_space<hbm>> -> memref<1x128x128xf32, #tpu.memory_space<hbm>>
        %dma_start3A_17 = tpu.memref_squeeze %dma_start3A_16 : memref<1x128x128xf32, #tpu.memory_space<hbm>> -> memref<128x128xf32, #tpu.memory_space<hbm>>
        %dma_start3A_18 = arith.constant 0 : i32
        %dma_start3A_19 = arith.constant 0 : i32
        %dma_start3A_20 = tpu.memref_slice %arg4[%add3A_9, %dma_start3A_18, %dma_start3A_19] : memref<640x128x128xf32, #tpu.memory_space<hbm>> -> memref<1x128x128xf32, #tpu.memory_space<hbm>>
        %dma_start3A_21 = tpu.memref_squeeze %dma_start3A_20 : memref<1x128x128xf32, #tpu.memory_space<hbm>> -> memref<128x128xf32, #tpu.memory_space<hbm>>
        tpu.enqueue_dma source(%arg6 : memref<128x128xf32, #tpu.memory_space<vmem>>) target(%dma_start3A_21 : memref<128x128xf32, #tpu.memory_space<hbm>>) target_semaphore(%run_scoped3A : memref<!tpu.dma_semaphore, #tpu.memory_space<semaphore_mem>>)
        %dma_wait3A_22 = arith.constant 0 : i32
        %dma_wait3A_23 = arith.constant 0 : i32
        %dma_wait3A_24 = tpu.memref_slice %arg4[%add3A_9, %dma_wait3A_22, %dma_wait3A_23] : memref<640x128x128xf32, #tpu.memory_space<hbm>> -> memref<1x128x128xf32, #tpu.memory_space<hbm>>
        %dma_wait3A_25 = tpu.memref_squeeze %dma_wait3A_24 : memref<1x128x128xf32, #tpu.memory_space<hbm>> -> memref<128x128xf32, #tpu.memory_space<hbm>>
        %dma_wait3A_26 = arith.constant 0 : i32
        %dma_wait3A_27 = arith.constant 0 : i32
        %dma_wait3A_28 = tpu.memref_slice %arg4[%add3A_9, %dma_wait3A_26, %dma_wait3A_27] : memref<640x128x128xf32, #tpu.memory_space<hbm>> -> memref<1x128x128xf32, #tpu.memory_space<hbm>>
        %dma_wait3A_29 = tpu.memref_squeeze %dma_wait3A_28 : memref<1x128x128xf32, #tpu.memory_space<hbm>> -> memref<128x128xf32, #tpu.memory_space<hbm>>
        tpu.wait_dma2 semaphore(%run_scoped3A : memref<!tpu.dma_semaphore, #tpu.memory_space<semaphore_mem>>) src(%arg6 : memref<128x128xf32, #tpu.memory_space<vmem>>) dst(%dma_wait3A_29 : memref<128x128xf32, #tpu.memory_space<hbm>>)
        tpu.yield
      }) : () -> ()
    }
    %scan3A_5 = arith.constant 20 : i32
    return
  }
}

module attributes {stable_mosaic.version = 14 : i64} {
  func.func @_topk_body(%arg0: i32, %arg1: i32, %arg2: memref<1x2048x8xf32, #tpu.memory_space<vmem>>, %arg3: memref<1x256x8xf32, #tpu.memory_space<vmem>>, %arg4: memref<20x256xi32, #tpu.memory_space<vmem>>) attributes {dimension_semantics = [#tpu.dimension_semantics<arbitrary>, #tpu.dimension_semantics<arbitrary>], iteration_bounds = array<i64: 2, 8>, scalar_prefetch = 0 : i64, scratch_operands = 0 : i64, tpu.core_type = #tpu.core_type<tc>, window_params = [{transform_indices = @transform_0, window_bounds = array<i64: 1, 2048, 8>}, {transform_indices = @transform_1, window_bounds = array<i64: 1, 256, 8>}, {transform_indices = @transform_2, window_bounds = array<i64: 20, 256>}]} {
    %get3A = arith.constant 0 : index
    %get3A_0 = arith.constant 0 : index
    %get3A_1 = arith.constant 0 : index
    %get3A_2 = vector.load %arg2[%get3A, %get3A_0, %get3A_1] : memref<1x2048x8xf32, #tpu.memory_space<vmem>>, vector<1x2048x8xf32>
    %get3A_3 = vector.shape_cast %get3A_2 : vector<1x2048x8xf32> to vector<2048x8xf32>
    %get3A_4 = arith.constant 0 : index
    %get3A_5 = arith.constant 0 : index
    %get3A_6 = arith.constant 0 : index
    %get3A_7 = vector.load %arg3[%get3A_4, %get3A_5, %get3A_6] : memref<1x256x8xf32, #tpu.memory_space<vmem>>, vector<1x256x8xf32>
    %get3A_8 = vector.shape_cast %get3A_7 : vector<1x256x8xf32> to vector<256x8xf32>
    %dot_general3A = arith.constant dense<0.000000e+00> : vector<2048x256xf32>
    %dot_general3A_9 = tpu.matmul %get3A_3, %get3A_8, %dot_general3A {dimension_numbers = #tpu.dot_dimension_numbers<[1], [1], [0], [0], [0, 0, 1, 0], [], []>, transpose_lhs_hint = false} : vector<2048x8xf32>, vector<256x8xf32>, vector<2048x256xf32> -> vector<2048x256xf32>
    %mul3A = arith.mulf %get3A_3, %get3A_3 : vector<2048x8xf32>
    %reduce_sum3A = arith.constant dense<0.000000e+00> : vector<2048xf32>
    %reduce_sum3A_10 = vector.multi_reduction <add>, %mul3A, %reduce_sum3A [1] : vector<2048x8xf32> to vector<2048xf32>
    %broadcast_in_dim3A = vector.shape_cast %reduce_sum3A_10 : vector<2048xf32> to vector<2048x1xf32>
    %mul3A_11 = arith.mulf %get3A_8, %get3A_8 : vector<256x8xf32>
    %broadcast_in_dim3A_12 = arith.constant 1.000000e+00 : f32
    %broadcast_in_dim3A_13 = vector.broadcast %broadcast_in_dim3A_12 : f32 to vector<1x8xf32>
    %dot_general3A_14 = arith.constant dense<0.000000e+00> : vector<1x256xf32>
    %dot_general3A_15 = tpu.matmul %broadcast_in_dim3A_13, %mul3A_11, %dot_general3A_14 {dimension_numbers = #tpu.dot_dimension_numbers<[1], [1], [0], [0], [0, 0, 1, 0], [], []>, transpose_lhs_hint = false} : vector<1x8xf32>, vector<256x8xf32>, vector<1x256xf32> -> vector<1x256xf32>
    %add3A = vector.broadcast %broadcast_in_dim3A : vector<2048x1xf32> to vector<2048x256xf32>
    %add3A_16 = vector.broadcast %dot_general3A_15 : vector<1x256xf32> to vector<2048x256xf32>
    %add3A_17 = arith.addf %add3A, %add3A_16 : vector<2048x256xf32>
    %mul3A_18 = arith.constant 2.000000e+00 : f32
    %mul3A_19 = vector.broadcast %mul3A_18 : f32 to vector<2048x256xf32>
    %mul3A_20 = arith.mulf %mul3A_19, %dot_general3A_9 : vector<2048x256xf32>
    %sub3A = arith.subf %add3A_17, %mul3A_20 : vector<2048x256xf32>
    %max3A = arith.constant 0.000000e+00 : f32
    %max3A_21 = vector.broadcast %max3A : f32 to vector<2048x256xf32>
    %max3A_22 = arith.maximumf %sub3A, %max3A_21 : vector<2048x256xf32>
    %bitcast_convert_type3A = tpu.bitcast %max3A_22 : vector<2048x256xf32> -> vector<2048x256xi32>
    %iota3A = tpu.iota {dimensions = array<i32: 0>} : vector<2048x256xi32>
    %and3A = arith.constant -2048 : i32
    %and3A_23 = vector.broadcast %and3A : i32 to vector<2048x256xi32>
    %and3A_24 = arith.andi %bitcast_convert_type3A, %and3A_23 : vector<2048x256xi32>
    %or3A = arith.ori %and3A_24, %iota3A : vector<2048x256xi32>
    %bitcast_convert_type3A_25 = tpu.bitcast %or3A : vector<2048x256xi32> -> vector<2048x256xi32>
    %broadcast_in_dim3A_26 = arith.constant -2147483648 : i32
    %broadcast_in_dim3A_27 = vector.broadcast %broadcast_in_dim3A_26 : i32 to vector<1x256xi32>
    %mul3A_28 = arith.constant 2048 : i32
    %mul3A_29 = arith.muli %arg0, %mul3A_28 : i32
    %sub3A_30 = vector.broadcast %broadcast_in_dim3A_27 : vector<1x256xi32> to vector<2048x256xi32>
    %sub3A_31 = arith.subi %bitcast_convert_type3A_25, %sub3A_30 : vector<2048x256xi32>
    %bitcast_convert_type3A_32 = tpu.bitcast %sub3A_31 : vector<2048x256xi32> -> vector<2048x256xi32>
    %reduce_min3A = arith.constant dense<2147483647> : vector<256xi32>
    %reduce_min3A_33 = vector.multi_reduction <minsi>, %bitcast_convert_type3A_32, %reduce_min3A [0] : vector<2048x256xi32> to vector<256xi32>
    %broadcast_in_dim3A_34 = vector.shape_cast %reduce_min3A_33 : vector<256xi32> to vector<1x256xi32>
    %bitcast_convert_type3A_35 = tpu.bitcast %broadcast_in_dim3A_34 : vector<1x256xi32> -> vector<1x256xi32>
    %add3A_36 = arith.addi %broadcast_in_dim3A_27, %bitcast_convert_type3A_35 : vector<1x256xi32>
    %bitcast_convert_type3A_37 = tpu.bitcast %add3A_36 : vector<1x256xi32> -> vector<1x256xi32>
    %and3A_38 = arith.constant 2047 : i32
    %and3A_39 = vector.broadcast %and3A_38 : i32 to vector<1x256xi32>
    %and3A_40 = arith.andi %bitcast_convert_type3A_37, %and3A_39 : vector<1x256xi32>
    %add3A_41 = vector.broadcast %mul3A_29 : i32 to vector<1x256xi32>
    %add3A_42 = arith.addi %and3A_40, %add3A_41 : vector<1x256xi32>
    %swap3A = arith.constant 0 : index
    %swap3A_43 = arith.constant 0 : index
    %swap3A_44 = vector.load %arg4[%swap3A, %swap3A_43] : memref<20x256xi32, #tpu.memory_space<vmem>>, vector<1x256xi32>
    tpu.vector_store %arg4[%swap3A, %swap3A_43], %add3A_42 {strides = array<i32>} : memref<20x256xi32, #tpu.memory_space<vmem>>, vector<1x256xi32>,
    %add3A_45 = arith.constant -2147483647 : i32
    %add3A_46 = vector.broadcast %add3A_45 : i32 to vector<1x256xi32>
    %add3A_47 = arith.addi %add3A_36, %add3A_46 : vector<1x256xi32>
    %sub3A_48 = vector.broadcast %add3A_47 : vector<1x256xi32> to vector<2048x256xi32>
    %sub3A_49 = arith.subi %bitcast_convert_type3A_25, %sub3A_48 : vector<2048x256xi32>
    %bitcast_convert_type3A_50 = tpu.bitcast %sub3A_49 : vector<2048x256xi32> -> vector<2048x256xi32>
    %reduce_min3A_51 = arith.constant dense<2147483647> : vector<256xi32>
    %reduce_min3A_52 = vector.multi_reduction <minsi>, %bitcast_convert_type3A_50, %reduce_min3A_51 [0] : vector<2048x256xi32> to vector<256xi32>
    %broadcast_in_dim3A_53 = vector.shape_cast %reduce_min3A_52 : vector<256xi32> to vector<1x256xi32>
    %bitcast_convert_type3A_54 = tpu.bitcast %broadcast_in_dim3A_53 : vector<1x256xi32> -> vector<1x256xi32>
    %add3A_55 = arith.addi %add3A_47, %bitcast_convert_type3A_54 : vector<1x256xi32>
    %bitcast_convert_type3A_56 = tpu.bitcast %add3A_55 : vector<1x256xi32> -> vector<1x256xi32>
    %and3A_57 = arith.constant 2047 : i32
    %and3A_58 = vector.broadcast %and3A_57 : i32 to vector<1x256xi32>
    %and3A_59 = arith.andi %bitcast_convert_type3A_56, %and3A_58 : vector<1x256xi32>
    %add3A_60 = vector.broadcast %mul3A_29 : i32 to vector<1x256xi32>
    %add3A_61 = arith.addi %and3A_59, %add3A_60 : vector<1x256xi32>
    %swap3A_62 = arith.constant 1 : index
    %swap3A_63 = arith.constant 0 : index
    %swap3A_64 = vector.load %arg4[%swap3A_62, %swap3A_63] : memref<20x256xi32, #tpu.memory_space<vmem>>, vector<1x256xi32>
    tpu.vector_store %arg4[%swap3A_62, %swap3A_63], %add3A_61 {strides = array<i32>} : memref<20x256xi32, #tpu.memory_space<vmem>>, vector<1x256xi32>,
    %add3A_65 = arith.constant -2147483647 : i32
    %add3A_66 = vector.broadcast %add3A_65 : i32 to vector<1x256xi32>
    %add3A_67 = arith.addi %add3A_55, %add3A_66 : vector<1x256xi32>
    %sub3A_68 = vector.broadcast %add3A_67 : vector<1x256xi32> to vector<2048x256xi32>
    %sub3A_69 = arith.subi %bitcast_convert_type3A_25, %sub3A_68 : vector<2048x256xi32>
    %bitcast_convert_type3A_70 = tpu.bitcast %sub3A_69 : vector<2048x256xi32> -> vector<2048x256xi32>
    %reduce_min3A_71 = arith.constant dense<2147483647> : vector<256xi32>
    %reduce_min3A_72 = vector.multi_reduction <minsi>, %bitcast_convert_type3A_70, %reduce_min3A_71 [0] : vector<2048x256xi32> to vector<256xi32>
    %broadcast_in_dim3A_73 = vector.shape_cast %reduce_min3A_72 : vector<256xi32> to vector<1x256xi32>
    %bitcast_convert_type3A_74 = tpu.bitcast %broadcast_in_dim3A_73 : vector<1x256xi32> -> vector<1x256xi32>
    %add3A_75 = arith.addi %add3A_67, %bitcast_convert_type3A_74 : vector<1x256xi32>
    %bitcast_convert_type3A_76 = tpu.bitcast %add3A_75 : vector<1x256xi32> -> vector<1x256xi32>
    %and3A_77 = arith.constant 2047 : i32
    %and3A_78 = vector.broadcast %and3A_77 : i32 to vector<1x256xi32>
    %and3A_79 = arith.andi %bitcast_convert_type3A_76, %and3A_78 : vector<1x256xi32>
    %add3A_80 = vector.broadcast %mul3A_29 : i32 to vector<1x256xi32>
    %add3A_81 = arith.addi %and3A_79, %add3A_80 : vector<1x256xi32>
    %swap3A_82 = arith.constant 2 : index
    %swap3A_83 = arith.constant 0 : index
    %swap3A_84 = vector.load %arg4[%swap3A_82, %swap3A_83] : memref<20x256xi32, #tpu.memory_space<vmem>>, vector<1x256xi32>
    tpu.vector_store %arg4[%swap3A_82, %swap3A_83], %add3A_81 {strides = array<i32>} : memref<20x256xi32, #tpu.memory_space<vmem>>, vector<1x256xi32>,
    %add3A_85 = arith.constant -2147483647 : i32
    %add3A_86 = vector.broadcast %add3A_85 : i32 to vector<1x256xi32>
    %add3A_87 = arith.addi %add3A_75, %add3A_86 : vector<1x256xi32>
    %sub3A_88 = vector.broadcast %add3A_87 : vector<1x256xi32> to vector<2048x256xi32>
    %sub3A_89 = arith.subi %bitcast_convert_type3A_25, %sub3A_88 : vector<2048x256xi32>
    %bitcast_convert_type3A_90 = tpu.bitcast %sub3A_89 : vector<2048x256xi32> -> vector<2048x256xi32>
    %reduce_min3A_91 = arith.constant dense<2147483647> : vector<256xi32>
    %reduce_min3A_92 = vector.multi_reduction <minsi>, %bitcast_convert_type3A_90, %reduce_min3A_91 [0] : vector<2048x256xi32> to vector<256xi32>
    %broadcast_in_dim3A_93 = vector.shape_cast %reduce_min3A_92 : vector<256xi32> to vector<1x256xi32>
    %bitcast_convert_type3A_94 = tpu.bitcast %broadcast_in_dim3A_93 : vector<1x256xi32> -> vector<1x256xi32>
    %add3A_95 = arith.addi %add3A_87, %bitcast_convert_type3A_94 : vector<1x256xi32>
    %bitcast_convert_type3A_96 = tpu.bitcast %add3A_95 : vector<1x256xi32> -> vector<1x256xi32>
    %and3A_97 = arith.constant 2047 : i32
    %and3A_98 = vector.broadcast %and3A_97 : i32 to vector<1x256xi32>
    %and3A_99 = arith.andi %bitcast_convert_type3A_96, %and3A_98 : vector<1x256xi32>
    %add3A_100 = vector.broadcast %mul3A_29 : i32 to vector<1x256xi32>
    %add3A_101 = arith.addi %and3A_99, %add3A_100 : vector<1x256xi32>
    %swap3A_102 = arith.constant 3 : index
    %swap3A_103 = arith.constant 0 : index
    %swap3A_104 = vector.load %arg4[%swap3A_102, %swap3A_103] : memref<20x256xi32, #tpu.memory_space<vmem>>, vector<1x256xi32>
    tpu.vector_store %arg4[%swap3A_102, %swap3A_103], %add3A_101 {strides = array<i32>} : memref<20x256xi32, #tpu.memory_space<vmem>>, vector<1x256xi32>,
    %add3A_105 = arith.constant -2147483647 : i32
    %add3A_106 = vector.broadcast %add3A_105 : i32 to vector<1x256xi32>
    %add3A_107 = arith.addi %add3A_95, %add3A_106 : vector<1x256xi32>
    %sub3A_108 = vector.broadcast %add3A_107 : vector<1x256xi32> to vector<2048x256xi32>
    %sub3A_109 = arith.subi %bitcast_convert_type3A_25, %sub3A_108 : vector<2048x256xi32>
    %bitcast_convert_type3A_110 = tpu.bitcast %sub3A_109 : vector<2048x256xi32> -> vector<2048x256xi32>
    %reduce_min3A_111 = arith.constant dense<2147483647> : vector<256xi32>
    %reduce_min3A_112 = vector.multi_reduction <minsi>, %bitcast_convert_type3A_110, %reduce_min3A_111 [0] : vector<2048x256xi32> to vector<256xi32>
    %broadcast_in_dim3A_113 = vector.shape_cast %reduce_min3A_112 : vector<256xi32> to vector<1x256xi32>
    %bitcast_convert_type3A_114 = tpu.bitcast %broadcast_in_dim3A_113 : vector<1x256xi32> -> vector<1x256xi32>
    %add3A_115 = arith.addi %add3A_107, %bitcast_convert_type3A_114 : vector<1x256xi32>
    %bitcast_convert_type3A_116 = tpu.bitcast %add3A_115 : vector<1x256xi32> -> vector<1x256xi32>
    %and3A_117 = arith.constant 2047 : i32
    %and3A_118 = vector.broadcast %and3A_117 : i32 to vector<1x256xi32>
    %and3A_119 = arith.andi %bitcast_convert_type3A_116, %and3A_118 : vector<1x256xi32>
    %add3A_120 = vector.broadcast %mul3A_29 : i32 to vector<1x256xi32>
    %add3A_121 = arith.addi %and3A_119, %add3A_120 : vector<1x256xi32>
    %swap3A_122 = arith.constant 4 : index
    %swap3A_123 = arith.constant 0 : index
    %swap3A_124 = vector.load %arg4[%swap3A_122, %swap3A_123] : memref<20x256xi32, #tpu.memory_space<vmem>>, vector<1x256xi32>
    tpu.vector_store %arg4[%swap3A_122, %swap3A_123], %add3A_121 {strides = array<i32>} : memref<20x256xi32, #tpu.memory_space<vmem>>, vector<1x256xi32>,
    %add3A_125 = arith.constant -2147483647 : i32
    %add3A_126 = vector.broadcast %add3A_125 : i32 to vector<1x256xi32>
    %add3A_127 = arith.addi %add3A_115, %add3A_126 : vector<1x256xi32>
    %sub3A_128 = vector.broadcast %add3A_127 : vector<1x256xi32> to vector<2048x256xi32>
    %sub3A_129 = arith.subi %bitcast_convert_type3A_25, %sub3A_128 : vector<2048x256xi32>
    %bitcast_convert_type3A_130 = tpu.bitcast %sub3A_129 : vector<2048x256xi32> -> vector<2048x256xi32>
    %reduce_min3A_131 = arith.constant dense<2147483647> : vector<256xi32>
    %reduce_min3A_132 = vector.multi_reduction <minsi>, %bitcast_convert_type3A_130, %reduce_min3A_131 [0] : vector<2048x256xi32> to vector<256xi32>
    %broadcast_in_dim3A_133 = vector.shape_cast %reduce_min3A_132 : vector<256xi32> to vector<1x256xi32>
    %bitcast_convert_type3A_134 = tpu.bitcast %broadcast_in_dim3A_133 : vector<1x256xi32> -> vector<1x256xi32>
    %add3A_135 = arith.addi %add3A_127, %bitcast_convert_type3A_134 : vector<1x256xi32>
    %bitcast_convert_type3A_136 = tpu.bitcast %add3A_135 : vector<1x256xi32> -> vector<1x256xi32>
    %and3A_137 = arith.constant 2047 : i32
    %and3A_138 = vector.broadcast %and3A_137 : i32 to vector<1x256xi32>
    %and3A_139 = arith.andi %bitcast_convert_type3A_136, %and3A_138 : vector<1x256xi32>
    %add3A_140 = vector.broadcast %mul3A_29 : i32 to vector<1x256xi32>
    %add3A_141 = arith.addi %and3A_139, %add3A_140 : vector<1x256xi32>
    %swap3A_142 = arith.constant 5 : index
    %swap3A_143 = arith.constant 0 : index
    %swap3A_144 = vector.load %arg4[%swap3A_142, %swap3A_143] : memref<20x256xi32, #tpu.memory_space<vmem>>, vector<1x256xi32>
    tpu.vector_store %arg4[%swap3A_142, %swap3A_143], %add3A_141 {strides = array<i32>} : memref<20x256xi32, #tpu.memory_space<vmem>>, vector<1x256xi32>,
    %add3A_145 = arith.constant -2147483647 : i32
    %add3A_146 = vector.broadcast %add3A_145 : i32 to vector<1x256xi32>
    %add3A_147 = arith.addi %add3A_135, %add3A_146 : vector<1x256xi32>
    %sub3A_148 = vector.broadcast %add3A_147 : vector<1x256xi32> to vector<2048x256xi32>
    %sub3A_149 = arith.subi %bitcast_convert_type3A_25, %sub3A_148 : vector<2048x256xi32>
    %bitcast_convert_type3A_150 = tpu.bitcast %sub3A_149 : vector<2048x256xi32> -> vector<2048x256xi32>
    %reduce_min3A_151 = arith.constant dense<2147483647> : vector<256xi32>
    %reduce_min3A_152 = vector.multi_reduction <minsi>, %bitcast_convert_type3A_150, %reduce_min3A_151 [0] : vector<2048x256xi32> to vector<256xi32>
    %broadcast_in_dim3A_153 = vector.shape_cast %reduce_min3A_152 : vector<256xi32> to vector<1x256xi32>
    %bitcast_convert_type3A_154 = tpu.bitcast %broadcast_in_dim3A_153 : vector<1x256xi32> -> vector<1x256xi32>
    %add3A_155 = arith.addi %add3A_147, %bitcast_convert_type3A_154 : vector<1x256xi32>
    %bitcast_convert_type3A_156 = tpu.bitcast %add3A_155 : vector<1x256xi32> -> vector<1x256xi32>
    %and3A_157 = arith.constant 2047 : i32
    %and3A_158 = vector.broadcast %and3A_157 : i32 to vector<1x256xi32>
    %and3A_159 = arith.andi %bitcast_convert_type3A_156, %and3A_158 : vector<1x256xi32>
    %add3A_160 = vector.broadcast %mul3A_29 : i32 to vector<1x256xi32>
    %add3A_161 = arith.addi %and3A_159, %add3A_160 : vector<1x256xi32>
    %swap3A_162 = arith.constant 6 : index
    %swap3A_163 = arith.constant 0 : index
    %swap3A_164 = vector.load %arg4[%swap3A_162, %swap3A_163] : memref<20x256xi32, #tpu.memory_space<vmem>>, vector<1x256xi32>
    tpu.vector_store %arg4[%swap3A_162, %swap3A_163], %add3A_161 {strides = array<i32>} : memref<20x256xi32, #tpu.memory_space<vmem>>, vector<1x256xi32>,
    %add3A_165 = arith.constant -2147483647 : i32
    %add3A_166 = vector.broadcast %add3A_165 : i32 to vector<1x256xi32>
    %add3A_167 = arith.addi %add3A_155, %add3A_166 : vector<1x256xi32>
    %sub3A_168 = vector.broadcast %add3A_167 : vector<1x256xi32> to vector<2048x256xi32>
    %sub3A_169 = arith.subi %bitcast_convert_type3A_25, %sub3A_168 : vector<2048x256xi32>
    %bitcast_convert_type3A_170 = tpu.bitcast %sub3A_169 : vector<2048x256xi32> -> vector<2048x256xi32>
    %reduce_min3A_171 = arith.constant dense<2147483647> : vector<256xi32>
    %reduce_min3A_172 = vector.multi_reduction <minsi>, %bitcast_convert_type3A_170, %reduce_min3A_171 [0] : vector<2048x256xi32> to vector<256xi32>
    %broadcast_in_dim3A_173 = vector.shape_cast %reduce_min3A_172 : vector<256xi32> to vector<1x256xi32>
    %bitcast_convert_type3A_174 = tpu.bitcast %broadcast_in_dim3A_173 : vector<1x256xi32> -> vector<1x256xi32>
    %add3A_175 = arith.addi %add3A_167, %bitcast_convert_type3A_174 : vector<1x256xi32>
    %bitcast_convert_type3A_176 = tpu.bitcast %add3A_175 : vector<1x256xi32> -> vector<1x256xi32>
    %and3A_177 = arith.constant 2047 : i32
    %and3A_178 = vector.broadcast %and3A_177 : i32 to vector<1x256xi32>
    %and3A_179 = arith.andi %bitcast_convert_type3A_176, %and3A_178 : vector<1x256xi32>
    %add3A_180 = vector.broadcast %mul3A_29 : i32 to vector<1x256xi32>
    %add3A_181 = arith.addi %and3A_179, %add3A_180 : vector<1x256xi32>
    %swap3A_182 = arith.constant 7 : index
    %swap3A_183 = arith.constant 0 : index
    %swap3A_184 = vector.load %arg4[%swap3A_182, %swap3A_183] : memref<20x256xi32, #tpu.memory_space<vmem>>, vector<1x256xi32>
    tpu.vector_store %arg4[%swap3A_182, %swap3A_183], %add3A_181 {strides = array<i32>} : memref<20x256xi32, #tpu.memory_space<vmem>>, vector<1x256xi32>,
    %add3A_185 = arith.constant -2147483647 : i32
    %add3A_186 = vector.broadcast %add3A_185 : i32 to vector<1x256xi32>
    %add3A_187 = arith.addi %add3A_175, %add3A_186 : vector<1x256xi32>
    %sub3A_188 = vector.broadcast %add3A_187 : vector<1x256xi32> to vector<2048x256xi32>
    %sub3A_189 = arith.subi %bitcast_convert_type3A_25, %sub3A_188 : vector<2048x256xi32>
    %bitcast_convert_type3A_190 = tpu.bitcast %sub3A_189 : vector<2048x256xi32> -> vector<2048x256xi32>
    %reduce_min3A_191 = arith.constant dense<2147483647> : vector<256xi32>
    %reduce_min3A_192 = vector.multi_reduction <minsi>, %bitcast_convert_type3A_190, %reduce_min3A_191 [0] : vector<2048x256xi32> to vector<256xi32>
    %broadcast_in_dim3A_193 = vector.shape_cast %reduce_min3A_192 : vector<256xi32> to vector<1x256xi32>
    %bitcast_convert_type3A_194 = tpu.bitcast %broadcast_in_dim3A_193 : vector<1x256xi32> -> vector<1x256xi32>
    %add3A_195 = arith.addi %add3A_187, %bitcast_convert_type3A_194 : vector<1x256xi32>
    %bitcast_convert_type3A_196 = tpu.bitcast %add3A_195 : vector<1x256xi32> -> vector<1x256xi32>
    %and3A_197 = arith.constant 2047 : i32
    %and3A_198 = vector.broadcast %and3A_197 : i32 to vector<1x256xi32>
    %and3A_199 = arith.andi %bitcast_convert_type3A_196, %and3A_198 : vector<1x256xi32>
    %add3A_200 = vector.broadcast %mul3A_29 : i32 to vector<1x256xi32>
    %add3A_201 = arith.addi %and3A_199, %add3A_200 : vector<1x256xi32>
    %swap3A_202 = arith.constant 8 : index
    %swap3A_203 = arith.constant 0 : index
    %swap3A_204 = vector.load %arg4[%swap3A_202, %swap3A_203] : memref<20x256xi32, #tpu.memory_space<vmem>>, vector<1x256xi32>
    tpu.vector_store %arg4[%swap3A_202, %swap3A_203], %add3A_201 {strides = array<i32>} : memref<20x256xi32, #tpu.memory_space<vmem>>, vector<1x256xi32>,
    %add3A_205 = arith.constant -2147483647 : i32
    %add3A_206 = vector.broadcast %add3A_205 : i32 to vector<1x256xi32>
    %add3A_207 = arith.addi %add3A_195, %add3A_206 : vector<1x256xi32>
    %sub3A_208 = vector.broadcast %add3A_207 : vector<1x256xi32> to vector<2048x256xi32>
    %sub3A_209 = arith.subi %bitcast_convert_type3A_25, %sub3A_208 : vector<2048x256xi32>
    %bitcast_convert_type3A_210 = tpu.bitcast %sub3A_209 : vector<2048x256xi32> -> vector<2048x256xi32>
    %reduce_min3A_211 = arith.constant dense<2147483647> : vector<256xi32>
    %reduce_min3A_212 = vector.multi_reduction <minsi>, %bitcast_convert_type3A_210, %reduce_min3A_211 [0] : vector<2048x256xi32> to vector<256xi32>
    %broadcast_in_dim3A_213 = vector.shape_cast %reduce_min3A_212 : vector<256xi32> to vector<1x256xi32>
    %bitcast_convert_type3A_214 = tpu.bitcast %broadcast_in_dim3A_213 : vector<1x256xi32> -> vector<1x256xi32>
    %add3A_215 = arith.addi %add3A_207, %bitcast_convert_type3A_214 : vector<1x256xi32>
    %bitcast_convert_type3A_216 = tpu.bitcast %add3A_215 : vector<1x256xi32> -> vector<1x256xi32>
    %and3A_217 = arith.constant 2047 : i32
    %and3A_218 = vector.broadcast %and3A_217 : i32 to vector<1x256xi32>
    %and3A_219 = arith.andi %bitcast_convert_type3A_216, %and3A_218 : vector<1x256xi32>
    %add3A_220 = vector.broadcast %mul3A_29 : i32 to vector<1x256xi32>
    %add3A_221 = arith.addi %and3A_219, %add3A_220 : vector<1x256xi32>
    %swap3A_222 = arith.constant 9 : index
    %swap3A_223 = arith.constant 0 : index
    %swap3A_224 = vector.load %arg4[%swap3A_222, %swap3A_223] : memref<20x256xi32, #tpu.memory_space<vmem>>, vector<1x256xi32>
    tpu.vector_store %arg4[%swap3A_222, %swap3A_223], %add3A_221 {strides = array<i32>} : memref<20x256xi32, #tpu.memory_space<vmem>>, vector<1x256xi32>,
    %add3A_225 = arith.constant -2147483647 : i32
    %add3A_226 = vector.broadcast %add3A_225 : i32 to vector<1x256xi32>
    %add3A_227 = arith.addi %add3A_215, %add3A_226 : vector<1x256xi32>
    %sub3A_228 = vector.broadcast %add3A_227 : vector<1x256xi32> to vector<2048x256xi32>
    %sub3A_229 = arith.subi %bitcast_convert_type3A_25, %sub3A_228 : vector<2048x256xi32>
    %bitcast_convert_type3A_230 = tpu.bitcast %sub3A_229 : vector<2048x256xi32> -> vector<2048x256xi32>
    %reduce_min3A_231 = arith.constant dense<2147483647> : vector<256xi32>
    %reduce_min3A_232 = vector.multi_reduction <minsi>, %bitcast_convert_type3A_230, %reduce_min3A_231 [0] : vector<2048x256xi32> to vector<256xi32>
    %broadcast_in_dim3A_233 = vector.shape_cast %reduce_min3A_232 : vector<256xi32> to vector<1x256xi32>
    %bitcast_convert_type3A_234 = tpu.bitcast %broadcast_in_dim3A_233 : vector<1x256xi32> -> vector<1x256xi32>
    %add3A_235 = arith.addi %add3A_227, %bitcast_convert_type3A_234 : vector<1x256xi32>
    %bitcast_convert_type3A_236 = tpu.bitcast %add3A_235 : vector<1x256xi32> -> vector<1x256xi32>
    %and3A_237 = arith.constant 2047 : i32
    %and3A_238 = vector.broadcast %and3A_237 : i32 to vector<1x256xi32>
    %and3A_239 = arith.andi %bitcast_convert_type3A_236, %and3A_238 : vector<1x256xi32>
    %add3A_240 = vector.broadcast %mul3A_29 : i32 to vector<1x256xi32>
    %add3A_241 = arith.addi %and3A_239, %add3A_240 : vector<1x256xi32>
    %swap3A_242 = arith.constant 10 : index
    %swap3A_243 = arith.constant 0 : index
    %swap3A_244 = vector.load %arg4[%swap3A_242, %swap3A_243] : memref<20x256xi32, #tpu.memory_space<vmem>>, vector<1x256xi32>
    tpu.vector_store %arg4[%swap3A_242, %swap3A_243], %add3A_241 {strides = array<i32>} : memref<20x256xi32, #tpu.memory_space<vmem>>, vector<1x256xi32>,
    %add3A_245 = arith.constant -2147483647 : i32
    %add3A_246 = vector.broadcast %add3A_245 : i32 to vector<1x256xi32>
    %add3A_247 = arith.addi %add3A_235, %add3A_246 : vector<1x256xi32>
    %sub3A_248 = vector.broadcast %add3A_247 : vector<1x256xi32> to vector<2048x256xi32>
    %sub3A_249 = arith.subi %bitcast_convert_type3A_25, %sub3A_248 : vector<2048x256xi32>
    %bitcast_convert_type3A_250 = tpu.bitcast %sub3A_249 : vector<2048x256xi32> -> vector<2048x256xi32>
    %reduce_min3A_251 = arith.constant dense<2147483647> : vector<256xi32>
    %reduce_min3A_252 = vector.multi_reduction <minsi>, %bitcast_convert_type3A_250, %reduce_min3A_251 [0] : vector<2048x256xi32> to vector<256xi32>
    %broadcast_in_dim3A_253 = vector.shape_cast %reduce_min3A_252 : vector<256xi32> to vector<1x256xi32>
    %bitcast_convert_type3A_254 = tpu.bitcast %broadcast_in_dim3A_253 : vector<1x256xi32> -> vector<1x256xi32>
    %add3A_255 = arith.addi %add3A_247, %bitcast_convert_type3A_254 : vector<1x256xi32>
    %bitcast_convert_type3A_256 = tpu.bitcast %add3A_255 : vector<1x256xi32> -> vector<1x256xi32>
    %and3A_257 = arith.constant 2047 : i32
    %and3A_258 = vector.broadcast %and3A_257 : i32 to vector<1x256xi32>
    %and3A_259 = arith.andi %bitcast_convert_type3A_256, %and3A_258 : vector<1x256xi32>
    %add3A_260 = vector.broadcast %mul3A_29 : i32 to vector<1x256xi32>
    %add3A_261 = arith.addi %and3A_259, %add3A_260 : vector<1x256xi32>
    %swap3A_262 = arith.constant 11 : index
    %swap3A_263 = arith.constant 0 : index
    %swap3A_264 = vector.load %arg4[%swap3A_262, %swap3A_263] : memref<20x256xi32, #tpu.memory_space<vmem>>, vector<1x256xi32>
    tpu.vector_store %arg4[%swap3A_262, %swap3A_263], %add3A_261 {strides = array<i32>} : memref<20x256xi32, #tpu.memory_space<vmem>>, vector<1x256xi32>,
    %add3A_265 = arith.constant -2147483647 : i32
    %add3A_266 = vector.broadcast %add3A_265 : i32 to vector<1x256xi32>
    %add3A_267 = arith.addi %add3A_255, %add3A_266 : vector<1x256xi32>
    %sub3A_268 = vector.broadcast %add3A_267 : vector<1x256xi32> to vector<2048x256xi32>
    %sub3A_269 = arith.subi %bitcast_convert_type3A_25, %sub3A_268 : vector<2048x256xi32>
    %bitcast_convert_type3A_270 = tpu.bitcast %sub3A_269 : vector<2048x256xi32> -> vector<2048x256xi32>
    %reduce_min3A_271 = arith.constant dense<2147483647> : vector<256xi32>
    %reduce_min3A_272 = vector.multi_reduction <minsi>, %bitcast_convert_type3A_270, %reduce_min3A_271 [0] : vector<2048x256xi32> to vector<256xi32>
    %broadcast_in_dim3A_273 = vector.shape_cast %reduce_min3A_272 : vector<256xi32> to vector<1x256xi32>
    %bitcast_convert_type3A_274 = tpu.bitcast %broadcast_in_dim3A_273 : vector<1x256xi32> -> vector<1x256xi32>
    %add3A_275 = arith.addi %add3A_267, %bitcast_convert_type3A_274 : vector<1x256xi32>
    %bitcast_convert_type3A_276 = tpu.bitcast %add3A_275 : vector<1x256xi32> -> vector<1x256xi32>
    %and3A_277 = arith.constant 2047 : i32
    %and3A_278 = vector.broadcast %and3A_277 : i32 to vector<1x256xi32>
    %and3A_279 = arith.andi %bitcast_convert_type3A_276, %and3A_278 : vector<1x256xi32>
    %add3A_280 = vector.broadcast %mul3A_29 : i32 to vector<1x256xi32>
    %add3A_281 = arith.addi %and3A_279, %add3A_280 : vector<1x256xi32>
    %swap3A_282 = arith.constant 12 : index
    %swap3A_283 = arith.constant 0 : index
    %swap3A_284 = vector.load %arg4[%swap3A_282, %swap3A_283] : memref<20x256xi32, #tpu.memory_space<vmem>>, vector<1x256xi32>
    tpu.vector_store %arg4[%swap3A_282, %swap3A_283], %add3A_281 {strides = array<i32>} : memref<20x256xi32, #tpu.memory_space<vmem>>, vector<1x256xi32>,
    %add3A_285 = arith.constant -2147483647 : i32
    %add3A_286 = vector.broadcast %add3A_285 : i32 to vector<1x256xi32>
    %add3A_287 = arith.addi %add3A_275, %add3A_286 : vector<1x256xi32>
    %sub3A_288 = vector.broadcast %add3A_287 : vector<1x256xi32> to vector<2048x256xi32>
    %sub3A_289 = arith.subi %bitcast_convert_type3A_25, %sub3A_288 : vector<2048x256xi32>
    %bitcast_convert_type3A_290 = tpu.bitcast %sub3A_289 : vector<2048x256xi32> -> vector<2048x256xi32>
    %reduce_min3A_291 = arith.constant dense<2147483647> : vector<256xi32>
    %reduce_min3A_292 = vector.multi_reduction <minsi>, %bitcast_convert_type3A_290, %reduce_min3A_291 [0] : vector<2048x256xi32> to vector<256xi32>
    %broadcast_in_dim3A_293 = vector.shape_cast %reduce_min3A_292 : vector<256xi32> to vector<1x256xi32>
    %bitcast_convert_type3A_294 = tpu.bitcast %broadcast_in_dim3A_293 : vector<1x256xi32> -> vector<1x256xi32>
    %add3A_295 = arith.addi %add3A_287, %bitcast_convert_type3A_294 : vector<1x256xi32>
    %bitcast_convert_type3A_296 = tpu.bitcast %add3A_295 : vector<1x256xi32> -> vector<1x256xi32>
    %and3A_297 = arith.constant 2047 : i32
    %and3A_298 = vector.broadcast %and3A_297 : i32 to vector<1x256xi32>
    %and3A_299 = arith.andi %bitcast_convert_type3A_296, %and3A_298 : vector<1x256xi32>
    %add3A_300 = vector.broadcast %mul3A_29 : i32 to vector<1x256xi32>
    %add3A_301 = arith.addi %and3A_299, %add3A_300 : vector<1x256xi32>
    %swap3A_302 = arith.constant 13 : index
    %swap3A_303 = arith.constant 0 : index
    %swap3A_304 = vector.load %arg4[%swap3A_302, %swap3A_303] : memref<20x256xi32, #tpu.memory_space<vmem>>, vector<1x256xi32>
    tpu.vector_store %arg4[%swap3A_302, %swap3A_303], %add3A_301 {strides = array<i32>} : memref<20x256xi32, #tpu.memory_space<vmem>>, vector<1x256xi32>,
    %add3A_305 = arith.constant -2147483647 : i32
    %add3A_306 = vector.broadcast %add3A_305 : i32 to vector<1x256xi32>
    %add3A_307 = arith.addi %add3A_295, %add3A_306 : vector<1x256xi32>
    %sub3A_308 = vector.broadcast %add3A_307 : vector<1x256xi32> to vector<2048x256xi32>
    %sub3A_309 = arith.subi %bitcast_convert_type3A_25, %sub3A_308 : vector<2048x256xi32>
    %bitcast_convert_type3A_310 = tpu.bitcast %sub3A_309 : vector<2048x256xi32> -> vector<2048x256xi32>
    %reduce_min3A_311 = arith.constant dense<2147483647> : vector<256xi32>
    %reduce_min3A_312 = vector.multi_reduction <minsi>, %bitcast_convert_type3A_310, %reduce_min3A_311 [0] : vector<2048x256xi32> to vector<256xi32>
    %broadcast_in_dim3A_313 = vector.shape_cast %reduce_min3A_312 : vector<256xi32> to vector<1x256xi32>
    %bitcast_convert_type3A_314 = tpu.bitcast %broadcast_in_dim3A_313 : vector<1x256xi32> -> vector<1x256xi32>
    %add3A_315 = arith.addi %add3A_307, %bitcast_convert_type3A_314 : vector<1x256xi32>
    %bitcast_convert_type3A_316 = tpu.bitcast %add3A_315 : vector<1x256xi32> -> vector<1x256xi32>
    %and3A_317 = arith.constant 2047 : i32
    %and3A_318 = vector.broadcast %and3A_317 : i32 to vector<1x256xi32>
    %and3A_319 = arith.andi %bitcast_convert_type3A_316, %and3A_318 : vector<1x256xi32>
    %add3A_320 = vector.broadcast %mul3A_29 : i32 to vector<1x256xi32>
    %add3A_321 = arith.addi %and3A_319, %add3A_320 : vector<1x256xi32>
    %swap3A_322 = arith.constant 14 : index
    %swap3A_323 = arith.constant 0 : index
    %swap3A_324 = vector.load %arg4[%swap3A_322, %swap3A_323] : memref<20x256xi32, #tpu.memory_space<vmem>>, vector<1x256xi32>
    tpu.vector_store %arg4[%swap3A_322, %swap3A_323], %add3A_321 {strides = array<i32>} : memref<20x256xi32, #tpu.memory_space<vmem>>, vector<1x256xi32>,
    %add3A_325 = arith.constant -2147483647 : i32
    %add3A_326 = vector.broadcast %add3A_325 : i32 to vector<1x256xi32>
    %add3A_327 = arith.addi %add3A_315, %add3A_326 : vector<1x256xi32>
    %sub3A_328 = vector.broadcast %add3A_327 : vector<1x256xi32> to vector<2048x256xi32>
    %sub3A_329 = arith.subi %bitcast_convert_type3A_25, %sub3A_328 : vector<2048x256xi32>
    %bitcast_convert_type3A_330 = tpu.bitcast %sub3A_329 : vector<2048x256xi32> -> vector<2048x256xi32>
    %reduce_min3A_331 = arith.constant dense<2147483647> : vector<256xi32>
    %reduce_min3A_332 = vector.multi_reduction <minsi>, %bitcast_convert_type3A_330, %reduce_min3A_331 [0] : vector<2048x256xi32> to vector<256xi32>
    %broadcast_in_dim3A_333 = vector.shape_cast %reduce_min3A_332 : vector<256xi32> to vector<1x256xi32>
    %bitcast_convert_type3A_334 = tpu.bitcast %broadcast_in_dim3A_333 : vector<1x256xi32> -> vector<1x256xi32>
    %add3A_335 = arith.addi %add3A_327, %bitcast_convert_type3A_334 : vector<1x256xi32>
    %bitcast_convert_type3A_336 = tpu.bitcast %add3A_335 : vector<1x256xi32> -> vector<1x256xi32>
    %and3A_337 = arith.constant 2047 : i32
    %and3A_338 = vector.broadcast %and3A_337 : i32 to vector<1x256xi32>
    %and3A_339 = arith.andi %bitcast_convert_type3A_336, %and3A_338 : vector<1x256xi32>
    %add3A_340 = vector.broadcast %mul3A_29 : i32 to vector<1x256xi32>
    %add3A_341 = arith.addi %and3A_339, %add3A_340 : vector<1x256xi32>
    %swap3A_342 = arith.constant 15 : index
    %swap3A_343 = arith.constant 0 : index
    %swap3A_344 = vector.load %arg4[%swap3A_342, %swap3A_343] : memref<20x256xi32, #tpu.memory_space<vmem>>, vector<1x256xi32>
    tpu.vector_store %arg4[%swap3A_342, %swap3A_343], %add3A_341 {strides = array<i32>} : memref<20x256xi32, #tpu.memory_space<vmem>>, vector<1x256xi32>,
    %add3A_345 = arith.constant -2147483647 : i32
    %add3A_346 = vector.broadcast %add3A_345 : i32 to vector<1x256xi32>
    %add3A_347 = arith.addi %add3A_335, %add3A_346 : vector<1x256xi32>
    %sub3A_348 = vector.broadcast %add3A_347 : vector<1x256xi32> to vector<2048x256xi32>
    %sub3A_349 = arith.subi %bitcast_convert_type3A_25, %sub3A_348 : vector<2048x256xi32>
    %bitcast_convert_type3A_350 = tpu.bitcast %sub3A_349 : vector<2048x256xi32> -> vector<2048x256xi32>
    %reduce_min3A_351 = arith.constant dense<2147483647> : vector<256xi32>
    %reduce_min3A_352 = vector.multi_reduction <minsi>, %bitcast_convert_type3A_350, %reduce_min3A_351 [0] : vector<2048x256xi32> to vector<256xi32>
    %broadcast_in_dim3A_353 = vector.shape_cast %reduce_min3A_352 : vector<256xi32> to vector<1x256xi32>
    %bitcast_convert_type3A_354 = tpu.bitcast %broadcast_in_dim3A_353 : vector<1x256xi32> -> vector<1x256xi32>
    %add3A_355 = arith.addi %add3A_347, %bitcast_convert_type3A_354 : vector<1x256xi32>
    %bitcast_convert_type3A_356 = tpu.bitcast %add3A_355 : vector<1x256xi32> -> vector<1x256xi32>
    %and3A_357 = arith.constant 2047 : i32
    %and3A_358 = vector.broadcast %and3A_357 : i32 to vector<1x256xi32>
    %and3A_359 = arith.andi %bitcast_convert_type3A_356, %and3A_358 : vector<1x256xi32>
    %add3A_360 = vector.broadcast %mul3A_29 : i32 to vector<1x256xi32>
    %add3A_361 = arith.addi %and3A_359, %add3A_360 : vector<1x256xi32>
    %swap3A_362 = arith.constant 16 : index
    %swap3A_363 = arith.constant 0 : index
    %swap3A_364 = vector.load %arg4[%swap3A_362, %swap3A_363] : memref<20x256xi32, #tpu.memory_space<vmem>>, vector<1x256xi32>
    tpu.vector_store %arg4[%swap3A_362, %swap3A_363], %add3A_361 {strides = array<i32>} : memref<20x256xi32, #tpu.memory_space<vmem>>, vector<1x256xi32>,
    %add3A_365 = arith.constant -2147483647 : i32
    %add3A_366 = vector.broadcast %add3A_365 : i32 to vector<1x256xi32>
    %add3A_367 = arith.addi %add3A_355, %add3A_366 : vector<1x256xi32>
    %sub3A_368 = vector.broadcast %add3A_367 : vector<1x256xi32> to vector<2048x256xi32>
    %sub3A_369 = arith.subi %bitcast_convert_type3A_25, %sub3A_368 : vector<2048x256xi32>
    %bitcast_convert_type3A_370 = tpu.bitcast %sub3A_369 : vector<2048x256xi32> -> vector<2048x256xi32>
    %reduce_min3A_371 = arith.constant dense<2147483647> : vector<256xi32>
    %reduce_min3A_372 = vector.multi_reduction <minsi>, %bitcast_convert_type3A_370, %reduce_min3A_371 [0] : vector<2048x256xi32> to vector<256xi32>
    %broadcast_in_dim3A_373 = vector.shape_cast %reduce_min3A_372 : vector<256xi32> to vector<1x256xi32>
    %bitcast_convert_type3A_374 = tpu.bitcast %broadcast_in_dim3A_373 : vector<1x256xi32> -> vector<1x256xi32>
    %add3A_375 = arith.addi %add3A_367, %bitcast_convert_type3A_374 : vector<1x256xi32>
    %bitcast_convert_type3A_376 = tpu.bitcast %add3A_375 : vector<1x256xi32> -> vector<1x256xi32>
    %and3A_377 = arith.constant 2047 : i32
    %and3A_378 = vector.broadcast %and3A_377 : i32 to vector<1x256xi32>
    %and3A_379 = arith.andi %bitcast_convert_type3A_376, %and3A_378 : vector<1x256xi32>
    %add3A_380 = vector.broadcast %mul3A_29 : i32 to vector<1x256xi32>
    %add3A_381 = arith.addi %and3A_379, %add3A_380 : vector<1x256xi32>
    %swap3A_382 = arith.constant 17 : index
    %swap3A_383 = arith.constant 0 : index
    %swap3A_384 = vector.load %arg4[%swap3A_382, %swap3A_383] : memref<20x256xi32, #tpu.memory_space<vmem>>, vector<1x256xi32>
    tpu.vector_store %arg4[%swap3A_382, %swap3A_383], %add3A_381 {strides = array<i32>} : memref<20x256xi32, #tpu.memory_space<vmem>>, vector<1x256xi32>,
    %add3A_385 = arith.constant -2147483647 : i32
    %add3A_386 = vector.broadcast %add3A_385 : i32 to vector<1x256xi32>
    %add3A_387 = arith.addi %add3A_375, %add3A_386 : vector<1x256xi32>
    %sub3A_388 = vector.broadcast %add3A_387 : vector<1x256xi32> to vector<2048x256xi32>
    %sub3A_389 = arith.subi %bitcast_convert_type3A_25, %sub3A_388 : vector<2048x256xi32>
    %bitcast_convert_type3A_390 = tpu.bitcast %sub3A_389 : vector<2048x256xi32> -> vector<2048x256xi32>
    %reduce_min3A_391 = arith.constant dense<2147483647> : vector<256xi32>
    %reduce_min3A_392 = vector.multi_reduction <minsi>, %bitcast_convert_type3A_390, %reduce_min3A_391 [0] : vector<2048x256xi32> to vector<256xi32>
    %broadcast_in_dim3A_393 = vector.shape_cast %reduce_min3A_392 : vector<256xi32> to vector<1x256xi32>
    %bitcast_convert_type3A_394 = tpu.bitcast %broadcast_in_dim3A_393 : vector<1x256xi32> -> vector<1x256xi32>
    %add3A_395 = arith.addi %add3A_387, %bitcast_convert_type3A_394 : vector<1x256xi32>
    %bitcast_convert_type3A_396 = tpu.bitcast %add3A_395 : vector<1x256xi32> -> vector<1x256xi32>
    %and3A_397 = arith.constant 2047 : i32
    %and3A_398 = vector.broadcast %and3A_397 : i32 to vector<1x256xi32>
    %and3A_399 = arith.andi %bitcast_convert_type3A_396, %and3A_398 : vector<1x256xi32>
    %add3A_400 = vector.broadcast %mul3A_29 : i32 to vector<1x256xi32>
    %add3A_401 = arith.addi %and3A_399, %add3A_400 : vector<1x256xi32>
    %swap3A_402 = arith.constant 18 : index
    %swap3A_403 = arith.constant 0 : index
    %swap3A_404 = vector.load %arg4[%swap3A_402, %swap3A_403] : memref<20x256xi32, #tpu.memory_space<vmem>>, vector<1x256xi32>
    tpu.vector_store %arg4[%swap3A_402, %swap3A_403], %add3A_401 {strides = array<i32>} : memref<20x256xi32, #tpu.memory_space<vmem>>, vector<1x256xi32>,
    %add3A_405 = arith.constant -2147483647 : i32
    %add3A_406 = vector.broadcast %add3A_405 : i32 to vector<1x256xi32>
    %add3A_407 = arith.addi %add3A_395, %add3A_406 : vector<1x256xi32>
    %sub3A_408 = vector.broadcast %add3A_407 : vector<1x256xi32> to vector<2048x256xi32>
    %sub3A_409 = arith.subi %bitcast_convert_type3A_25, %sub3A_408 : vector<2048x256xi32>
    %bitcast_convert_type3A_410 = tpu.bitcast %sub3A_409 : vector<2048x256xi32> -> vector<2048x256xi32>
    %reduce_min3A_411 = arith.constant dense<2147483647> : vector<256xi32>
    %reduce_min3A_412 = vector.multi_reduction <minsi>, %bitcast_convert_type3A_410, %reduce_min3A_411 [0] : vector<2048x256xi32> to vector<256xi32>
    %broadcast_in_dim3A_413 = vector.shape_cast %reduce_min3A_412 : vector<256xi32> to vector<1x256xi32>
    %bitcast_convert_type3A_414 = tpu.bitcast %broadcast_in_dim3A_413 : vector<1x256xi32> -> vector<1x256xi32>
    %add3A_415 = arith.addi %add3A_407, %bitcast_convert_type3A_414 : vector<1x256xi32>
    %bitcast_convert_type3A_416 = tpu.bitcast %add3A_415 : vector<1x256xi32> -> vector<1x256xi32>
    %and3A_417 = arith.constant 2047 : i32
    %and3A_418 = vector.broadcast %and3A_417 : i32 to vector<1x256xi32>
    %and3A_419 = arith.andi %bitcast_convert_type3A_416, %and3A_418 : vector<1x256xi32>
    %add3A_420 = vector.broadcast %mul3A_29 : i32 to vector<1x256xi32>
    %add3A_421 = arith.addi %and3A_419, %add3A_420 : vector<1x256xi32>
    %swap3A_422 = arith.constant 19 : index
    %swap3A_423 = arith.constant 0 : index
    %swap3A_424 = vector.load %arg4[%swap3A_422, %swap3A_423] : memref<20x256xi32, #tpu.memory_space<vmem>>, vector<1x256xi32>
    tpu.vector_store %arg4[%swap3A_422, %swap3A_423], %add3A_421 {strides = array<i32>} : memref<20x256xi32, #tpu.memory_space<vmem>>, vector<1x256xi32>,
    return
  }
  func.func @transform_0(%arg0: i32, %arg1: i32) -> (i32, i32, i32) {
    %c0_i32 = arith.constant 0 : i32
    %c0_i32_0 = arith.constant 0 : i32
    %c0_i32_1 = arith.constant 0 : i32
    return %arg0, %c0_i32, %c0_i32_0 : i32, i32, i32
  }
  func.func @transform_1(%arg0: i32, %arg1: i32) -> (i32, i32, i32) {
    %c0_i32 = arith.constant 0 : i32
    %c0_i32_0 = arith.constant 0 : i32
    return %arg0, %arg1, %c0_i32 : i32, i32, i32
  }
  func.func @transform_2(%arg0: i32, %arg1: i32) -> (i32, i32) {
    %mul3A = arith.constant 8 : i32
    %mul3A_0 = arith.muli %arg0, %mul3A : i32
    %add3A = arith.addi %mul3A_0, %arg1 : i32
    %c0_i32 = arith.constant 0 : i32
    %c0_i32_1 = arith.constant 0 : i32
    return %c0_i32, %add3A : i32, i32
  }
}

module attributes {stable_mosaic.version = 14 : i64} {
  func.func @_conv1_body(%arg0: i32, %arg1: memref<512x128xf32, #tpu.memory_space<vmem>>, %arg2: memref<20x512x128xf32, #tpu.memory_space<vmem>>, %arg3: memref<128x64xf32, #tpu.memory_space<vmem>>, %arg4: memref<1x64xf32, #tpu.memory_space<vmem>>, %arg5: memref<64x64xf32, #tpu.memory_space<vmem>>, %arg6: memref<1x64xf32, #tpu.memory_space<vmem>>, %arg7: memref<64x128xf32, #tpu.memory_space<vmem>>, %arg8: memref<64x128xf32, #tpu.memory_space<vmem>>, %arg9: memref<1x128xf32, #tpu.memory_space<vmem>>, %arg10: memref<512x64xf32, #tpu.memory_space<vmem>>, %arg11: memref<512x128xf32, #tpu.memory_space<vmem>>, %arg12: memref<512x128xf32, #tpu.memory_space<vmem>>) attributes {dimension_semantics = [#tpu.dimension_semantics<arbitrary>], iteration_bounds = array<i64: 8>, scalar_prefetch = 0 : i64, scratch_operands = 0 : i64, tpu.core_type = #tpu.core_type<tc>, window_params = [{transform_indices = @transform_0, window_bounds = array<i64: 512, 128>}, {transform_indices = @transform_1, window_bounds = array<i64: 20, 512, 128>}, {pipeline_mode = #tpu.pipeline_mode<synchronous>, transform_indices = @transform_2, window_bounds = array<i64: 128, 64>}, {pipeline_mode = #tpu.pipeline_mode<synchronous>, transform_indices = @transform_3, window_bounds = array<i64: 1, 64>}, {pipeline_mode = #tpu.pipeline_mode<synchronous>, transform_indices = @transform_4, window_bounds = array<i64: 64, 64>}, {pipeline_mode = #tpu.pipeline_mode<synchronous>, transform_indices = @transform_5, window_bounds = array<i64: 1, 64>}, {pipeline_mode = #tpu.pipeline_mode<synchronous>, transform_indices = @transform_6, window_bounds = array<i64: 64, 128>}, {pipeline_mode = #tpu.pipeline_mode<synchronous>, transform_indices = @transform_7, window_bounds = array<i64: 64, 128>}, {pipeline_mode = #tpu.pipeline_mode<synchronous>, transform_indices = @transform_8, window_bounds = array<i64: 1, 128>}, {transform_indices = @transform_9, window_bounds = array<i64: 512, 64>}, {transform_indices = @transform_10, window_bounds = array<i64: 512, 128>}, {transform_indices = @transform_11, window_bounds = array<i64: 512, 128>}]} {
    %get3A = arith.constant 0 : index
    %get3A_0 = arith.constant 0 : index
    %get3A_1 = vector.load %arg1[%get3A, %get3A_0] : memref<512x128xf32, #tpu.memory_space<vmem>>, vector<512x128xf32>
    %get3A_2 = arith.constant 0 : index
    %get3A_3 = arith.constant 0 : index
    %get3A_4 = vector.load %arg3[%get3A_2, %get3A_3] : memref<128x64xf32, #tpu.memory_space<vmem>>, vector<128x64xf32>
    %get3A_5 = arith.constant 0 : index
    %get3A_6 = arith.constant 0 : index
    %get3A_7 = vector.load %arg5[%get3A_5, %get3A_6] : memref<64x64xf32, #tpu.memory_space<vmem>>, vector<64x64xf32>
    %get3A_8 = arith.constant 0 : index
    %get3A_9 = arith.constant 0 : index
    %get3A_10 = vector.load %arg4[%get3A_8, %get3A_9] : memref<1x64xf32, #tpu.memory_space<vmem>>, vector<1x64xf32>
    %get3A_11 = arith.constant 0 : index
    %get3A_12 = arith.constant 0 : index
    %get3A_13 = arith.constant 0 : index
    %get3A_14 = vector.load %arg2[%get3A_11, %get3A_12, %get3A_13] : memref<20x512x128xf32, #tpu.memory_space<vmem>>, vector<1x512x128xf32>
    %get3A_15 = vector.shape_cast %get3A_14 : vector<1x512x128xf32> to vector<512x128xf32>
    %add3A = arith.addf %get3A_1, %get3A_15 : vector<512x128xf32>
    %dot_general3A = arith.constant dense<0.000000e+00> : vector<512x64xf32>
    %dot_general3A_16 = tpu.matmul %add3A, %get3A_4, %dot_general3A {dimension_numbers = #tpu.dot_dimension_numbers<[1], [0], [0], [1], [0, 0, 1, 1], [], []>, transpose_lhs_hint = false} : vector<512x128xf32>, vector<128x64xf32>, vector<512x64xf32> -> vector<512x64xf32>
    %add3A_17 = vector.broadcast %get3A_10 : vector<1x64xf32> to vector<512x64xf32>
    %add3A_18 = arith.addf %dot_general3A_16, %add3A_17 : vector<512x64xf32>
    %max3A = arith.constant 0.000000e+00 : f32
    %max3A_19 = vector.broadcast %max3A : f32 to vector<512x64xf32>
    %max3A_20 = arith.maximumf %add3A_18, %max3A_19 : vector<512x64xf32>
    %dot_general3A_21 = arith.constant dense<0.000000e+00> : vector<512x64xf32>
    %dot_general3A_22 = tpu.matmul %max3A_20, %get3A_7, %dot_general3A_21 {dimension_numbers = #tpu.dot_dimension_numbers<[1], [0], [0], [1], [0, 0, 1, 1], [], []>, transpose_lhs_hint = false} : vector<512x64xf32>, vector<64x64xf32>, vector<512x64xf32> -> vector<512x64xf32>
    %get3A_23 = arith.constant 1 : index
    %get3A_24 = arith.constant 0 : index
    %get3A_25 = arith.constant 0 : index
    %get3A_26 = vector.load %arg2[%get3A_23, %get3A_24, %get3A_25] : memref<20x512x128xf32, #tpu.memory_space<vmem>>, vector<1x512x128xf32>
    %get3A_27 = vector.shape_cast %get3A_26 : vector<1x512x128xf32> to vector<512x128xf32>
    %add3A_28 = arith.addf %get3A_1, %get3A_27 : vector<512x128xf32>
    %dot_general3A_29 = arith.constant dense<0.000000e+00> : vector<512x64xf32>
    %dot_general3A_30 = tpu.matmul %add3A_28, %get3A_4, %dot_general3A_29 {dimension_numbers = #tpu.dot_dimension_numbers<[1], [0], [0], [1], [0, 0, 1, 1], [], []>, transpose_lhs_hint = false} : vector<512x128xf32>, vector<128x64xf32>, vector<512x64xf32> -> vector<512x64xf32>
    %add3A_31 = vector.broadcast %get3A_10 : vector<1x64xf32> to vector<512x64xf32>
    %add3A_32 = arith.addf %dot_general3A_30, %add3A_31 : vector<512x64xf32>
    %max3A_33 = arith.constant 0.000000e+00 : f32
    %max3A_34 = vector.broadcast %max3A_33 : f32 to vector<512x64xf32>
    %max3A_35 = arith.maximumf %add3A_32, %max3A_34 : vector<512x64xf32>
    %dot_general3A_36 = arith.constant dense<0.000000e+00> : vector<512x64xf32>
    %dot_general3A_37 = tpu.matmul %max3A_35, %get3A_7, %dot_general3A_36 {dimension_numbers = #tpu.dot_dimension_numbers<[1], [0], [0], [1], [0, 0, 1, 1], [], []>, transpose_lhs_hint = false} : vector<512x64xf32>, vector<64x64xf32>, vector<512x64xf32> -> vector<512x64xf32>
    %max3A_38 = arith.maximumf %dot_general3A_22, %dot_general3A_37 : vector<512x64xf32>
    %get3A_39 = arith.constant 2 : index
    %get3A_40 = arith.constant 0 : index
    %get3A_41 = arith.constant 0 : index
    %get3A_42 = vector.load %arg2[%get3A_39, %get3A_40, %get3A_41] : memref<20x512x128xf32, #tpu.memory_space<vmem>>, vector<1x512x128xf32>
    %get3A_43 = vector.shape_cast %get3A_42 : vector<1x512x128xf32> to vector<512x128xf32>
    %add3A_44 = arith.addf %get3A_1, %get3A_43 : vector<512x128xf32>
    %dot_general3A_45 = arith.constant dense<0.000000e+00> : vector<512x64xf32>
    %dot_general3A_46 = tpu.matmul %add3A_44, %get3A_4, %dot_general3A_45 {dimension_numbers = #tpu.dot_dimension_numbers<[1], [0], [0], [1], [0, 0, 1, 1], [], []>, transpose_lhs_hint = false} : vector<512x128xf32>, vector<128x64xf32>, vector<512x64xf32> -> vector<512x64xf32>
    %add3A_47 = vector.broadcast %get3A_10 : vector<1x64xf32> to vector<512x64xf32>
    %add3A_48 = arith.addf %dot_general3A_46, %add3A_47 : vector<512x64xf32>
    %max3A_49 = arith.constant 0.000000e+00 : f32
    %max3A_50 = vector.broadcast %max3A_49 : f32 to vector<512x64xf32>
    %max3A_51 = arith.maximumf %add3A_48, %max3A_50 : vector<512x64xf32>
    %dot_general3A_52 = arith.constant dense<0.000000e+00> : vector<512x64xf32>
    %dot_general3A_53 = tpu.matmul %max3A_51, %get3A_7, %dot_general3A_52 {dimension_numbers = #tpu.dot_dimension_numbers<[1], [0], [0], [1], [0, 0, 1, 1], [], []>, transpose_lhs_hint = false} : vector<512x64xf32>, vector<64x64xf32>, vector<512x64xf32> -> vector<512x64xf32>
    %max3A_54 = arith.maximumf %max3A_38, %dot_general3A_53 : vector<512x64xf32>
    %get3A_55 = arith.constant 3 : index
    %get3A_56 = arith.constant 0 : index
    %get3A_57 = arith.constant 0 : index
    %get3A_58 = vector.load %arg2[%get3A_55, %get3A_56, %get3A_57] : memref<20x512x128xf32, #tpu.memory_space<vmem>>, vector<1x512x128xf32>
    %get3A_59 = vector.shape_cast %get3A_58 : vector<1x512x128xf32> to vector<512x128xf32>
    %add3A_60 = arith.addf %get3A_1, %get3A_59 : vector<512x128xf32>
    %dot_general3A_61 = arith.constant dense<0.000000e+00> : vector<512x64xf32>
    %dot_general3A_62 = tpu.matmul %add3A_60, %get3A_4, %dot_general3A_61 {dimension_numbers = #tpu.dot_dimension_numbers<[1], [0], [0], [1], [0, 0, 1, 1], [], []>, transpose_lhs_hint = false} : vector<512x128xf32>, vector<128x64xf32>, vector<512x64xf32> -> vector<512x64xf32>
    %add3A_63 = vector.broadcast %get3A_10 : vector<1x64xf32> to vector<512x64xf32>
    %add3A_64 = arith.addf %dot_general3A_62, %add3A_63 : vector<512x64xf32>
    %max3A_65 = arith.constant 0.000000e+00 : f32
    %max3A_66 = vector.broadcast %max3A_65 : f32 to vector<512x64xf32>
    %max3A_67 = arith.maximumf %add3A_64, %max3A_66 : vector<512x64xf32>
    %dot_general3A_68 = arith.constant dense<0.000000e+00> : vector<512x64xf32>
    %dot_general3A_69 = tpu.matmul %max3A_67, %get3A_7, %dot_general3A_68 {dimension_numbers = #tpu.dot_dimension_numbers<[1], [0], [0], [1], [0, 0, 1, 1], [], []>, transpose_lhs_hint = false} : vector<512x64xf32>, vector<64x64xf32>, vector<512x64xf32> -> vector<512x64xf32>
    %max3A_70 = arith.maximumf %max3A_54, %dot_general3A_69 : vector<512x64xf32>
    %get3A_71 = arith.constant 4 : index
    %get3A_72 = arith.constant 0 : index
    %get3A_73 = arith.constant 0 : index
    %get3A_74 = vector.load %arg2[%get3A_71, %get3A_72, %get3A_73] : memref<20x512x128xf32, #tpu.memory_space<vmem>>, vector<1x512x128xf32>
    %get3A_75 = vector.shape_cast %get3A_74 : vector<1x512x128xf32> to vector<512x128xf32>
    %add3A_76 = arith.addf %get3A_1, %get3A_75 : vector<512x128xf32>
    %dot_general3A_77 = arith.constant dense<0.000000e+00> : vector<512x64xf32>
    %dot_general3A_78 = tpu.matmul %add3A_76, %get3A_4, %dot_general3A_77 {dimension_numbers = #tpu.dot_dimension_numbers<[1], [0], [0], [1], [0, 0, 1, 1], [], []>, transpose_lhs_hint = false} : vector<512x128xf32>, vector<128x64xf32>, vector<512x64xf32> -> vector<512x64xf32>
    %add3A_79 = vector.broadcast %get3A_10 : vector<1x64xf32> to vector<512x64xf32>
    %add3A_80 = arith.addf %dot_general3A_78, %add3A_79 : vector<512x64xf32>
    %max3A_81 = arith.constant 0.000000e+00 : f32
    %max3A_82 = vector.broadcast %max3A_81 : f32 to vector<512x64xf32>
    %max3A_83 = arith.maximumf %add3A_80, %max3A_82 : vector<512x64xf32>
    %dot_general3A_84 = arith.constant dense<0.000000e+00> : vector<512x64xf32>
    %dot_general3A_85 = tpu.matmul %max3A_83, %get3A_7, %dot_general3A_84 {dimension_numbers = #tpu.dot_dimension_numbers<[1], [0], [0], [1], [0, 0, 1, 1], [], []>, transpose_lhs_hint = false} : vector<512x64xf32>, vector<64x64xf32>, vector<512x64xf32> -> vector<512x64xf32>
    %max3A_86 = arith.maximumf %max3A_70, %dot_general3A_85 : vector<512x64xf32>
    %get3A_87 = arith.constant 5 : index
    %get3A_88 = arith.constant 0 : index
    %get3A_89 = arith.constant 0 : index
    %get3A_90 = vector.load %arg2[%get3A_87, %get3A_88, %get3A_89] : memref<20x512x128xf32, #tpu.memory_space<vmem>>, vector<1x512x128xf32>
    %get3A_91 = vector.shape_cast %get3A_90 : vector<1x512x128xf32> to vector<512x128xf32>
    %add3A_92 = arith.addf %get3A_1, %get3A_91 : vector<512x128xf32>
    %dot_general3A_93 = arith.constant dense<0.000000e+00> : vector<512x64xf32>
    %dot_general3A_94 = tpu.matmul %add3A_92, %get3A_4, %dot_general3A_93 {dimension_numbers = #tpu.dot_dimension_numbers<[1], [0], [0], [1], [0, 0, 1, 1], [], []>, transpose_lhs_hint = false} : vector<512x128xf32>, vector<128x64xf32>, vector<512x64xf32> -> vector<512x64xf32>
    %add3A_95 = vector.broadcast %get3A_10 : vector<1x64xf32> to vector<512x64xf32>
    %add3A_96 = arith.addf %dot_general3A_94, %add3A_95 : vector<512x64xf32>
    %max3A_97 = arith.constant 0.000000e+00 : f32
    %max3A_98 = vector.broadcast %max3A_97 : f32 to vector<512x64xf32>
    %max3A_99 = arith.maximumf %add3A_96, %max3A_98 : vector<512x64xf32>
    %dot_general3A_100 = arith.constant dense<0.000000e+00> : vector<512x64xf32>
    %dot_general3A_101 = tpu.matmul %max3A_99, %get3A_7, %dot_general3A_100 {dimension_numbers = #tpu.dot_dimension_numbers<[1], [0], [0], [1], [0, 0, 1, 1], [], []>, transpose_lhs_hint = false} : vector<512x64xf32>, vector<64x64xf32>, vector<512x64xf32> -> vector<512x64xf32>
    %max3A_102 = arith.maximumf %max3A_86, %dot_general3A_101 : vector<512x64xf32>
    %get3A_103 = arith.constant 6 : index
    %get3A_104 = arith.constant 0 : index
    %get3A_105 = arith.constant 0 : index
    %get3A_106 = vector.load %arg2[%get3A_103, %get3A_104, %get3A_105] : memref<20x512x128xf32, #tpu.memory_space<vmem>>, vector<1x512x128xf32>
    %get3A_107 = vector.shape_cast %get3A_106 : vector<1x512x128xf32> to vector<512x128xf32>
    %add3A_108 = arith.addf %get3A_1, %get3A_107 : vector<512x128xf32>
    %dot_general3A_109 = arith.constant dense<0.000000e+00> : vector<512x64xf32>
    %dot_general3A_110 = tpu.matmul %add3A_108, %get3A_4, %dot_general3A_109 {dimension_numbers = #tpu.dot_dimension_numbers<[1], [0], [0], [1], [0, 0, 1, 1], [], []>, transpose_lhs_hint = false} : vector<512x128xf32>, vector<128x64xf32>, vector<512x64xf32> -> vector<512x64xf32>
    %add3A_111 = vector.broadcast %get3A_10 : vector<1x64xf32> to vector<512x64xf32>
    %add3A_112 = arith.addf %dot_general3A_110, %add3A_111 : vector<512x64xf32>
    %max3A_113 = arith.constant 0.000000e+00 : f32
    %max3A_114 = vector.broadcast %max3A_113 : f32 to vector<512x64xf32>
    %max3A_115 = arith.maximumf %add3A_112, %max3A_114 : vector<512x64xf32>
    %dot_general3A_116 = arith.constant dense<0.000000e+00> : vector<512x64xf32>
    %dot_general3A_117 = tpu.matmul %max3A_115, %get3A_7, %dot_general3A_116 {dimension_numbers = #tpu.dot_dimension_numbers<[1], [0], [0], [1], [0, 0, 1, 1], [], []>, transpose_lhs_hint = false} : vector<512x64xf32>, vector<64x64xf32>, vector<512x64xf32> -> vector<512x64xf32>
    %max3A_118 = arith.maximumf %max3A_102, %dot_general3A_117 : vector<512x64xf32>
    %get3A_119 = arith.constant 7 : index
    %get3A_120 = arith.constant 0 : index
    %get3A_121 = arith.constant 0 : index
    %get3A_122 = vector.load %arg2[%get3A_119, %get3A_120, %get3A_121] : memref<20x512x128xf32, #tpu.memory_space<vmem>>, vector<1x512x128xf32>
    %get3A_123 = vector.shape_cast %get3A_122 : vector<1x512x128xf32> to vector<512x128xf32>
    %add3A_124 = arith.addf %get3A_1, %get3A_123 : vector<512x128xf32>
    %dot_general3A_125 = arith.constant dense<0.000000e+00> : vector<512x64xf32>
    %dot_general3A_126 = tpu.matmul %add3A_124, %get3A_4, %dot_general3A_125 {dimension_numbers = #tpu.dot_dimension_numbers<[1], [0], [0], [1], [0, 0, 1, 1], [], []>, transpose_lhs_hint = false} : vector<512x128xf32>, vector<128x64xf32>, vector<512x64xf32> -> vector<512x64xf32>
    %add3A_127 = vector.broadcast %get3A_10 : vector<1x64xf32> to vector<512x64xf32>
    %add3A_128 = arith.addf %dot_general3A_126, %add3A_127 : vector<512x64xf32>
    %max3A_129 = arith.constant 0.000000e+00 : f32
    %max3A_130 = vector.broadcast %max3A_129 : f32 to vector<512x64xf32>
    %max3A_131 = arith.maximumf %add3A_128, %max3A_130 : vector<512x64xf32>
    %dot_general3A_132 = arith.constant dense<0.000000e+00> : vector<512x64xf32>
    %dot_general3A_133 = tpu.matmul %max3A_131, %get3A_7, %dot_general3A_132 {dimension_numbers = #tpu.dot_dimension_numbers<[1], [0], [0], [1], [0, 0, 1, 1], [], []>, transpose_lhs_hint = false} : vector<512x64xf32>, vector<64x64xf32>, vector<512x64xf32> -> vector<512x64xf32>
    %max3A_134 = arith.maximumf %max3A_118, %dot_general3A_133 : vector<512x64xf32>
    %get3A_135 = arith.constant 8 : index
    %get3A_136 = arith.constant 0 : index
    %get3A_137 = arith.constant 0 : index
    %get3A_138 = vector.load %arg2[%get3A_135, %get3A_136, %get3A_137] : memref<20x512x128xf32, #tpu.memory_space<vmem>>, vector<1x512x128xf32>
    %get3A_139 = vector.shape_cast %get3A_138 : vector<1x512x128xf32> to vector<512x128xf32>
    %add3A_140 = arith.addf %get3A_1, %get3A_139 : vector<512x128xf32>
    %dot_general3A_141 = arith.constant dense<0.000000e+00> : vector<512x64xf32>
    %dot_general3A_142 = tpu.matmul %add3A_140, %get3A_4, %dot_general3A_141 {dimension_numbers = #tpu.dot_dimension_numbers<[1], [0], [0], [1], [0, 0, 1, 1], [], []>, transpose_lhs_hint = false} : vector<512x128xf32>, vector<128x64xf32>, vector<512x64xf32> -> vector<512x64xf32>
    %add3A_143 = vector.broadcast %get3A_10 : vector<1x64xf32> to vector<512x64xf32>
    %add3A_144 = arith.addf %dot_general3A_142, %add3A_143 : vector<512x64xf32>
    %max3A_145 = arith.constant 0.000000e+00 : f32
    %max3A_146 = vector.broadcast %max3A_145 : f32 to vector<512x64xf32>
    %max3A_147 = arith.maximumf %add3A_144, %max3A_146 : vector<512x64xf32>
    %dot_general3A_148 = arith.constant dense<0.000000e+00> : vector<512x64xf32>
    %dot_general3A_149 = tpu.matmul %max3A_147, %get3A_7, %dot_general3A_148 {dimension_numbers = #tpu.dot_dimension_numbers<[1], [0], [0], [1], [0, 0, 1, 1], [], []>, transpose_lhs_hint = false} : vector<512x64xf32>, vector<64x64xf32>, vector<512x64xf32> -> vector<512x64xf32>
    %max3A_150 = arith.maximumf %max3A_134, %dot_general3A_149 : vector<512x64xf32>
    %get3A_151 = arith.constant 9 : index
    %get3A_152 = arith.constant 0 : index
    %get3A_153 = arith.constant 0 : index
    %get3A_154 = vector.load %arg2[%get3A_151, %get3A_152, %get3A_153] : memref<20x512x128xf32, #tpu.memory_space<vmem>>, vector<1x512x128xf32>
    %get3A_155 = vector.shape_cast %get3A_154 : vector<1x512x128xf32> to vector<512x128xf32>
    %add3A_156 = arith.addf %get3A_1, %get3A_155 : vector<512x128xf32>
    %dot_general3A_157 = arith.constant dense<0.000000e+00> : vector<512x64xf32>
    %dot_general3A_158 = tpu.matmul %add3A_156, %get3A_4, %dot_general3A_157 {dimension_numbers = #tpu.dot_dimension_numbers<[1], [0], [0], [1], [0, 0, 1, 1], [], []>, transpose_lhs_hint = false} : vector<512x128xf32>, vector<128x64xf32>, vector<512x64xf32> -> vector<512x64xf32>
    %add3A_159 = vector.broadcast %get3A_10 : vector<1x64xf32> to vector<512x64xf32>
    %add3A_160 = arith.addf %dot_general3A_158, %add3A_159 : vector<512x64xf32>
    %max3A_161 = arith.constant 0.000000e+00 : f32
    %max3A_162 = vector.broadcast %max3A_161 : f32 to vector<512x64xf32>
    %max3A_163 = arith.maximumf %add3A_160, %max3A_162 : vector<512x64xf32>
    %dot_general3A_164 = arith.constant dense<0.000000e+00> : vector<512x64xf32>
    %dot_general3A_165 = tpu.matmul %max3A_163, %get3A_7, %dot_general3A_164 {dimension_numbers = #tpu.dot_dimension_numbers<[1], [0], [0], [1], [0, 0, 1, 1], [], []>, transpose_lhs_hint = false} : vector<512x64xf32>, vector<64x64xf32>, vector<512x64xf32> -> vector<512x64xf32>
    %max3A_166 = arith.maximumf %max3A_150, %dot_general3A_165 : vector<512x64xf32>
    %get3A_167 = arith.constant 10 : index
    %get3A_168 = arith.constant 0 : index
    %get3A_169 = arith.constant 0 : index
    %get3A_170 = vector.load %arg2[%get3A_167, %get3A_168, %get3A_169] : memref<20x512x128xf32, #tpu.memory_space<vmem>>, vector<1x512x128xf32>
    %get3A_171 = vector.shape_cast %get3A_170 : vector<1x512x128xf32> to vector<512x128xf32>
    %add3A_172 = arith.addf %get3A_1, %get3A_171 : vector<512x128xf32>
    %dot_general3A_173 = arith.constant dense<0.000000e+00> : vector<512x64xf32>
    %dot_general3A_174 = tpu.matmul %add3A_172, %get3A_4, %dot_general3A_173 {dimension_numbers = #tpu.dot_dimension_numbers<[1], [0], [0], [1], [0, 0, 1, 1], [], []>, transpose_lhs_hint = false} : vector<512x128xf32>, vector<128x64xf32>, vector<512x64xf32> -> vector<512x64xf32>
    %add3A_175 = vector.broadcast %get3A_10 : vector<1x64xf32> to vector<512x64xf32>
    %add3A_176 = arith.addf %dot_general3A_174, %add3A_175 : vector<512x64xf32>
    %max3A_177 = arith.constant 0.000000e+00 : f32
    %max3A_178 = vector.broadcast %max3A_177 : f32 to vector<512x64xf32>
    %max3A_179 = arith.maximumf %add3A_176, %max3A_178 : vector<512x64xf32>
    %dot_general3A_180 = arith.constant dense<0.000000e+00> : vector<512x64xf32>
    %dot_general3A_181 = tpu.matmul %max3A_179, %get3A_7, %dot_general3A_180 {dimension_numbers = #tpu.dot_dimension_numbers<[1], [0], [0], [1], [0, 0, 1, 1], [], []>, transpose_lhs_hint = false} : vector<512x64xf32>, vector<64x64xf32>, vector<512x64xf32> -> vector<512x64xf32>
    %max3A_182 = arith.maximumf %max3A_166, %dot_general3A_181 : vector<512x64xf32>
    %get3A_183 = arith.constant 11 : index
    %get3A_184 = arith.constant 0 : index
    %get3A_185 = arith.constant 0 : index
    %get3A_186 = vector.load %arg2[%get3A_183, %get3A_184, %get3A_185] : memref<20x512x128xf32, #tpu.memory_space<vmem>>, vector<1x512x128xf32>
    %get3A_187 = vector.shape_cast %get3A_186 : vector<1x512x128xf32> to vector<512x128xf32>
    %add3A_188 = arith.addf %get3A_1, %get3A_187 : vector<512x128xf32>
    %dot_general3A_189 = arith.constant dense<0.000000e+00> : vector<512x64xf32>
    %dot_general3A_190 = tpu.matmul %add3A_188, %get3A_4, %dot_general3A_189 {dimension_numbers = #tpu.dot_dimension_numbers<[1], [0], [0], [1], [0, 0, 1, 1], [], []>, transpose_lhs_hint = false} : vector<512x128xf32>, vector<128x64xf32>, vector<512x64xf32> -> vector<512x64xf32>
    %add3A_191 = vector.broadcast %get3A_10 : vector<1x64xf32> to vector<512x64xf32>
    %add3A_192 = arith.addf %dot_general3A_190, %add3A_191 : vector<512x64xf32>
    %max3A_193 = arith.constant 0.000000e+00 : f32
    %max3A_194 = vector.broadcast %max3A_193 : f32 to vector<512x64xf32>
    %max3A_195 = arith.maximumf %add3A_192, %max3A_194 : vector<512x64xf32>
    %dot_general3A_196 = arith.constant dense<0.000000e+00> : vector<512x64xf32>
    %dot_general3A_197 = tpu.matmul %max3A_195, %get3A_7, %dot_general3A_196 {dimension_numbers = #tpu.dot_dimension_numbers<[1], [0], [0], [1], [0, 0, 1, 1], [], []>, transpose_lhs_hint = false} : vector<512x64xf32>, vector<64x64xf32>, vector<512x64xf32> -> vector<512x64xf32>
    %max3A_198 = arith.maximumf %max3A_182, %dot_general3A_197 : vector<512x64xf32>
    %get3A_199 = arith.constant 12 : index
    %get3A_200 = arith.constant 0 : index
    %get3A_201 = arith.constant 0 : index
    %get3A_202 = vector.load %arg2[%get3A_199, %get3A_200, %get3A_201] : memref<20x512x128xf32, #tpu.memory_space<vmem>>, vector<1x512x128xf32>
    %get3A_203 = vector.shape_cast %get3A_202 : vector<1x512x128xf32> to vector<512x128xf32>
    %add3A_204 = arith.addf %get3A_1, %get3A_203 : vector<512x128xf32>
    %dot_general3A_205 = arith.constant dense<0.000000e+00> : vector<512x64xf32>
    %dot_general3A_206 = tpu.matmul %add3A_204, %get3A_4, %dot_general3A_205 {dimension_numbers = #tpu.dot_dimension_numbers<[1], [0], [0], [1], [0, 0, 1, 1], [], []>, transpose_lhs_hint = false} : vector<512x128xf32>, vector<128x64xf32>, vector<512x64xf32> -> vector<512x64xf32>
    %add3A_207 = vector.broadcast %get3A_10 : vector<1x64xf32> to vector<512x64xf32>
    %add3A_208 = arith.addf %dot_general3A_206, %add3A_207 : vector<512x64xf32>
    %max3A_209 = arith.constant 0.000000e+00 : f32
    %max3A_210 = vector.broadcast %max3A_209 : f32 to vector<512x64xf32>
    %max3A_211 = arith.maximumf %add3A_208, %max3A_210 : vector<512x64xf32>
    %dot_general3A_212 = arith.constant dense<0.000000e+00> : vector<512x64xf32>
    %dot_general3A_213 = tpu.matmul %max3A_211, %get3A_7, %dot_general3A_212 {dimension_numbers = #tpu.dot_dimension_numbers<[1], [0], [0], [1], [0, 0, 1, 1], [], []>, transpose_lhs_hint = false} : vector<512x64xf32>, vector<64x64xf32>, vector<512x64xf32> -> vector<512x64xf32>
    %max3A_214 = arith.maximumf %max3A_198, %dot_general3A_213 : vector<512x64xf32>
    %get3A_215 = arith.constant 13 : index
    %get3A_216 = arith.constant 0 : index
    %get3A_217 = arith.constant 0 : index
    %get3A_218 = vector.load %arg2[%get3A_215, %get3A_216, %get3A_217] : memref<20x512x128xf32, #tpu.memory_space<vmem>>, vector<1x512x128xf32>
    %get3A_219 = vector.shape_cast %get3A_218 : vector<1x512x128xf32> to vector<512x128xf32>
    %add3A_220 = arith.addf %get3A_1, %get3A_219 : vector<512x128xf32>
    %dot_general3A_221 = arith.constant dense<0.000000e+00> : vector<512x64xf32>
    %dot_general3A_222 = tpu.matmul %add3A_220, %get3A_4, %dot_general3A_221 {dimension_numbers = #tpu.dot_dimension_numbers<[1], [0], [0], [1], [0, 0, 1, 1], [], []>, transpose_lhs_hint = false} : vector<512x128xf32>, vector<128x64xf32>, vector<512x64xf32> -> vector<512x64xf32>
    %add3A_223 = vector.broadcast %get3A_10 : vector<1x64xf32> to vector<512x64xf32>
    %add3A_224 = arith.addf %dot_general3A_222, %add3A_223 : vector<512x64xf32>
    %max3A_225 = arith.constant 0.000000e+00 : f32
    %max3A_226 = vector.broadcast %max3A_225 : f32 to vector<512x64xf32>
    %max3A_227 = arith.maximumf %add3A_224, %max3A_226 : vector<512x64xf32>
    %dot_general3A_228 = arith.constant dense<0.000000e+00> : vector<512x64xf32>
    %dot_general3A_229 = tpu.matmul %max3A_227, %get3A_7, %dot_general3A_228 {dimension_numbers = #tpu.dot_dimension_numbers<[1], [0], [0], [1], [0, 0, 1, 1], [], []>, transpose_lhs_hint = false} : vector<512x64xf32>, vector<64x64xf32>, vector<512x64xf32> -> vector<512x64xf32>
    %max3A_230 = arith.maximumf %max3A_214, %dot_general3A_229 : vector<512x64xf32>
    %get3A_231 = arith.constant 14 : index
    %get3A_232 = arith.constant 0 : index
    %get3A_233 = arith.constant 0 : index
    %get3A_234 = vector.load %arg2[%get3A_231, %get3A_232, %get3A_233] : memref<20x512x128xf32, #tpu.memory_space<vmem>>, vector<1x512x128xf32>
    %get3A_235 = vector.shape_cast %get3A_234 : vector<1x512x128xf32> to vector<512x128xf32>
    %add3A_236 = arith.addf %get3A_1, %get3A_235 : vector<512x128xf32>
    %dot_general3A_237 = arith.constant dense<0.000000e+00> : vector<512x64xf32>
    %dot_general3A_238 = tpu.matmul %add3A_236, %get3A_4, %dot_general3A_237 {dimension_numbers = #tpu.dot_dimension_numbers<[1], [0], [0], [1], [0, 0, 1, 1], [], []>, transpose_lhs_hint = false} : vector<512x128xf32>, vector<128x64xf32>, vector<512x64xf32> -> vector<512x64xf32>
    %add3A_239 = vector.broadcast %get3A_10 : vector<1x64xf32> to vector<512x64xf32>
    %add3A_240 = arith.addf %dot_general3A_238, %add3A_239 : vector<512x64xf32>
    %max3A_241 = arith.constant 0.000000e+00 : f32
    %max3A_242 = vector.broadcast %max3A_241 : f32 to vector<512x64xf32>
    %max3A_243 = arith.maximumf %add3A_240, %max3A_242 : vector<512x64xf32>
    %dot_general3A_244 = arith.constant dense<0.000000e+00> : vector<512x64xf32>
    %dot_general3A_245 = tpu.matmul %max3A_243, %get3A_7, %dot_general3A_244 {dimension_numbers = #tpu.dot_dimension_numbers<[1], [0], [0], [1], [0, 0, 1, 1], [], []>, transpose_lhs_hint = false} : vector<512x64xf32>, vector<64x64xf32>, vector<512x64xf32> -> vector<512x64xf32>
    %max3A_246 = arith.maximumf %max3A_230, %dot_general3A_245 : vector<512x64xf32>
    %get3A_247 = arith.constant 15 : index
    %get3A_248 = arith.constant 0 : index
    %get3A_249 = arith.constant 0 : index
    %get3A_250 = vector.load %arg2[%get3A_247, %get3A_248, %get3A_249] : memref<20x512x128xf32, #tpu.memory_space<vmem>>, vector<1x512x128xf32>
    %get3A_251 = vector.shape_cast %get3A_250 : vector<1x512x128xf32> to vector<512x128xf32>
    %add3A_252 = arith.addf %get3A_1, %get3A_251 : vector<512x128xf32>
    %dot_general3A_253 = arith.constant dense<0.000000e+00> : vector<512x64xf32>
    %dot_general3A_254 = tpu.matmul %add3A_252, %get3A_4, %dot_general3A_253 {dimension_numbers = #tpu.dot_dimension_numbers<[1], [0], [0], [1], [0, 0, 1, 1], [], []>, transpose_lhs_hint = false} : vector<512x128xf32>, vector<128x64xf32>, vector<512x64xf32> -> vector<512x64xf32>
    %add3A_255 = vector.broadcast %get3A_10 : vector<1x64xf32> to vector<512x64xf32>
    %add3A_256 = arith.addf %dot_general3A_254, %add3A_255 : vector<512x64xf32>
    %max3A_257 = arith.constant 0.000000e+00 : f32
    %max3A_258 = vector.broadcast %max3A_257 : f32 to vector<512x64xf32>
    %max3A_259 = arith.maximumf %add3A_256, %max3A_258 : vector<512x64xf32>
    %dot_general3A_260 = arith.constant dense<0.000000e+00> : vector<512x64xf32>
    %dot_general3A_261 = tpu.matmul %max3A_259, %get3A_7, %dot_general3A_260 {dimension_numbers = #tpu.dot_dimension_numbers<[1], [0], [0], [1], [0, 0, 1, 1], [], []>, transpose_lhs_hint = false} : vector<512x64xf32>, vector<64x64xf32>, vector<512x64xf32> -> vector<512x64xf32>
    %max3A_262 = arith.maximumf %max3A_246, %dot_general3A_261 : vector<512x64xf32>
    %get3A_263 = arith.constant 16 : index
    %get3A_264 = arith.constant 0 : index
    %get3A_265 = arith.constant 0 : index
    %get3A_266 = vector.load %arg2[%get3A_263, %get3A_264, %get3A_265] : memref<20x512x128xf32, #tpu.memory_space<vmem>>, vector<1x512x128xf32>
    %get3A_267 = vector.shape_cast %get3A_266 : vector<1x512x128xf32> to vector<512x128xf32>
    %add3A_268 = arith.addf %get3A_1, %get3A_267 : vector<512x128xf32>
    %dot_general3A_269 = arith.constant dense<0.000000e+00> : vector<512x64xf32>
    %dot_general3A_270 = tpu.matmul %add3A_268, %get3A_4, %dot_general3A_269 {dimension_numbers = #tpu.dot_dimension_numbers<[1], [0], [0], [1], [0, 0, 1, 1], [], []>, transpose_lhs_hint = false} : vector<512x128xf32>, vector<128x64xf32>, vector<512x64xf32> -> vector<512x64xf32>
    %add3A_271 = vector.broadcast %get3A_10 : vector<1x64xf32> to vector<512x64xf32>
    %add3A_272 = arith.addf %dot_general3A_270, %add3A_271 : vector<512x64xf32>
    %max3A_273 = arith.constant 0.000000e+00 : f32
    %max3A_274 = vector.broadcast %max3A_273 : f32 to vector<512x64xf32>
    %max3A_275 = arith.maximumf %add3A_272, %max3A_274 : vector<512x64xf32>
    %dot_general3A_276 = arith.constant dense<0.000000e+00> : vector<512x64xf32>
    %dot_general3A_277 = tpu.matmul %max3A_275, %get3A_7, %dot_general3A_276 {dimension_numbers = #tpu.dot_dimension_numbers<[1], [0], [0], [1], [0, 0, 1, 1], [], []>, transpose_lhs_hint = false} : vector<512x64xf32>, vector<64x64xf32>, vector<512x64xf32> -> vector<512x64xf32>
    %max3A_278 = arith.maximumf %max3A_262, %dot_general3A_277 : vector<512x64xf32>
    %get3A_279 = arith.constant 17 : index
    %get3A_280 = arith.constant 0 : index
    %get3A_281 = arith.constant 0 : index
    %get3A_282 = vector.load %arg2[%get3A_279, %get3A_280, %get3A_281] : memref<20x512x128xf32, #tpu.memory_space<vmem>>, vector<1x512x128xf32>
    %get3A_283 = vector.shape_cast %get3A_282 : vector<1x512x128xf32> to vector<512x128xf32>
    %add3A_284 = arith.addf %get3A_1, %get3A_283 : vector<512x128xf32>
    %dot_general3A_285 = arith.constant dense<0.000000e+00> : vector<512x64xf32>
    %dot_general3A_286 = tpu.matmul %add3A_284, %get3A_4, %dot_general3A_285 {dimension_numbers = #tpu.dot_dimension_numbers<[1], [0], [0], [1], [0, 0, 1, 1], [], []>, transpose_lhs_hint = false} : vector<512x128xf32>, vector<128x64xf32>, vector<512x64xf32> -> vector<512x64xf32>
    %add3A_287 = vector.broadcast %get3A_10 : vector<1x64xf32> to vector<512x64xf32>
    %add3A_288 = arith.addf %dot_general3A_286, %add3A_287 : vector<512x64xf32>
    %max3A_289 = arith.constant 0.000000e+00 : f32
    %max3A_290 = vector.broadcast %max3A_289 : f32 to vector<512x64xf32>
    %max3A_291 = arith.maximumf %add3A_288, %max3A_290 : vector<512x64xf32>
    %dot_general3A_292 = arith.constant dense<0.000000e+00> : vector<512x64xf32>
    %dot_general3A_293 = tpu.matmul %max3A_291, %get3A_7, %dot_general3A_292 {dimension_numbers = #tpu.dot_dimension_numbers<[1], [0], [0], [1], [0, 0, 1, 1], [], []>, transpose_lhs_hint = false} : vector<512x64xf32>, vector<64x64xf32>, vector<512x64xf32> -> vector<512x64xf32>
    %max3A_294 = arith.maximumf %max3A_278, %dot_general3A_293 : vector<512x64xf32>
    %get3A_295 = arith.constant 18 : index
    %get3A_296 = arith.constant 0 : index
    %get3A_297 = arith.constant 0 : index
    %get3A_298 = vector.load %arg2[%get3A_295, %get3A_296, %get3A_297] : memref<20x512x128xf32, #tpu.memory_space<vmem>>, vector<1x512x128xf32>
    %get3A_299 = vector.shape_cast %get3A_298 : vector<1x512x128xf32> to vector<512x128xf32>
    %add3A_300 = arith.addf %get3A_1, %get3A_299 : vector<512x128xf32>
    %dot_general3A_301 = arith.constant dense<0.000000e+00> : vector<512x64xf32>
    %dot_general3A_302 = tpu.matmul %add3A_300, %get3A_4, %dot_general3A_301 {dimension_numbers = #tpu.dot_dimension_numbers<[1], [0], [0], [1], [0, 0, 1, 1], [], []>, transpose_lhs_hint = false} : vector<512x128xf32>, vector<128x64xf32>, vector<512x64xf32> -> vector<512x64xf32>
    %add3A_303 = vector.broadcast %get3A_10 : vector<1x64xf32> to vector<512x64xf32>
    %add3A_304 = arith.addf %dot_general3A_302, %add3A_303 : vector<512x64xf32>
    %max3A_305 = arith.constant 0.000000e+00 : f32
    %max3A_306 = vector.broadcast %max3A_305 : f32 to vector<512x64xf32>
    %max3A_307 = arith.maximumf %add3A_304, %max3A_306 : vector<512x64xf32>
    %dot_general3A_308 = arith.constant dense<0.000000e+00> : vector<512x64xf32>
    %dot_general3A_309 = tpu.matmul %max3A_307, %get3A_7, %dot_general3A_308 {dimension_numbers = #tpu.dot_dimension_numbers<[1], [0], [0], [1], [0, 0, 1, 1], [], []>, transpose_lhs_hint = false} : vector<512x64xf32>, vector<64x64xf32>, vector<512x64xf32> -> vector<512x64xf32>
    %max3A_310 = arith.maximumf %max3A_294, %dot_general3A_309 : vector<512x64xf32>
    %get3A_311 = arith.constant 19 : index
    %get3A_312 = arith.constant 0 : index
    %get3A_313 = arith.constant 0 : index
    %get3A_314 = vector.load %arg2[%get3A_311, %get3A_312, %get3A_313] : memref<20x512x128xf32, #tpu.memory_space<vmem>>, vector<1x512x128xf32>
    %get3A_315 = vector.shape_cast %get3A_314 : vector<1x512x128xf32> to vector<512x128xf32>
    %add3A_316 = arith.addf %get3A_1, %get3A_315 : vector<512x128xf32>
    %dot_general3A_317 = arith.constant dense<0.000000e+00> : vector<512x64xf32>
    %dot_general3A_318 = tpu.matmul %add3A_316, %get3A_4, %dot_general3A_317 {dimension_numbers = #tpu.dot_dimension_numbers<[1], [0], [0], [1], [0, 0, 1, 1], [], []>, transpose_lhs_hint = false} : vector<512x128xf32>, vector<128x64xf32>, vector<512x64xf32> -> vector<512x64xf32>
    %add3A_319 = vector.broadcast %get3A_10 : vector<1x64xf32> to vector<512x64xf32>
    %add3A_320 = arith.addf %dot_general3A_318, %add3A_319 : vector<512x64xf32>
    %max3A_321 = arith.constant 0.000000e+00 : f32
    %max3A_322 = vector.broadcast %max3A_321 : f32 to vector<512x64xf32>
    %max3A_323 = arith.maximumf %add3A_320, %max3A_322 : vector<512x64xf32>
    %dot_general3A_324 = arith.constant dense<0.000000e+00> : vector<512x64xf32>
    %dot_general3A_325 = tpu.matmul %max3A_323, %get3A_7, %dot_general3A_324 {dimension_numbers = #tpu.dot_dimension_numbers<[1], [0], [0], [1], [0, 0, 1, 1], [], []>, transpose_lhs_hint = false} : vector<512x64xf32>, vector<64x64xf32>, vector<512x64xf32> -> vector<512x64xf32>
    %max3A_326 = arith.maximumf %max3A_310, %dot_general3A_325 : vector<512x64xf32>
    %get3A_327 = arith.constant 0 : index
    %get3A_328 = arith.constant 0 : index
    %get3A_329 = vector.load %arg6[%get3A_327, %get3A_328] : memref<1x64xf32, #tpu.memory_space<vmem>>, vector<1x64xf32>
    %add3A_330 = vector.broadcast %get3A_329 : vector<1x64xf32> to vector<512x64xf32>
    %add3A_331 = arith.addf %max3A_326, %add3A_330 : vector<512x64xf32>
    %swap3A = arith.constant 0 : index
    %swap3A_332 = arith.constant 0 : index
    %swap3A_333 = vector.load %arg10[%swap3A, %swap3A_332] : memref<512x64xf32, #tpu.memory_space<vmem>>, vector<512x64xf32>
    tpu.vector_store %arg10[%swap3A, %swap3A_332], %add3A_331 {strides = array<i32>} : memref<512x64xf32, #tpu.memory_space<vmem>>, vector<512x64xf32>,
    %get3A_334 = arith.constant 0 : index
    %get3A_335 = arith.constant 0 : index
    %get3A_336 = vector.load %arg7[%get3A_334, %get3A_335] : memref<64x128xf32, #tpu.memory_space<vmem>>, vector<64x128xf32>
    %dot_general3A_337 = arith.constant dense<0.000000e+00> : vector<512x128xf32>
    %dot_general3A_338 = tpu.matmul %add3A_331, %get3A_336, %dot_general3A_337 {dimension_numbers = #tpu.dot_dimension_numbers<[1], [0], [0], [1], [0, 0, 1, 1], [], []>, transpose_lhs_hint = false} : vector<512x64xf32>, vector<64x128xf32>, vector<512x128xf32> -> vector<512x128xf32>
    %swap3A_339 = arith.constant 0 : index
    %swap3A_340 = arith.constant 0 : index
    %swap3A_341 = vector.load %arg11[%swap3A_339, %swap3A_340] : memref<512x128xf32, #tpu.memory_space<vmem>>, vector<512x128xf32>
    tpu.vector_store %arg11[%swap3A_339, %swap3A_340], %dot_general3A_338 {strides = array<i32>} : memref<512x128xf32, #tpu.memory_space<vmem>>, vector<512x128xf32>,
    %get3A_342 = arith.constant 0 : index
    %get3A_343 = arith.constant 0 : index
    %get3A_344 = vector.load %arg8[%get3A_342, %get3A_343] : memref<64x128xf32, #tpu.memory_space<vmem>>, vector<64x128xf32>
    %dot_general3A_345 = arith.constant dense<0.000000e+00> : vector<512x128xf32>
    %dot_general3A_346 = tpu.matmul %add3A_331, %get3A_344, %dot_general3A_345 {dimension_numbers = #tpu.dot_dimension_numbers<[1], [0], [0], [1], [0, 0, 1, 1], [], []>, transpose_lhs_hint = false} : vector<512x64xf32>, vector<64x128xf32>, vector<512x128xf32> -> vector<512x128xf32>
    %get3A_347 = arith.constant 0 : index
    %get3A_348 = arith.constant 0 : index
    %get3A_349 = vector.load %arg9[%get3A_347, %get3A_348] : memref<1x128xf32, #tpu.memory_space<vmem>>, vector<1x128xf32>
    %add3A_350 = vector.broadcast %get3A_349 : vector<1x128xf32> to vector<512x128xf32>
    %add3A_351 = arith.addf %dot_general3A_346, %add3A_350 : vector<512x128xf32>
    %swap3A_352 = arith.constant 0 : index
    %swap3A_353 = arith.constant 0 : index
    %swap3A_354 = vector.load %arg12[%swap3A_352, %swap3A_353] : memref<512x128xf32, #tpu.memory_space<vmem>>, vector<512x128xf32>
    tpu.vector_store %arg12[%swap3A_352, %swap3A_353], %add3A_351 {strides = array<i32>} : memref<512x128xf32, #tpu.memory_space<vmem>>, vector<512x128xf32>,
    return
  }
  func.func @transform_0(%arg0: i32) -> (i32, i32) {
    %c0_i32 = arith.constant 0 : i32
    %c0_i32_0 = arith.constant 0 : i32
    return %arg0, %c0_i32 : i32, i32
  }
  func.func @transform_1(%arg0: i32) -> (i32, i32, i32) {
    %c0_i32 = arith.constant 0 : i32
    %c0_i32_0 = arith.constant 0 : i32
    %c0_i32_1 = arith.constant 0 : i32
    return %c0_i32, %arg0, %c0_i32_0 : i32, i32, i32
  }
  func.func @transform_2(%arg0: i32) -> (i32, i32) {
    %c0_i32 = arith.constant 0 : i32
    %c0_i32_0 = arith.constant 0 : i32
    %c0_i32_1 = arith.constant 0 : i32
    return %c0_i32, %c0_i32_0 : i32, i32
  }
  func.func @transform_3(%arg0: i32) -> (i32, i32) {
    %c0_i32 = arith.constant 0 : i32
    %c0_i32_0 = arith.constant 0 : i32
    %c0_i32_1 = arith.constant 0 : i32
    return %c0_i32, %c0_i32_0 : i32, i32
  }
  func.func @transform_4(%arg0: i32) -> (i32, i32) {
    %c0_i32 = arith.constant 0 : i32
    %c0_i32_0 = arith.constant 0 : i32
    %c0_i32_1 = arith.constant 0 : i32
    return %c0_i32, %c0_i32_0 : i32, i32
  }
  func.func @transform_5(%arg0: i32) -> (i32, i32) {
    %c0_i32 = arith.constant 0 : i32
    %c0_i32_0 = arith.constant 0 : i32
    %c0_i32_1 = arith.constant 0 : i32
    return %c0_i32, %c0_i32_0 : i32, i32
  }
  func.func @transform_6(%arg0: i32) -> (i32, i32) {
    %c0_i32 = arith.constant 0 : i32
    %c0_i32_0 = arith.constant 0 : i32
    %c0_i32_1 = arith.constant 0 : i32
    return %c0_i32, %c0_i32_0 : i32, i32
  }
  func.func @transform_7(%arg0: i32) -> (i32, i32) {
    %c0_i32 = arith.constant 0 : i32
    %c0_i32_0 = arith.constant 0 : i32
    %c0_i32_1 = arith.constant 0 : i32
    return %c0_i32, %c0_i32_0 : i32, i32
  }
  func.func @transform_8(%arg0: i32) -> (i32, i32) {
    %c0_i32 = arith.constant 0 : i32
    %c0_i32_0 = arith.constant 0 : i32
    %c0_i32_1 = arith.constant 0 : i32
    return %c0_i32, %c0_i32_0 : i32, i32
  }
  func.func @transform_9(%arg0: i32) -> (i32, i32) {
    %c0_i32 = arith.constant 0 : i32
    %c0_i32_0 = arith.constant 0 : i32
    return %arg0, %c0_i32 : i32, i32
  }
  func.func @transform_10(%arg0: i32) -> (i32, i32) {
    %c0_i32 = arith.constant 0 : i32
    %c0_i32_0 = arith.constant 0 : i32
    return %arg0, %c0_i32 : i32, i32
  }
  func.func @transform_11(%arg0: i32) -> (i32, i32) {
    %c0_i32 = arith.constant 0 : i32
    %c0_i32_0 = arith.constant 0 : i32
    return %arg0, %c0_i32 : i32, i32
  }
}

module attributes {stable_mosaic.version = 14 : i64} {
  func.func @_topk_body(%arg0: i32, %arg1: i32, %arg2: memref<1x2048x64xf32, #tpu.memory_space<vmem>>, %arg3: memref<1x256x64xf32, #tpu.memory_space<vmem>>, %arg4: memref<20x256xi32, #tpu.memory_space<vmem>>) attributes {dimension_semantics = [#tpu.dimension_semantics<arbitrary>, #tpu.dimension_semantics<arbitrary>], iteration_bounds = array<i64: 2, 8>, scalar_prefetch = 0 : i64, scratch_operands = 0 : i64, tpu.core_type = #tpu.core_type<tc>, window_params = [{transform_indices = @transform_0, window_bounds = array<i64: 1, 2048, 64>}, {transform_indices = @transform_1, window_bounds = array<i64: 1, 256, 64>}, {transform_indices = @transform_2, window_bounds = array<i64: 20, 256>}]} {
    %get3A = arith.constant 0 : index
    %get3A_0 = arith.constant 0 : index
    %get3A_1 = arith.constant 0 : index
    %get3A_2 = vector.load %arg2[%get3A, %get3A_0, %get3A_1] : memref<1x2048x64xf32, #tpu.memory_space<vmem>>, vector<1x2048x64xf32>
    %get3A_3 = vector.shape_cast %get3A_2 : vector<1x2048x64xf32> to vector<2048x64xf32>
    %get3A_4 = arith.constant 0 : index
    %get3A_5 = arith.constant 0 : index
    %get3A_6 = arith.constant 0 : index
    %get3A_7 = vector.load %arg3[%get3A_4, %get3A_5, %get3A_6] : memref<1x256x64xf32, #tpu.memory_space<vmem>>, vector<1x256x64xf32>
    %get3A_8 = vector.shape_cast %get3A_7 : vector<1x256x64xf32> to vector<256x64xf32>
    %dot_general3A = arith.constant dense<0.000000e+00> : vector<2048x256xf32>
    %dot_general3A_9 = tpu.matmul %get3A_3, %get3A_8, %dot_general3A {dimension_numbers = #tpu.dot_dimension_numbers<[1], [1], [0], [0], [0, 0, 1, 0], [], []>, transpose_lhs_hint = false} : vector<2048x64xf32>, vector<256x64xf32>, vector<2048x256xf32> -> vector<2048x256xf32>
    %mul3A = arith.mulf %get3A_3, %get3A_3 : vector<2048x64xf32>
    %reduce_sum3A = arith.constant dense<0.000000e+00> : vector<2048xf32>
    %reduce_sum3A_10 = vector.multi_reduction <add>, %mul3A, %reduce_sum3A [1] : vector<2048x64xf32> to vector<2048xf32>
    %broadcast_in_dim3A = vector.shape_cast %reduce_sum3A_10 : vector<2048xf32> to vector<2048x1xf32>
    %mul3A_11 = arith.mulf %get3A_8, %get3A_8 : vector<256x64xf32>
    %broadcast_in_dim3A_12 = arith.constant 1.000000e+00 : f32
    %broadcast_in_dim3A_13 = vector.broadcast %broadcast_in_dim3A_12 : f32 to vector<1x64xf32>
    %dot_general3A_14 = arith.constant dense<0.000000e+00> : vector<1x256xf32>
    %dot_general3A_15 = tpu.matmul %broadcast_in_dim3A_13, %mul3A_11, %dot_general3A_14 {dimension_numbers = #tpu.dot_dimension_numbers<[1], [1], [0], [0], [0, 0, 1, 0], [], []>, transpose_lhs_hint = false} : vector<1x64xf32>, vector<256x64xf32>, vector<1x256xf32> -> vector<1x256xf32>
    %add3A = vector.broadcast %broadcast_in_dim3A : vector<2048x1xf32> to vector<2048x256xf32>
    %add3A_16 = vector.broadcast %dot_general3A_15 : vector<1x256xf32> to vector<2048x256xf32>
    %add3A_17 = arith.addf %add3A, %add3A_16 : vector<2048x256xf32>
    %mul3A_18 = arith.constant 2.000000e+00 : f32
    %mul3A_19 = vector.broadcast %mul3A_18 : f32 to vector<2048x256xf32>
    %mul3A_20 = arith.mulf %mul3A_19, %dot_general3A_9 : vector<2048x256xf32>
    %sub3A = arith.subf %add3A_17, %mul3A_20 : vector<2048x256xf32>
    %max3A = arith.constant 0.000000e+00 : f32
    %max3A_21 = vector.broadcast %max3A : f32 to vector<2048x256xf32>
    %max3A_22 = arith.maximumf %sub3A, %max3A_21 : vector<2048x256xf32>
    %bitcast_convert_type3A = tpu.bitcast %max3A_22 : vector<2048x256xf32> -> vector<2048x256xi32>
    %iota3A = tpu.iota {dimensions = array<i32: 0>} : vector<2048x256xi32>
    %and3A = arith.constant -2048 : i32
    %and3A_23 = vector.broadcast %and3A : i32 to vector<2048x256xi32>
    %and3A_24 = arith.andi %bitcast_convert_type3A, %and3A_23 : vector<2048x256xi32>
    %or3A = arith.ori %and3A_24, %iota3A : vector<2048x256xi32>
    %bitcast_convert_type3A_25 = tpu.bitcast %or3A : vector<2048x256xi32> -> vector<2048x256xi32>
    %broadcast_in_dim3A_26 = arith.constant -2147483648 : i32
    %broadcast_in_dim3A_27 = vector.broadcast %broadcast_in_dim3A_26 : i32 to vector<1x256xi32>
    %mul3A_28 = arith.constant 2048 : i32
    %mul3A_29 = arith.muli %arg0, %mul3A_28 : i32
    %sub3A_30 = vector.broadcast %broadcast_in_dim3A_27 : vector<1x256xi32> to vector<2048x256xi32>
    %sub3A_31 = arith.subi %bitcast_convert_type3A_25, %sub3A_30 : vector<2048x256xi32>
    %bitcast_convert_type3A_32 = tpu.bitcast %sub3A_31 : vector<2048x256xi32> -> vector<2048x256xi32>
    %reduce_min3A = arith.constant dense<2147483647> : vector<256xi32>
    %reduce_min3A_33 = vector.multi_reduction <minsi>, %bitcast_convert_type3A_32, %reduce_min3A [0] : vector<2048x256xi32> to vector<256xi32>
    %broadcast_in_dim3A_34 = vector.shape_cast %reduce_min3A_33 : vector<256xi32> to vector<1x256xi32>
    %bitcast_convert_type3A_35 = tpu.bitcast %broadcast_in_dim3A_34 : vector<1x256xi32> -> vector<1x256xi32>
    %add3A_36 = arith.addi %broadcast_in_dim3A_27, %bitcast_convert_type3A_35 : vector<1x256xi32>
    %bitcast_convert_type3A_37 = tpu.bitcast %add3A_36 : vector<1x256xi32> -> vector<1x256xi32>
    %and3A_38 = arith.constant 2047 : i32
    %and3A_39 = vector.broadcast %and3A_38 : i32 to vector<1x256xi32>
    %and3A_40 = arith.andi %bitcast_convert_type3A_37, %and3A_39 : vector<1x256xi32>
    %add3A_41 = vector.broadcast %mul3A_29 : i32 to vector<1x256xi32>
    %add3A_42 = arith.addi %and3A_40, %add3A_41 : vector<1x256xi32>
    %swap3A = arith.constant 0 : index
    %swap3A_43 = arith.constant 0 : index
    %swap3A_44 = vector.load %arg4[%swap3A, %swap3A_43] : memref<20x256xi32, #tpu.memory_space<vmem>>, vector<1x256xi32>
    tpu.vector_store %arg4[%swap3A, %swap3A_43], %add3A_42 {strides = array<i32>} : memref<20x256xi32, #tpu.memory_space<vmem>>, vector<1x256xi32>,
    %add3A_45 = arith.constant -2147483647 : i32
    %add3A_46 = vector.broadcast %add3A_45 : i32 to vector<1x256xi32>
    %add3A_47 = arith.addi %add3A_36, %add3A_46 : vector<1x256xi32>
    %sub3A_48 = vector.broadcast %add3A_47 : vector<1x256xi32> to vector<2048x256xi32>
    %sub3A_49 = arith.subi %bitcast_convert_type3A_25, %sub3A_48 : vector<2048x256xi32>
    %bitcast_convert_type3A_50 = tpu.bitcast %sub3A_49 : vector<2048x256xi32> -> vector<2048x256xi32>
    %reduce_min3A_51 = arith.constant dense<2147483647> : vector<256xi32>
    %reduce_min3A_52 = vector.multi_reduction <minsi>, %bitcast_convert_type3A_50, %reduce_min3A_51 [0] : vector<2048x256xi32> to vector<256xi32>
    %broadcast_in_dim3A_53 = vector.shape_cast %reduce_min3A_52 : vector<256xi32> to vector<1x256xi32>
    %bitcast_convert_type3A_54 = tpu.bitcast %broadcast_in_dim3A_53 : vector<1x256xi32> -> vector<1x256xi32>
    %add3A_55 = arith.addi %add3A_47, %bitcast_convert_type3A_54 : vector<1x256xi32>
    %bitcast_convert_type3A_56 = tpu.bitcast %add3A_55 : vector<1x256xi32> -> vector<1x256xi32>
    %and3A_57 = arith.constant 2047 : i32
    %and3A_58 = vector.broadcast %and3A_57 : i32 to vector<1x256xi32>
    %and3A_59 = arith.andi %bitcast_convert_type3A_56, %and3A_58 : vector<1x256xi32>
    %add3A_60 = vector.broadcast %mul3A_29 : i32 to vector<1x256xi32>
    %add3A_61 = arith.addi %and3A_59, %add3A_60 : vector<1x256xi32>
    %swap3A_62 = arith.constant 1 : index
    %swap3A_63 = arith.constant 0 : index
    %swap3A_64 = vector.load %arg4[%swap3A_62, %swap3A_63] : memref<20x256xi32, #tpu.memory_space<vmem>>, vector<1x256xi32>
    tpu.vector_store %arg4[%swap3A_62, %swap3A_63], %add3A_61 {strides = array<i32>} : memref<20x256xi32, #tpu.memory_space<vmem>>, vector<1x256xi32>,
    %add3A_65 = arith.constant -2147483647 : i32
    %add3A_66 = vector.broadcast %add3A_65 : i32 to vector<1x256xi32>
    %add3A_67 = arith.addi %add3A_55, %add3A_66 : vector<1x256xi32>
    %sub3A_68 = vector.broadcast %add3A_67 : vector<1x256xi32> to vector<2048x256xi32>
    %sub3A_69 = arith.subi %bitcast_convert_type3A_25, %sub3A_68 : vector<2048x256xi32>
    %bitcast_convert_type3A_70 = tpu.bitcast %sub3A_69 : vector<2048x256xi32> -> vector<2048x256xi32>
    %reduce_min3A_71 = arith.constant dense<2147483647> : vector<256xi32>
    %reduce_min3A_72 = vector.multi_reduction <minsi>, %bitcast_convert_type3A_70, %reduce_min3A_71 [0] : vector<2048x256xi32> to vector<256xi32>
    %broadcast_in_dim3A_73 = vector.shape_cast %reduce_min3A_72 : vector<256xi32> to vector<1x256xi32>
    %bitcast_convert_type3A_74 = tpu.bitcast %broadcast_in_dim3A_73 : vector<1x256xi32> -> vector<1x256xi32>
    %add3A_75 = arith.addi %add3A_67, %bitcast_convert_type3A_74 : vector<1x256xi32>
    %bitcast_convert_type3A_76 = tpu.bitcast %add3A_75 : vector<1x256xi32> -> vector<1x256xi32>
    %and3A_77 = arith.constant 2047 : i32
    %and3A_78 = vector.broadcast %and3A_77 : i32 to vector<1x256xi32>
    %and3A_79 = arith.andi %bitcast_convert_type3A_76, %and3A_78 : vector<1x256xi32>
    %add3A_80 = vector.broadcast %mul3A_29 : i32 to vector<1x256xi32>
    %add3A_81 = arith.addi %and3A_79, %add3A_80 : vector<1x256xi32>
    %swap3A_82 = arith.constant 2 : index
    %swap3A_83 = arith.constant 0 : index
    %swap3A_84 = vector.load %arg4[%swap3A_82, %swap3A_83] : memref<20x256xi32, #tpu.memory_space<vmem>>, vector<1x256xi32>
    tpu.vector_store %arg4[%swap3A_82, %swap3A_83], %add3A_81 {strides = array<i32>} : memref<20x256xi32, #tpu.memory_space<vmem>>, vector<1x256xi32>,
    %add3A_85 = arith.constant -2147483647 : i32
    %add3A_86 = vector.broadcast %add3A_85 : i32 to vector<1x256xi32>
    %add3A_87 = arith.addi %add3A_75, %add3A_86 : vector<1x256xi32>
    %sub3A_88 = vector.broadcast %add3A_87 : vector<1x256xi32> to vector<2048x256xi32>
    %sub3A_89 = arith.subi %bitcast_convert_type3A_25, %sub3A_88 : vector<2048x256xi32>
    %bitcast_convert_type3A_90 = tpu.bitcast %sub3A_89 : vector<2048x256xi32> -> vector<2048x256xi32>
    %reduce_min3A_91 = arith.constant dense<2147483647> : vector<256xi32>
    %reduce_min3A_92 = vector.multi_reduction <minsi>, %bitcast_convert_type3A_90, %reduce_min3A_91 [0] : vector<2048x256xi32> to vector<256xi32>
    %broadcast_in_dim3A_93 = vector.shape_cast %reduce_min3A_92 : vector<256xi32> to vector<1x256xi32>
    %bitcast_convert_type3A_94 = tpu.bitcast %broadcast_in_dim3A_93 : vector<1x256xi32> -> vector<1x256xi32>
    %add3A_95 = arith.addi %add3A_87, %bitcast_convert_type3A_94 : vector<1x256xi32>
    %bitcast_convert_type3A_96 = tpu.bitcast %add3A_95 : vector<1x256xi32> -> vector<1x256xi32>
    %and3A_97 = arith.constant 2047 : i32
    %and3A_98 = vector.broadcast %and3A_97 : i32 to vector<1x256xi32>
    %and3A_99 = arith.andi %bitcast_convert_type3A_96, %and3A_98 : vector<1x256xi32>
    %add3A_100 = vector.broadcast %mul3A_29 : i32 to vector<1x256xi32>
    %add3A_101 = arith.addi %and3A_99, %add3A_100 : vector<1x256xi32>
    %swap3A_102 = arith.constant 3 : index
    %swap3A_103 = arith.constant 0 : index
    %swap3A_104 = vector.load %arg4[%swap3A_102, %swap3A_103] : memref<20x256xi32, #tpu.memory_space<vmem>>, vector<1x256xi32>
    tpu.vector_store %arg4[%swap3A_102, %swap3A_103], %add3A_101 {strides = array<i32>} : memref<20x256xi32, #tpu.memory_space<vmem>>, vector<1x256xi32>,
    %add3A_105 = arith.constant -2147483647 : i32
    %add3A_106 = vector.broadcast %add3A_105 : i32 to vector<1x256xi32>
    %add3A_107 = arith.addi %add3A_95, %add3A_106 : vector<1x256xi32>
    %sub3A_108 = vector.broadcast %add3A_107 : vector<1x256xi32> to vector<2048x256xi32>
    %sub3A_109 = arith.subi %bitcast_convert_type3A_25, %sub3A_108 : vector<2048x256xi32>
    %bitcast_convert_type3A_110 = tpu.bitcast %sub3A_109 : vector<2048x256xi32> -> vector<2048x256xi32>
    %reduce_min3A_111 = arith.constant dense<2147483647> : vector<256xi32>
    %reduce_min3A_112 = vector.multi_reduction <minsi>, %bitcast_convert_type3A_110, %reduce_min3A_111 [0] : vector<2048x256xi32> to vector<256xi32>
    %broadcast_in_dim3A_113 = vector.shape_cast %reduce_min3A_112 : vector<256xi32> to vector<1x256xi32>
    %bitcast_convert_type3A_114 = tpu.bitcast %broadcast_in_dim3A_113 : vector<1x256xi32> -> vector<1x256xi32>
    %add3A_115 = arith.addi %add3A_107, %bitcast_convert_type3A_114 : vector<1x256xi32>
    %bitcast_convert_type3A_116 = tpu.bitcast %add3A_115 : vector<1x256xi32> -> vector<1x256xi32>
    %and3A_117 = arith.constant 2047 : i32
    %and3A_118 = vector.broadcast %and3A_117 : i32 to vector<1x256xi32>
    %and3A_119 = arith.andi %bitcast_convert_type3A_116, %and3A_118 : vector<1x256xi32>
    %add3A_120 = vector.broadcast %mul3A_29 : i32 to vector<1x256xi32>
    %add3A_121 = arith.addi %and3A_119, %add3A_120 : vector<1x256xi32>
    %swap3A_122 = arith.constant 4 : index
    %swap3A_123 = arith.constant 0 : index
    %swap3A_124 = vector.load %arg4[%swap3A_122, %swap3A_123] : memref<20x256xi32, #tpu.memory_space<vmem>>, vector<1x256xi32>
    tpu.vector_store %arg4[%swap3A_122, %swap3A_123], %add3A_121 {strides = array<i32>} : memref<20x256xi32, #tpu.memory_space<vmem>>, vector<1x256xi32>,
    %add3A_125 = arith.constant -2147483647 : i32
    %add3A_126 = vector.broadcast %add3A_125 : i32 to vector<1x256xi32>
    %add3A_127 = arith.addi %add3A_115, %add3A_126 : vector<1x256xi32>
    %sub3A_128 = vector.broadcast %add3A_127 : vector<1x256xi32> to vector<2048x256xi32>
    %sub3A_129 = arith.subi %bitcast_convert_type3A_25, %sub3A_128 : vector<2048x256xi32>
    %bitcast_convert_type3A_130 = tpu.bitcast %sub3A_129 : vector<2048x256xi32> -> vector<2048x256xi32>
    %reduce_min3A_131 = arith.constant dense<2147483647> : vector<256xi32>
    %reduce_min3A_132 = vector.multi_reduction <minsi>, %bitcast_convert_type3A_130, %reduce_min3A_131 [0] : vector<2048x256xi32> to vector<256xi32>
    %broadcast_in_dim3A_133 = vector.shape_cast %reduce_min3A_132 : vector<256xi32> to vector<1x256xi32>
    %bitcast_convert_type3A_134 = tpu.bitcast %broadcast_in_dim3A_133 : vector<1x256xi32> -> vector<1x256xi32>
    %add3A_135 = arith.addi %add3A_127, %bitcast_convert_type3A_134 : vector<1x256xi32>
    %bitcast_convert_type3A_136 = tpu.bitcast %add3A_135 : vector<1x256xi32> -> vector<1x256xi32>
    %and3A_137 = arith.constant 2047 : i32
    %and3A_138 = vector.broadcast %and3A_137 : i32 to vector<1x256xi32>
    %and3A_139 = arith.andi %bitcast_convert_type3A_136, %and3A_138 : vector<1x256xi32>
    %add3A_140 = vector.broadcast %mul3A_29 : i32 to vector<1x256xi32>
    %add3A_141 = arith.addi %and3A_139, %add3A_140 : vector<1x256xi32>
    %swap3A_142 = arith.constant 5 : index
    %swap3A_143 = arith.constant 0 : index
    %swap3A_144 = vector.load %arg4[%swap3A_142, %swap3A_143] : memref<20x256xi32, #tpu.memory_space<vmem>>, vector<1x256xi32>
    tpu.vector_store %arg4[%swap3A_142, %swap3A_143], %add3A_141 {strides = array<i32>} : memref<20x256xi32, #tpu.memory_space<vmem>>, vector<1x256xi32>,
    %add3A_145 = arith.constant -2147483647 : i32
    %add3A_146 = vector.broadcast %add3A_145 : i32 to vector<1x256xi32>
    %add3A_147 = arith.addi %add3A_135, %add3A_146 : vector<1x256xi32>
    %sub3A_148 = vector.broadcast %add3A_147 : vector<1x256xi32> to vector<2048x256xi32>
    %sub3A_149 = arith.subi %bitcast_convert_type3A_25, %sub3A_148 : vector<2048x256xi32>
    %bitcast_convert_type3A_150 = tpu.bitcast %sub3A_149 : vector<2048x256xi32> -> vector<2048x256xi32>
    %reduce_min3A_151 = arith.constant dense<2147483647> : vector<256xi32>
    %reduce_min3A_152 = vector.multi_reduction <minsi>, %bitcast_convert_type3A_150, %reduce_min3A_151 [0] : vector<2048x256xi32> to vector<256xi32>
    %broadcast_in_dim3A_153 = vector.shape_cast %reduce_min3A_152 : vector<256xi32> to vector<1x256xi32>
    %bitcast_convert_type3A_154 = tpu.bitcast %broadcast_in_dim3A_153 : vector<1x256xi32> -> vector<1x256xi32>
    %add3A_155 = arith.addi %add3A_147, %bitcast_convert_type3A_154 : vector<1x256xi32>
    %bitcast_convert_type3A_156 = tpu.bitcast %add3A_155 : vector<1x256xi32> -> vector<1x256xi32>
    %and3A_157 = arith.constant 2047 : i32
    %and3A_158 = vector.broadcast %and3A_157 : i32 to vector<1x256xi32>
    %and3A_159 = arith.andi %bitcast_convert_type3A_156, %and3A_158 : vector<1x256xi32>
    %add3A_160 = vector.broadcast %mul3A_29 : i32 to vector<1x256xi32>
    %add3A_161 = arith.addi %and3A_159, %add3A_160 : vector<1x256xi32>
    %swap3A_162 = arith.constant 6 : index
    %swap3A_163 = arith.constant 0 : index
    %swap3A_164 = vector.load %arg4[%swap3A_162, %swap3A_163] : memref<20x256xi32, #tpu.memory_space<vmem>>, vector<1x256xi32>
    tpu.vector_store %arg4[%swap3A_162, %swap3A_163], %add3A_161 {strides = array<i32>} : memref<20x256xi32, #tpu.memory_space<vmem>>, vector<1x256xi32>,
    %add3A_165 = arith.constant -2147483647 : i32
    %add3A_166 = vector.broadcast %add3A_165 : i32 to vector<1x256xi32>
    %add3A_167 = arith.addi %add3A_155, %add3A_166 : vector<1x256xi32>
    %sub3A_168 = vector.broadcast %add3A_167 : vector<1x256xi32> to vector<2048x256xi32>
    %sub3A_169 = arith.subi %bitcast_convert_type3A_25, %sub3A_168 : vector<2048x256xi32>
    %bitcast_convert_type3A_170 = tpu.bitcast %sub3A_169 : vector<2048x256xi32> -> vector<2048x256xi32>
    %reduce_min3A_171 = arith.constant dense<2147483647> : vector<256xi32>
    %reduce_min3A_172 = vector.multi_reduction <minsi>, %bitcast_convert_type3A_170, %reduce_min3A_171 [0] : vector<2048x256xi32> to vector<256xi32>
    %broadcast_in_dim3A_173 = vector.shape_cast %reduce_min3A_172 : vector<256xi32> to vector<1x256xi32>
    %bitcast_convert_type3A_174 = tpu.bitcast %broadcast_in_dim3A_173 : vector<1x256xi32> -> vector<1x256xi32>
    %add3A_175 = arith.addi %add3A_167, %bitcast_convert_type3A_174 : vector<1x256xi32>
    %bitcast_convert_type3A_176 = tpu.bitcast %add3A_175 : vector<1x256xi32> -> vector<1x256xi32>
    %and3A_177 = arith.constant 2047 : i32
    %and3A_178 = vector.broadcast %and3A_177 : i32 to vector<1x256xi32>
    %and3A_179 = arith.andi %bitcast_convert_type3A_176, %and3A_178 : vector<1x256xi32>
    %add3A_180 = vector.broadcast %mul3A_29 : i32 to vector<1x256xi32>
    %add3A_181 = arith.addi %and3A_179, %add3A_180 : vector<1x256xi32>
    %swap3A_182 = arith.constant 7 : index
    %swap3A_183 = arith.constant 0 : index
    %swap3A_184 = vector.load %arg4[%swap3A_182, %swap3A_183] : memref<20x256xi32, #tpu.memory_space<vmem>>, vector<1x256xi32>
    tpu.vector_store %arg4[%swap3A_182, %swap3A_183], %add3A_181 {strides = array<i32>} : memref<20x256xi32, #tpu.memory_space<vmem>>, vector<1x256xi32>,
    %add3A_185 = arith.constant -2147483647 : i32
    %add3A_186 = vector.broadcast %add3A_185 : i32 to vector<1x256xi32>
    %add3A_187 = arith.addi %add3A_175, %add3A_186 : vector<1x256xi32>
    %sub3A_188 = vector.broadcast %add3A_187 : vector<1x256xi32> to vector<2048x256xi32>
    %sub3A_189 = arith.subi %bitcast_convert_type3A_25, %sub3A_188 : vector<2048x256xi32>
    %bitcast_convert_type3A_190 = tpu.bitcast %sub3A_189 : vector<2048x256xi32> -> vector<2048x256xi32>
    %reduce_min3A_191 = arith.constant dense<2147483647> : vector<256xi32>
    %reduce_min3A_192 = vector.multi_reduction <minsi>, %bitcast_convert_type3A_190, %reduce_min3A_191 [0] : vector<2048x256xi32> to vector<256xi32>
    %broadcast_in_dim3A_193 = vector.shape_cast %reduce_min3A_192 : vector<256xi32> to vector<1x256xi32>
    %bitcast_convert_type3A_194 = tpu.bitcast %broadcast_in_dim3A_193 : vector<1x256xi32> -> vector<1x256xi32>
    %add3A_195 = arith.addi %add3A_187, %bitcast_convert_type3A_194 : vector<1x256xi32>
    %bitcast_convert_type3A_196 = tpu.bitcast %add3A_195 : vector<1x256xi32> -> vector<1x256xi32>
    %and3A_197 = arith.constant 2047 : i32
    %and3A_198 = vector.broadcast %and3A_197 : i32 to vector<1x256xi32>
    %and3A_199 = arith.andi %bitcast_convert_type3A_196, %and3A_198 : vector<1x256xi32>
    %add3A_200 = vector.broadcast %mul3A_29 : i32 to vector<1x256xi32>
    %add3A_201 = arith.addi %and3A_199, %add3A_200 : vector<1x256xi32>
    %swap3A_202 = arith.constant 8 : index
    %swap3A_203 = arith.constant 0 : index
    %swap3A_204 = vector.load %arg4[%swap3A_202, %swap3A_203] : memref<20x256xi32, #tpu.memory_space<vmem>>, vector<1x256xi32>
    tpu.vector_store %arg4[%swap3A_202, %swap3A_203], %add3A_201 {strides = array<i32>} : memref<20x256xi32, #tpu.memory_space<vmem>>, vector<1x256xi32>,
    %add3A_205 = arith.constant -2147483647 : i32
    %add3A_206 = vector.broadcast %add3A_205 : i32 to vector<1x256xi32>
    %add3A_207 = arith.addi %add3A_195, %add3A_206 : vector<1x256xi32>
    %sub3A_208 = vector.broadcast %add3A_207 : vector<1x256xi32> to vector<2048x256xi32>
    %sub3A_209 = arith.subi %bitcast_convert_type3A_25, %sub3A_208 : vector<2048x256xi32>
    %bitcast_convert_type3A_210 = tpu.bitcast %sub3A_209 : vector<2048x256xi32> -> vector<2048x256xi32>
    %reduce_min3A_211 = arith.constant dense<2147483647> : vector<256xi32>
    %reduce_min3A_212 = vector.multi_reduction <minsi>, %bitcast_convert_type3A_210, %reduce_min3A_211 [0] : vector<2048x256xi32> to vector<256xi32>
    %broadcast_in_dim3A_213 = vector.shape_cast %reduce_min3A_212 : vector<256xi32> to vector<1x256xi32>
    %bitcast_convert_type3A_214 = tpu.bitcast %broadcast_in_dim3A_213 : vector<1x256xi32> -> vector<1x256xi32>
    %add3A_215 = arith.addi %add3A_207, %bitcast_convert_type3A_214 : vector<1x256xi32>
    %bitcast_convert_type3A_216 = tpu.bitcast %add3A_215 : vector<1x256xi32> -> vector<1x256xi32>
    %and3A_217 = arith.constant 2047 : i32
    %and3A_218 = vector.broadcast %and3A_217 : i32 to vector<1x256xi32>
    %and3A_219 = arith.andi %bitcast_convert_type3A_216, %and3A_218 : vector<1x256xi32>
    %add3A_220 = vector.broadcast %mul3A_29 : i32 to vector<1x256xi32>
    %add3A_221 = arith.addi %and3A_219, %add3A_220 : vector<1x256xi32>
    %swap3A_222 = arith.constant 9 : index
    %swap3A_223 = arith.constant 0 : index
    %swap3A_224 = vector.load %arg4[%swap3A_222, %swap3A_223] : memref<20x256xi32, #tpu.memory_space<vmem>>, vector<1x256xi32>
    tpu.vector_store %arg4[%swap3A_222, %swap3A_223], %add3A_221 {strides = array<i32>} : memref<20x256xi32, #tpu.memory_space<vmem>>, vector<1x256xi32>,
    %add3A_225 = arith.constant -2147483647 : i32
    %add3A_226 = vector.broadcast %add3A_225 : i32 to vector<1x256xi32>
    %add3A_227 = arith.addi %add3A_215, %add3A_226 : vector<1x256xi32>
    %sub3A_228 = vector.broadcast %add3A_227 : vector<1x256xi32> to vector<2048x256xi32>
    %sub3A_229 = arith.subi %bitcast_convert_type3A_25, %sub3A_228 : vector<2048x256xi32>
    %bitcast_convert_type3A_230 = tpu.bitcast %sub3A_229 : vector<2048x256xi32> -> vector<2048x256xi32>
    %reduce_min3A_231 = arith.constant dense<2147483647> : vector<256xi32>
    %reduce_min3A_232 = vector.multi_reduction <minsi>, %bitcast_convert_type3A_230, %reduce_min3A_231 [0] : vector<2048x256xi32> to vector<256xi32>
    %broadcast_in_dim3A_233 = vector.shape_cast %reduce_min3A_232 : vector<256xi32> to vector<1x256xi32>
    %bitcast_convert_type3A_234 = tpu.bitcast %broadcast_in_dim3A_233 : vector<1x256xi32> -> vector<1x256xi32>
    %add3A_235 = arith.addi %add3A_227, %bitcast_convert_type3A_234 : vector<1x256xi32>
    %bitcast_convert_type3A_236 = tpu.bitcast %add3A_235 : vector<1x256xi32> -> vector<1x256xi32>
    %and3A_237 = arith.constant 2047 : i32
    %and3A_238 = vector.broadcast %and3A_237 : i32 to vector<1x256xi32>
    %and3A_239 = arith.andi %bitcast_convert_type3A_236, %and3A_238 : vector<1x256xi32>
    %add3A_240 = vector.broadcast %mul3A_29 : i32 to vector<1x256xi32>
    %add3A_241 = arith.addi %and3A_239, %add3A_240 : vector<1x256xi32>
    %swap3A_242 = arith.constant 10 : index
    %swap3A_243 = arith.constant 0 : index
    %swap3A_244 = vector.load %arg4[%swap3A_242, %swap3A_243] : memref<20x256xi32, #tpu.memory_space<vmem>>, vector<1x256xi32>
    tpu.vector_store %arg4[%swap3A_242, %swap3A_243], %add3A_241 {strides = array<i32>} : memref<20x256xi32, #tpu.memory_space<vmem>>, vector<1x256xi32>,
    %add3A_245 = arith.constant -2147483647 : i32
    %add3A_246 = vector.broadcast %add3A_245 : i32 to vector<1x256xi32>
    %add3A_247 = arith.addi %add3A_235, %add3A_246 : vector<1x256xi32>
    %sub3A_248 = vector.broadcast %add3A_247 : vector<1x256xi32> to vector<2048x256xi32>
    %sub3A_249 = arith.subi %bitcast_convert_type3A_25, %sub3A_248 : vector<2048x256xi32>
    %bitcast_convert_type3A_250 = tpu.bitcast %sub3A_249 : vector<2048x256xi32> -> vector<2048x256xi32>
    %reduce_min3A_251 = arith.constant dense<2147483647> : vector<256xi32>
    %reduce_min3A_252 = vector.multi_reduction <minsi>, %bitcast_convert_type3A_250, %reduce_min3A_251 [0] : vector<2048x256xi32> to vector<256xi32>
    %broadcast_in_dim3A_253 = vector.shape_cast %reduce_min3A_252 : vector<256xi32> to vector<1x256xi32>
    %bitcast_convert_type3A_254 = tpu.bitcast %broadcast_in_dim3A_253 : vector<1x256xi32> -> vector<1x256xi32>
    %add3A_255 = arith.addi %add3A_247, %bitcast_convert_type3A_254 : vector<1x256xi32>
    %bitcast_convert_type3A_256 = tpu.bitcast %add3A_255 : vector<1x256xi32> -> vector<1x256xi32>
    %and3A_257 = arith.constant 2047 : i32
    %and3A_258 = vector.broadcast %and3A_257 : i32 to vector<1x256xi32>
    %and3A_259 = arith.andi %bitcast_convert_type3A_256, %and3A_258 : vector<1x256xi32>
    %add3A_260 = vector.broadcast %mul3A_29 : i32 to vector<1x256xi32>
    %add3A_261 = arith.addi %and3A_259, %add3A_260 : vector<1x256xi32>
    %swap3A_262 = arith.constant 11 : index
    %swap3A_263 = arith.constant 0 : index
    %swap3A_264 = vector.load %arg4[%swap3A_262, %swap3A_263] : memref<20x256xi32, #tpu.memory_space<vmem>>, vector<1x256xi32>
    tpu.vector_store %arg4[%swap3A_262, %swap3A_263], %add3A_261 {strides = array<i32>} : memref<20x256xi32, #tpu.memory_space<vmem>>, vector<1x256xi32>,
    %add3A_265 = arith.constant -2147483647 : i32
    %add3A_266 = vector.broadcast %add3A_265 : i32 to vector<1x256xi32>
    %add3A_267 = arith.addi %add3A_255, %add3A_266 : vector<1x256xi32>
    %sub3A_268 = vector.broadcast %add3A_267 : vector<1x256xi32> to vector<2048x256xi32>
    %sub3A_269 = arith.subi %bitcast_convert_type3A_25, %sub3A_268 : vector<2048x256xi32>
    %bitcast_convert_type3A_270 = tpu.bitcast %sub3A_269 : vector<2048x256xi32> -> vector<2048x256xi32>
    %reduce_min3A_271 = arith.constant dense<2147483647> : vector<256xi32>
    %reduce_min3A_272 = vector.multi_reduction <minsi>, %bitcast_convert_type3A_270, %reduce_min3A_271 [0] : vector<2048x256xi32> to vector<256xi32>
    %broadcast_in_dim3A_273 = vector.shape_cast %reduce_min3A_272 : vector<256xi32> to vector<1x256xi32>
    %bitcast_convert_type3A_274 = tpu.bitcast %broadcast_in_dim3A_273 : vector<1x256xi32> -> vector<1x256xi32>
    %add3A_275 = arith.addi %add3A_267, %bitcast_convert_type3A_274 : vector<1x256xi32>
    %bitcast_convert_type3A_276 = tpu.bitcast %add3A_275 : vector<1x256xi32> -> vector<1x256xi32>
    %and3A_277 = arith.constant 2047 : i32
    %and3A_278 = vector.broadcast %and3A_277 : i32 to vector<1x256xi32>
    %and3A_279 = arith.andi %bitcast_convert_type3A_276, %and3A_278 : vector<1x256xi32>
    %add3A_280 = vector.broadcast %mul3A_29 : i32 to vector<1x256xi32>
    %add3A_281 = arith.addi %and3A_279, %add3A_280 : vector<1x256xi32>
    %swap3A_282 = arith.constant 12 : index
    %swap3A_283 = arith.constant 0 : index
    %swap3A_284 = vector.load %arg4[%swap3A_282, %swap3A_283] : memref<20x256xi32, #tpu.memory_space<vmem>>, vector<1x256xi32>
    tpu.vector_store %arg4[%swap3A_282, %swap3A_283], %add3A_281 {strides = array<i32>} : memref<20x256xi32, #tpu.memory_space<vmem>>, vector<1x256xi32>,
    %add3A_285 = arith.constant -2147483647 : i32
    %add3A_286 = vector.broadcast %add3A_285 : i32 to vector<1x256xi32>
    %add3A_287 = arith.addi %add3A_275, %add3A_286 : vector<1x256xi32>
    %sub3A_288 = vector.broadcast %add3A_287 : vector<1x256xi32> to vector<2048x256xi32>
    %sub3A_289 = arith.subi %bitcast_convert_type3A_25, %sub3A_288 : vector<2048x256xi32>
    %bitcast_convert_type3A_290 = tpu.bitcast %sub3A_289 : vector<2048x256xi32> -> vector<2048x256xi32>
    %reduce_min3A_291 = arith.constant dense<2147483647> : vector<256xi32>
    %reduce_min3A_292 = vector.multi_reduction <minsi>, %bitcast_convert_type3A_290, %reduce_min3A_291 [0] : vector<2048x256xi32> to vector<256xi32>
    %broadcast_in_dim3A_293 = vector.shape_cast %reduce_min3A_292 : vector<256xi32> to vector<1x256xi32>
    %bitcast_convert_type3A_294 = tpu.bitcast %broadcast_in_dim3A_293 : vector<1x256xi32> -> vector<1x256xi32>
    %add3A_295 = arith.addi %add3A_287, %bitcast_convert_type3A_294 : vector<1x256xi32>
    %bitcast_convert_type3A_296 = tpu.bitcast %add3A_295 : vector<1x256xi32> -> vector<1x256xi32>
    %and3A_297 = arith.constant 2047 : i32
    %and3A_298 = vector.broadcast %and3A_297 : i32 to vector<1x256xi32>
    %and3A_299 = arith.andi %bitcast_convert_type3A_296, %and3A_298 : vector<1x256xi32>
    %add3A_300 = vector.broadcast %mul3A_29 : i32 to vector<1x256xi32>
    %add3A_301 = arith.addi %and3A_299, %add3A_300 : vector<1x256xi32>
    %swap3A_302 = arith.constant 13 : index
    %swap3A_303 = arith.constant 0 : index
    %swap3A_304 = vector.load %arg4[%swap3A_302, %swap3A_303] : memref<20x256xi32, #tpu.memory_space<vmem>>, vector<1x256xi32>
    tpu.vector_store %arg4[%swap3A_302, %swap3A_303], %add3A_301 {strides = array<i32>} : memref<20x256xi32, #tpu.memory_space<vmem>>, vector<1x256xi32>,
    %add3A_305 = arith.constant -2147483647 : i32
    %add3A_306 = vector.broadcast %add3A_305 : i32 to vector<1x256xi32>
    %add3A_307 = arith.addi %add3A_295, %add3A_306 : vector<1x256xi32>
    %sub3A_308 = vector.broadcast %add3A_307 : vector<1x256xi32> to vector<2048x256xi32>
    %sub3A_309 = arith.subi %bitcast_convert_type3A_25, %sub3A_308 : vector<2048x256xi32>
    %bitcast_convert_type3A_310 = tpu.bitcast %sub3A_309 : vector<2048x256xi32> -> vector<2048x256xi32>
    %reduce_min3A_311 = arith.constant dense<2147483647> : vector<256xi32>
    %reduce_min3A_312 = vector.multi_reduction <minsi>, %bitcast_convert_type3A_310, %reduce_min3A_311 [0] : vector<2048x256xi32> to vector<256xi32>
    %broadcast_in_dim3A_313 = vector.shape_cast %reduce_min3A_312 : vector<256xi32> to vector<1x256xi32>
    %bitcast_convert_type3A_314 = tpu.bitcast %broadcast_in_dim3A_313 : vector<1x256xi32> -> vector<1x256xi32>
    %add3A_315 = arith.addi %add3A_307, %bitcast_convert_type3A_314 : vector<1x256xi32>
    %bitcast_convert_type3A_316 = tpu.bitcast %add3A_315 : vector<1x256xi32> -> vector<1x256xi32>
    %and3A_317 = arith.constant 2047 : i32
    %and3A_318 = vector.broadcast %and3A_317 : i32 to vector<1x256xi32>
    %and3A_319 = arith.andi %bitcast_convert_type3A_316, %and3A_318 : vector<1x256xi32>
    %add3A_320 = vector.broadcast %mul3A_29 : i32 to vector<1x256xi32>
    %add3A_321 = arith.addi %and3A_319, %add3A_320 : vector<1x256xi32>
    %swap3A_322 = arith.constant 14 : index
    %swap3A_323 = arith.constant 0 : index
    %swap3A_324 = vector.load %arg4[%swap3A_322, %swap3A_323] : memref<20x256xi32, #tpu.memory_space<vmem>>, vector<1x256xi32>
    tpu.vector_store %arg4[%swap3A_322, %swap3A_323], %add3A_321 {strides = array<i32>} : memref<20x256xi32, #tpu.memory_space<vmem>>, vector<1x256xi32>,
    %add3A_325 = arith.constant -2147483647 : i32
    %add3A_326 = vector.broadcast %add3A_325 : i32 to vector<1x256xi32>
    %add3A_327 = arith.addi %add3A_315, %add3A_326 : vector<1x256xi32>
    %sub3A_328 = vector.broadcast %add3A_327 : vector<1x256xi32> to vector<2048x256xi32>
    %sub3A_329 = arith.subi %bitcast_convert_type3A_25, %sub3A_328 : vector<2048x256xi32>
    %bitcast_convert_type3A_330 = tpu.bitcast %sub3A_329 : vector<2048x256xi32> -> vector<2048x256xi32>
    %reduce_min3A_331 = arith.constant dense<2147483647> : vector<256xi32>
    %reduce_min3A_332 = vector.multi_reduction <minsi>, %bitcast_convert_type3A_330, %reduce_min3A_331 [0] : vector<2048x256xi32> to vector<256xi32>
    %broadcast_in_dim3A_333 = vector.shape_cast %reduce_min3A_332 : vector<256xi32> to vector<1x256xi32>
    %bitcast_convert_type3A_334 = tpu.bitcast %broadcast_in_dim3A_333 : vector<1x256xi32> -> vector<1x256xi32>
    %add3A_335 = arith.addi %add3A_327, %bitcast_convert_type3A_334 : vector<1x256xi32>
    %bitcast_convert_type3A_336 = tpu.bitcast %add3A_335 : vector<1x256xi32> -> vector<1x256xi32>
    %and3A_337 = arith.constant 2047 : i32
    %and3A_338 = vector.broadcast %and3A_337 : i32 to vector<1x256xi32>
    %and3A_339 = arith.andi %bitcast_convert_type3A_336, %and3A_338 : vector<1x256xi32>
    %add3A_340 = vector.broadcast %mul3A_29 : i32 to vector<1x256xi32>
    %add3A_341 = arith.addi %and3A_339, %add3A_340 : vector<1x256xi32>
    %swap3A_342 = arith.constant 15 : index
    %swap3A_343 = arith.constant 0 : index
    %swap3A_344 = vector.load %arg4[%swap3A_342, %swap3A_343] : memref<20x256xi32, #tpu.memory_space<vmem>>, vector<1x256xi32>
    tpu.vector_store %arg4[%swap3A_342, %swap3A_343], %add3A_341 {strides = array<i32>} : memref<20x256xi32, #tpu.memory_space<vmem>>, vector<1x256xi32>,
    %add3A_345 = arith.constant -2147483647 : i32
    %add3A_346 = vector.broadcast %add3A_345 : i32 to vector<1x256xi32>
    %add3A_347 = arith.addi %add3A_335, %add3A_346 : vector<1x256xi32>
    %sub3A_348 = vector.broadcast %add3A_347 : vector<1x256xi32> to vector<2048x256xi32>
    %sub3A_349 = arith.subi %bitcast_convert_type3A_25, %sub3A_348 : vector<2048x256xi32>
    %bitcast_convert_type3A_350 = tpu.bitcast %sub3A_349 : vector<2048x256xi32> -> vector<2048x256xi32>
    %reduce_min3A_351 = arith.constant dense<2147483647> : vector<256xi32>
    %reduce_min3A_352 = vector.multi_reduction <minsi>, %bitcast_convert_type3A_350, %reduce_min3A_351 [0] : vector<2048x256xi32> to vector<256xi32>
    %broadcast_in_dim3A_353 = vector.shape_cast %reduce_min3A_352 : vector<256xi32> to vector<1x256xi32>
    %bitcast_convert_type3A_354 = tpu.bitcast %broadcast_in_dim3A_353 : vector<1x256xi32> -> vector<1x256xi32>
    %add3A_355 = arith.addi %add3A_347, %bitcast_convert_type3A_354 : vector<1x256xi32>
    %bitcast_convert_type3A_356 = tpu.bitcast %add3A_355 : vector<1x256xi32> -> vector<1x256xi32>
    %and3A_357 = arith.constant 2047 : i32
    %and3A_358 = vector.broadcast %and3A_357 : i32 to vector<1x256xi32>
    %and3A_359 = arith.andi %bitcast_convert_type3A_356, %and3A_358 : vector<1x256xi32>
    %add3A_360 = vector.broadcast %mul3A_29 : i32 to vector<1x256xi32>
    %add3A_361 = arith.addi %and3A_359, %add3A_360 : vector<1x256xi32>
    %swap3A_362 = arith.constant 16 : index
    %swap3A_363 = arith.constant 0 : index
    %swap3A_364 = vector.load %arg4[%swap3A_362, %swap3A_363] : memref<20x256xi32, #tpu.memory_space<vmem>>, vector<1x256xi32>
    tpu.vector_store %arg4[%swap3A_362, %swap3A_363], %add3A_361 {strides = array<i32>} : memref<20x256xi32, #tpu.memory_space<vmem>>, vector<1x256xi32>,
    %add3A_365 = arith.constant -2147483647 : i32
    %add3A_366 = vector.broadcast %add3A_365 : i32 to vector<1x256xi32>
    %add3A_367 = arith.addi %add3A_355, %add3A_366 : vector<1x256xi32>
    %sub3A_368 = vector.broadcast %add3A_367 : vector<1x256xi32> to vector<2048x256xi32>
    %sub3A_369 = arith.subi %bitcast_convert_type3A_25, %sub3A_368 : vector<2048x256xi32>
    %bitcast_convert_type3A_370 = tpu.bitcast %sub3A_369 : vector<2048x256xi32> -> vector<2048x256xi32>
    %reduce_min3A_371 = arith.constant dense<2147483647> : vector<256xi32>
    %reduce_min3A_372 = vector.multi_reduction <minsi>, %bitcast_convert_type3A_370, %reduce_min3A_371 [0] : vector<2048x256xi32> to vector<256xi32>
    %broadcast_in_dim3A_373 = vector.shape_cast %reduce_min3A_372 : vector<256xi32> to vector<1x256xi32>
    %bitcast_convert_type3A_374 = tpu.bitcast %broadcast_in_dim3A_373 : vector<1x256xi32> -> vector<1x256xi32>
    %add3A_375 = arith.addi %add3A_367, %bitcast_convert_type3A_374 : vector<1x256xi32>
    %bitcast_convert_type3A_376 = tpu.bitcast %add3A_375 : vector<1x256xi32> -> vector<1x256xi32>
    %and3A_377 = arith.constant 2047 : i32
    %and3A_378 = vector.broadcast %and3A_377 : i32 to vector<1x256xi32>
    %and3A_379 = arith.andi %bitcast_convert_type3A_376, %and3A_378 : vector<1x256xi32>
    %add3A_380 = vector.broadcast %mul3A_29 : i32 to vector<1x256xi32>
    %add3A_381 = arith.addi %and3A_379, %add3A_380 : vector<1x256xi32>
    %swap3A_382 = arith.constant 17 : index
    %swap3A_383 = arith.constant 0 : index
    %swap3A_384 = vector.load %arg4[%swap3A_382, %swap3A_383] : memref<20x256xi32, #tpu.memory_space<vmem>>, vector<1x256xi32>
    tpu.vector_store %arg4[%swap3A_382, %swap3A_383], %add3A_381 {strides = array<i32>} : memref<20x256xi32, #tpu.memory_space<vmem>>, vector<1x256xi32>,
    %add3A_385 = arith.constant -2147483647 : i32
    %add3A_386 = vector.broadcast %add3A_385 : i32 to vector<1x256xi32>
    %add3A_387 = arith.addi %add3A_375, %add3A_386 : vector<1x256xi32>
    %sub3A_388 = vector.broadcast %add3A_387 : vector<1x256xi32> to vector<2048x256xi32>
    %sub3A_389 = arith.subi %bitcast_convert_type3A_25, %sub3A_388 : vector<2048x256xi32>
    %bitcast_convert_type3A_390 = tpu.bitcast %sub3A_389 : vector<2048x256xi32> -> vector<2048x256xi32>
    %reduce_min3A_391 = arith.constant dense<2147483647> : vector<256xi32>
    %reduce_min3A_392 = vector.multi_reduction <minsi>, %bitcast_convert_type3A_390, %reduce_min3A_391 [0] : vector<2048x256xi32> to vector<256xi32>
    %broadcast_in_dim3A_393 = vector.shape_cast %reduce_min3A_392 : vector<256xi32> to vector<1x256xi32>
    %bitcast_convert_type3A_394 = tpu.bitcast %broadcast_in_dim3A_393 : vector<1x256xi32> -> vector<1x256xi32>
    %add3A_395 = arith.addi %add3A_387, %bitcast_convert_type3A_394 : vector<1x256xi32>
    %bitcast_convert_type3A_396 = tpu.bitcast %add3A_395 : vector<1x256xi32> -> vector<1x256xi32>
    %and3A_397 = arith.constant 2047 : i32
    %and3A_398 = vector.broadcast %and3A_397 : i32 to vector<1x256xi32>
    %and3A_399 = arith.andi %bitcast_convert_type3A_396, %and3A_398 : vector<1x256xi32>
    %add3A_400 = vector.broadcast %mul3A_29 : i32 to vector<1x256xi32>
    %add3A_401 = arith.addi %and3A_399, %add3A_400 : vector<1x256xi32>
    %swap3A_402 = arith.constant 18 : index
    %swap3A_403 = arith.constant 0 : index
    %swap3A_404 = vector.load %arg4[%swap3A_402, %swap3A_403] : memref<20x256xi32, #tpu.memory_space<vmem>>, vector<1x256xi32>
    tpu.vector_store %arg4[%swap3A_402, %swap3A_403], %add3A_401 {strides = array<i32>} : memref<20x256xi32, #tpu.memory_space<vmem>>, vector<1x256xi32>,
    %add3A_405 = arith.constant -2147483647 : i32
    %add3A_406 = vector.broadcast %add3A_405 : i32 to vector<1x256xi32>
    %add3A_407 = arith.addi %add3A_395, %add3A_406 : vector<1x256xi32>
    %sub3A_408 = vector.broadcast %add3A_407 : vector<1x256xi32> to vector<2048x256xi32>
    %sub3A_409 = arith.subi %bitcast_convert_type3A_25, %sub3A_408 : vector<2048x256xi32>
    %bitcast_convert_type3A_410 = tpu.bitcast %sub3A_409 : vector<2048x256xi32> -> vector<2048x256xi32>
    %reduce_min3A_411 = arith.constant dense<2147483647> : vector<256xi32>
    %reduce_min3A_412 = vector.multi_reduction <minsi>, %bitcast_convert_type3A_410, %reduce_min3A_411 [0] : vector<2048x256xi32> to vector<256xi32>
    %broadcast_in_dim3A_413 = vector.shape_cast %reduce_min3A_412 : vector<256xi32> to vector<1x256xi32>
    %bitcast_convert_type3A_414 = tpu.bitcast %broadcast_in_dim3A_413 : vector<1x256xi32> -> vector<1x256xi32>
    %add3A_415 = arith.addi %add3A_407, %bitcast_convert_type3A_414 : vector<1x256xi32>
    %bitcast_convert_type3A_416 = tpu.bitcast %add3A_415 : vector<1x256xi32> -> vector<1x256xi32>
    %and3A_417 = arith.constant 2047 : i32
    %and3A_418 = vector.broadcast %and3A_417 : i32 to vector<1x256xi32>
    %and3A_419 = arith.andi %bitcast_convert_type3A_416, %and3A_418 : vector<1x256xi32>
    %add3A_420 = vector.broadcast %mul3A_29 : i32 to vector<1x256xi32>
    %add3A_421 = arith.addi %and3A_419, %add3A_420 : vector<1x256xi32>
    %swap3A_422 = arith.constant 19 : index
    %swap3A_423 = arith.constant 0 : index
    %swap3A_424 = vector.load %arg4[%swap3A_422, %swap3A_423] : memref<20x256xi32, #tpu.memory_space<vmem>>, vector<1x256xi32>
    tpu.vector_store %arg4[%swap3A_422, %swap3A_423], %add3A_421 {strides = array<i32>} : memref<20x256xi32, #tpu.memory_space<vmem>>, vector<1x256xi32>,
    return
  }
  func.func @transform_0(%arg0: i32, %arg1: i32) -> (i32, i32, i32) {
    %c0_i32 = arith.constant 0 : i32
    %c0_i32_0 = arith.constant 0 : i32
    %c0_i32_1 = arith.constant 0 : i32
    return %arg0, %c0_i32, %c0_i32_0 : i32, i32, i32
  }
  func.func @transform_1(%arg0: i32, %arg1: i32) -> (i32, i32, i32) {
    %c0_i32 = arith.constant 0 : i32
    %c0_i32_0 = arith.constant 0 : i32
    return %arg0, %arg1, %c0_i32 : i32, i32, i32
  }
  func.func @transform_2(%arg0: i32, %arg1: i32) -> (i32, i32) {
    %mul3A = arith.constant 8 : i32
    %mul3A_0 = arith.muli %arg0, %mul3A : i32
    %add3A = arith.addi %mul3A_0, %arg1 : i32
    %c0_i32 = arith.constant 0 : i32
    %c0_i32_1 = arith.constant 0 : i32
    return %c0_i32, %add3A : i32, i32
  }
}

module attributes {stable_mosaic.version = 14 : i64} {
  func.func @_final_body(%arg0: i32, %arg1: i32, %arg2: memref<512x64xf32, #tpu.memory_space<vmem>>, %arg3: memref<512x128xf32, #tpu.memory_space<vmem>>, %arg4: memref<20x512x128xf32, #tpu.memory_space<vmem>>, %arg5: memref<64x128xf32, #tpu.memory_space<vmem>>, %arg6: memref<128x128xf32, #tpu.memory_space<vmem>>, %arg7: memref<1x128xf32, #tpu.memory_space<vmem>>, %arg8: memref<1x1x128xf32, #tpu.memory_space<vmem>>) attributes {dimension_semantics = [#tpu.dimension_semantics<arbitrary>, #tpu.dimension_semantics<arbitrary>], iteration_bounds = array<i64: 2, 4>, scalar_prefetch = 0 : i64, scratch_operands = 0 : i64, tpu.core_type = #tpu.core_type<tc>, window_params = [{transform_indices = @transform_0, window_bounds = array<i64: 512, 64>}, {transform_indices = @transform_1, window_bounds = array<i64: 512, 128>}, {transform_indices = @transform_2, window_bounds = array<i64: 20, 512, 128>}, {pipeline_mode = #tpu.pipeline_mode<synchronous>, transform_indices = @transform_3, window_bounds = array<i64: 64, 128>}, {pipeline_mode = #tpu.pipeline_mode<synchronous>, transform_indices = @transform_4, window_bounds = array<i64: 128, 128>}, {pipeline_mode = #tpu.pipeline_mode<synchronous>, transform_indices = @transform_5, window_bounds = array<i64: 1, 128>}, {transform_indices = @transform_6, window_bounds = array<i64: 1, 1, 128>}]} {
    %get3A = arith.constant 0 : index
    %get3A_0 = arith.constant 0 : index
    %get3A_1 = arith.constant 0 : index
    %get3A_2 = vector.load %arg4[%get3A, %get3A_0, %get3A_1] : memref<20x512x128xf32, #tpu.memory_space<vmem>>, vector<1x512x128xf32>
    %get3A_3 = vector.shape_cast %get3A_2 : vector<1x512x128xf32> to vector<512x128xf32>
    %get3A_4 = arith.constant 1 : index
    %get3A_5 = arith.constant 0 : index
    %get3A_6 = arith.constant 0 : index
    %get3A_7 = vector.load %arg4[%get3A_4, %get3A_5, %get3A_6] : memref<20x512x128xf32, #tpu.memory_space<vmem>>, vector<1x512x128xf32>
    %get3A_8 = vector.shape_cast %get3A_7 : vector<1x512x128xf32> to vector<512x128xf32>
    %max3A = arith.maximumf %get3A_3, %get3A_8 : vector<512x128xf32>
    %get3A_9 = arith.constant 2 : index
    %get3A_10 = arith.constant 0 : index
    %get3A_11 = arith.constant 0 : index
    %get3A_12 = vector.load %arg4[%get3A_9, %get3A_10, %get3A_11] : memref<20x512x128xf32, #tpu.memory_space<vmem>>, vector<1x512x128xf32>
    %get3A_13 = vector.shape_cast %get3A_12 : vector<1x512x128xf32> to vector<512x128xf32>
    %max3A_14 = arith.maximumf %max3A, %get3A_13 : vector<512x128xf32>
    %get3A_15 = arith.constant 3 : index
    %get3A_16 = arith.constant 0 : index
    %get3A_17 = arith.constant 0 : index
    %get3A_18 = vector.load %arg4[%get3A_15, %get3A_16, %get3A_17] : memref<20x512x128xf32, #tpu.memory_space<vmem>>, vector<1x512x128xf32>
    %get3A_19 = vector.shape_cast %get3A_18 : vector<1x512x128xf32> to vector<512x128xf32>
    %max3A_20 = arith.maximumf %max3A_14, %get3A_19 : vector<512x128xf32>
    %get3A_21 = arith.constant 4 : index
    %get3A_22 = arith.constant 0 : index
    %get3A_23 = arith.constant 0 : index
    %get3A_24 = vector.load %arg4[%get3A_21, %get3A_22, %get3A_23] : memref<20x512x128xf32, #tpu.memory_space<vmem>>, vector<1x512x128xf32>
    %get3A_25 = vector.shape_cast %get3A_24 : vector<1x512x128xf32> to vector<512x128xf32>
    %max3A_26 = arith.maximumf %max3A_20, %get3A_25 : vector<512x128xf32>
    %get3A_27 = arith.constant 5 : index
    %get3A_28 = arith.constant 0 : index
    %get3A_29 = arith.constant 0 : index
    %get3A_30 = vector.load %arg4[%get3A_27, %get3A_28, %get3A_29] : memref<20x512x128xf32, #tpu.memory_space<vmem>>, vector<1x512x128xf32>
    %get3A_31 = vector.shape_cast %get3A_30 : vector<1x512x128xf32> to vector<512x128xf32>
    %max3A_32 = arith.maximumf %max3A_26, %get3A_31 : vector<512x128xf32>
    %get3A_33 = arith.constant 6 : index
    %get3A_34 = arith.constant 0 : index
    %get3A_35 = arith.constant 0 : index
    %get3A_36 = vector.load %arg4[%get3A_33, %get3A_34, %get3A_35] : memref<20x512x128xf32, #tpu.memory_space<vmem>>, vector<1x512x128xf32>
    %get3A_37 = vector.shape_cast %get3A_36 : vector<1x512x128xf32> to vector<512x128xf32>
    %max3A_38 = arith.maximumf %max3A_32, %get3A_37 : vector<512x128xf32>
    %get3A_39 = arith.constant 7 : index
    %get3A_40 = arith.constant 0 : index
    %get3A_41 = arith.constant 0 : index
    %get3A_42 = vector.load %arg4[%get3A_39, %get3A_40, %get3A_41] : memref<20x512x128xf32, #tpu.memory_space<vmem>>, vector<1x512x128xf32>
    %get3A_43 = vector.shape_cast %get3A_42 : vector<1x512x128xf32> to vector<512x128xf32>
    %max3A_44 = arith.maximumf %max3A_38, %get3A_43 : vector<512x128xf32>
    %get3A_45 = arith.constant 8 : index
    %get3A_46 = arith.constant 0 : index
    %get3A_47 = arith.constant 0 : index
    %get3A_48 = vector.load %arg4[%get3A_45, %get3A_46, %get3A_47] : memref<20x512x128xf32, #tpu.memory_space<vmem>>, vector<1x512x128xf32>
    %get3A_49 = vector.shape_cast %get3A_48 : vector<1x512x128xf32> to vector<512x128xf32>
    %max3A_50 = arith.maximumf %max3A_44, %get3A_49 : vector<512x128xf32>
    %get3A_51 = arith.constant 9 : index
    %get3A_52 = arith.constant 0 : index
    %get3A_53 = arith.constant 0 : index
    %get3A_54 = vector.load %arg4[%get3A_51, %get3A_52, %get3A_53] : memref<20x512x128xf32, #tpu.memory_space<vmem>>, vector<1x512x128xf32>
    %get3A_55 = vector.shape_cast %get3A_54 : vector<1x512x128xf32> to vector<512x128xf32>
    %max3A_56 = arith.maximumf %max3A_50, %get3A_55 : vector<512x128xf32>
    %get3A_57 = arith.constant 10 : index
    %get3A_58 = arith.constant 0 : index
    %get3A_59 = arith.constant 0 : index
    %get3A_60 = vector.load %arg4[%get3A_57, %get3A_58, %get3A_59] : memref<20x512x128xf32, #tpu.memory_space<vmem>>, vector<1x512x128xf32>
    %get3A_61 = vector.shape_cast %get3A_60 : vector<1x512x128xf32> to vector<512x128xf32>
    %max3A_62 = arith.maximumf %max3A_56, %get3A_61 : vector<512x128xf32>
    %get3A_63 = arith.constant 11 : index
    %get3A_64 = arith.constant 0 : index
    %get3A_65 = arith.constant 0 : index
    %get3A_66 = vector.load %arg4[%get3A_63, %get3A_64, %get3A_65] : memref<20x512x128xf32, #tpu.memory_space<vmem>>, vector<1x512x128xf32>
    %get3A_67 = vector.shape_cast %get3A_66 : vector<1x512x128xf32> to vector<512x128xf32>
    %max3A_68 = arith.maximumf %max3A_62, %get3A_67 : vector<512x128xf32>
    %get3A_69 = arith.constant 12 : index
    %get3A_70 = arith.constant 0 : index
    %get3A_71 = arith.constant 0 : index
    %get3A_72 = vector.load %arg4[%get3A_69, %get3A_70, %get3A_71] : memref<20x512x128xf32, #tpu.memory_space<vmem>>, vector<1x512x128xf32>
    %get3A_73 = vector.shape_cast %get3A_72 : vector<1x512x128xf32> to vector<512x128xf32>
    %max3A_74 = arith.maximumf %max3A_68, %get3A_73 : vector<512x128xf32>
    %get3A_75 = arith.constant 13 : index
    %get3A_76 = arith.constant 0 : index
    %get3A_77 = arith.constant 0 : index
    %get3A_78 = vector.load %arg4[%get3A_75, %get3A_76, %get3A_77] : memref<20x512x128xf32, #tpu.memory_space<vmem>>, vector<1x512x128xf32>
    %get3A_79 = vector.shape_cast %get3A_78 : vector<1x512x128xf32> to vector<512x128xf32>
    %max3A_80 = arith.maximumf %max3A_74, %get3A_79 : vector<512x128xf32>
    %get3A_81 = arith.constant 14 : index
    %get3A_82 = arith.constant 0 : index
    %get3A_83 = arith.constant 0 : index
    %get3A_84 = vector.load %arg4[%get3A_81, %get3A_82, %get3A_83] : memref<20x512x128xf32, #tpu.memory_space<vmem>>, vector<1x512x128xf32>
    %get3A_85 = vector.shape_cast %get3A_84 : vector<1x512x128xf32> to vector<512x128xf32>
    %max3A_86 = arith.maximumf %max3A_80, %get3A_85 : vector<512x128xf32>
    %get3A_87 = arith.constant 15 : index
    %get3A_88 = arith.constant 0 : index
    %get3A_89 = arith.constant 0 : index
    %get3A_90 = vector.load %arg4[%get3A_87, %get3A_88, %get3A_89] : memref<20x512x128xf32, #tpu.memory_space<vmem>>, vector<1x512x128xf32>
    %get3A_91 = vector.shape_cast %get3A_90 : vector<1x512x128xf32> to vector<512x128xf32>
    %max3A_92 = arith.maximumf %max3A_86, %get3A_91 : vector<512x128xf32>
    %get3A_93 = arith.constant 16 : index
    %get3A_94 = arith.constant 0 : index
    %get3A_95 = arith.constant 0 : index
    %get3A_96 = vector.load %arg4[%get3A_93, %get3A_94, %get3A_95] : memref<20x512x128xf32, #tpu.memory_space<vmem>>, vector<1x512x128xf32>
    %get3A_97 = vector.shape_cast %get3A_96 : vector<1x512x128xf32> to vector<512x128xf32>
    %max3A_98 = arith.maximumf %max3A_92, %get3A_97 : vector<512x128xf32>
    %get3A_99 = arith.constant 17 : index
    %get3A_100 = arith.constant 0 : index
    %get3A_101 = arith.constant 0 : index
    %get3A_102 = vector.load %arg4[%get3A_99, %get3A_100, %get3A_101] : memref<20x512x128xf32, #tpu.memory_space<vmem>>, vector<1x512x128xf32>
    %get3A_103 = vector.shape_cast %get3A_102 : vector<1x512x128xf32> to vector<512x128xf32>
    %max3A_104 = arith.maximumf %max3A_98, %get3A_103 : vector<512x128xf32>
    %get3A_105 = arith.constant 18 : index
    %get3A_106 = arith.constant 0 : index
    %get3A_107 = arith.constant 0 : index
    %get3A_108 = vector.load %arg4[%get3A_105, %get3A_106, %get3A_107] : memref<20x512x128xf32, #tpu.memory_space<vmem>>, vector<1x512x128xf32>
    %get3A_109 = vector.shape_cast %get3A_108 : vector<1x512x128xf32> to vector<512x128xf32>
    %max3A_110 = arith.maximumf %max3A_104, %get3A_109 : vector<512x128xf32>
    %get3A_111 = arith.constant 19 : index
    %get3A_112 = arith.constant 0 : index
    %get3A_113 = arith.constant 0 : index
    %get3A_114 = vector.load %arg4[%get3A_111, %get3A_112, %get3A_113] : memref<20x512x128xf32, #tpu.memory_space<vmem>>, vector<1x512x128xf32>
    %get3A_115 = vector.shape_cast %get3A_114 : vector<1x512x128xf32> to vector<512x128xf32>
    %max3A_116 = arith.maximumf %max3A_110, %get3A_115 : vector<512x128xf32>
    %get3A_117 = arith.constant 0 : index
    %get3A_118 = arith.constant 0 : index
    %get3A_119 = vector.load %arg3[%get3A_117, %get3A_118] : memref<512x128xf32, #tpu.memory_space<vmem>>, vector<512x128xf32>
    %add3A = arith.addf %get3A_119, %max3A_116 : vector<512x128xf32>
    %get3A_120 = arith.constant 0 : index
    %get3A_121 = arith.constant 0 : index
    %get3A_122 = vector.load %arg2[%get3A_120, %get3A_121] : memref<512x64xf32, #tpu.memory_space<vmem>>, vector<512x64xf32>
    %get3A_123 = arith.constant 0 : index
    %get3A_124 = arith.constant 0 : index
    %get3A_125 = vector.load %arg5[%get3A_123, %get3A_124] : memref<64x128xf32, #tpu.memory_space<vmem>>, vector<64x128xf32>
    %dot_general3A = arith.constant dense<0.000000e+00> : vector<512x128xf32>
    %dot_general3A_126 = tpu.matmul %get3A_122, %get3A_125, %dot_general3A {dimension_numbers = #tpu.dot_dimension_numbers<[1], [0], [0], [1], [0, 0, 1, 1], [], []>, transpose_lhs_hint = false} : vector<512x64xf32>, vector<64x128xf32>, vector<512x128xf32> -> vector<512x128xf32>
    %get3A_127 = arith.constant 0 : index
    %get3A_128 = arith.constant 0 : index
    %get3A_129 = vector.load %arg6[%get3A_127, %get3A_128] : memref<128x128xf32, #tpu.memory_space<vmem>>, vector<128x128xf32>
    %dot_general3A_130 = arith.constant dense<0.000000e+00> : vector<512x128xf32>
    %dot_general3A_131 = tpu.matmul %add3A, %get3A_129, %dot_general3A_130 {dimension_numbers = #tpu.dot_dimension_numbers<[1], [0], [0], [1], [0, 0, 1, 1], [], []>, transpose_lhs_hint = false} : vector<512x128xf32>, vector<128x128xf32>, vector<512x128xf32> -> vector<512x128xf32>
    %add3A_132 = arith.addf %dot_general3A_126, %dot_general3A_131 : vector<512x128xf32>
    %get3A_133 = arith.constant 0 : index
    %get3A_134 = arith.constant 0 : index
    %get3A_135 = vector.load %arg7[%get3A_133, %get3A_134] : memref<1x128xf32, #tpu.memory_space<vmem>>, vector<1x128xf32>
    %add3A_136 = vector.broadcast %get3A_135 : vector<1x128xf32> to vector<512x128xf32>
    %add3A_137 = arith.addf %add3A_132, %add3A_136 : vector<512x128xf32>
    %reduce_max3A = arith.constant dense<0xFF800000> : vector<128xf32>
    %reduce_max3A_138 = vector.multi_reduction <maximumf>, %add3A_137, %reduce_max3A [0] : vector<512x128xf32> to vector<128xf32>
    %broadcast_in_dim3A = vector.shape_cast %reduce_max3A_138 : vector<128xf32> to vector<1x128xf32>
    %eq3A = arith.constant 0 : i32
    %eq3A_139 = arith.cmpi eq, %arg1, %eq3A : i32
    %convert_element_type3A = arith.extui %eq3A_139 : i1 to i32
    %cond3A = arith.constant 0 : i32
    %cond3A_140 = arith.cmpi ne, %convert_element_type3A, %cond3A : i32
    scf.if %cond3A_140 {
      %swap3A = arith.constant 0 : index
      %swap3A_145 = arith.constant 0 : index
      %swap3A_146 = arith.constant 0 : index
      %swap3A_147 = vector.load %arg8[%swap3A, %swap3A_145, %swap3A_146] : memref<1x1x128xf32, #tpu.memory_space<vmem>>, vector<1x1x128xf32>
      %swap3A_148 = vector.shape_cast %swap3A_147 : vector<1x1x128xf32> to vector<1x128xf32>
      %swap3A_149 = vector.shape_cast %broadcast_in_dim3A : vector<1x128xf32> to vector<1x1x128xf32>
      tpu.vector_store %arg8[%swap3A, %swap3A_145, %swap3A_146], %swap3A_149 {strides = array<i32>} : memref<1x1x128xf32, #tpu.memory_space<vmem>>, vector<1x1x128xf32>,
    } else {
    }
    %ne3A = arith.constant 0 : i32
    %ne3A_141 = arith.cmpi ne, %arg1, %ne3A : i32
    %convert_element_type3A_142 = arith.extui %ne3A_141 : i1 to i32
    %cond3A_143 = arith.constant 0 : i32
    %cond3A_144 = arith.cmpi ne, %convert_element_type3A_142, %cond3A_143 : i32
    scf.if %cond3A_144 {
      %get3A_145 = arith.constant 0 : index
      %get3A_146 = arith.constant 0 : index
      %get3A_147 = arith.constant 0 : index
      %get3A_148 = vector.load %arg8[%get3A_145, %get3A_146, %get3A_147] : memref<1x1x128xf32, #tpu.memory_space<vmem>>, vector<1x1x128xf32>
      %get3A_149 = vector.shape_cast %get3A_148 : vector<1x1x128xf32> to vector<1x128xf32>
      %max3A_150 = arith.maximumf %get3A_149, %broadcast_in_dim3A : vector<1x128xf32>
      %swap3A = arith.constant 0 : index
      %swap3A_151 = arith.constant 0 : index
      %swap3A_152 = arith.constant 0 : index
      %swap3A_153 = vector.load %arg8[%swap3A, %swap3A_151, %swap3A_152] : memref<1x1x128xf32, #tpu.memory_space<vmem>>, vector<1x1x128xf32>
      %swap3A_154 = vector.shape_cast %swap3A_153 : vector<1x1x128xf32> to vector<1x128xf32>
      %swap3A_155 = vector.shape_cast %max3A_150 : vector<1x128xf32> to vector<1x1x128xf32>
      tpu.vector_store %arg8[%swap3A, %swap3A_151, %swap3A_152], %swap3A_155 {strides = array<i32>} : memref<1x1x128xf32, #tpu.memory_space<vmem>>, vector<1x1x128xf32>,
    } else {
    }
    return
  }
  func.func @transform_0(%arg0: i32, %arg1: i32) -> (i32, i32) {
    %mul3A = arith.constant 4 : i32
    %mul3A_0 = arith.muli %arg0, %mul3A : i32
    %add3A = arith.addi %mul3A_0, %arg1 : i32
    %c0_i32 = arith.constant 0 : i32
    %c0_i32_1 = arith.constant 0 : i32
    return %add3A, %c0_i32 : i32, i32
  }
  func.func @transform_1(%arg0: i32, %arg1: i32) -> (i32, i32) {
    %mul3A = arith.constant 4 : i32
    %mul3A_0 = arith.muli %arg0, %mul3A : i32
    %add3A = arith.addi %mul3A_0, %arg1 : i32
    %c0_i32 = arith.constant 0 : i32
    %c0_i32_1 = arith.constant 0 : i32
    return %add3A, %c0_i32 : i32, i32
  }
  func.func @transform_2(%arg0: i32, %arg1: i32) -> (i32, i32, i32) {
    %mul3A = arith.constant 4 : i32
    %mul3A_0 = arith.muli %arg0, %mul3A : i32
    %add3A = arith.addi %mul3A_0, %arg1 : i32
    %c0_i32 = arith.constant 0 : i32
    %c0_i32_1 = arith.constant 0 : i32
    %c0_i32_2 = arith.constant 0 : i32
    return %c0_i32, %add3A, %c0_i32_1 : i32, i32, i32
  }
  func.func @transform_3(%arg0: i32, %arg1: i32) -> (i32, i32) {
    %c0_i32 = arith.constant 0 : i32
    %c0_i32_0 = arith.constant 0 : i32
    %c0_i32_1 = arith.constant 0 : i32
    return %c0_i32, %c0_i32_0 : i32, i32
  }
  func.func @transform_4(%arg0: i32, %arg1: i32) -> (i32, i32) {
    %c0_i32 = arith.constant 0 : i32
    %c0_i32_0 = arith.constant 0 : i32
    %c0_i32_1 = arith.constant 0 : i32
    return %c0_i32, %c0_i32_0 : i32, i32
  }
  func.func @transform_5(%arg0: i32, %arg1: i32) -> (i32, i32) {
    %c0_i32 = arith.constant 0 : i32
    %c0_i32_0 = arith.constant 0 : i32
    %c0_i32_1 = arith.constant 0 : i32
    return %c0_i32, %c0_i32_0 : i32, i32
  }
  func.func @transform_6(%arg0: i32, %arg1: i32) -> (i32, i32, i32) {
    %c0_i32 = arith.constant 0 : i32
    %c0_i32_0 = arith.constant 0 : i32
    %c0_i32_1 = arith.constant 0 : i32
    return %arg0, %c0_i32, %c0_i32_0 : i32, i32, i32
  }
}

</mosaic_0001>

<sc_bundles>
// kernel: kernel.26.cloned.1.call-start
scs
__scs_entry_jumppad:
0x0: {  	(pc) =	sbr.rel $0x88, $3  }
0x1: {  	(tag) =	ssettag $0x0;
	lr =	simm.s32 $0x1  }
0x2: {  	[smem:$0x3F98] =	sst lr;
	_ =	strace $0xD0000000  }
0x3: {  	_ = 	snop  }
0x4: {  	_ = 	snop  }
0x5: {  	_ = 	snop  }
0x6: {  	_ = 	snop  }
0x7: {  	_ = 	snop  }
__scs_overlays_trampoline_lowered:
0x8: {  	[smem:$0x3FA7] =	sst s0  }
0x9: {  	[smem:$0x3FA8] =	sst s1  }
0xa: {  	[smem:$0x3FA9] =	sst s2  }
0xb: {  	[smem:$0x3FAA] =	sst s3  }
0xc: {  	[smem:$0x3FAB] =	sst s4  }
0xd: {  	[smem:$0x3FAC] =	sst s5  }
0xe: {  	[smem:$0x3FAD] =	sst s6  }
0xf: {  	[smem:$0x3FAE] =	sst s7  }
0x10: {  	[smem:$0x3FAF] =	sst s8  }
0x11: {  	[smem:$0x3FB0] =	sst s9;
	s0 =	simm.s32 @!p0 $0x0  }
0x12: {  	s1 =	sld [smem:$0x3F96];
	s0 =	simm.s32 @p0 $0x1  }
0x13: {  	[smem:$0x3FB1] =	sst s0;
	s0 =	simm.s32 @!p1 $0x0  }
0x14: {  	s2 =	sld [smem:$0x3F95];
	s0 =	simm.s32 @p1 $0x1  }
0x15: {  	[smem:$0x3FB2] =	sst s0;
	s0 =	simm.s32 @!p2 $0x0  }
0x16: {  	s3 =	sld [smem:$0x3FDB];
	s0 =	simm.s32 @p2 $0x1  }
0x17: {  	s4 =	simm.s32 $0x1BF5;
	[smem:$0x3FB4] =	sst s0  }
0x18: {  	s0 =	sld [smem:$0x3F97];
	_ =	swait.ge [sflag:s4], $0x0  }
0x19: {  	s7 =	sld [smem:$0x3F98]  }
0x1a: {  	s8 =	sadd.s32 $0xFFFFE003, lr  }
0x1b: {  	s9 =	sadd.s32 $0xFFFFFEF7, lr;
	s5 =	simm.s32 $0xFFFFFFFF;
	p2 =	slt.u32 s8, $0xFFFFF086  }
0x1c: {  	p1 =	slt.u32 s9, $0xF7A;
	s5 =	simm.s32 @!p2 $0x0  }
0x1d: {  	s5 =	simm.s32 @p1 $0x1;
	p0 =	seq.s32 s7, s2  }
0x1e: {  	s7 =	smul.u32 @!p0 $0xF7A, s2;
	p2 =	seq.s32 @!p0 s5, $0x0  }
0x1f: {  	s9 =	smul.u32 $0xF7A, s1;
	s8 =	simm.s32 @!p0 $0x1BF5;
	p2 =	por !p2, p0  }
0x20: {  	[sflag:s8] =	ssyncset.s32 @!p0 $0xFFFFF086;
	s6 =	sadd.s32 @!p0 s3, s7;
	s7 =	simm.s32 @!p0 $0x108  }
0x21: {  	s3 =	sadd.s32 s3, s9;
	s6 =	sadd.s32 @!p0 $0x88, s6;
	s7 =	simm.s32 @p2 $0x1082  }
0x22: {  	[simem:s7], [sflag:s8] =	dma.local @!p0 [hbm:s6], $0xF7A  }
0x23: {  	s9 =	sor.u32 $0xD0000000, s2;
	s6 =	simm.s32 $0x108;
	_ =	swait.ge @!p0 [sflag:s8], $0x0  }
0x24: {  	s3 =	sadd.s32 $0x88, s3;
	s6 =	simm.s32 @!p1 $0x1082;
	[sflag:s4] =	ssyncset.s32 $0xFFFFF086  }
0x25: {  	[simem:s6], [sflag:s4] =	dma.local [hbm:s3], $0xF7A  }
0x26: {  	[smem:$0x3F98] =	sst s1;
	(tag) =	ssettag s2;
	_ =	strace s9  }
0x27: {  	s1 =	sld [smem:$0x3FA8]  }
0x28: {  	s2 =	sld [smem:$0x3FA9]  }
0x29: {  	s4 =	sld [smem:$0x3FAB]  }
0x2a: {  	p0 =	seq.s32 s5, $0x0;
	s5 =	sld [smem:$0x3FAC]  }
0x2b: {  	s6 =	sld [smem:$0x3FAD]  }
0x2c: {  	s7 =	sld [smem:$0x3FAE]  }
0x2d: {  	s3 =	simm.s32 $0x108;
	s8 =	sld [smem:$0x3FAF]  }
0x2e: {  	s3 =	simm.s32 @!p0 $0x1082;
	s9 =	sld [smem:$0x3FB0]  }
0x2f: {  	lr =	sadd.s32 s0, s3;
	s0 =	sld [smem:$0x3FA7]  }
0x30: {  	s3 =	sld [smem:$0x3FAA]  }
0x31: {  	[smem:$0x3FB3] =	sst s10  }
0x32: {  	s10 =	sld [smem:$0x3FB1];
	_ =	sdelay $0x3  }
0x33: {  	p0 =	seq.s32 s10, $0x1;
	s10 =	sld [smem:$0x3FB3];
	_ =	sdelay $0x3  }
0x34: {  	[smem:$0x3FB3] =	sst s10  }
0x35: {  	s10 =	sld [smem:$0x3FB2];
	_ =	sdelay $0x3  }
0x36: {  	p1 =	seq.s32 s10, $0x1;
	s10 =	sld [smem:$0x3FB3];
	_ =	sdelay $0x3  }
0x37: {  	[smem:$0x3FB3] =	sst s10  }
0x38: {  	s10 =	sld [smem:$0x3FB4]  }
0x39: {  	_ = 	snop;
	(pc) =	sbr.ind lr, $3  }
0x3a: {  	_ = 	snop  }
0x3b: {  	_ = 	snop  }
0x3c: {  	p2 =	seq.s32 s10, $0x1;
	s10 =	sld [smem:$0x3FB3]  }
0x3d: {  	_ =	shalt  }
0x3e: {  	_ =	shalt  }
0x3f: {  	_ =	shalt  }
0x40: {  	_ =	shalt  }
0x41: {  	_ =	shalt  }
0x42: {  	_ =	shalt  }
0x43: {  	_ =	shalt  }
0x44: {  	_ =	shalt  }
0x45: {  	_ =	shalt  }
0x46: {  	_ =	shalt  }
0x47: {  	_ =	shalt  }
0x48: {  	_ =	shalt  }
0x49: {  	_ =	shalt  }
0x4a: {  	_ =	shalt  }
0x4b: {  	_ =	shalt  }
0x4c: {  	_ =	shalt  }
0x4d: {  	_ =	shalt  }
0x4e: {  	_ =	shalt  }
0x4f: {  	_ =	shalt  }
0x50: {  	_ =	shalt  }
0x51: {  	_ =	shalt  }
0x52: {  	_ =	shalt  }
0x53: {  	_ =	shalt  }
0x54: {  	_ =	shalt  }
0x55: {  	_ =	shalt  }
0x56: {  	_ =	shalt  }
0x57: {  	_ =	shalt  }
0x58: {  	_ =	shalt  }
0x59: {  	_ =	shalt  }
0x5a: {  	_ =	shalt  }
0x5b: {  	_ =	shalt  }
0x5c: {  	_ =	shalt  }
0x5d: {  	_ =	shalt  }
0x5e: {  	_ =	shalt  }
0x5f: {  	_ =	shalt  }
0x60: {  	_ =	shalt  }
0x61: {  	_ =	shalt  }
0x62: {  	_ =	shalt  }
0x63: {  	_ =	shalt  }
0x64: {  	_ =	shalt  }
0x65: {  	_ =	shalt  }
0x66: {  	_ =	shalt  }
0x67: {  	_ =	shalt  }
0x68: {  	_ =	shalt  }
0x69: {  	_ =	shalt  }
0x6a: {  	_ =	shalt  }
0x6b: {  	_ =	shalt  }
0x6c: {  	_ =	shalt  }
0x6d: {  	_ =	shalt  }
0x6e: {  	_ =	shalt  }
0x6f: {  	_ =	shalt  }
0x70: {  	_ =	shalt  }
0x71: {  	_ =	shalt  }
0x72: {  	_ =	shalt  }
0x73: {  	_ =	shalt  }
0x74: {  	_ =	shalt  }
0x75: {  	_ =	shalt  }
0x76: {  	_ =	shalt  }
0x77: {  	_ =	shalt  }
0x78: {  	_ =	shalt  }
0x79: {  	_ =	shalt  }
0x7a: {  	_ =	shalt  }
0x7b: {  	_ =	shalt  }
0x7c: {  	_ =	shalt  }
0x7d: {  	_ =	shalt  }
0x7e: {  	_ =	shalt  }
0x7f: {  	_ =	shalt  }
0x80: {  	_ =	shalt  }
0x81: {  	_ =	shalt  }
0x82: {  	_ =	shalt  }
0x83: {  	_ =	shalt  }
0x84: {  	_ =	shalt  }
0x85: {  	_ =	shalt  }
0x86: {  	_ =	shalt  }
0x87: {  	_ =	shalt  }
.Lfunc_end0:
.L_simem_size_0:
called_computation_lowered:
.L_overlay_start_0:
0x88: {  	s2 =	sld [smem:$0x3FD9]  }
0x89: {  	s3 =	sld [smem:$0x3FFE];
	_ =	sdelay $0x1  }
0x8a: {  	s1 =	srdreg.scid  }
0x8b: {  	s0 =	sand.u32 $0x1, s1  }
0x8c: {  	s16 =	sshll.u32 s0, $0xA;
	s2 =	sadd.s32 s3, s2  }
0x8d: {  	s2 =	sadd.s32 s2, s16  }
0x8e: {  	[smem:$0x3FBF] =	sst s2  }
0x8f: {  	_ = 	snop  }
0x90: {  	(tm) =	ssettm $0x1  }
0x91: {  	s17 =	sld [smem:$0x3FFB];
	_ =	sdelay $0x3  }
0x92: {  	_ =	strace s17  }
0x93: {  	s2 =	sld [smem:$0x3FFC];
	_ =	sdelay $0x3  }
0x94: {  	_ =	strace s2  }
0x95: {  	s2 =	sld [smem:$0x3FFD];
	_ =	sdelay $0x3  }
0x96: {  	_ =	strace s2  }
0x97: {  	_ =	strace $0x8FFFFFFF  }
0x98: {  	s18 =	sld [smem:$0x3FDB];
	_ =	sdelay $0x1  }
0x99: {  	s19 =	simm.s32 $_scs_section_size  }
0x9a: {  	s4 =	simm.s32 $_size__tile_overlayer_lowered;
	s5 =	simm.s32 $_tile_overlayer_lowered  }
0x9b: {  	s22 =	simm.s32 $0x1BFF;
	s21 =	sshll.u32 s5, $0x1;
	s2 =	sadd.s32 s19, s18  }
0x9c: {  	s6 =	simm.s32 $0x0;
	s20 =	sshll.u32 s4, $0x1;
	s4 =	sadd.s32 s21, s2  }
0x9d: {  	[timem:s6], [sflag:s22] =	dma.local [hbm:s4], s20  }
0x9e: {  	_ =	swait.ge [sflag:s22], s20  }
0x9f: {  	s3 =	ssub.s32 $0x0, s20;
	[sflag:s22] =	ssyncset.done $0x0  }
0xa0: {  	[sflag:s22] =	ssyncadd.s32 s3;
	_ =	sdelay $0x1  }
0xa1: {  	s23 =	simm.s32 $0x1B8B  }
0xa2: {  	_ =	swait.ge [sflag:s23], $0x1  }
0xa3: {  	[sflag:s23] =	ssyncset.done $0x0  }
0xa4: {  	s25 =	simm.s32 $0x1B8E;
	s24 =	sld [smem:$0x3FFE];
	[sflag:s23] =	ssyncadd.s32 $0xFFFFFFFF  }
0xa5: {  	s26 =	simm.s32 $execute0_lowered;
	[smem:$0x3FD2] =	sst s25  }
0xa6: {  	s4 =	sshll.u32 s26, $0x1;
	_ =	strace $0x80000046;
	[dreg:$0x1] =	wrdreg $0xFFFFFFFF  }
0xa7: {  	s28 =	simm.s32 $_size_execute0_lowered;
	s2 =	sadd.s32 s2, s4;
	[dreg:$0x0] =	wrdreg $0x0  }
0xa8: {  	s4 =	sshll.u32 s28, $0x1;
	[dreg:$0x2] =	wrdreg s2  }
0xa9: {  	[dreg:$0x3] =	wrdreg s4  }
0xaa: {  	[dreg:$0x4] =	wrdreg $0xC0  }
0xab: {  	_ =	task [dreg:s6], $0x5FFFF  }
0xac: {  	[dreg:$0x1] =	wrdreg $0xFFFFFFFF  }
0xad: {  	[dreg:$0x0] =	wrdreg $0x60  }
0xae: {  	[dreg:$0x2] =	wrdreg s24  }
0xaf: {  	[dreg:$0x3] =	wrdreg $0x9  }
0xb0: {  	_ =	task.clear_ibuf [dreg:s6], $0x4FFFF;
	_ =	strace $0x90000046  }
0xb1: {  	s29 =	simm.s32 $0x9;
	_ =	strace $0x80000048  }
0xb2: {  	_ =	swait.ge [sflag:s29], $0x1  }
0xb3: {  	[sflag:s29] =	ssyncadd.s32 $0xFFFFFFFF  }
0xb4: {  	_ =	strace $0x90000048  }
0xb5: {  	_ =	sfence  }
0xb6: {  	s30 =	sld [smem:$0x0];
	_ =	sdelay $0x2  }
0xb7: {  	s31 =	sshll.u32 s1, $0xD;
	s1 =	sshrl.u32 s1, $0x2  }
0xb8: {  	s3 =	sand.u32 $0x4000, s31;
	s1 =	sadd.s32 s1, s30  }
0xb9: {  	s0 =	sor.u32 s3, s0;
	s1 =	sshll.u32 s1, $0x11  }
0xba: {  	s0 =	sor.u32 s1, s0  }
0xbb: {  	s0 =	sadd.s32 $0x8F2B, s0  }
0xbc: {  	[sflag:s0] =	ssyncadd.remote.s32 $0x1  }
0xbd: {  	_ =	sfence.sel $0xFFFF  }
0xbe: {  	[dreg:$0x0] =	wrdreg $0xFFFFFFFF;
	(pc) =	sbr.abs _section_cstart, $3  }
0xbf: {  	[dreg:$0x1] =	wrdreg $0xFFFFFFFF  }
0xc0: {  	_ =	task.clear_ibuf [dreg:s6], $0x2FFFF;
	_ =	strace $0x9FFFFFFF  }
0xc1: {  	(tm) =	ssettm $0x7FFFFFFF  }
tec
execute0_lowered:
.L_overlay_start_1:
0x0: {  	(tag) =	ssettag $0x1  }
0x1: {  	s4 =	rddreg [dreg:$0x0]  }
0x2: {  	s0 =	rddreg [dreg:$0x1];
	s1 =	stileid.u32  }
0x3: {  	s2 =	simm.s32 $0x0;
	s3 =	srdreg.scid;
	s5 =	smul.u32 $0x280, s1  }
0x4: {  	[smem:$0x7FF] =	sst s2;
	s6 =	smul.u32 $0x14000, s1;
	s7 =	sand.u32 $0x1, s3  }
0x5: {  	s3 =	sadd.s32 $0x49C00, s4;
	s8 =	ssub.s32 $0x2, s7;
	s9 =	smul.u32 $0xA000, s7  }
0x6: {  	_ =	strace $0x80000047;
	s7 =	smul.u32 $0x140, s7;
	s10 =	sshrl.u32 s8, $0x1  }
0x7: {  	s5 =	sadd.s32 s5, s4;
	s6 =	sadd.s32 s6, s4;
	s31 =	ssub.s32 s8, s10  }
0x8: {  	s6 =	sadd.s32 s9, s6;
	s7 =	sadd.s32 s7, s5;
	s8 =	simm.s32 $0x80  }
0x9: {  	s9 =	simm.s32 $0x1;
	s10 =	simm.s32 $0x0;
	s4 =	smax.u32 s31, $0x1  }
0xa: {  	s5 =	sadd.s32 $0xC9C00, s6;
	s6 =	sadd.s32 $0x7400, s7;
	s7 =	simm.s32 $0x2  }
.LBB2_1:
0xb: {  	s11 =	sadd.s32 $0x0, s6  }
0xc: {  	[tilespmem:s2], [sflag:$0x2] =	stream.linear.gather [hbm4b:s11+s2], $0x80, $0x38;
	[tilespmem:$0x4080] =	vst v63  }
0xd: {  	_ =	swait.ge [sflag:s7], $0x80  }
0xe: {  	[sflag:s7] =	ssyncset.done $0x0  }
0xf: {  	[sflag:s7] =	ssyncadd.s32 $0xFFFFFF80  }
0x10: {  	[tilespmem:s8], [sflag:$0x1] =	stream.indirect.gather [hbm4b:s3+s8], $0x80, s2, s8, $0xb8;
	[tilespmem:$0x4080] =	vst v63  }
0x11: {  	_ =	swait.ge [sflag:s9], $0x4000  }
0x12: {  	[sflag:s9] =	ssyncset.done $0x0  }
0x13: {  	[sflag:s9] =	ssyncadd.s32 $0xFFFFC000  }
0x14: {  	[hbm4b:s5+s2] =	stream.linear.scatter [tilespmem:s8], [sflag:$0x2], $0x4000, $0x38;
	[tilespmem:$0x4080] =	vst v63  }
0x15: {  	s12 =	simm.s32 $0x10;
	_ =	swait.ge [sflag:s7], $0x4000  }
0x16: {  	s13 =	simm.s32 $0x20;
	s11 =	sadd.s32 $0x800, s5;
	[sflag:s7] =	ssyncset.done $0x0  }
.LBB2_2:
0x17: {  	s14 =	sadd.s32 s12, s6  }
0x18: {  	[sflag:s7] =	ssyncadd.s32 $0xFFFFC000;
	s12 =	smov.u32 s13;
	s15 =	sadd.s32 $0x10, s13  }
0x19: {  	[tilespmem:s2], [sflag:$0x2] =	stream.linear.gather [hbm4b:s14+s2], $0x80, $0x38;
	[tilespmem:$0x4080] =	vst v63  }
0x1a: {  	p0 =	sne.s32 s13, $0x130;
	_ =	swait.ge [sflag:s7], $0x80  }
0x1b: {  	[sflag:s7] =	ssyncset.done $0x0  }
0x1c: {  	[sflag:s7] =	ssyncadd.s32 $0xFFFFFF80  }
0x1d: {  	[tilespmem:s8], [sflag:$0x1] =	stream.indirect.gather [hbm4b:s3+s8], $0x80, s2, s8, $0xb8;
	[tilespmem:$0x4080] =	vst v63  }
0x1e: {  	_ =	swait.ge [sflag:s9], $0x4000  }
.Ltmp0:
0x1f: {  	[sflag:s9] =	ssyncset.done $0x0;
	(pc) =	sbr.rel @p0 .LBB2_2-.Ltmp0, $4  }
0x20: {  	[sflag:s9] =	ssyncadd.s32 $0xFFFFC000  }
0x21: {  	[hbm4b:s11+s2] =	stream.linear.scatter [tilespmem:s8], [sflag:$0x2], $0x4000, $0x38;
	[tilespmem:$0x4080] =	vst v63  }
0x22: {  	_ =	swait.ge [sflag:s7], $0x4000  }
0x23: {  	s13 =	smov.u32 s15;
	s11 =	sadd.s32 $0x800, s11;
	[sflag:s7] =	ssyncset.done $0x0  }
0x24: {  	s12 =	sadd.s32 s12, s6;
	[sflag:s7] =	ssyncadd.s32 $0xFFFFC000  }
0x25: {  	[tilespmem:s2], [sflag:$0x2] =	stream.linear.gather [hbm4b:s12+s2], $0x80, $0x38;
	[tilespmem:$0x4080] =	vst v63  }
0x26: {  	_ =	swait.ge [sflag:s7], $0x80  }
0x27: {  	[sflag:s7] =	ssyncset.done $0x0  }
0x28: {  	[sflag:s7] =	ssyncadd.s32 $0xFFFFFF80  }
0x29: {  	[tilespmem:s8], [sflag:$0x1] =	stream.indirect.gather [hbm4b:s3+s8], $0x80, s2, s8, $0xb8;
	[tilespmem:$0x4080] =	vst v63  }
0x2a: {  	s10 =	sadd.s32 $0x1, s10;
	_ =	swait.ge [sflag:s9], $0x4000  }
0x2b: {  	p0 =	sne.s32 s10, s4;
	[sflag:s9] =	ssyncset.done $0x0  }
.Ltmp1:
0x2c: {  	[sflag:s9] =	ssyncadd.s32 $0xFFFFC000;
	(pc) =	sbr.rel @p0 .LBB2_1-.Ltmp1, $4  }
0x2d: {  	[hbm4b:s11+s2] =	stream.linear.scatter [tilespmem:s8], [sflag:$0x2], $0x4000, $0x38;
	[tilespmem:$0x4080] =	vst v63  }
0x2e: {  	_ =	swait.ge [sflag:s7], $0x4000  }
0x2f: {  	[sflag:s7] =	ssyncset.done $0x0  }
0x30: {  	[sflag:s7] =	ssyncadd.s32 $0xFFFFC000  }
0x31: {  	_ =	sfence.sel $0x180000  }
0x32: {  	[bflag:$0x0] =	sbarrier.arrive $0xFFFF  }
0x33: {  	p0 =	sne.s32 s1, $0x0;
	_ =	strace $0x90000047  }
0x34: {  	s0 =	sadd.s32 @!p0 $0x100000, s0;
	[bflag:$0x2] =	sbarrier.arrive $0xFFFF  }
0x35: {  	[sflag:s0] =	ssyncadd.tile.s32 @!p0 $0x1;
	_ =	shalt  }
.Lfunc_end2:
_tile_overlayer_lowered:
.L_overlay_start_2:
0x36: {  	(tag) =	ssettag $0x2  }
0x37: {  	s0 =	rddreg [dreg:$0x0];
	s2 =	stileid.u32  }
0x38: {  	s1 =	rddreg [dreg:$0x1];
	p0 =	sne.s32 s2, $0x0  }
0x39: {  	s3 =	rddreg [dreg:$0x2];
	[bflag:$0x3] =	sbarrier.arrive $0xFFFF;
	s2 =	simm.s32 @!p0 $0x1C02  }
0x3a: {  	[timem:s3], [sflag:s2] =	dma.local @!p0 [hbm:s0], s1  }
0x3b: {  	s0 =	simm.s32 @!p0 $0x2  }
0x3c: {  	_ =	swait.ge @!p0 [sflag:s0], s1  }
0x3d: {  	s1 =	ssub.s32 @!p0 $0x0, s1;
	[sflag:s0] =	ssyncset.done @!p0 $0x0  }
0x3e: {  	[sflag:s0] =	ssyncadd.s32 @!p0 s1  }
0x3f: {  	[bflag:$0x3] =	sbarrier.arrive $0xFFFF  }
0x40: {  	_ =	shalt  }

// kernel: kernel.29.cloned.1.call-start
scs
__scs_entry_jumppad:
0x0: {  	(pc) =	sbr.rel $0x88, $3  }
0x1: {  	(tag) =	ssettag $0x0;
	lr =	simm.s32 $0x1  }
0x2: {  	[smem:$0x3F98] =	sst lr;
	_ =	strace $0xD0000000  }
0x3: {  	_ = 	snop  }
0x4: {  	_ = 	snop  }
0x5: {  	_ = 	snop  }
0x6: {  	_ = 	snop  }
0x7: {  	_ = 	snop  }
__scs_overlays_trampoline_lowered:
0x8: {  	[smem:$0x3FA7] =	sst s0  }
0x9: {  	[smem:$0x3FA8] =	sst s1  }
0xa: {  	[smem:$0x3FA9] =	sst s2  }
0xb: {  	[smem:$0x3FAA] =	sst s3  }
0xc: {  	[smem:$0x3FAB] =	sst s4  }
0xd: {  	[smem:$0x3FAC] =	sst s5  }
0xe: {  	[smem:$0x3FAD] =	sst s6  }
0xf: {  	[smem:$0x3FAE] =	sst s7  }
0x10: {  	[smem:$0x3FAF] =	sst s8  }
0x11: {  	[smem:$0x3FB0] =	sst s9;
	s0 =	simm.s32 @!p0 $0x0  }
0x12: {  	s1 =	sld [smem:$0x3F96];
	s0 =	simm.s32 @p0 $0x1  }
0x13: {  	[smem:$0x3FB1] =	sst s0;
	s0 =	simm.s32 @!p1 $0x0  }
0x14: {  	s2 =	sld [smem:$0x3F95];
	s0 =	simm.s32 @p1 $0x1  }
0x15: {  	[smem:$0x3FB2] =	sst s0;
	s0 =	simm.s32 @!p2 $0x0  }
0x16: {  	s3 =	sld [smem:$0x3FDB];
	s0 =	simm.s32 @p2 $0x1  }
0x17: {  	s4 =	simm.s32 $0x1BF5;
	[smem:$0x3FB4] =	sst s0  }
0x18: {  	s0 =	sld [smem:$0x3F97];
	_ =	swait.ge [sflag:s4], $0x0  }
0x19: {  	s7 =	sld [smem:$0x3F98]  }
0x1a: {  	s8 =	sadd.s32 $0xFFFFE003, lr  }
0x1b: {  	s9 =	sadd.s32 $0xFFFFFEF7, lr;
	s5 =	simm.s32 $0xFFFFFFFF;
	p2 =	slt.u32 s8, $0xFFFFF086  }
0x1c: {  	p1 =	slt.u32 s9, $0xF7A;
	s5 =	simm.s32 @!p2 $0x0  }
0x1d: {  	s5 =	simm.s32 @p1 $0x1;
	p0 =	seq.s32 s7, s2  }
0x1e: {  	s7 =	smul.u32 @!p0 $0xF7A, s2;
	p2 =	seq.s32 @!p0 s5, $0x0  }
0x1f: {  	s9 =	smul.u32 $0xF7A, s1;
	s8 =	simm.s32 @!p0 $0x1BF5;
	p2 =	por !p2, p0  }
0x20: {  	[sflag:s8] =	ssyncset.s32 @!p0 $0xFFFFF086;
	s6 =	sadd.s32 @!p0 s3, s7;
	s7 =	simm.s32 @!p0 $0x108  }
0x21: {  	s3 =	sadd.s32 s3, s9;
	s6 =	sadd.s32 @!p0 $0x88, s6;
	s7 =	simm.s32 @p2 $0x1082  }
0x22: {  	[simem:s7], [sflag:s8] =	dma.local @!p0 [hbm:s6], $0xF7A  }
0x23: {  	s9 =	sor.u32 $0xD0000000, s2;
	s6 =	simm.s32 $0x108;
	_ =	swait.ge @!p0 [sflag:s8], $0x0  }
0x24: {  	s3 =	sadd.s32 $0x88, s3;
	s6 =	simm.s32 @!p1 $0x1082;
	[sflag:s4] =	ssyncset.s32 $0xFFFFF086  }
0x25: {  	[simem:s6], [sflag:s4] =	dma.local [hbm:s3], $0xF7A  }
0x26: {  	[smem:$0x3F98] =	sst s1;
	(tag) =	ssettag s2;
	_ =	strace s9  }
0x27: {  	s1 =	sld [smem:$0x3FA8]  }
0x28: {  	s2 =	sld [smem:$0x3FA9]  }
0x29: {  	s4 =	sld [smem:$0x3FAB]  }
0x2a: {  	p0 =	seq.s32 s5, $0x0;
	s5 =	sld [smem:$0x3FAC]  }
0x2b: {  	s6 =	sld [smem:$0x3FAD]  }
0x2c: {  	s7 =	sld [smem:$0x3FAE]  }
0x2d: {  	s3 =	simm.s32 $0x108;
	s8 =	sld [smem:$0x3FAF]  }
0x2e: {  	s3 =	simm.s32 @!p0 $0x1082;
	s9 =	sld [smem:$0x3FB0]  }
0x2f: {  	lr =	sadd.s32 s0, s3;
	s0 =	sld [smem:$0x3FA7]  }
0x30: {  	s3 =	sld [smem:$0x3FAA]  }
0x31: {  	[smem:$0x3FB3] =	sst s10  }
0x32: {  	s10 =	sld [smem:$0x3FB1];
	_ =	sdelay $0x3  }
0x33: {  	p0 =	seq.s32 s10, $0x1;
	s10 =	sld [smem:$0x3FB3];
	_ =	sdelay $0x3  }
0x34: {  	[smem:$0x3FB3] =	sst s10  }
0x35: {  	s10 =	sld [smem:$0x3FB2];
	_ =	sdelay $0x3  }
0x36: {  	p1 =	seq.s32 s10, $0x1;
	s10 =	sld [smem:$0x3FB3];
	_ =	sdelay $0x3  }
0x37: {  	[smem:$0x3FB3] =	sst s10  }
0x38: {  	s10 =	sld [smem:$0x3FB4]  }
0x39: {  	_ = 	snop;
	(pc) =	sbr.ind lr, $3  }
0x3a: {  	_ = 	snop  }
0x3b: {  	_ = 	snop  }
0x3c: {  	p2 =	seq.s32 s10, $0x1;
	s10 =	sld [smem:$0x3FB3]  }
0x3d: {  	_ =	shalt  }
0x3e: {  	_ =	shalt  }
0x3f: {  	_ =	shalt  }
0x40: {  	_ =	shalt  }
0x41: {  	_ =	shalt  }
0x42: {  	_ =	shalt  }
0x43: {  	_ =	shalt  }
0x44: {  	_ =	shalt  }
0x45: {  	_ =	shalt  }
0x46: {  	_ =	shalt  }
0x47: {  	_ =	shalt  }
0x48: {  	_ =	shalt  }
0x49: {  	_ =	shalt  }
0x4a: {  	_ =	shalt  }
0x4b: {  	_ =	shalt  }
0x4c: {  	_ =	shalt  }
0x4d: {  	_ =	shalt  }
0x4e: {  	_ =	shalt  }
0x4f: {  	_ =	shalt  }
0x50: {  	_ =	shalt  }
0x51: {  	_ =	shalt  }
0x52: {  	_ =	shalt  }
0x53: {  	_ =	shalt  }
0x54: {  	_ =	shalt  }
0x55: {  	_ =	shalt  }
0x56: {  	_ =	shalt  }
0x57: {  	_ =	shalt  }
0x58: {  	_ =	shalt  }
0x59: {  	_ =	shalt  }
0x5a: {  	_ =	shalt  }
0x5b: {  	_ =	shalt  }
0x5c: {  	_ =	shalt  }
0x5d: {  	_ =	shalt  }
0x5e: {  	_ =	shalt  }
0x5f: {  	_ =	shalt  }
0x60: {  	_ =	shalt  }
0x61: {  	_ =	shalt  }
0x62: {  	_ =	shalt  }
0x63: {  	_ =	shalt  }
0x64: {  	_ =	shalt  }
0x65: {  	_ =	shalt  }
0x66: {  	_ =	shalt  }
0x67: {  	_ =	shalt  }
0x68: {  	_ =	shalt  }
0x69: {  	_ =	shalt  }
0x6a: {  	_ =	shalt  }
0x6b: {  	_ =	shalt  }
0x6c: {  	_ =	shalt  }
0x6d: {  	_ =	shalt  }
0x6e: {  	_ =	shalt  }
0x6f: {  	_ =	shalt  }
0x70: {  	_ =	shalt  }
0x71: {  	_ =	shalt  }
0x72: {  	_ =	shalt  }
0x73: {  	_ =	shalt  }
0x74: {  	_ =	shalt  }
0x75: {  	_ =	shalt  }
0x76: {  	_ =	shalt  }
0x77: {  	_ =	shalt  }
0x78: {  	_ =	shalt  }
0x79: {  	_ =	shalt  }
0x7a: {  	_ =	shalt  }
0x7b: {  	_ =	shalt  }
0x7c: {  	_ =	shalt  }
0x7d: {  	_ =	shalt  }
0x7e: {  	_ =	shalt  }
0x7f: {  	_ =	shalt  }
0x80: {  	_ =	shalt  }
0x81: {  	_ =	shalt  }
0x82: {  	_ =	shalt  }
0x83: {  	_ =	shalt  }
0x84: {  	_ =	shalt  }
0x85: {  	_ =	shalt  }
0x86: {  	_ =	shalt  }
0x87: {  	_ =	shalt  }
.Lfunc_end0:
.L_simem_size_0:
called_computation.1_lowered:
.L_overlay_start_0:
0x88: {  	s2 =	sld [smem:$0x3FD9]  }
0x89: {  	s3 =	sld [smem:$0x3FFE];
	_ =	sdelay $0x1  }
0x8a: {  	s1 =	srdreg.scid  }
0x8b: {  	s0 =	sand.u32 $0x1, s1  }
0x8c: {  	s17 =	sshll.u32 s0, $0xA;
	s2 =	sadd.s32 s3, s2  }
0x8d: {  	s2 =	sadd.s32 s2, s17  }
0x8e: {  	[smem:$0x3FBF] =	sst s2  }
0x8f: {  	_ = 	snop  }
0x90: {  	(tm) =	ssettm $0x1  }
0x91: {  	s18 =	sld [smem:$0x3FFB];
	_ =	sdelay $0x3  }
0x92: {  	_ =	strace s18  }
0x93: {  	s2 =	sld [smem:$0x3FFC];
	_ =	sdelay $0x3  }
0x94: {  	_ =	strace s2  }
0x95: {  	s2 =	sld [smem:$0x3FFD];
	_ =	sdelay $0x3  }
0x96: {  	_ =	strace s2  }
0x97: {  	_ =	strace $0x8FFFFFFF  }
0x98: {  	s19 =	sld [smem:$0x3FDB];
	_ =	sdelay $0x1  }
0x99: {  	s20 =	simm.s32 $_scs_section_size  }
0x9a: {  	s4 =	simm.s32 $_size__tile_overlayer_lowered;
	s5 =	simm.s32 $_tile_overlayer_lowered  }
0x9b: {  	s6 =	simm.s32 $0x1BFF;
	s21 =	sshll.u32 s5, $0x1;
	s3 =	sadd.s32 s20, s19  }
0x9c: {  	s22 =	simm.s32 $0x0;
	s4 =	sshll.u32 s4, $0x1;
	s5 =	sadd.s32 s21, s3  }
0x9d: {  	[timem:s22], [sflag:s6] =	dma.local [hbm:s5], s4  }
0x9e: {  	_ =	swait.ge [sflag:s6], s4  }
0x9f: {  	s4 =	ssub.s32 $0x0, s4;
	[sflag:s6] =	ssyncset.done $0x0  }
0xa0: {  	[sflag:s6] =	ssyncadd.s32 s4;
	_ =	sdelay $0x1  }
0xa1: {  	s23 =	simm.s32 $0x1B8B  }
0xa2: {  	_ =	swait.ge [sflag:s23], $0x1  }
0xa3: {  	[sflag:s23] =	ssyncset.done $0x0  }
0xa4: {  	[sflag:s23] =	ssyncadd.s32 $0xFFFFFFFF  }
0xa5: {  	s4 =	sld [smem:$0x0]  }
0xa6: {  	s5 =	sand.u32 $0xFFFFFFFE, s1  }
0xa7: {  	p0 =	sne.s32 s1, s5  }
0xa8: {  	s5 =	sshll.u32 @p0 s5, $0xE  }
0xa9: {  	s5 =	sadd.s32 @p0 $0x11B8D, s5;
	s6 =	sshll.u32 @p0 s4, $0x11  }
0xaa: {  	s5 =	sor.u32 @p0 s6, s5  }
0xab: {  	[sflag:s5] =	ssyncadd.remote.s32 @p0 $0x1;
	_ =	sdelay $0x1  }
0xac: {  	s5 =	simm.s32 @p0 $0x1B8D  }
0xad: {  	_ =	swait.eq @p0 [sflag:s5], $0x1  }
0xae: {  	[sflag:s5] =	ssyncadd.s32 @p0 $0xFFFFFFFF  }
0xaf: {  	s6 =	sshll.u32 @!p0 s1, $0xE  }
0xb0: {  	s6 =	sor.u32 @!p0 $0x4000, s6;
	s5 =	simm.s32 @!p0 $0x1B8D  }
0xb1: {  	s4 =	sshll.u32 @!p0 s4, $0x11;
	s6 =	sadd.s32 @!p0 $0x11B8D, s6;
	_ =	swait.eq @!p0 [sflag:s5], $0x1  }
0xb2: {  	s4 =	sor.u32 @!p0 s4, s6;
	[sflag:s5] =	ssyncadd.s32 @!p0 $0xFFFFFFFF  }
0xb3: {  	s25 =	simm.s32 $0x1B8E;
	s24 =	sld [smem:$0x3FFE];
	[sflag:s4] =	ssyncadd.remote.s32 @!p0 $0x1  }
0xb4: {  	s26 =	simm.s32 $execute0_lowered;
	[smem:$0x3FD2] =	sst s25  }
0xb5: {  	s5 =	sshll.u32 s26, $0x1;
	_ =	strace $0x80000052;
	[dreg:$0x1] =	wrdreg $0xFFFFFFFF  }
0xb6: {  	s28 =	simm.s32 $_size_execute0_lowered;
	s3 =	sadd.s32 s3, s5;
	[dreg:$0x0] =	wrdreg $0x0  }
0xb7: {  	s5 =	sshll.u32 s28, $0x1;
	[dreg:$0x2] =	wrdreg s3  }
0xb8: {  	[dreg:$0x3] =	wrdreg s5  }
0xb9: {  	[dreg:$0x4] =	wrdreg $0xC0  }
0xba: {  	_ =	task [dreg:s22], $0x5FFFF  }
0xbb: {  	[dreg:$0x1] =	wrdreg $0xFFFFFFFF  }
0xbc: {  	[dreg:$0x0] =	wrdreg $0x60  }
0xbd: {  	[dreg:$0x2] =	wrdreg s24  }
0xbe: {  	[dreg:$0x3] =	wrdreg $0x9  }
0xbf: {  	_ =	task.clear_ibuf [dreg:s22], $0x4FFFF;
	_ =	strace $0x90000052  }
0xc0: {  	s29 =	simm.s32 $0x9;
	_ =	strace $0x80000054  }
0xc1: {  	_ =	swait.ge [sflag:s29], $0x1  }
0xc2: {  	[sflag:s29] =	ssyncadd.s32 $0xFFFFFFFF  }
0xc3: {  	_ =	strace $0x90000054  }
0xc4: {  	_ =	sfence  }
0xc5: {  	s30 =	sld [smem:$0x0];
	_ =	sdelay $0x2  }
0xc6: {  	s31 =	sshll.u32 s1, $0xD;
	s1 =	sshrl.u32 s1, $0x2  }
0xc7: {  	s4 =	sand.u32 $0x4000, s31;
	s1 =	sadd.s32 s1, s30  }
0xc8: {  	s0 =	sor.u32 s4, s0;
	s1 =	sshll.u32 s1, $0x11  }
0xc9: {  	s0 =	sor.u32 s1, s0  }
0xca: {  	s0 =	sadd.s32 $0x8F2B, s0  }
0xcb: {  	[sflag:s0] =	ssyncadd.remote.s32 $0x1  }
0xcc: {  	_ =	sfence.sel $0xFFFF  }
0xcd: {  	[dreg:$0x0] =	wrdreg $0xFFFFFFFF;
	(pc) =	sbr.abs _section_cstart, $3  }
0xce: {  	[dreg:$0x1] =	wrdreg $0xFFFFFFFF  }
0xcf: {  	_ =	task.clear_ibuf [dreg:s22], $0x2FFFF;
	_ =	strace $0x9FFFFFFF  }
0xd0: {  	(tm) =	ssettm $0x7FFFFFFF  }
0xd1: {  	_ =	shalt  }
tec
execute0_lowered:
.L_overlay_start_1:
0x0: {  	(tag) =	ssettag $0x1  }
0x1: {  	s4 =	rddreg [dreg:$0x0]  }
0x2: {  	s0 =	rddreg [dreg:$0x1];
	s1 =	stileid.u32  }
0x3: {  	s2 =	simm.s32 $0x0;
	s3 =	srdreg.scid;
	s5 =	smul.u32 $0x280, s1  }
0x4: {  	[smem:$0x7FF] =	sst s2;
	s6 =	smul.u32 $0x14000, s1;
	s7 =	sand.u32 $0x1, s3  }
0x5: {  	s3 =	sadd.s32 $0x11400, s4;
	s8 =	ssub.s32 $0x2, s7;
	s9 =	smul.u32 $0xA000, s7  }
0x6: {  	_ =	strace $0x80000053;
	s7 =	smul.u32 $0x140, s7;
	s10 =	sshrl.u32 s8, $0x1  }
0x7: {  	s5 =	sadd.s32 s5, s4;
	s6 =	sadd.s32 s6, s4;
	s31 =	ssub.s32 s8, s10  }
0x8: {  	s6 =	sadd.s32 s9, s6;
	s7 =	sadd.s32 s7, s5;
	s8 =	simm.s32 $0x80  }
0x9: {  	s9 =	simm.s32 $0x1;
	s10 =	simm.s32 $0x0;
	s4 =	smax.u32 s31, $0x1  }
0xa: {  	s5 =	sadd.s32 $0xC9C00, s6;
	s6 =	sadd.s32 $0x6400, s7;
	s7 =	simm.s32 $0x2  }
.LBB2_1:
0xb: {  	s11 =	sadd.s32 $0x0, s6  }
0xc: {  	[tilespmem:s2], [sflag:$0x2] =	stream.linear.gather [hbm4b:s11+s2], $0x80, $0x38;
	[tilespmem:$0x4080] =	vst v63  }
0xd: {  	_ =	swait.ge [sflag:s7], $0x80  }
0xe: {  	[sflag:s7] =	ssyncset.done $0x0  }
0xf: {  	[sflag:s7] =	ssyncadd.s32 $0xFFFFFF80  }
0x10: {  	[tilespmem:s8], [sflag:$0x1] =	stream.indirect.gather [hbm4b:s3+s8], $0x80, s2, s8, $0xb8;
	[tilespmem:$0x4080] =	vst v63  }
0x11: {  	_ =	swait.ge [sflag:s9], $0x4000  }
0x12: {  	[sflag:s9] =	ssyncset.done $0x0  }
0x13: {  	[sflag:s9] =	ssyncadd.s32 $0xFFFFC000  }
0x14: {  	[hbm4b:s5+s2] =	stream.linear.scatter [tilespmem:s8], [sflag:$0x2], $0x4000, $0x38;
	[tilespmem:$0x4080] =	vst v63  }
0x15: {  	s12 =	simm.s32 $0x10;
	_ =	swait.ge [sflag:s7], $0x4000  }
0x16: {  	s13 =	simm.s32 $0x20;
	s11 =	sadd.s32 $0x800, s5;
	[sflag:s7] =	ssyncset.done $0x0  }
.LBB2_2:
0x17: {  	s14 =	sadd.s32 s12, s6  }
0x18: {  	[sflag:s7] =	ssyncadd.s32 $0xFFFFC000;
	s12 =	smov.u32 s13;
	s15 =	sadd.s32 $0x10, s13  }
0x19: {  	[tilespmem:s2], [sflag:$0x2] =	stream.linear.gather [hbm4b:s14+s2], $0x80, $0x38;
	[tilespmem:$0x4080] =	vst v63  }
0x1a: {  	p0 =	sne.s32 s13, $0x130;
	_ =	swait.ge [sflag:s7], $0x80  }
0x1b: {  	[sflag:s7] =	ssyncset.done $0x0  }
0x1c: {  	[sflag:s7] =	ssyncadd.s32 $0xFFFFFF80  }
0x1d: {  	[tilespmem:s8], [sflag:$0x1] =	stream.indirect.gather [hbm4b:s3+s8], $0x80, s2, s8, $0xb8;
	[tilespmem:$0x4080] =	vst v63  }
0x1e: {  	_ =	swait.ge [sflag:s9], $0x4000  }
.Ltmp0:
0x1f: {  	[sflag:s9] =	ssyncset.done $0x0;
	(pc) =	sbr.rel @p0 .LBB2_2-.Ltmp0, $4  }
0x20: {  	[sflag:s9] =	ssyncadd.s32 $0xFFFFC000  }
0x21: {  	[hbm4b:s11+s2] =	stream.linear.scatter [tilespmem:s8], [sflag:$0x2], $0x4000, $0x38;
	[tilespmem:$0x4080] =	vst v63  }
0x22: {  	_ =	swait.ge [sflag:s7], $0x4000  }
0x23: {  	s13 =	smov.u32 s15;
	s11 =	sadd.s32 $0x800, s11;
	[sflag:s7] =	ssyncset.done $0x0  }
0x24: {  	s12 =	sadd.s32 s12, s6;
	[sflag:s7] =	ssyncadd.s32 $0xFFFFC000  }
0x25: {  	[tilespmem:s2], [sflag:$0x2] =	stream.linear.gather [hbm4b:s12+s2], $0x80, $0x38;
	[tilespmem:$0x4080] =	vst v63  }
0x26: {  	_ =	swait.ge [sflag:s7], $0x80  }
0x27: {  	[sflag:s7] =	ssyncset.done $0x0  }
0x28: {  	[sflag:s7] =	ssyncadd.s32 $0xFFFFFF80  }
0x29: {  	[tilespmem:s8], [sflag:$0x1] =	stream.indirect.gather [hbm4b:s3+s8], $0x80, s2, s8, $0xb8;
	[tilespmem:$0x4080] =	vst v63  }
0x2a: {  	s10 =	sadd.s32 $0x1, s10;
	_ =	swait.ge [sflag:s9], $0x4000  }
0x2b: {  	p0 =	sne.s32 s10, s4;
	[sflag:s9] =	ssyncset.done $0x0  }
.Ltmp1:
0x2c: {  	[sflag:s9] =	ssyncadd.s32 $0xFFFFC000;
	(pc) =	sbr.rel @p0 .LBB2_1-.Ltmp1, $4  }
0x2d: {  	[hbm4b:s11+s2] =	stream.linear.scatter [tilespmem:s8], [sflag:$0x2], $0x4000, $0x38;
	[tilespmem:$0x4080] =	vst v63  }
0x2e: {  	_ =	swait.ge [sflag:s7], $0x4000  }
0x2f: {  	[sflag:s7] =	ssyncset.done $0x0  }
0x30: {  	[sflag:s7] =	ssyncadd.s32 $0xFFFFC000  }
0x31: {  	_ =	sfence.sel $0x180000  }
0x32: {  	[bflag:$0x0] =	sbarrier.arrive $0xFFFF  }
0x33: {  	p0 =	sne.s32 s1, $0x0;
	_ =	strace $0x90000053  }
0x34: {  	s0 =	sadd.s32 @!p0 $0x100000, s0;
	[bflag:$0x2] =	sbarrier.arrive $0xFFFF  }
0x35: {  	[sflag:s0] =	ssyncadd.tile.s32 @!p0 $0x1;
	_ =	shalt  }
.Lfunc_end2:
_tile_overlayer_lowered:
.L_overlay_start_2:
0x36: {  	(tag) =	ssettag $0x2  }
0x37: {  	s0 =	rddreg [dreg:$0x0];
	s2 =	stileid.u32  }
0x38: {  	s1 =	rddreg [dreg:$0x1];
	p0 =	sne.s32 s2, $0x0  }
0x39: {  	s3 =	rddreg [dreg:$0x2];
	[bflag:$0x3] =	sbarrier.arrive $0xFFFF;
	s2 =	simm.s32 @!p0 $0x1C02  }
0x3a: {  	[timem:s3], [sflag:s2] =	dma.local @!p0 [hbm:s0], s1  }
0x3b: {  	s0 =	simm.s32 @!p0 $0x2  }
0x3c: {  	_ =	swait.ge @!p0 [sflag:s0], s1  }
0x3d: {  	s1 =	ssub.s32 @!p0 $0x0, s1;
	[sflag:s0] =	ssyncset.done @!p0 $0x0  }
0x3e: {  	[sflag:s0] =	ssyncadd.s32 @!p0 s1  }
0x3f: {  	[bflag:$0x3] =	sbarrier.arrive $0xFFFF  }
0x40: {  	_ =	shalt  }

// kernel: kernel.32.cloned.1.call-start
scs
__scs_entry_jumppad:
0x0: {  	(pc) =	sbr.rel $0x88, $3  }
0x1: {  	(tag) =	ssettag $0x0;
	lr =	simm.s32 $0x1  }
0x2: {  	[smem:$0x3F98] =	sst lr;
	_ =	strace $0xD0000000  }
0x3: {  	_ = 	snop  }
0x4: {  	_ = 	snop  }
0x5: {  	_ = 	snop  }
0x6: {  	_ = 	snop  }
0x7: {  	_ = 	snop  }
__scs_overlays_trampoline_lowered:
0x8: {  	[smem:$0x3FA7] =	sst s0  }
0x9: {  	[smem:$0x3FA8] =	sst s1  }
0xa: {  	[smem:$0x3FA9] =	sst s2  }
0xb: {  	[smem:$0x3FAA] =	sst s3  }
0xc: {  	[smem:$0x3FAB] =	sst s4  }
0xd: {  	[smem:$0x3FAC] =	sst s5  }
0xe: {  	[smem:$0x3FAD] =	sst s6  }
0xf: {  	[smem:$0x3FAE] =	sst s7  }
0x10: {  	[smem:$0x3FAF] =	sst s8  }
0x11: {  	[smem:$0x3FB0] =	sst s9;
	s0 =	simm.s32 @!p0 $0x0  }
0x12: {  	s1 =	sld [smem:$0x3F96];
	s0 =	simm.s32 @p0 $0x1  }
0x13: {  	[smem:$0x3FB1] =	sst s0;
	s0 =	simm.s32 @!p1 $0x0  }
0x14: {  	s2 =	sld [smem:$0x3F95];
	s0 =	simm.s32 @p1 $0x1  }
0x15: {  	[smem:$0x3FB2] =	sst s0;
	s0 =	simm.s32 @!p2 $0x0  }
0x16: {  	s3 =	sld [smem:$0x3FDB];
	s0 =	simm.s32 @p2 $0x1  }
0x17: {  	s4 =	simm.s32 $0x1BF5;
	[smem:$0x3FB4] =	sst s0  }
0x18: {  	s0 =	sld [smem:$0x3F97];
	_ =	swait.ge [sflag:s4], $0x0  }
0x19: {  	s7 =	sld [smem:$0x3F98]  }
0x1a: {  	s8 =	sadd.s32 $0xFFFFE003, lr  }
0x1b: {  	s9 =	sadd.s32 $0xFFFFFEF7, lr;
	s5 =	simm.s32 $0xFFFFFFFF;
	p2 =	slt.u32 s8, $0xFFFFF086  }
0x1c: {  	p1 =	slt.u32 s9, $0xF7A;
	s5 =	simm.s32 @!p2 $0x0  }
0x1d: {  	s5 =	simm.s32 @p1 $0x1;
	p0 =	seq.s32 s7, s2  }
0x1e: {  	s7 =	smul.u32 @!p0 $0xF7A, s2;
	p2 =	seq.s32 @!p0 s5, $0x0  }
0x1f: {  	s9 =	smul.u32 $0xF7A, s1;
	s8 =	simm.s32 @!p0 $0x1BF5;
	p2 =	por !p2, p0  }
0x20: {  	[sflag:s8] =	ssyncset.s32 @!p0 $0xFFFFF086;
	s6 =	sadd.s32 @!p0 s3, s7;
	s7 =	simm.s32 @!p0 $0x108  }
0x21: {  	s3 =	sadd.s32 s3, s9;
	s6 =	sadd.s32 @!p0 $0x88, s6;
	s7 =	simm.s32 @p2 $0x1082  }
0x22: {  	[simem:s7], [sflag:s8] =	dma.local @!p0 [hbm:s6], $0xF7A  }
0x23: {  	s9 =	sor.u32 $0xD0000000, s2;
	s6 =	simm.s32 $0x108;
	_ =	swait.ge @!p0 [sflag:s8], $0x0  }
0x24: {  	s3 =	sadd.s32 $0x88, s3;
	s6 =	simm.s32 @!p1 $0x1082;
	[sflag:s4] =	ssyncset.s32 $0xFFFFF086  }
0x25: {  	[simem:s6], [sflag:s4] =	dma.local [hbm:s3], $0xF7A  }
0x26: {  	[smem:$0x3F98] =	sst s1;
	(tag) =	ssettag s2;
	_ =	strace s9  }
0x27: {  	s1 =	sld [smem:$0x3FA8]  }
0x28: {  	s2 =	sld [smem:$0x3FA9]  }
0x29: {  	s4 =	sld [smem:$0x3FAB]  }
0x2a: {  	p0 =	seq.s32 s5, $0x0;
	s5 =	sld [smem:$0x3FAC]  }
0x2b: {  	s6 =	sld [smem:$0x3FAD]  }
0x2c: {  	s7 =	sld [smem:$0x3FAE]  }
0x2d: {  	s3 =	simm.s32 $0x108;
	s8 =	sld [smem:$0x3FAF]  }
0x2e: {  	s3 =	simm.s32 @!p0 $0x1082;
	s9 =	sld [smem:$0x3FB0]  }
0x2f: {  	lr =	sadd.s32 s0, s3;
	s0 =	sld [smem:$0x3FA7]  }
0x30: {  	s3 =	sld [smem:$0x3FAA]  }
0x31: {  	[smem:$0x3FB3] =	sst s10  }
0x32: {  	s10 =	sld [smem:$0x3FB1];
	_ =	sdelay $0x3  }
0x33: {  	p0 =	seq.s32 s10, $0x1;
	s10 =	sld [smem:$0x3FB3];
	_ =	sdelay $0x3  }
0x34: {  	[smem:$0x3FB3] =	sst s10  }
0x35: {  	s10 =	sld [smem:$0x3FB2];
	_ =	sdelay $0x3  }
0x36: {  	p1 =	seq.s32 s10, $0x1;
	s10 =	sld [smem:$0x3FB3];
	_ =	sdelay $0x3  }
0x37: {  	[smem:$0x3FB3] =	sst s10  }
0x38: {  	s10 =	sld [smem:$0x3FB4]  }
0x39: {  	_ = 	snop;
	(pc) =	sbr.ind lr, $3  }
0x3a: {  	_ = 	snop  }
0x3b: {  	_ = 	snop  }
0x3c: {  	p2 =	seq.s32 s10, $0x1;
	s10 =	sld [smem:$0x3FB3]  }
0x3d: {  	_ =	shalt  }
0x3e: {  	_ =	shalt  }
0x3f: {  	_ =	shalt  }
0x40: {  	_ =	shalt  }
0x41: {  	_ =	shalt  }
0x42: {  	_ =	shalt  }
0x43: {  	_ =	shalt  }
0x44: {  	_ =	shalt  }
0x45: {  	_ =	shalt  }
0x46: {  	_ =	shalt  }
0x47: {  	_ =	shalt  }
0x48: {  	_ =	shalt  }
0x49: {  	_ =	shalt  }
0x4a: {  	_ =	shalt  }
0x4b: {  	_ =	shalt  }
0x4c: {  	_ =	shalt  }
0x4d: {  	_ =	shalt  }
0x4e: {  	_ =	shalt  }
0x4f: {  	_ =	shalt  }
0x50: {  	_ =	shalt  }
0x51: {  	_ =	shalt  }
0x52: {  	_ =	shalt  }
0x53: {  	_ =	shalt  }
0x54: {  	_ =	shalt  }
0x55: {  	_ =	shalt  }
0x56: {  	_ =	shalt  }
0x57: {  	_ =	shalt  }
0x58: {  	_ =	shalt  }
0x59: {  	_ =	shalt  }
0x5a: {  	_ =	shalt  }
0x5b: {  	_ =	shalt  }
0x5c: {  	_ =	shalt  }
0x5d: {  	_ =	shalt  }
0x5e: {  	_ =	shalt  }
0x5f: {  	_ =	shalt  }
0x60: {  	_ =	shalt  }
0x61: {  	_ =	shalt  }
0x62: {  	_ =	shalt  }
0x63: {  	_ =	shalt  }
0x64: {  	_ =	shalt  }
0x65: {  	_ =	shalt  }
0x66: {  	_ =	shalt  }
0x67: {  	_ =	shalt  }
0x68: {  	_ =	shalt  }
0x69: {  	_ =	shalt  }
0x6a: {  	_ =	shalt  }
0x6b: {  	_ =	shalt  }
0x6c: {  	_ =	shalt  }
0x6d: {  	_ =	shalt  }
0x6e: {  	_ =	shalt  }
0x6f: {  	_ =	shalt  }
0x70: {  	_ =	shalt  }
0x71: {  	_ =	shalt  }
0x72: {  	_ =	shalt  }
0x73: {  	_ =	shalt  }
0x74: {  	_ =	shalt  }
0x75: {  	_ =	shalt  }
0x76: {  	_ =	shalt  }
0x77: {  	_ =	shalt  }
0x78: {  	_ =	shalt  }
0x79: {  	_ =	shalt  }
0x7a: {  	_ =	shalt  }
0x7b: {  	_ =	shalt  }
0x7c: {  	_ =	shalt  }
0x7d: {  	_ =	shalt  }
0x7e: {  	_ =	shalt  }
0x7f: {  	_ =	shalt  }
0x80: {  	_ =	shalt  }
0x81: {  	_ =	shalt  }
0x82: {  	_ =	shalt  }
0x83: {  	_ =	shalt  }
0x84: {  	_ =	shalt  }
0x85: {  	_ =	shalt  }
0x86: {  	_ =	shalt  }
0x87: {  	_ =	shalt  }
.Lfunc_end0:
.L_simem_size_0:
called_computation.2_lowered:
.L_overlay_start_0:
0x88: {  	s2 =	sld [smem:$0x3FD9]  }
0x89: {  	s3 =	sld [smem:$0x3FFE];
	_ =	sdelay $0x1  }
0x8a: {  	s1 =	srdreg.scid  }
0x8b: {  	s0 =	sand.u32 $0x1, s1  }
0x8c: {  	s17 =	sshll.u32 s0, $0xA;
	s2 =	sadd.s32 s3, s2  }
0x8d: {  	s2 =	sadd.s32 s2, s17  }
0x8e: {  	[smem:$0x3FBF] =	sst s2  }
0x8f: {  	_ = 	snop  }
0x90: {  	(tm) =	ssettm $0x1  }
0x91: {  	s18 =	sld [smem:$0x3FFB];
	_ =	sdelay $0x3  }
0x92: {  	_ =	strace s18  }
0x93: {  	s2 =	sld [smem:$0x3FFC];
	_ =	sdelay $0x3  }
0x94: {  	_ =	strace s2  }
0x95: {  	s2 =	sld [smem:$0x3FFD];
	_ =	sdelay $0x3  }
0x96: {  	_ =	strace s2  }
0x97: {  	_ =	strace $0x8FFFFFFF  }
0x98: {  	s19 =	sld [smem:$0x3FDB];
	_ =	sdelay $0x1  }
0x99: {  	s20 =	simm.s32 $_scs_section_size  }
0x9a: {  	s4 =	simm.s32 $_size__tile_overlayer_lowered;
	s5 =	simm.s32 $_tile_overlayer_lowered  }
0x9b: {  	s6 =	simm.s32 $0x1BFF;
	s21 =	sshll.u32 s5, $0x1;
	s3 =	sadd.s32 s20, s19  }
0x9c: {  	s22 =	simm.s32 $0x0;
	s4 =	sshll.u32 s4, $0x1;
	s5 =	sadd.s32 s21, s3  }
0x9d: {  	[timem:s22], [sflag:s6] =	dma.local [hbm:s5], s4  }
0x9e: {  	_ =	swait.ge [sflag:s6], s4  }
0x9f: {  	s4 =	ssub.s32 $0x0, s4;
	[sflag:s6] =	ssyncset.done $0x0  }
0xa0: {  	[sflag:s6] =	ssyncadd.s32 s4;
	_ =	sdelay $0x1  }
0xa1: {  	s23 =	simm.s32 $0x1B8B  }
0xa2: {  	_ =	swait.ge [sflag:s23], $0x1  }
0xa3: {  	[sflag:s23] =	ssyncset.done $0x0  }
0xa4: {  	[sflag:s23] =	ssyncadd.s32 $0xFFFFFFFF  }
0xa5: {  	s4 =	sld [smem:$0x0]  }
0xa6: {  	s5 =	sand.u32 $0xFFFFFFFE, s1  }
0xa7: {  	p0 =	sne.s32 s1, s5  }
0xa8: {  	s5 =	sshll.u32 @p0 s5, $0xE  }
0xa9: {  	s5 =	sadd.s32 @p0 $0x11B8D, s5;
	s6 =	sshll.u32 @p0 s4, $0x11  }
0xaa: {  	s5 =	sor.u32 @p0 s6, s5  }
0xab: {  	[sflag:s5] =	ssyncadd.remote.s32 @p0 $0x1;
	_ =	sdelay $0x1  }
0xac: {  	s5 =	simm.s32 @p0 $0x1B8D  }
0xad: {  	_ =	swait.eq @p0 [sflag:s5], $0x1  }
0xae: {  	[sflag:s5] =	ssyncadd.s32 @p0 $0xFFFFFFFF  }
0xaf: {  	s6 =	sshll.u32 @!p0 s1, $0xE  }
0xb0: {  	s6 =	sor.u32 @!p0 $0x4000, s6;
	s5 =	simm.s32 @!p0 $0x1B8D  }
0xb1: {  	s4 =	sshll.u32 @!p0 s4, $0x11;
	s6 =	sadd.s32 @!p0 $0x11B8D, s6;
	_ =	swait.eq @!p0 [sflag:s5], $0x1  }
0xb2: {  	s4 =	sor.u32 @!p0 s4, s6;
	[sflag:s5] =	ssyncadd.s32 @!p0 $0xFFFFFFFF  }
0xb3: {  	s25 =	simm.s32 $0x1B8E;
	s24 =	sld [smem:$0x3FFE];
	[sflag:s4] =	ssyncadd.remote.s32 @!p0 $0x1  }
0xb4: {  	s26 =	simm.s32 $execute0_lowered;
	[smem:$0x3FD2] =	sst s25  }
0xb5: {  	s5 =	sshll.u32 s26, $0x1;
	_ =	strace $0x80000049;
	[dreg:$0x1] =	wrdreg $0xFFFFFFFF  }
0xb6: {  	s28 =	simm.s32 $_size_execute0_lowered;
	s3 =	sadd.s32 s3, s5;
	[dreg:$0x0] =	wrdreg $0x0  }
0xb7: {  	s5 =	sshll.u32 s28, $0x1;
	[dreg:$0x2] =	wrdreg s3  }
0xb8: {  	[dreg:$0x3] =	wrdreg s5  }
0xb9: {  	[dreg:$0x4] =	wrdreg $0xC0  }
0xba: {  	_ =	task [dreg:s22], $0x5FFFF  }
0xbb: {  	[dreg:$0x1] =	wrdreg $0xFFFFFFFF  }
0xbc: {  	[dreg:$0x0] =	wrdreg $0x60  }
0xbd: {  	[dreg:$0x2] =	wrdreg s24  }
0xbe: {  	[dreg:$0x3] =	wrdreg $0xB  }
0xbf: {  	_ =	task.clear_ibuf [dreg:s22], $0x4FFFF;
	_ =	strace $0x90000049  }
0xc0: {  	s29 =	simm.s32 $0xB;
	_ =	strace $0x8000004B  }
0xc1: {  	_ =	swait.ge [sflag:s29], $0x1  }
0xc2: {  	[sflag:s29] =	ssyncadd.s32 $0xFFFFFFFF  }
0xc3: {  	_ =	strace $0x9000004B  }
0xc4: {  	_ =	sfence  }
0xc5: {  	s30 =	sld [smem:$0x0];
	_ =	sdelay $0x2  }
0xc6: {  	s31 =	sshll.u32 s1, $0xD;
	s1 =	sshrl.u32 s1, $0x2  }
0xc7: {  	s4 =	sand.u32 $0x4000, s31;
	s1 =	sadd.s32 s1, s30  }
0xc8: {  	s0 =	sor.u32 s4, s0;
	s1 =	sshll.u32 s1, $0x11  }
0xc9: {  	s0 =	sor.u32 s1, s0  }
0xca: {  	s0 =	sadd.s32 $0x8F2B, s0  }
0xcb: {  	[sflag:s0] =	ssyncadd.remote.s32 $0x1  }
0xcc: {  	_ =	sfence.sel $0xFFFF  }
0xcd: {  	[dreg:$0x0] =	wrdreg $0xFFFFFFFF;
	(pc) =	sbr.abs _section_cstart, $3  }
0xce: {  	[dreg:$0x1] =	wrdreg $0xFFFFFFFF  }
0xcf: {  	_ =	task.clear_ibuf [dreg:s22], $0x2FFFF;
	_ =	strace $0x9FFFFFFF  }
0xd0: {  	(tm) =	ssettm $0x7FFFFFFF  }
0xd1: {  	_ =	shalt  }
tec
execute0_lowered:
.L_overlay_start_1:
0x0: {  	(tag) =	ssettag $0x1  }
0x1: {  	s4 =	rddreg [dreg:$0x0]  }
0x2: {  	s0 =	rddreg [dreg:$0x1];
	s1 =	stileid.u32  }
0x3: {  	s2 =	simm.s32 $0x0;
	s3 =	srdreg.scid;
	s5 =	smul.u32 $0x280, s1  }
0x4: {  	[smem:$0x7FF] =	sst s2;
	s6 =	smul.u32 $0x14000, s1;
	s7 =	sand.u32 $0x1, s3  }
0x5: {  	s3 =	sadd.s32 $0x69C00, s4;
	s8 =	ssub.s32 $0x2, s7;
	s9 =	smul.u32 $0xA000, s7  }
0x6: {  	_ =	strace $0x8000004A;
	s7 =	smul.u32 $0x140, s7;
	s10 =	sshrl.u32 s8, $0x1  }
0x7: {  	s5 =	sadd.s32 s5, s4;
	s6 =	sadd.s32 s6, s4;
	s31 =	ssub.s32 s8, s10  }
0x8: {  	s6 =	sadd.s32 s9, s6;
	s7 =	sadd.s32 s7, s5;
	s8 =	simm.s32 $0x80  }
0x9: {  	s9 =	simm.s32 $0x1;
	s10 =	simm.s32 $0x0;
	s4 =	smax.u32 s31, $0x1  }
0xa: {  	s5 =	sadd.s32 $0x209C00, s6;
	s6 =	sadd.s32 $0x9C00, s7;
	s7 =	simm.s32 $0x2  }
.LBB2_1:
0xb: {  	s11 =	sadd.s32 $0x0, s6  }
0xc: {  	[tilespmem:s2], [sflag:$0x2] =	stream.linear.gather [hbm4b:s11+s2], $0x80, $0x38;
	[tilespmem:$0x4080] =	vst v63  }
0xd: {  	_ =	swait.ge [sflag:s7], $0x80  }
0xe: {  	[sflag:s7] =	ssyncset.done $0x0  }
0xf: {  	[sflag:s7] =	ssyncadd.s32 $0xFFFFFF80  }
0x10: {  	[tilespmem:s8], [sflag:$0x1] =	stream.indirect.gather [hbm4b:s3+s8], $0x80, s2, s8, $0xb8;
	[tilespmem:$0x4080] =	vst v63  }
0x11: {  	_ =	swait.ge [sflag:s9], $0x4000  }
0x12: {  	[sflag:s9] =	ssyncset.done $0x0  }
0x13: {  	[sflag:s9] =	ssyncadd.s32 $0xFFFFC000  }
0x14: {  	[hbm4b:s5+s2] =	stream.linear.scatter [tilespmem:s8], [sflag:$0x2], $0x4000, $0x38;
	[tilespmem:$0x4080] =	vst v63  }
0x15: {  	s12 =	simm.s32 $0x10;
	_ =	swait.ge [sflag:s7], $0x4000  }
0x16: {  	s13 =	simm.s32 $0x20;
	s11 =	sadd.s32 $0x800, s5;
	[sflag:s7] =	ssyncset.done $0x0  }
.LBB2_2:
0x17: {  	s14 =	sadd.s32 s12, s6  }
0x18: {  	[sflag:s7] =	ssyncadd.s32 $0xFFFFC000;
	s12 =	smov.u32 s13;
	s15 =	sadd.s32 $0x10, s13  }
0x19: {  	[tilespmem:s2], [sflag:$0x2] =	stream.linear.gather [hbm4b:s14+s2], $0x80, $0x38;
	[tilespmem:$0x4080] =	vst v63  }
0x1a: {  	p0 =	sne.s32 s13, $0x130;
	_ =	swait.ge [sflag:s7], $0x80  }
0x1b: {  	[sflag:s7] =	ssyncset.done $0x0  }
0x1c: {  	[sflag:s7] =	ssyncadd.s32 $0xFFFFFF80  }
0x1d: {  	[tilespmem:s8], [sflag:$0x1] =	stream.indirect.gather [hbm4b:s3+s8], $0x80, s2, s8, $0xb8;
	[tilespmem:$0x4080] =	vst v63  }
0x1e: {  	_ =	swait.ge [sflag:s9], $0x4000  }
.Ltmp0:
0x1f: {  	[sflag:s9] =	ssyncset.done $0x0;
	(pc) =	sbr.rel @p0 .LBB2_2-.Ltmp0, $4  }
0x20: {  	[sflag:s9] =	ssyncadd.s32 $0xFFFFC000  }
0x21: {  	[hbm4b:s11+s2] =	stream.linear.scatter [tilespmem:s8], [sflag:$0x2], $0x4000, $0x38;
	[tilespmem:$0x4080] =	vst v63  }
0x22: {  	_ =	swait.ge [sflag:s7], $0x4000  }
0x23: {  	s13 =	smov.u32 s15;
	s11 =	sadd.s32 $0x800, s11;
	[sflag:s7] =	ssyncset.done $0x0  }
0x24: {  	s12 =	sadd.s32 s12, s6;
	[sflag:s7] =	ssyncadd.s32 $0xFFFFC000  }
0x25: {  	[tilespmem:s2], [sflag:$0x2] =	stream.linear.gather [hbm4b:s12+s2], $0x80, $0x38;
	[tilespmem:$0x4080] =	vst v63  }
0x26: {  	_ =	swait.ge [sflag:s7], $0x80  }
0x27: {  	[sflag:s7] =	ssyncset.done $0x0  }
0x28: {  	[sflag:s7] =	ssyncadd.s32 $0xFFFFFF80  }
0x29: {  	[tilespmem:s8], [sflag:$0x1] =	stream.indirect.gather [hbm4b:s3+s8], $0x80, s2, s8, $0xb8;
	[tilespmem:$0x4080] =	vst v63  }
0x2a: {  	s10 =	sadd.s32 $0x1, s10;
	_ =	swait.ge [sflag:s9], $0x4000  }
0x2b: {  	p0 =	sne.s32 s10, s4;
	[sflag:s9] =	ssyncset.done $0x0  }
.Ltmp1:
0x2c: {  	[sflag:s9] =	ssyncadd.s32 $0xFFFFC000;
	(pc) =	sbr.rel @p0 .LBB2_1-.Ltmp1, $4  }
0x2d: {  	[hbm4b:s11+s2] =	stream.linear.scatter [tilespmem:s8], [sflag:$0x2], $0x4000, $0x38;
	[tilespmem:$0x4080] =	vst v63  }
0x2e: {  	_ =	swait.ge [sflag:s7], $0x4000  }
0x2f: {  	[sflag:s7] =	ssyncset.done $0x0  }
0x30: {  	[sflag:s7] =	ssyncadd.s32 $0xFFFFC000  }
0x31: {  	_ =	sfence.sel $0x180000  }
0x32: {  	[bflag:$0x0] =	sbarrier.arrive $0xFFFF  }
0x33: {  	p0 =	sne.s32 s1, $0x0;
	_ =	strace $0x9000004A  }
0x34: {  	s0 =	sadd.s32 @!p0 $0x100000, s0;
	[bflag:$0x2] =	sbarrier.arrive $0xFFFF  }
0x35: {  	[sflag:s0] =	ssyncadd.tile.s32 @!p0 $0x1;
	_ =	shalt  }
.Lfunc_end2:
_tile_overlayer_lowered:
.L_overlay_start_2:
0x36: {  	(tag) =	ssettag $0x2  }
0x37: {  	s0 =	rddreg [dreg:$0x0];
	s2 =	stileid.u32  }
0x38: {  	s1 =	rddreg [dreg:$0x1];
	p0 =	sne.s32 s2, $0x0  }
0x39: {  	s3 =	rddreg [dreg:$0x2];
	[bflag:$0x3] =	sbarrier.arrive $0xFFFF;
	s2 =	simm.s32 @!p0 $0x1C02  }
0x3a: {  	[timem:s3], [sflag:s2] =	dma.local @!p0 [hbm:s0], s1  }
0x3b: {  	s0 =	simm.s32 @!p0 $0x2  }
0x3c: {  	_ =	swait.ge @!p0 [sflag:s0], s1  }
0x3d: {  	s1 =	ssub.s32 @!p0 $0x0, s1;
	[sflag:s0] =	ssyncset.done @!p0 $0x0  }
0x3e: {  	[sflag:s0] =	ssyncadd.s32 @!p0 s1  }
0x3f: {  	[bflag:$0x3] =	sbarrier.arrive $0xFFFF  }
0x40: {  	_ =	shalt  }

// kernel: kernel.35.cloned.1.call-start
scs
__scs_entry_jumppad:
0x0: {  	(pc) =	sbr.rel $0x88, $3  }
0x1: {  	(tag) =	ssettag $0x0;
	lr =	simm.s32 $0x1  }
0x2: {  	[smem:$0x3F98] =	sst lr;
	_ =	strace $0xD0000000  }
0x3: {  	_ = 	snop  }
0x4: {  	_ = 	snop  }
0x5: {  	_ = 	snop  }
0x6: {  	_ = 	snop  }
0x7: {  	_ = 	snop  }
__scs_overlays_trampoline_lowered:
0x8: {  	[smem:$0x3FA7] =	sst s0  }
0x9: {  	[smem:$0x3FA8] =	sst s1  }
0xa: {  	[smem:$0x3FA9] =	sst s2  }
0xb: {  	[smem:$0x3FAA] =	sst s3  }
0xc: {  	[smem:$0x3FAB] =	sst s4  }
0xd: {  	[smem:$0x3FAC] =	sst s5  }
0xe: {  	[smem:$0x3FAD] =	sst s6  }
0xf: {  	[smem:$0x3FAE] =	sst s7  }
0x10: {  	[smem:$0x3FAF] =	sst s8  }
0x11: {  	[smem:$0x3FB0] =	sst s9;
	s0 =	simm.s32 @!p0 $0x0  }
0x12: {  	s1 =	sld [smem:$0x3F96];
	s0 =	simm.s32 @p0 $0x1  }
0x13: {  	[smem:$0x3FB1] =	sst s0;
	s0 =	simm.s32 @!p1 $0x0  }
0x14: {  	s2 =	sld [smem:$0x3F95];
	s0 =	simm.s32 @p1 $0x1  }
0x15: {  	[smem:$0x3FB2] =	sst s0;
	s0 =	simm.s32 @!p2 $0x0  }
0x16: {  	s3 =	sld [smem:$0x3FDB];
	s0 =	simm.s32 @p2 $0x1  }
0x17: {  	s4 =	simm.s32 $0x1BF5;
	[smem:$0x3FB4] =	sst s0  }
0x18: {  	s0 =	sld [smem:$0x3F97];
	_ =	swait.ge [sflag:s4], $0x0  }
0x19: {  	s7 =	sld [smem:$0x3F98]  }
0x1a: {  	s8 =	sadd.s32 $0xFFFFE003, lr  }
0x1b: {  	s9 =	sadd.s32 $0xFFFFFEF7, lr;
	s5 =	simm.s32 $0xFFFFFFFF;
	p2 =	slt.u32 s8, $0xFFFFF086  }
0x1c: {  	p1 =	slt.u32 s9, $0xF7A;
	s5 =	simm.s32 @!p2 $0x0  }
0x1d: {  	s5 =	simm.s32 @p1 $0x1;
	p0 =	seq.s32 s7, s2  }
0x1e: {  	s7 =	smul.u32 @!p0 $0xF7A, s2;
	p2 =	seq.s32 @!p0 s5, $0x0  }
0x1f: {  	s9 =	smul.u32 $0xF7A, s1;
	s8 =	simm.s32 @!p0 $0x1BF5;
	p2 =	por !p2, p0  }
0x20: {  	[sflag:s8] =	ssyncset.s32 @!p0 $0xFFFFF086;
	s6 =	sadd.s32 @!p0 s3, s7;
	s7 =	simm.s32 @!p0 $0x108  }
0x21: {  	s3 =	sadd.s32 s3, s9;
	s6 =	sadd.s32 @!p0 $0x88, s6;
	s7 =	simm.s32 @p2 $0x1082  }
0x22: {  	[simem:s7], [sflag:s8] =	dma.local @!p0 [hbm:s6], $0xF7A  }
0x23: {  	s9 =	sor.u32 $0xD0000000, s2;
	s6 =	simm.s32 $0x108;
	_ =	swait.ge @!p0 [sflag:s8], $0x0  }
0x24: {  	s3 =	sadd.s32 $0x88, s3;
	s6 =	simm.s32 @!p1 $0x1082;
	[sflag:s4] =	ssyncset.s32 $0xFFFFF086  }
0x25: {  	[simem:s6], [sflag:s4] =	dma.local [hbm:s3], $0xF7A  }
0x26: {  	[smem:$0x3F98] =	sst s1;
	(tag) =	ssettag s2;
	_ =	strace s9  }
0x27: {  	s1 =	sld [smem:$0x3FA8]  }
0x28: {  	s2 =	sld [smem:$0x3FA9]  }
0x29: {  	s4 =	sld [smem:$0x3FAB]  }
0x2a: {  	p0 =	seq.s32 s5, $0x0;
	s5 =	sld [smem:$0x3FAC]  }
0x2b: {  	s6 =	sld [smem:$0x3FAD]  }
0x2c: {  	s7 =	sld [smem:$0x3FAE]  }
0x2d: {  	s3 =	simm.s32 $0x108;
	s8 =	sld [smem:$0x3FAF]  }
0x2e: {  	s3 =	simm.s32 @!p0 $0x1082;
	s9 =	sld [smem:$0x3FB0]  }
0x2f: {  	lr =	sadd.s32 s0, s3;
	s0 =	sld [smem:$0x3FA7]  }
0x30: {  	s3 =	sld [smem:$0x3FAA]  }
0x31: {  	[smem:$0x3FB3] =	sst s10  }
0x32: {  	s10 =	sld [smem:$0x3FB1];
	_ =	sdelay $0x3  }
0x33: {  	p0 =	seq.s32 s10, $0x1;
	s10 =	sld [smem:$0x3FB3];
	_ =	sdelay $0x3  }
0x34: {  	[smem:$0x3FB3] =	sst s10  }
0x35: {  	s10 =	sld [smem:$0x3FB2];
	_ =	sdelay $0x3  }
0x36: {  	p1 =	seq.s32 s10, $0x1;
	s10 =	sld [smem:$0x3FB3];
	_ =	sdelay $0x3  }
0x37: {  	[smem:$0x3FB3] =	sst s10  }
0x38: {  	s10 =	sld [smem:$0x3FB4]  }
0x39: {  	_ = 	snop;
	(pc) =	sbr.ind lr, $3  }
0x3a: {  	_ = 	snop  }
0x3b: {  	_ = 	snop  }
0x3c: {  	p2 =	seq.s32 s10, $0x1;
	s10 =	sld [smem:$0x3FB3]  }
0x3d: {  	_ =	shalt  }
0x3e: {  	_ =	shalt  }
0x3f: {  	_ =	shalt  }
0x40: {  	_ =	shalt  }
0x41: {  	_ =	shalt  }
0x42: {  	_ =	shalt  }
0x43: {  	_ =	shalt  }
0x44: {  	_ =	shalt  }
0x45: {  	_ =	shalt  }
0x46: {  	_ =	shalt  }
0x47: {  	_ =	shalt  }
0x48: {  	_ =	shalt  }
0x49: {  	_ =	shalt  }
0x4a: {  	_ =	shalt  }
0x4b: {  	_ =	shalt  }
0x4c: {  	_ =	shalt  }
0x4d: {  	_ =	shalt  }
0x4e: {  	_ =	shalt  }
0x4f: {  	_ =	shalt  }
0x50: {  	_ =	shalt  }
0x51: {  	_ =	shalt  }
0x52: {  	_ =	shalt  }
0x53: {  	_ =	shalt  }
0x54: {  	_ =	shalt  }
0x55: {  	_ =	shalt  }
0x56: {  	_ =	shalt  }
0x57: {  	_ =	shalt  }
0x58: {  	_ =	shalt  }
0x59: {  	_ =	shalt  }
0x5a: {  	_ =	shalt  }
0x5b: {  	_ =	shalt  }
0x5c: {  	_ =	shalt  }
0x5d: {  	_ =	shalt  }
0x5e: {  	_ =	shalt  }
0x5f: {  	_ =	shalt  }
0x60: {  	_ =	shalt  }
0x61: {  	_ =	shalt  }
0x62: {  	_ =	shalt  }
0x63: {  	_ =	shalt  }
0x64: {  	_ =	shalt  }
0x65: {  	_ =	shalt  }
0x66: {  	_ =	shalt  }
0x67: {  	_ =	shalt  }
0x68: {  	_ =	shalt  }
0x69: {  	_ =	shalt  }
0x6a: {  	_ =	shalt  }
0x6b: {  	_ =	shalt  }
0x6c: {  	_ =	shalt  }
0x6d: {  	_ =	shalt  }
0x6e: {  	_ =	shalt  }
0x6f: {  	_ =	shalt  }
0x70: {  	_ =	shalt  }
0x71: {  	_ =	shalt  }
0x72: {  	_ =	shalt  }
0x73: {  	_ =	shalt  }
0x74: {  	_ =	shalt  }
0x75: {  	_ =	shalt  }
0x76: {  	_ =	shalt  }
0x77: {  	_ =	shalt  }
0x78: {  	_ =	shalt  }
0x79: {  	_ =	shalt  }
0x7a: {  	_ =	shalt  }
0x7b: {  	_ =	shalt  }
0x7c: {  	_ =	shalt  }
0x7d: {  	_ =	shalt  }
0x7e: {  	_ =	shalt  }
0x7f: {  	_ =	shalt  }
0x80: {  	_ =	shalt  }
0x81: {  	_ =	shalt  }
0x82: {  	_ =	shalt  }
0x83: {  	_ =	shalt  }
0x84: {  	_ =	shalt  }
0x85: {  	_ =	shalt  }
0x86: {  	_ =	shalt  }
0x87: {  	_ =	shalt  }
.Lfunc_end0:
.L_simem_size_0:
called_computation.3_lowered:
.L_overlay_start_0:
0x88: {  	s2 =	sld [smem:$0x3FD9]  }
0x89: {  	s3 =	sld [smem:$0x3FFE];
	_ =	sdelay $0x1  }
0x8a: {  	s1 =	srdreg.scid  }
0x8b: {  	s0 =	sand.u32 $0x1, s1  }
0x8c: {  	s17 =	sshll.u32 s0, $0xA;
	s2 =	sadd.s32 s3, s2  }
0x8d: {  	s2 =	sadd.s32 s2, s17  }
0x8e: {  	[smem:$0x3FBF] =	sst s2  }
0x8f: {  	_ = 	snop  }
0x90: {  	(tm) =	ssettm $0x1  }
0x91: {  	s18 =	sld [smem:$0x3FFB];
	_ =	sdelay $0x3  }
0x92: {  	_ =	strace s18  }
0x93: {  	s2 =	sld [smem:$0x3FFC];
	_ =	sdelay $0x3  }
0x94: {  	_ =	strace s2  }
0x95: {  	s2 =	sld [smem:$0x3FFD];
	_ =	sdelay $0x3  }
0x96: {  	_ =	strace s2  }
0x97: {  	_ =	strace $0x8FFFFFFF  }
0x98: {  	s19 =	sld [smem:$0x3FDB];
	_ =	sdelay $0x1  }
0x99: {  	s20 =	simm.s32 $_scs_section_size  }
0x9a: {  	s4 =	simm.s32 $_size__tile_overlayer_lowered;
	s5 =	simm.s32 $_tile_overlayer_lowered  }
0x9b: {  	s6 =	simm.s32 $0x1BFF;
	s21 =	sshll.u32 s5, $0x1;
	s3 =	sadd.s32 s20, s19  }
0x9c: {  	s22 =	simm.s32 $0x0;
	s4 =	sshll.u32 s4, $0x1;
	s5 =	sadd.s32 s21, s3  }
0x9d: {  	[timem:s22], [sflag:s6] =	dma.local [hbm:s5], s4  }
0x9e: {  	_ =	swait.ge [sflag:s6], s4  }
0x9f: {  	s4 =	ssub.s32 $0x0, s4;
	[sflag:s6] =	ssyncset.done $0x0  }
0xa0: {  	[sflag:s6] =	ssyncadd.s32 s4;
	_ =	sdelay $0x1  }
0xa1: {  	s23 =	simm.s32 $0x1B8B  }
0xa2: {  	_ =	swait.ge [sflag:s23], $0x1  }
0xa3: {  	[sflag:s23] =	ssyncset.done $0x0  }
0xa4: {  	[sflag:s23] =	ssyncadd.s32 $0xFFFFFFFF  }
0xa5: {  	s4 =	sld [smem:$0x0]  }
0xa6: {  	s5 =	sand.u32 $0xFFFFFFFE, s1  }
0xa7: {  	p0 =	sne.s32 s1, s5  }
0xa8: {  	s5 =	sshll.u32 @p0 s5, $0xE  }
0xa9: {  	s5 =	sadd.s32 @p0 $0x11B8D, s5;
	s6 =	sshll.u32 @p0 s4, $0x11  }
0xaa: {  	s5 =	sor.u32 @p0 s6, s5  }
0xab: {  	[sflag:s5] =	ssyncadd.remote.s32 @p0 $0x1;
	_ =	sdelay $0x1  }
0xac: {  	s5 =	simm.s32 @p0 $0x1B8D  }
0xad: {  	_ =	swait.eq @p0 [sflag:s5], $0x1  }
0xae: {  	[sflag:s5] =	ssyncadd.s32 @p0 $0xFFFFFFFF  }
0xaf: {  	s6 =	sshll.u32 @!p0 s1, $0xE  }
0xb0: {  	s6 =	sor.u32 @!p0 $0x4000, s6;
	s5 =	simm.s32 @!p0 $0x1B8D  }
0xb1: {  	s4 =	sshll.u32 @!p0 s4, $0x11;
	s6 =	sadd.s32 @!p0 $0x11B8D, s6;
	_ =	swait.eq @!p0 [sflag:s5], $0x1  }
0xb2: {  	s4 =	sor.u32 @!p0 s4, s6;
	[sflag:s5] =	ssyncadd.s32 @!p0 $0xFFFFFFFF  }
0xb3: {  	s25 =	simm.s32 $0x1B8E;
	s24 =	sld [smem:$0x3FFE];
	[sflag:s4] =	ssyncadd.remote.s32 @!p0 $0x1  }
0xb4: {  	s26 =	simm.s32 $execute0_lowered;
	[smem:$0x3FD2] =	sst s25  }
0xb5: {  	s5 =	sshll.u32 s26, $0x1;
	_ =	strace $0x80000055;
	[dreg:$0x1] =	wrdreg $0xFFFFFFFF  }
0xb6: {  	s28 =	simm.s32 $_size_execute0_lowered;
	s3 =	sadd.s32 s3, s5;
	[dreg:$0x0] =	wrdreg $0x0  }
0xb7: {  	s5 =	sshll.u32 s28, $0x1;
	[dreg:$0x2] =	wrdreg s3  }
0xb8: {  	[dreg:$0x3] =	wrdreg s5  }
0xb9: {  	[dreg:$0x4] =	wrdreg $0xC0  }
0xba: {  	_ =	task [dreg:s22], $0x5FFFF  }
0xbb: {  	[dreg:$0x1] =	wrdreg $0xFFFFFFFF  }
0xbc: {  	[dreg:$0x0] =	wrdreg $0x60  }
0xbd: {  	[dreg:$0x2] =	wrdreg s24  }
0xbe: {  	[dreg:$0x3] =	wrdreg $0xB  }
0xbf: {  	_ =	task.clear_ibuf [dreg:s22], $0x4FFFF;
	_ =	strace $0x90000055  }
0xc0: {  	s29 =	simm.s32 $0xB;
	_ =	strace $0x80000057  }
0xc1: {  	_ =	swait.ge [sflag:s29], $0x1  }
0xc2: {  	[sflag:s29] =	ssyncadd.s32 $0xFFFFFFFF  }
0xc3: {  	_ =	strace $0x90000057  }
0xc4: {  	_ =	sfence  }
0xc5: {  	s30 =	sld [smem:$0x0];
	_ =	sdelay $0x2  }
0xc6: {  	s31 =	sshll.u32 s1, $0xD;
	s1 =	sshrl.u32 s1, $0x2  }
0xc7: {  	s4 =	sand.u32 $0x4000, s31;
	s1 =	sadd.s32 s1, s30  }
0xc8: {  	s0 =	sor.u32 s4, s0;
	s1 =	sshll.u32 s1, $0x11  }
0xc9: {  	s0 =	sor.u32 s1, s0  }
0xca: {  	s0 =	sadd.s32 $0x8F2B, s0  }
0xcb: {  	[sflag:s0] =	ssyncadd.remote.s32 $0x1  }
0xcc: {  	_ =	sfence.sel $0xFFFF  }
0xcd: {  	[dreg:$0x0] =	wrdreg $0xFFFFFFFF;
	(pc) =	sbr.abs _section_cstart, $3  }
0xce: {  	[dreg:$0x1] =	wrdreg $0xFFFFFFFF  }
0xcf: {  	_ =	task.clear_ibuf [dreg:s22], $0x2FFFF;
	_ =	strace $0x9FFFFFFF  }
0xd0: {  	(tm) =	ssettm $0x7FFFFFFF  }
0xd1: {  	_ =	shalt  }
tec
execute0_lowered:
.L_overlay_start_1:
0x0: {  	(tag) =	ssettag $0x1  }
0x1: {  	s4 =	rddreg [dreg:$0x0]  }
0x2: {  	s0 =	rddreg [dreg:$0x1];
	s1 =	stileid.u32  }
0x3: {  	s2 =	simm.s32 $0x0;
	s3 =	srdreg.scid;
	s5 =	smul.u32 $0x280, s1  }
0x4: {  	[smem:$0x7FF] =	sst s2;
	s6 =	smul.u32 $0x14000, s1;
	s7 =	sand.u32 $0x1, s3  }
0x5: {  	s3 =	sadd.s32 $0x41400, s4;
	s8 =	ssub.s32 $0x2, s7;
	s9 =	smul.u32 $0xA000, s7  }
0x6: {  	_ =	strace $0x80000056;
	s7 =	smul.u32 $0x140, s7;
	s10 =	sshrl.u32 s8, $0x1  }
0x7: {  	s5 =	sadd.s32 s5, s4;
	s6 =	sadd.s32 s6, s4;
	s31 =	ssub.s32 s8, s10  }
0x8: {  	s6 =	sadd.s32 s9, s6;
	s7 =	sadd.s32 s7, s5;
	s8 =	simm.s32 $0x80  }
0x9: {  	s9 =	simm.s32 $0x1;
	s10 =	simm.s32 $0x0;
	s4 =	smax.u32 s31, $0x1  }
0xa: {  	s5 =	sadd.s32 $0x209C00, s6;
	s6 =	sadd.s32 $0x8C00, s7;
	s7 =	simm.s32 $0x2  }
.LBB2_1:
0xb: {  	s11 =	sadd.s32 $0x0, s6  }
0xc: {  	[tilespmem:s2], [sflag:$0x2] =	stream.linear.gather [hbm4b:s11+s2], $0x80, $0x38;
	[tilespmem:$0x4080] =	vst v63  }
0xd: {  	_ =	swait.ge [sflag:s7], $0x80  }
0xe: {  	[sflag:s7] =	ssyncset.done $0x0  }
0xf: {  	[sflag:s7] =	ssyncadd.s32 $0xFFFFFF80  }
0x10: {  	[tilespmem:s8], [sflag:$0x1] =	stream.indirect.gather [hbm4b:s3+s8], $0x80, s2, s8, $0xb8;
	[tilespmem:$0x4080] =	vst v63  }
0x11: {  	_ =	swait.ge [sflag:s9], $0x4000  }
0x12: {  	[sflag:s9] =	ssyncset.done $0x0  }
0x13: {  	[sflag:s9] =	ssyncadd.s32 $0xFFFFC000  }
0x14: {  	[hbm4b:s5+s2] =	stream.linear.scatter [tilespmem:s8], [sflag:$0x2], $0x4000, $0x38;
	[tilespmem:$0x4080] =	vst v63  }
0x15: {  	s12 =	simm.s32 $0x10;
	_ =	swait.ge [sflag:s7], $0x4000  }
0x16: {  	s13 =	simm.s32 $0x20;
	s11 =	sadd.s32 $0x800, s5;
	[sflag:s7] =	ssyncset.done $0x0  }
.LBB2_2:
0x17: {  	s14 =	sadd.s32 s12, s6  }
0x18: {  	[sflag:s7] =	ssyncadd.s32 $0xFFFFC000;
	s12 =	smov.u32 s13;
	s15 =	sadd.s32 $0x10, s13  }
0x19: {  	[tilespmem:s2], [sflag:$0x2] =	stream.linear.gather [hbm4b:s14+s2], $0x80, $0x38;
	[tilespmem:$0x4080] =	vst v63  }
0x1a: {  	p0 =	sne.s32 s13, $0x130;
	_ =	swait.ge [sflag:s7], $0x80  }
0x1b: {  	[sflag:s7] =	ssyncset.done $0x0  }
0x1c: {  	[sflag:s7] =	ssyncadd.s32 $0xFFFFFF80  }
0x1d: {  	[tilespmem:s8], [sflag:$0x1] =	stream.indirect.gather [hbm4b:s3+s8], $0x80, s2, s8, $0xb8;
	[tilespmem:$0x4080] =	vst v63  }
0x1e: {  	_ =	swait.ge [sflag:s9], $0x4000  }
.Ltmp0:
0x1f: {  	[sflag:s9] =	ssyncset.done $0x0;
	(pc) =	sbr.rel @p0 .LBB2_2-.Ltmp0, $4  }
0x20: {  	[sflag:s9] =	ssyncadd.s32 $0xFFFFC000  }
0x21: {  	[hbm4b:s11+s2] =	stream.linear.scatter [tilespmem:s8], [sflag:$0x2], $0x4000, $0x38;
	[tilespmem:$0x4080] =	vst v63  }
0x22: {  	_ =	swait.ge [sflag:s7], $0x4000  }
0x23: {  	s13 =	smov.u32 s15;
	s11 =	sadd.s32 $0x800, s11;
	[sflag:s7] =	ssyncset.done $0x0  }
0x24: {  	s12 =	sadd.s32 s12, s6;
	[sflag:s7] =	ssyncadd.s32 $0xFFFFC000  }
0x25: {  	[tilespmem:s2], [sflag:$0x2] =	stream.linear.gather [hbm4b:s12+s2], $0x80, $0x38;
	[tilespmem:$0x4080] =	vst v63  }
0x26: {  	_ =	swait.ge [sflag:s7], $0x80  }
0x27: {  	[sflag:s7] =	ssyncset.done $0x0  }
0x28: {  	[sflag:s7] =	ssyncadd.s32 $0xFFFFFF80  }
0x29: {  	[tilespmem:s8], [sflag:$0x1] =	stream.indirect.gather [hbm4b:s3+s8], $0x80, s2, s8, $0xb8;
	[tilespmem:$0x4080] =	vst v63  }
0x2a: {  	s10 =	sadd.s32 $0x1, s10;
	_ =	swait.ge [sflag:s9], $0x4000  }
0x2b: {  	p0 =	sne.s32 s10, s4;
	[sflag:s9] =	ssyncset.done $0x0  }
.Ltmp1:
0x2c: {  	[sflag:s9] =	ssyncadd.s32 $0xFFFFC000;
	(pc) =	sbr.rel @p0 .LBB2_1-.Ltmp1, $4  }
0x2d: {  	[hbm4b:s11+s2] =	stream.linear.scatter [tilespmem:s8], [sflag:$0x2], $0x4000, $0x38;
	[tilespmem:$0x4080] =	vst v63  }
0x2e: {  	_ =	swait.ge [sflag:s7], $0x4000  }
0x2f: {  	[sflag:s7] =	ssyncset.done $0x0  }
0x30: {  	[sflag:s7] =	ssyncadd.s32 $0xFFFFC000  }
0x31: {  	_ =	sfence.sel $0x180000  }
0x32: {  	[bflag:$0x0] =	sbarrier.arrive $0xFFFF  }
0x33: {  	p0 =	sne.s32 s1, $0x0;
	_ =	strace $0x90000056  }
0x34: {  	s0 =	sadd.s32 @!p0 $0x100000, s0;
	[bflag:$0x2] =	sbarrier.arrive $0xFFFF  }
0x35: {  	[sflag:s0] =	ssyncadd.tile.s32 @!p0 $0x1;
	_ =	shalt  }
.Lfunc_end2:
_tile_overlayer_lowered:
.L_overlay_start_2:
0x36: {  	(tag) =	ssettag $0x2  }
0x37: {  	s0 =	rddreg [dreg:$0x0];
	s2 =	stileid.u32  }
0x38: {  	s1 =	rddreg [dreg:$0x1];
	p0 =	sne.s32 s2, $0x0  }
0x39: {  	s3 =	rddreg [dreg:$0x2];
	[bflag:$0x3] =	sbarrier.arrive $0xFFFF;
	s2 =	simm.s32 @!p0 $0x1C02  }
0x3a: {  	[timem:s3], [sflag:s2] =	dma.local @!p0 [hbm:s0], s1  }
0x3b: {  	s0 =	simm.s32 @!p0 $0x2  }
0x3c: {  	_ =	swait.ge @!p0 [sflag:s0], s1  }
0x3d: {  	s1 =	ssub.s32 @!p0 $0x0, s1;
	[sflag:s0] =	ssyncset.done @!p0 $0x0  }
0x3e: {  	[sflag:s0] =	ssyncadd.s32 @!p0 s1  }
0x3f: {  	[bflag:$0x3] =	sbarrier.arrive $0xFFFF  }
0x40: {  	_ =	shalt  }

// kernel: kernel.38.cloned.1.call-start
scs
__scs_entry_jumppad:
0x0: {  	(pc) =	sbr.rel $0x88, $3  }
0x1: {  	(tag) =	ssettag $0x0;
	lr =	simm.s32 $0x1  }
0x2: {  	[smem:$0x3F98] =	sst lr;
	_ =	strace $0xD0000000  }
0x3: {  	_ = 	snop  }
0x4: {  	_ = 	snop  }
0x5: {  	_ = 	snop  }
0x6: {  	_ = 	snop  }
0x7: {  	_ = 	snop  }
__scs_overlays_trampoline_lowered:
0x8: {  	[smem:$0x3FA7] =	sst s0  }
0x9: {  	[smem:$0x3FA8] =	sst s1  }
0xa: {  	[smem:$0x3FA9] =	sst s2  }
0xb: {  	[smem:$0x3FAA] =	sst s3  }
0xc: {  	[smem:$0x3FAB] =	sst s4  }
0xd: {  	[smem:$0x3FAC] =	sst s5  }
0xe: {  	[smem:$0x3FAD] =	sst s6  }
0xf: {  	[smem:$0x3FAE] =	sst s7  }
0x10: {  	[smem:$0x3FAF] =	sst s8  }
0x11: {  	[smem:$0x3FB0] =	sst s9;
	s0 =	simm.s32 @!p0 $0x0  }
0x12: {  	s1 =	sld [smem:$0x3F96];
	s0 =	simm.s32 @p0 $0x1  }
0x13: {  	[smem:$0x3FB1] =	sst s0;
	s0 =	simm.s32 @!p1 $0x0  }
0x14: {  	s2 =	sld [smem:$0x3F95];
	s0 =	simm.s32 @p1 $0x1  }
0x15: {  	[smem:$0x3FB2] =	sst s0;
	s0 =	simm.s32 @!p2 $0x0  }
0x16: {  	s3 =	sld [smem:$0x3FDB];
	s0 =	simm.s32 @p2 $0x1  }
0x17: {  	s4 =	simm.s32 $0x1BF5;
	[smem:$0x3FB4] =	sst s0  }
0x18: {  	s0 =	sld [smem:$0x3F97];
	_ =	swait.ge [sflag:s4], $0x0  }
0x19: {  	s7 =	sld [smem:$0x3F98]  }
0x1a: {  	s8 =	sadd.s32 $0xFFFFE003, lr  }
0x1b: {  	s9 =	sadd.s32 $0xFFFFFEF7, lr;
	s5 =	simm.s32 $0xFFFFFFFF;
	p2 =	slt.u32 s8, $0xFFFFF086  }
0x1c: {  	p1 =	slt.u32 s9, $0xF7A;
	s5 =	simm.s32 @!p2 $0x0  }
0x1d: {  	s5 =	simm.s32 @p1 $0x1;
	p0 =	seq.s32 s7, s2  }
0x1e: {  	s7 =	smul.u32 @!p0 $0xF7A, s2;
	p2 =	seq.s32 @!p0 s5, $0x0  }
0x1f: {  	s9 =	smul.u32 $0xF7A, s1;
	s8 =	simm.s32 @!p0 $0x1BF5;
	p2 =	por !p2, p0  }
0x20: {  	[sflag:s8] =	ssyncset.s32 @!p0 $0xFFFFF086;
	s6 =	sadd.s32 @!p0 s3, s7;
	s7 =	simm.s32 @!p0 $0x108  }
0x21: {  	s3 =	sadd.s32 s3, s9;
	s6 =	sadd.s32 @!p0 $0x88, s6;
	s7 =	simm.s32 @p2 $0x1082  }
0x22: {  	[simem:s7], [sflag:s8] =	dma.local @!p0 [hbm:s6], $0xF7A  }
0x23: {  	s9 =	sor.u32 $0xD0000000, s2;
	s6 =	simm.s32 $0x108;
	_ =	swait.ge @!p0 [sflag:s8], $0x0  }
0x24: {  	s3 =	sadd.s32 $0x88, s3;
	s6 =	simm.s32 @!p1 $0x1082;
	[sflag:s4] =	ssyncset.s32 $0xFFFFF086  }
0x25: {  	[simem:s6], [sflag:s4] =	dma.local [hbm:s3], $0xF7A  }
0x26: {  	[smem:$0x3F98] =	sst s1;
	(tag) =	ssettag s2;
	_ =	strace s9  }
0x27: {  	s1 =	sld [smem:$0x3FA8]  }
0x28: {  	s2 =	sld [smem:$0x3FA9]  }
0x29: {  	s4 =	sld [smem:$0x3FAB]  }
0x2a: {  	p0 =	seq.s32 s5, $0x0;
	s5 =	sld [smem:$0x3FAC]  }
0x2b: {  	s6 =	sld [smem:$0x3FAD]  }
0x2c: {  	s7 =	sld [smem:$0x3FAE]  }
0x2d: {  	s3 =	simm.s32 $0x108;
	s8 =	sld [smem:$0x3FAF]  }
0x2e: {  	s3 =	simm.s32 @!p0 $0x1082;
	s9 =	sld [smem:$0x3FB0]  }
0x2f: {  	lr =	sadd.s32 s0, s3;
	s0 =	sld [smem:$0x3FA7]  }
0x30: {  	s3 =	sld [smem:$0x3FAA]  }
0x31: {  	[smem:$0x3FB3] =	sst s10  }
0x32: {  	s10 =	sld [smem:$0x3FB1];
	_ =	sdelay $0x3  }
0x33: {  	p0 =	seq.s32 s10, $0x1;
	s10 =	sld [smem:$0x3FB3];
	_ =	sdelay $0x3  }
0x34: {  	[smem:$0x3FB3] =	sst s10  }
0x35: {  	s10 =	sld [smem:$0x3FB2];
	_ =	sdelay $0x3  }
0x36: {  	p1 =	seq.s32 s10, $0x1;
	s10 =	sld [smem:$0x3FB3];
	_ =	sdelay $0x3  }
0x37: {  	[smem:$0x3FB3] =	sst s10  }
0x38: {  	s10 =	sld [smem:$0x3FB4]  }
0x39: {  	_ = 	snop;
	(pc) =	sbr.ind lr, $3  }
0x3a: {  	_ = 	snop  }
0x3b: {  	_ = 	snop  }
0x3c: {  	p2 =	seq.s32 s10, $0x1;
	s10 =	sld [smem:$0x3FB3]  }
0x3d: {  	_ =	shalt  }
0x3e: {  	_ =	shalt  }
0x3f: {  	_ =	shalt  }
0x40: {  	_ =	shalt  }
0x41: {  	_ =	shalt  }
0x42: {  	_ =	shalt  }
0x43: {  	_ =	shalt  }
0x44: {  	_ =	shalt  }
0x45: {  	_ =	shalt  }
0x46: {  	_ =	shalt  }
0x47: {  	_ =	shalt  }
0x48: {  	_ =	shalt  }
0x49: {  	_ =	shalt  }
0x4a: {  	_ =	shalt  }
0x4b: {  	_ =	shalt  }
0x4c: {  	_ =	shalt  }
0x4d: {  	_ =	shalt  }
0x4e: {  	_ =	shalt  }
0x4f: {  	_ =	shalt  }
0x50: {  	_ =	shalt  }
0x51: {  	_ =	shalt  }
0x52: {  	_ =	shalt  }
0x53: {  	_ =	shalt  }
0x54: {  	_ =	shalt  }
0x55: {  	_ =	shalt  }
0x56: {  	_ =	shalt  }
0x57: {  	_ =	shalt  }
0x58: {  	_ =	shalt  }
0x59: {  	_ =	shalt  }
0x5a: {  	_ =	shalt  }
0x5b: {  	_ =	shalt  }
0x5c: {  	_ =	shalt  }
0x5d: {  	_ =	shalt  }
0x5e: {  	_ =	shalt  }
0x5f: {  	_ =	shalt  }
0x60: {  	_ =	shalt  }
0x61: {  	_ =	shalt  }
0x62: {  	_ =	shalt  }
0x63: {  	_ =	shalt  }
0x64: {  	_ =	shalt  }
0x65: {  	_ =	shalt  }
0x66: {  	_ =	shalt  }
0x67: {  	_ =	shalt  }
0x68: {  	_ =	shalt  }
0x69: {  	_ =	shalt  }
0x6a: {  	_ =	shalt  }
0x6b: {  	_ =	shalt  }
0x6c: {  	_ =	shalt  }
0x6d: {  	_ =	shalt  }
0x6e: {  	_ =	shalt  }
0x6f: {  	_ =	shalt  }
0x70: {  	_ =	shalt  }
0x71: {  	_ =	shalt  }
0x72: {  	_ =	shalt  }
0x73: {  	_ =	shalt  }
0x74: {  	_ =	shalt  }
0x75: {  	_ =	shalt  }
0x76: {  	_ =	shalt  }
0x77: {  	_ =	shalt  }
0x78: {  	_ =	shalt  }
0x79: {  	_ =	shalt  }
0x7a: {  	_ =	shalt  }
0x7b: {  	_ =	shalt  }
0x7c: {  	_ =	shalt  }
0x7d: {  	_ =	shalt  }
0x7e: {  	_ =	shalt  }
0x7f: {  	_ =	shalt  }
0x80: {  	_ =	shalt  }
0x81: {  	_ =	shalt  }
0x82: {  	_ =	shalt  }
0x83: {  	_ =	shalt  }
0x84: {  	_ =	shalt  }
0x85: {  	_ =	shalt  }
0x86: {  	_ =	shalt  }
0x87: {  	_ =	shalt  }
.Lfunc_end0:
.L_simem_size_0:
called_computation.4_lowered:
.L_overlay_start_0:
0x88: {  	s2 =	sld [smem:$0x3FD9]  }
0x89: {  	s3 =	sld [smem:$0x3FFE];
	_ =	sdelay $0x1  }
0x8a: {  	s1 =	srdreg.scid  }
0x8b: {  	s0 =	sand.u32 $0x1, s1  }
0x8c: {  	s17 =	sshll.u32 s0, $0xA;
	s2 =	sadd.s32 s3, s2  }
0x8d: {  	s2 =	sadd.s32 s2, s17  }
0x8e: {  	[smem:$0x3FBF] =	sst s2  }
0x8f: {  	_ = 	snop  }
0x90: {  	(tm) =	ssettm $0x1  }
0x91: {  	s18 =	sld [smem:$0x3FFB];
	_ =	sdelay $0x3  }
0x92: {  	_ =	strace s18  }
0x93: {  	s2 =	sld [smem:$0x3FFC];
	_ =	sdelay $0x3  }
0x94: {  	_ =	strace s2  }
0x95: {  	s2 =	sld [smem:$0x3FFD];
	_ =	sdelay $0x3  }
0x96: {  	_ =	strace s2  }
0x97: {  	_ =	strace $0x8FFFFFFF  }
0x98: {  	s19 =	sld [smem:$0x3FDB];
	_ =	sdelay $0x1  }
0x99: {  	s20 =	simm.s32 $_scs_section_size  }
0x9a: {  	s4 =	simm.s32 $_size__tile_overlayer_lowered;
	s5 =	simm.s32 $_tile_overlayer_lowered  }
0x9b: {  	s6 =	simm.s32 $0x1BFF;
	s21 =	sshll.u32 s5, $0x1;
	s3 =	sadd.s32 s20, s19  }
0x9c: {  	s22 =	simm.s32 $0x0;
	s4 =	sshll.u32 s4, $0x1;
	s5 =	sadd.s32 s21, s3  }
0x9d: {  	[timem:s22], [sflag:s6] =	dma.local [hbm:s5], s4  }
0x9e: {  	_ =	swait.ge [sflag:s6], s4  }
0x9f: {  	s4 =	ssub.s32 $0x0, s4;
	[sflag:s6] =	ssyncset.done $0x0  }
0xa0: {  	[sflag:s6] =	ssyncadd.s32 s4;
	_ =	sdelay $0x1  }
0xa1: {  	s23 =	simm.s32 $0x1B8B  }
0xa2: {  	_ =	swait.ge [sflag:s23], $0x1  }
0xa3: {  	[sflag:s23] =	ssyncset.done $0x0  }
0xa4: {  	[sflag:s23] =	ssyncadd.s32 $0xFFFFFFFF  }
0xa5: {  	s4 =	sld [smem:$0x0]  }
0xa6: {  	s5 =	sand.u32 $0xFFFFFFFE, s1  }
0xa7: {  	p0 =	sne.s32 s1, s5  }
0xa8: {  	s5 =	sshll.u32 @p0 s5, $0xE  }
0xa9: {  	s5 =	sadd.s32 @p0 $0x11B8D, s5;
	s6 =	sshll.u32 @p0 s4, $0x11  }
0xaa: {  	s5 =	sor.u32 @p0 s6, s5  }
0xab: {  	[sflag:s5] =	ssyncadd.remote.s32 @p0 $0x1;
	_ =	sdelay $0x1  }
0xac: {  	s5 =	simm.s32 @p0 $0x1B8D  }
0xad: {  	_ =	swait.eq @p0 [sflag:s5], $0x1  }
0xae: {  	[sflag:s5] =	ssyncadd.s32 @p0 $0xFFFFFFFF  }
0xaf: {  	s6 =	sshll.u32 @!p0 s1, $0xE  }
0xb0: {  	s6 =	sor.u32 @!p0 $0x4000, s6;
	s5 =	simm.s32 @!p0 $0x1B8D  }
0xb1: {  	s4 =	sshll.u32 @!p0 s4, $0x11;
	s6 =	sadd.s32 @!p0 $0x11B8D, s6;
	_ =	swait.eq @!p0 [sflag:s5], $0x1  }
0xb2: {  	s4 =	sor.u32 @!p0 s4, s6;
	[sflag:s5] =	ssyncadd.s32 @!p0 $0xFFFFFFFF  }
0xb3: {  	s25 =	simm.s32 $0x1B8E;
	s24 =	sld [smem:$0x3FFE];
	[sflag:s4] =	ssyncadd.remote.s32 @!p0 $0x1  }
0xb4: {  	s26 =	simm.s32 $execute0_lowered;
	[smem:$0x3FD2] =	sst s25  }
0xb5: {  	s5 =	sshll.u32 s26, $0x1;
	_ =	strace $0x8000004C;
	[dreg:$0x1] =	wrdreg $0xFFFFFFFF  }
0xb6: {  	s28 =	simm.s32 $_size_execute0_lowered;
	s3 =	sadd.s32 s3, s5;
	[dreg:$0x0] =	wrdreg $0x0  }
0xb7: {  	s5 =	sshll.u32 s28, $0x1;
	[dreg:$0x2] =	wrdreg s3  }
0xb8: {  	[dreg:$0x3] =	wrdreg s5  }
0xb9: {  	[dreg:$0x4] =	wrdreg $0xC0  }
0xba: {  	_ =	task [dreg:s22], $0x5FFFF  }
0xbb: {  	[dreg:$0x1] =	wrdreg $0xFFFFFFFF  }
0xbc: {  	[dreg:$0x0] =	wrdreg $0x60  }
0xbd: {  	[dreg:$0x2] =	wrdreg s24  }
0xbe: {  	[dreg:$0x3] =	wrdreg $0xC  }
0xbf: {  	_ =	task.clear_ibuf [dreg:s22], $0x4FFFF;
	_ =	strace $0x9000004C  }
0xc0: {  	s29 =	simm.s32 $0xC;
	_ =	strace $0x8000004E  }
0xc1: {  	_ =	swait.ge [sflag:s29], $0x1  }
0xc2: {  	[sflag:s29] =	ssyncadd.s32 $0xFFFFFFFF  }
0xc3: {  	_ =	strace $0x9000004E  }
0xc4: {  	_ =	sfence  }
0xc5: {  	s30 =	sld [smem:$0x0];
	_ =	sdelay $0x2  }
0xc6: {  	s31 =	sshll.u32 s1, $0xD;
	s1 =	sshrl.u32 s1, $0x2  }
0xc7: {  	s4 =	sand.u32 $0x4000, s31;
	s1 =	sadd.s32 s1, s30  }
0xc8: {  	s0 =	sor.u32 s4, s0;
	s1 =	sshll.u32 s1, $0x11  }
0xc9: {  	s0 =	sor.u32 s1, s0  }
0xca: {  	s0 =	sadd.s32 $0x8F2B, s0  }
0xcb: {  	[sflag:s0] =	ssyncadd.remote.s32 $0x1  }
0xcc: {  	_ =	sfence.sel $0xFFFF  }
0xcd: {  	[dreg:$0x0] =	wrdreg $0xFFFFFFFF;
	(pc) =	sbr.abs _section_cstart, $3  }
0xce: {  	[dreg:$0x1] =	wrdreg $0xFFFFFFFF  }
0xcf: {  	_ =	task.clear_ibuf [dreg:s22], $0x2FFFF;
	_ =	strace $0x9FFFFFFF  }
0xd0: {  	(tm) =	ssettm $0x7FFFFFFF  }
0xd1: {  	_ =	shalt  }
tec
execute0_lowered:
.L_overlay_start_1:
0x0: {  	(tag) =	ssettag $0x1  }
0x1: {  	s4 =	rddreg [dreg:$0x0]  }
0x2: {  	s0 =	rddreg [dreg:$0x1];
	s1 =	stileid.u32  }
0x3: {  	s2 =	simm.s32 $0x0;
	s3 =	srdreg.scid;
	s5 =	smul.u32 $0x280, s1  }
0x4: {  	[smem:$0x7FF] =	sst s2;
	s6 =	smul.u32 $0x14000, s1;
	s7 =	sand.u32 $0x1, s3  }
0x5: {  	s3 =	sadd.s32 $0x89C00, s4;
	s8 =	ssub.s32 $0x2, s7;
	s9 =	smul.u32 $0xA000, s7  }
0x6: {  	_ =	strace $0x8000004D;
	s7 =	smul.u32 $0x140, s7;
	s10 =	sshrl.u32 s8, $0x1  }
0x7: {  	s5 =	sadd.s32 s5, s4;
	s6 =	sadd.s32 s6, s4;
	s31 =	ssub.s32 s8, s10  }
0x8: {  	s6 =	sadd.s32 s9, s6;
	s7 =	sadd.s32 s7, s5;
	s8 =	simm.s32 $0x80  }
0x9: {  	s9 =	simm.s32 $0x1;
	s10 =	simm.s32 $0x0;
	s4 =	smax.u32 s31, $0x1  }
0xa: {  	s5 =	sadd.s32 $0x349C00, s6;
	s6 =	sadd.s32 $0xC400, s7;
	s7 =	simm.s32 $0x2  }
.LBB2_1:
0xb: {  	s11 =	sadd.s32 $0x0, s6  }
0xc: {  	[tilespmem:s2], [sflag:$0x2] =	stream.linear.gather [hbm4b:s11+s2], $0x80, $0x38;
	[tilespmem:$0x4080] =	vst v63  }
0xd: {  	_ =	swait.ge [sflag:s7], $0x80  }
0xe: {  	[sflag:s7] =	ssyncset.done $0x0  }
0xf: {  	[sflag:s7] =	ssyncadd.s32 $0xFFFFFF80  }
0x10: {  	[tilespmem:s8], [sflag:$0x1] =	stream.indirect.gather [hbm4b:s3+s8], $0x80, s2, s8, $0xb8;
	[tilespmem:$0x4080] =	vst v63  }
0x11: {  	_ =	swait.ge [sflag:s9], $0x4000  }
0x12: {  	[sflag:s9] =	ssyncset.done $0x0  }
0x13: {  	[sflag:s9] =	ssyncadd.s32 $0xFFFFC000  }
0x14: {  	[hbm4b:s5+s2] =	stream.linear.scatter [tilespmem:s8], [sflag:$0x2], $0x4000, $0x38;
	[tilespmem:$0x4080] =	vst v63  }
0x15: {  	s12 =	simm.s32 $0x10;
	_ =	swait.ge [sflag:s7], $0x4000  }
0x16: {  	s13 =	simm.s32 $0x20;
	s11 =	sadd.s32 $0x800, s5;
	[sflag:s7] =	ssyncset.done $0x0  }
.LBB2_2:
0x17: {  	s14 =	sadd.s32 s12, s6  }
0x18: {  	[sflag:s7] =	ssyncadd.s32 $0xFFFFC000;
	s12 =	smov.u32 s13;
	s15 =	sadd.s32 $0x10, s13  }
0x19: {  	[tilespmem:s2], [sflag:$0x2] =	stream.linear.gather [hbm4b:s14+s2], $0x80, $0x38;
	[tilespmem:$0x4080] =	vst v63  }
0x1a: {  	p0 =	sne.s32 s13, $0x130;
	_ =	swait.ge [sflag:s7], $0x80  }
0x1b: {  	[sflag:s7] =	ssyncset.done $0x0  }
0x1c: {  	[sflag:s7] =	ssyncadd.s32 $0xFFFFFF80  }
0x1d: {  	[tilespmem:s8], [sflag:$0x1] =	stream.indirect.gather [hbm4b:s3+s8], $0x80, s2, s8, $0xb8;
	[tilespmem:$0x4080] =	vst v63  }
0x1e: {  	_ =	swait.ge [sflag:s9], $0x4000  }
.Ltmp0:
0x1f: {  	[sflag:s9] =	ssyncset.done $0x0;
	(pc) =	sbr.rel @p0 .LBB2_2-.Ltmp0, $4  }
0x20: {  	[sflag:s9] =	ssyncadd.s32 $0xFFFFC000  }
0x21: {  	[hbm4b:s11+s2] =	stream.linear.scatter [tilespmem:s8], [sflag:$0x2], $0x4000, $0x38;
	[tilespmem:$0x4080] =	vst v63  }
0x22: {  	_ =	swait.ge [sflag:s7], $0x4000  }
0x23: {  	s13 =	smov.u32 s15;
	s11 =	sadd.s32 $0x800, s11;
	[sflag:s7] =	ssyncset.done $0x0  }
0x24: {  	s12 =	sadd.s32 s12, s6;
	[sflag:s7] =	ssyncadd.s32 $0xFFFFC000  }
0x25: {  	[tilespmem:s2], [sflag:$0x2] =	stream.linear.gather [hbm4b:s12+s2], $0x80, $0x38;
	[tilespmem:$0x4080] =	vst v63  }
0x26: {  	_ =	swait.ge [sflag:s7], $0x80  }
0x27: {  	[sflag:s7] =	ssyncset.done $0x0  }
0x28: {  	[sflag:s7] =	ssyncadd.s32 $0xFFFFFF80  }
0x29: {  	[tilespmem:s8], [sflag:$0x1] =	stream.indirect.gather [hbm4b:s3+s8], $0x80, s2, s8, $0xb8;
	[tilespmem:$0x4080] =	vst v63  }
0x2a: {  	s10 =	sadd.s32 $0x1, s10;
	_ =	swait.ge [sflag:s9], $0x4000  }
0x2b: {  	p0 =	sne.s32 s10, s4;
	[sflag:s9] =	ssyncset.done $0x0  }
.Ltmp1:
0x2c: {  	[sflag:s9] =	ssyncadd.s32 $0xFFFFC000;
	(pc) =	sbr.rel @p0 .LBB2_1-.Ltmp1, $4  }
0x2d: {  	[hbm4b:s11+s2] =	stream.linear.scatter [tilespmem:s8], [sflag:$0x2], $0x4000, $0x38;
	[tilespmem:$0x4080] =	vst v63  }
0x2e: {  	_ =	swait.ge [sflag:s7], $0x4000  }
0x2f: {  	[sflag:s7] =	ssyncset.done $0x0  }
0x30: {  	[sflag:s7] =	ssyncadd.s32 $0xFFFFC000  }
0x31: {  	_ =	sfence.sel $0x180000  }
0x32: {  	[bflag:$0x0] =	sbarrier.arrive $0xFFFF  }
0x33: {  	p0 =	sne.s32 s1, $0x0;
	_ =	strace $0x9000004D  }
0x34: {  	s0 =	sadd.s32 @!p0 $0x100000, s0;
	[bflag:$0x2] =	sbarrier.arrive $0xFFFF  }
0x35: {  	[sflag:s0] =	ssyncadd.tile.s32 @!p0 $0x1;
	_ =	shalt  }
.Lfunc_end2:
_tile_overlayer_lowered:
.L_overlay_start_2:
0x36: {  	(tag) =	ssettag $0x2  }
0x37: {  	s0 =	rddreg [dreg:$0x0];
	s2 =	stileid.u32  }
0x38: {  	s1 =	rddreg [dreg:$0x1];
	p0 =	sne.s32 s2, $0x0  }
0x39: {  	s3 =	rddreg [dreg:$0x2];
	[bflag:$0x3] =	sbarrier.arrive $0xFFFF;
	s2 =	simm.s32 @!p0 $0x1C02  }
0x3a: {  	[timem:s3], [sflag:s2] =	dma.local @!p0 [hbm:s0], s1  }
0x3b: {  	s0 =	simm.s32 @!p0 $0x2  }
0x3c: {  	_ =	swait.ge @!p0 [sflag:s0], s1  }
0x3d: {  	s1 =	ssub.s32 @!p0 $0x0, s1;
	[sflag:s0] =	ssyncset.done @!p0 $0x0  }
0x3e: {  	[sflag:s0] =	ssyncadd.s32 @!p0 s1  }
0x3f: {  	[bflag:$0x3] =	sbarrier.arrive $0xFFFF  }
0x40: {  	_ =	shalt  }

// kernel: kernel.41.cloned.1.call-start
scs
__scs_entry_jumppad:
0x0: {  	(pc) =	sbr.rel $0x88, $3  }
0x1: {  	(tag) =	ssettag $0x0;
	lr =	simm.s32 $0x1  }
0x2: {  	[smem:$0x3F98] =	sst lr;
	_ =	strace $0xD0000000  }
0x3: {  	_ = 	snop  }
0x4: {  	_ = 	snop  }
0x5: {  	_ = 	snop  }
0x6: {  	_ = 	snop  }
0x7: {  	_ = 	snop  }
__scs_overlays_trampoline_lowered:
0x8: {  	[smem:$0x3FA7] =	sst s0  }
0x9: {  	[smem:$0x3FA8] =	sst s1  }
0xa: {  	[smem:$0x3FA9] =	sst s2  }
0xb: {  	[smem:$0x3FAA] =	sst s3  }
0xc: {  	[smem:$0x3FAB] =	sst s4  }
0xd: {  	[smem:$0x3FAC] =	sst s5  }
0xe: {  	[smem:$0x3FAD] =	sst s6  }
0xf: {  	[smem:$0x3FAE] =	sst s7  }
0x10: {  	[smem:$0x3FAF] =	sst s8  }
0x11: {  	[smem:$0x3FB0] =	sst s9;
	s0 =	simm.s32 @!p0 $0x0  }
0x12: {  	s1 =	sld [smem:$0x3F96];
	s0 =	simm.s32 @p0 $0x1  }
0x13: {  	[smem:$0x3FB1] =	sst s0;
	s0 =	simm.s32 @!p1 $0x0  }
0x14: {  	s2 =	sld [smem:$0x3F95];
	s0 =	simm.s32 @p1 $0x1  }
0x15: {  	[smem:$0x3FB2] =	sst s0;
	s0 =	simm.s32 @!p2 $0x0  }
0x16: {  	s3 =	sld [smem:$0x3FDB];
	s0 =	simm.s32 @p2 $0x1  }
0x17: {  	s4 =	simm.s32 $0x1BF5;
	[smem:$0x3FB4] =	sst s0  }
0x18: {  	s0 =	sld [smem:$0x3F97];
	_ =	swait.ge [sflag:s4], $0x0  }
0x19: {  	s7 =	sld [smem:$0x3F98]  }
0x1a: {  	s8 =	sadd.s32 $0xFFFFE003, lr  }
0x1b: {  	s9 =	sadd.s32 $0xFFFFFEF7, lr;
	s5 =	simm.s32 $0xFFFFFFFF;
	p2 =	slt.u32 s8, $0xFFFFF086  }
0x1c: {  	p1 =	slt.u32 s9, $0xF7A;
	s5 =	simm.s32 @!p2 $0x0  }
0x1d: {  	s5 =	simm.s32 @p1 $0x1;
	p0 =	seq.s32 s7, s2  }
0x1e: {  	s7 =	smul.u32 @!p0 $0xF7A, s2;
	p2 =	seq.s32 @!p0 s5, $0x0  }
0x1f: {  	s9 =	smul.u32 $0xF7A, s1;
	s8 =	simm.s32 @!p0 $0x1BF5;
	p2 =	por !p2, p0  }
0x20: {  	[sflag:s8] =	ssyncset.s32 @!p0 $0xFFFFF086;
	s6 =	sadd.s32 @!p0 s3, s7;
	s7 =	simm.s32 @!p0 $0x108  }
0x21: {  	s3 =	sadd.s32 s3, s9;
	s6 =	sadd.s32 @!p0 $0x88, s6;
	s7 =	simm.s32 @p2 $0x1082  }
0x22: {  	[simem:s7], [sflag:s8] =	dma.local @!p0 [hbm:s6], $0xF7A  }
0x23: {  	s9 =	sor.u32 $0xD0000000, s2;
	s6 =	simm.s32 $0x108;
	_ =	swait.ge @!p0 [sflag:s8], $0x0  }
0x24: {  	s3 =	sadd.s32 $0x88, s3;
	s6 =	simm.s32 @!p1 $0x1082;
	[sflag:s4] =	ssyncset.s32 $0xFFFFF086  }
0x25: {  	[simem:s6], [sflag:s4] =	dma.local [hbm:s3], $0xF7A  }
0x26: {  	[smem:$0x3F98] =	sst s1;
	(tag) =	ssettag s2;
	_ =	strace s9  }
0x27: {  	s1 =	sld [smem:$0x3FA8]  }
0x28: {  	s2 =	sld [smem:$0x3FA9]  }
0x29: {  	s4 =	sld [smem:$0x3FAB]  }
0x2a: {  	p0 =	seq.s32 s5, $0x0;
	s5 =	sld [smem:$0x3FAC]  }
0x2b: {  	s6 =	sld [smem:$0x3FAD]  }
0x2c: {  	s7 =	sld [smem:$0x3FAE]  }
0x2d: {  	s3 =	simm.s32 $0x108;
	s8 =	sld [smem:$0x3FAF]  }
0x2e: {  	s3 =	simm.s32 @!p0 $0x1082;
	s9 =	sld [smem:$0x3FB0]  }
0x2f: {  	lr =	sadd.s32 s0, s3;
	s0 =	sld [smem:$0x3FA7]  }
0x30: {  	s3 =	sld [smem:$0x3FAA]  }
0x31: {  	[smem:$0x3FB3] =	sst s10  }
0x32: {  	s10 =	sld [smem:$0x3FB1];
	_ =	sdelay $0x3  }
0x33: {  	p0 =	seq.s32 s10, $0x1;
	s10 =	sld [smem:$0x3FB3];
	_ =	sdelay $0x3  }
0x34: {  	[smem:$0x3FB3] =	sst s10  }
0x35: {  	s10 =	sld [smem:$0x3FB2];
	_ =	sdelay $0x3  }
0x36: {  	p1 =	seq.s32 s10, $0x1;
	s10 =	sld [smem:$0x3FB3];
	_ =	sdelay $0x3  }
0x37: {  	[smem:$0x3FB3] =	sst s10  }
0x38: {  	s10 =	sld [smem:$0x3FB4]  }
0x39: {  	_ = 	snop;
	(pc) =	sbr.ind lr, $3  }
0x3a: {  	_ = 	snop  }
0x3b: {  	_ = 	snop  }
0x3c: {  	p2 =	seq.s32 s10, $0x1;
	s10 =	sld [smem:$0x3FB3]  }
0x3d: {  	_ =	shalt  }
0x3e: {  	_ =	shalt  }
0x3f: {  	_ =	shalt  }
0x40: {  	_ =	shalt  }
0x41: {  	_ =	shalt  }
0x42: {  	_ =	shalt  }
0x43: {  	_ =	shalt  }
0x44: {  	_ =	shalt  }
0x45: {  	_ =	shalt  }
0x46: {  	_ =	shalt  }
0x47: {  	_ =	shalt  }
0x48: {  	_ =	shalt  }
0x49: {  	_ =	shalt  }
0x4a: {  	_ =	shalt  }
0x4b: {  	_ =	shalt  }
0x4c: {  	_ =	shalt  }
0x4d: {  	_ =	shalt  }
0x4e: {  	_ =	shalt  }
0x4f: {  	_ =	shalt  }
0x50: {  	_ =	shalt  }
0x51: {  	_ =	shalt  }
0x52: {  	_ =	shalt  }
0x53: {  	_ =	shalt  }
0x54: {  	_ =	shalt  }
0x55: {  	_ =	shalt  }
0x56: {  	_ =	shalt  }
0x57: {  	_ =	shalt  }
0x58: {  	_ =	shalt  }
0x59: {  	_ =	shalt  }
0x5a: {  	_ =	shalt  }
0x5b: {  	_ =	shalt  }
0x5c: {  	_ =	shalt  }
0x5d: {  	_ =	shalt  }
0x5e: {  	_ =	shalt  }
0x5f: {  	_ =	shalt  }
0x60: {  	_ =	shalt  }
0x61: {  	_ =	shalt  }
0x62: {  	_ =	shalt  }
0x63: {  	_ =	shalt  }
0x64: {  	_ =	shalt  }
0x65: {  	_ =	shalt  }
0x66: {  	_ =	shalt  }
0x67: {  	_ =	shalt  }
0x68: {  	_ =	shalt  }
0x69: {  	_ =	shalt  }
0x6a: {  	_ =	shalt  }
0x6b: {  	_ =	shalt  }
0x6c: {  	_ =	shalt  }
0x6d: {  	_ =	shalt  }
0x6e: {  	_ =	shalt  }
0x6f: {  	_ =	shalt  }
0x70: {  	_ =	shalt  }
0x71: {  	_ =	shalt  }
0x72: {  	_ =	shalt  }
0x73: {  	_ =	shalt  }
0x74: {  	_ =	shalt  }
0x75: {  	_ =	shalt  }
0x76: {  	_ =	shalt  }
0x77: {  	_ =	shalt  }
0x78: {  	_ =	shalt  }
0x79: {  	_ =	shalt  }
0x7a: {  	_ =	shalt  }
0x7b: {  	_ =	shalt  }
0x7c: {  	_ =	shalt  }
0x7d: {  	_ =	shalt  }
0x7e: {  	_ =	shalt  }
0x7f: {  	_ =	shalt  }
0x80: {  	_ =	shalt  }
0x81: {  	_ =	shalt  }
0x82: {  	_ =	shalt  }
0x83: {  	_ =	shalt  }
0x84: {  	_ =	shalt  }
0x85: {  	_ =	shalt  }
0x86: {  	_ =	shalt  }
0x87: {  	_ =	shalt  }
.Lfunc_end0:
.L_simem_size_0:
called_computation.5_lowered:
.L_overlay_start_0:
0x88: {  	s2 =	sld [smem:$0x3FD9]  }
0x89: {  	s3 =	sld [smem:$0x3FFE];
	_ =	sdelay $0x1  }
0x8a: {  	s1 =	srdreg.scid  }
0x8b: {  	s0 =	sand.u32 $0x1, s1  }
0x8c: {  	s17 =	sshll.u32 s0, $0xA;
	s2 =	sadd.s32 s3, s2  }
0x8d: {  	s2 =	sadd.s32 s2, s17  }
0x8e: {  	[smem:$0x3FBF] =	sst s2  }
0x8f: {  	_ = 	snop  }
0x90: {  	(tm) =	ssettm $0x1  }
0x91: {  	s18 =	sld [smem:$0x3FFB];
	_ =	sdelay $0x3  }
0x92: {  	_ =	strace s18  }
0x93: {  	s2 =	sld [smem:$0x3FFC];
	_ =	sdelay $0x3  }
0x94: {  	_ =	strace s2  }
0x95: {  	s2 =	sld [smem:$0x3FFD];
	_ =	sdelay $0x3  }
0x96: {  	_ =	strace s2  }
0x97: {  	_ =	strace $0x8FFFFFFF  }
0x98: {  	s19 =	sld [smem:$0x3FDB];
	_ =	sdelay $0x1  }
0x99: {  	s20 =	simm.s32 $_scs_section_size  }
0x9a: {  	s4 =	simm.s32 $_size__tile_overlayer_lowered;
	s5 =	simm.s32 $_tile_overlayer_lowered  }
0x9b: {  	s6 =	simm.s32 $0x1BFF;
	s21 =	sshll.u32 s5, $0x1;
	s3 =	sadd.s32 s20, s19  }
0x9c: {  	s22 =	simm.s32 $0x0;
	s4 =	sshll.u32 s4, $0x1;
	s5 =	sadd.s32 s21, s3  }
0x9d: {  	[timem:s22], [sflag:s6] =	dma.local [hbm:s5], s4  }
0x9e: {  	_ =	swait.ge [sflag:s6], s4  }
0x9f: {  	s4 =	ssub.s32 $0x0, s4;
	[sflag:s6] =	ssyncset.done $0x0  }
0xa0: {  	[sflag:s6] =	ssyncadd.s32 s4;
	_ =	sdelay $0x1  }
0xa1: {  	s23 =	simm.s32 $0x1B8B  }
0xa2: {  	_ =	swait.ge [sflag:s23], $0x1  }
0xa3: {  	[sflag:s23] =	ssyncset.done $0x0  }
0xa4: {  	[sflag:s23] =	ssyncadd.s32 $0xFFFFFFFF  }
0xa5: {  	s4 =	sld [smem:$0x0]  }
0xa6: {  	s5 =	sand.u32 $0xFFFFFFFE, s1  }
0xa7: {  	p0 =	sne.s32 s1, s5  }
0xa8: {  	s5 =	sshll.u32 @p0 s5, $0xE  }
0xa9: {  	s5 =	sadd.s32 @p0 $0x11B8D, s5;
	s6 =	sshll.u32 @p0 s4, $0x11  }
0xaa: {  	s5 =	sor.u32 @p0 s6, s5  }
0xab: {  	[sflag:s5] =	ssyncadd.remote.s32 @p0 $0x1;
	_ =	sdelay $0x1  }
0xac: {  	s5 =	simm.s32 @p0 $0x1B8D  }
0xad: {  	_ =	swait.eq @p0 [sflag:s5], $0x1  }
0xae: {  	[sflag:s5] =	ssyncadd.s32 @p0 $0xFFFFFFFF  }
0xaf: {  	s6 =	sshll.u32 @!p0 s1, $0xE  }
0xb0: {  	s6 =	sor.u32 @!p0 $0x4000, s6;
	s5 =	simm.s32 @!p0 $0x1B8D  }
0xb1: {  	s4 =	sshll.u32 @!p0 s4, $0x11;
	s6 =	sadd.s32 @!p0 $0x11B8D, s6;
	_ =	swait.eq @!p0 [sflag:s5], $0x1  }
0xb2: {  	s4 =	sor.u32 @!p0 s4, s6;
	[sflag:s5] =	ssyncadd.s32 @!p0 $0xFFFFFFFF  }
0xb3: {  	s25 =	simm.s32 $0x1B8E;
	s24 =	sld [smem:$0x3FFE];
	[sflag:s4] =	ssyncadd.remote.s32 @!p0 $0x1  }
0xb4: {  	s26 =	simm.s32 $execute0_lowered;
	[smem:$0x3FD2] =	sst s25  }
0xb5: {  	s5 =	sshll.u32 s26, $0x1;
	_ =	strace $0x80000058;
	[dreg:$0x1] =	wrdreg $0xFFFFFFFF  }
0xb6: {  	s28 =	simm.s32 $_size_execute0_lowered;
	s3 =	sadd.s32 s3, s5;
	[dreg:$0x0] =	wrdreg $0x0  }
0xb7: {  	s5 =	sshll.u32 s28, $0x1;
	[dreg:$0x2] =	wrdreg s3  }
0xb8: {  	[dreg:$0x3] =	wrdreg s5  }
0xb9: {  	[dreg:$0x4] =	wrdreg $0xC0  }
0xba: {  	_ =	task [dreg:s22], $0x5FFFF  }
0xbb: {  	[dreg:$0x1] =	wrdreg $0xFFFFFFFF  }
0xbc: {  	[dreg:$0x0] =	wrdreg $0x60  }
0xbd: {  	[dreg:$0x2] =	wrdreg s24  }
0xbe: {  	[dreg:$0x3] =	wrdreg $0xC  }
0xbf: {  	_ =	task.clear_ibuf [dreg:s22], $0x4FFFF;
	_ =	strace $0x90000058  }
0xc0: {  	s29 =	simm.s32 $0xC;
	_ =	strace $0x8000005A  }
0xc1: {  	_ =	swait.ge [sflag:s29], $0x1  }
0xc2: {  	[sflag:s29] =	ssyncadd.s32 $0xFFFFFFFF  }
0xc3: {  	_ =	strace $0x9000005A  }
0xc4: {  	_ =	sfence  }
0xc5: {  	s30 =	sld [smem:$0x0];
	_ =	sdelay $0x2  }
0xc6: {  	s31 =	sshll.u32 s1, $0xD;
	s1 =	sshrl.u32 s1, $0x2  }
0xc7: {  	s4 =	sand.u32 $0x4000, s31;
	s1 =	sadd.s32 s1, s30  }
0xc8: {  	s0 =	sor.u32 s4, s0;
	s1 =	sshll.u32 s1, $0x11  }
0xc9: {  	s0 =	sor.u32 s1, s0  }
0xca: {  	s0 =	sadd.s32 $0x8F2B, s0  }
0xcb: {  	[sflag:s0] =	ssyncadd.remote.s32 $0x1  }
0xcc: {  	_ =	sfence.sel $0xFFFF  }
0xcd: {  	[dreg:$0x0] =	wrdreg $0xFFFFFFFF;
	(pc) =	sbr.abs _section_cstart, $3  }
0xce: {  	[dreg:$0x1] =	wrdreg $0xFFFFFFFF  }
0xcf: {  	_ =	task.clear_ibuf [dreg:s22], $0x2FFFF;
	_ =	strace $0x9FFFFFFF  }
0xd0: {  	(tm) =	ssettm $0x7FFFFFFF  }
0xd1: {  	_ =	shalt  }
tec
execute0_lowered:
.L_overlay_start_1:
0x0: {  	(tag) =	ssettag $0x1  }
0x1: {  	s4 =	rddreg [dreg:$0x0]  }
0x2: {  	s0 =	rddreg [dreg:$0x1];
	s1 =	stileid.u32  }
0x3: {  	s2 =	simm.s32 $0x0;
	s3 =	srdreg.scid;
	s5 =	smul.u32 $0x280, s1  }
0x4: {  	[smem:$0x7FF] =	sst s2;
	s6 =	smul.u32 $0x14000, s1;
	s7 =	sand.u32 $0x1, s3  }
0x5: {  	s3 =	sadd.s32 $0x71400, s4;
	s8 =	ssub.s32 $0x2, s7;
	s9 =	smul.u32 $0xA000, s7  }
0x6: {  	_ =	strace $0x80000059;
	s7 =	smul.u32 $0x140, s7;
	s10 =	sshrl.u32 s8, $0x1  }
0x7: {  	s5 =	sadd.s32 s5, s4;
	s6 =	sadd.s32 s6, s4;
	s31 =	ssub.s32 s8, s10  }
0x8: {  	s6 =	sadd.s32 s9, s6;
	s7 =	sadd.s32 s7, s5;
	s8 =	simm.s32 $0x80  }
0x9: {  	s9 =	simm.s32 $0x1;
	s10 =	simm.s32 $0x0;
	s4 =	smax.u32 s31, $0x1  }
0xa: {  	s5 =	sadd.s32 $0x349C00, s6;
	s6 =	sadd.s32 $0xB400, s7;
	s7 =	simm.s32 $0x2  }
.LBB2_1:
0xb: {  	s11 =	sadd.s32 $0x0, s6  }
0xc: {  	[tilespmem:s2], [sflag:$0x2] =	stream.linear.gather [hbm4b:s11+s2], $0x80, $0x38;
	[tilespmem:$0x4080] =	vst v63  }
0xd: {  	_ =	swait.ge [sflag:s7], $0x80  }
0xe: {  	[sflag:s7] =	ssyncset.done $0x0  }
0xf: {  	[sflag:s7] =	ssyncadd.s32 $0xFFFFFF80  }
0x10: {  	[tilespmem:s8], [sflag:$0x1] =	stream.indirect.gather [hbm4b:s3+s8], $0x80, s2, s8, $0xb8;
	[tilespmem:$0x4080] =	vst v63  }
0x11: {  	_ =	swait.ge [sflag:s9], $0x4000  }
0x12: {  	[sflag:s9] =	ssyncset.done $0x0  }
0x13: {  	[sflag:s9] =	ssyncadd.s32 $0xFFFFC000  }
0x14: {  	[hbm4b:s5+s2] =	stream.linear.scatter [tilespmem:s8], [sflag:$0x2], $0x4000, $0x38;
	[tilespmem:$0x4080] =	vst v63  }
0x15: {  	s12 =	simm.s32 $0x10;
	_ =	swait.ge [sflag:s7], $0x4000  }
0x16: {  	s13 =	simm.s32 $0x20;
	s11 =	sadd.s32 $0x800, s5;
	[sflag:s7] =	ssyncset.done $0x0  }
.LBB2_2:
0x17: {  	s14 =	sadd.s32 s12, s6  }
0x18: {  	[sflag:s7] =	ssyncadd.s32 $0xFFFFC000;
	s12 =	smov.u32 s13;
	s15 =	sadd.s32 $0x10, s13  }
0x19: {  	[tilespmem:s2], [sflag:$0x2] =	stream.linear.gather [hbm4b:s14+s2], $0x80, $0x38;
	[tilespmem:$0x4080] =	vst v63  }
0x1a: {  	p0 =	sne.s32 s13, $0x130;
	_ =	swait.ge [sflag:s7], $0x80  }
0x1b: {  	[sflag:s7] =	ssyncset.done $0x0  }
0x1c: {  	[sflag:s7] =	ssyncadd.s32 $0xFFFFFF80  }
0x1d: {  	[tilespmem:s8], [sflag:$0x1] =	stream.indirect.gather [hbm4b:s3+s8], $0x80, s2, s8, $0xb8;
	[tilespmem:$0x4080] =	vst v63  }
0x1e: {  	_ =	swait.ge [sflag:s9], $0x4000  }
.Ltmp0:
0x1f: {  	[sflag:s9] =	ssyncset.done $0x0;
	(pc) =	sbr.rel @p0 .LBB2_2-.Ltmp0, $4  }
0x20: {  	[sflag:s9] =	ssyncadd.s32 $0xFFFFC000  }
0x21: {  	[hbm4b:s11+s2] =	stream.linear.scatter [tilespmem:s8], [sflag:$0x2], $0x4000, $0x38;
	[tilespmem:$0x4080] =	vst v63  }
0x22: {  	_ =	swait.ge [sflag:s7], $0x4000  }
0x23: {  	s13 =	smov.u32 s15;
	s11 =	sadd.s32 $0x800, s11;
	[sflag:s7] =	ssyncset.done $0x0  }
0x24: {  	s12 =	sadd.s32 s12, s6;
	[sflag:s7] =	ssyncadd.s32 $0xFFFFC000  }
0x25: {  	[tilespmem:s2], [sflag:$0x2] =	stream.linear.gather [hbm4b:s12+s2], $0x80, $0x38;
	[tilespmem:$0x4080] =	vst v63  }
0x26: {  	_ =	swait.ge [sflag:s7], $0x80  }
0x27: {  	[sflag:s7] =	ssyncset.done $0x0  }
0x28: {  	[sflag:s7] =	ssyncadd.s32 $0xFFFFFF80  }
0x29: {  	[tilespmem:s8], [sflag:$0x1] =	stream.indirect.gather [hbm4b:s3+s8], $0x80, s2, s8, $0xb8;
	[tilespmem:$0x4080] =	vst v63  }
0x2a: {  	s10 =	sadd.s32 $0x1, s10;
	_ =	swait.ge [sflag:s9], $0x4000  }
0x2b: {  	p0 =	sne.s32 s10, s4;
	[sflag:s9] =	ssyncset.done $0x0  }
.Ltmp1:
0x2c: {  	[sflag:s9] =	ssyncadd.s32 $0xFFFFC000;
	(pc) =	sbr.rel @p0 .LBB2_1-.Ltmp1, $4  }
0x2d: {  	[hbm4b:s11+s2] =	stream.linear.scatter [tilespmem:s8], [sflag:$0x2], $0x4000, $0x38;
	[tilespmem:$0x4080] =	vst v63  }
0x2e: {  	_ =	swait.ge [sflag:s7], $0x4000  }
0x2f: {  	[sflag:s7] =	ssyncset.done $0x0  }
0x30: {  	[sflag:s7] =	ssyncadd.s32 $0xFFFFC000  }
0x31: {  	_ =	sfence.sel $0x180000  }
0x32: {  	[bflag:$0x0] =	sbarrier.arrive $0xFFFF  }
0x33: {  	p0 =	sne.s32 s1, $0x0;
	_ =	strace $0x90000059  }
0x34: {  	s0 =	sadd.s32 @!p0 $0x100000, s0;
	[bflag:$0x2] =	sbarrier.arrive $0xFFFF  }
0x35: {  	[sflag:s0] =	ssyncadd.tile.s32 @!p0 $0x1;
	_ =	shalt  }
.Lfunc_end2:
_tile_overlayer_lowered:
.L_overlay_start_2:
0x36: {  	(tag) =	ssettag $0x2  }
0x37: {  	s0 =	rddreg [dreg:$0x0];
	s2 =	stileid.u32  }
0x38: {  	s1 =	rddreg [dreg:$0x1];
	p0 =	sne.s32 s2, $0x0  }
0x39: {  	s3 =	rddreg [dreg:$0x2];
	[bflag:$0x3] =	sbarrier.arrive $0xFFFF;
	s2 =	simm.s32 @!p0 $0x1C02  }
0x3a: {  	[timem:s3], [sflag:s2] =	dma.local @!p0 [hbm:s0], s1  }
0x3b: {  	s0 =	simm.s32 @!p0 $0x2  }
0x3c: {  	_ =	swait.ge @!p0 [sflag:s0], s1  }
0x3d: {  	s1 =	ssub.s32 @!p0 $0x0, s1;
	[sflag:s0] =	ssyncset.done @!p0 $0x0  }
0x3e: {  	[sflag:s0] =	ssyncadd.s32 @!p0 s1  }
0x3f: {  	[bflag:$0x3] =	sbarrier.arrive $0xFFFF  }
0x40: {  	_ =	shalt  }

// kernel: kernel.44.cloned.1.call-start
scs
__scs_entry_jumppad:
0x0: {  	(pc) =	sbr.rel $0x88, $3  }
0x1: {  	(tag) =	ssettag $0x0;
	lr =	simm.s32 $0x1  }
0x2: {  	[smem:$0x3F98] =	sst lr;
	_ =	strace $0xD0000000  }
0x3: {  	_ = 	snop  }
0x4: {  	_ = 	snop  }
0x5: {  	_ = 	snop  }
0x6: {  	_ = 	snop  }
0x7: {  	_ = 	snop  }
__scs_overlays_trampoline_lowered:
0x8: {  	[smem:$0x3FA7] =	sst s0  }
0x9: {  	[smem:$0x3FA8] =	sst s1  }
0xa: {  	[smem:$0x3FA9] =	sst s2  }
0xb: {  	[smem:$0x3FAA] =	sst s3  }
0xc: {  	[smem:$0x3FAB] =	sst s4  }
0xd: {  	[smem:$0x3FAC] =	sst s5  }
0xe: {  	[smem:$0x3FAD] =	sst s6  }
0xf: {  	[smem:$0x3FAE] =	sst s7  }
0x10: {  	[smem:$0x3FAF] =	sst s8  }
0x11: {  	[smem:$0x3FB0] =	sst s9;
	s0 =	simm.s32 @!p0 $0x0  }
0x12: {  	s1 =	sld [smem:$0x3F96];
	s0 =	simm.s32 @p0 $0x1  }
0x13: {  	[smem:$0x3FB1] =	sst s0;
	s0 =	simm.s32 @!p1 $0x0  }
0x14: {  	s2 =	sld [smem:$0x3F95];
	s0 =	simm.s32 @p1 $0x1  }
0x15: {  	[smem:$0x3FB2] =	sst s0;
	s0 =	simm.s32 @!p2 $0x0  }
0x16: {  	s3 =	sld [smem:$0x3FDB];
	s0 =	simm.s32 @p2 $0x1  }
0x17: {  	s4 =	simm.s32 $0x1BF5;
	[smem:$0x3FB4] =	sst s0  }
0x18: {  	s0 =	sld [smem:$0x3F97];
	_ =	swait.ge [sflag:s4], $0x0  }
0x19: {  	s7 =	sld [smem:$0x3F98]  }
0x1a: {  	s8 =	sadd.s32 $0xFFFFE003, lr  }
0x1b: {  	s9 =	sadd.s32 $0xFFFFFEF7, lr;
	s5 =	simm.s32 $0xFFFFFFFF;
	p2 =	slt.u32 s8, $0xFFFFF086  }
0x1c: {  	p1 =	slt.u32 s9, $0xF7A;
	s5 =	simm.s32 @!p2 $0x0  }
0x1d: {  	s5 =	simm.s32 @p1 $0x1;
	p0 =	seq.s32 s7, s2  }
0x1e: {  	s7 =	smul.u32 @!p0 $0xF7A, s2;
	p2 =	seq.s32 @!p0 s5, $0x0  }
0x1f: {  	s9 =	smul.u32 $0xF7A, s1;
	s8 =	simm.s32 @!p0 $0x1BF5;
	p2 =	por !p2, p0  }
0x20: {  	[sflag:s8] =	ssyncset.s32 @!p0 $0xFFFFF086;
	s6 =	sadd.s32 @!p0 s3, s7;
	s7 =	simm.s32 @!p0 $0x108  }
0x21: {  	s3 =	sadd.s32 s3, s9;
	s6 =	sadd.s32 @!p0 $0x88, s6;
	s7 =	simm.s32 @p2 $0x1082  }
0x22: {  	[simem:s7], [sflag:s8] =	dma.local @!p0 [hbm:s6], $0xF7A  }
0x23: {  	s9 =	sor.u32 $0xD0000000, s2;
	s6 =	simm.s32 $0x108;
	_ =	swait.ge @!p0 [sflag:s8], $0x0  }
0x24: {  	s3 =	sadd.s32 $0x88, s3;
	s6 =	simm.s32 @!p1 $0x1082;
	[sflag:s4] =	ssyncset.s32 $0xFFFFF086  }
0x25: {  	[simem:s6], [sflag:s4] =	dma.local [hbm:s3], $0xF7A  }
0x26: {  	[smem:$0x3F98] =	sst s1;
	(tag) =	ssettag s2;
	_ =	strace s9  }
0x27: {  	s1 =	sld [smem:$0x3FA8]  }
0x28: {  	s2 =	sld [smem:$0x3FA9]  }
0x29: {  	s4 =	sld [smem:$0x3FAB]  }
0x2a: {  	p0 =	seq.s32 s5, $0x0;
	s5 =	sld [smem:$0x3FAC]  }
0x2b: {  	s6 =	sld [smem:$0x3FAD]  }
0x2c: {  	s7 =	sld [smem:$0x3FAE]  }
0x2d: {  	s3 =	simm.s32 $0x108;
	s8 =	sld [smem:$0x3FAF]  }
0x2e: {  	s3 =	simm.s32 @!p0 $0x1082;
	s9 =	sld [smem:$0x3FB0]  }
0x2f: {  	lr =	sadd.s32 s0, s3;
	s0 =	sld [smem:$0x3FA7]  }
0x30: {  	s3 =	sld [smem:$0x3FAA]  }
0x31: {  	[smem:$0x3FB3] =	sst s10  }
0x32: {  	s10 =	sld [smem:$0x3FB1];
	_ =	sdelay $0x3  }
0x33: {  	p0 =	seq.s32 s10, $0x1;
	s10 =	sld [smem:$0x3FB3];
	_ =	sdelay $0x3  }
0x34: {  	[smem:$0x3FB3] =	sst s10  }
0x35: {  	s10 =	sld [smem:$0x3FB2];
	_ =	sdelay $0x3  }
0x36: {  	p1 =	seq.s32 s10, $0x1;
	s10 =	sld [smem:$0x3FB3];
	_ =	sdelay $0x3  }
0x37: {  	[smem:$0x3FB3] =	sst s10  }
0x38: {  	s10 =	sld [smem:$0x3FB4]  }
0x39: {  	_ = 	snop;
	(pc) =	sbr.ind lr, $3  }
0x3a: {  	_ = 	snop  }
0x3b: {  	_ = 	snop  }
0x3c: {  	p2 =	seq.s32 s10, $0x1;
	s10 =	sld [smem:$0x3FB3]  }
0x3d: {  	_ =	shalt  }
0x3e: {  	_ =	shalt  }
0x3f: {  	_ =	shalt  }
0x40: {  	_ =	shalt  }
0x41: {  	_ =	shalt  }
0x42: {  	_ =	shalt  }
0x43: {  	_ =	shalt  }
0x44: {  	_ =	shalt  }
0x45: {  	_ =	shalt  }
0x46: {  	_ =	shalt  }
0x47: {  	_ =	shalt  }
0x48: {  	_ =	shalt  }
0x49: {  	_ =	shalt  }
0x4a: {  	_ =	shalt  }
0x4b: {  	_ =	shalt  }
0x4c: {  	_ =	shalt  }
0x4d: {  	_ =	shalt  }
0x4e: {  	_ =	shalt  }
0x4f: {  	_ =	shalt  }
0x50: {  	_ =	shalt  }
0x51: {  	_ =	shalt  }
0x52: {  	_ =	shalt  }
0x53: {  	_ =	shalt  }
0x54: {  	_ =	shalt  }
0x55: {  	_ =	shalt  }
0x56: {  	_ =	shalt  }
0x57: {  	_ =	shalt  }
0x58: {  	_ =	shalt  }
0x59: {  	_ =	shalt  }
0x5a: {  	_ =	shalt  }
0x5b: {  	_ =	shalt  }
0x5c: {  	_ =	shalt  }
0x5d: {  	_ =	shalt  }
0x5e: {  	_ =	shalt  }
0x5f: {  	_ =	shalt  }
0x60: {  	_ =	shalt  }
0x61: {  	_ =	shalt  }
0x62: {  	_ =	shalt  }
0x63: {  	_ =	shalt  }
0x64: {  	_ =	shalt  }
0x65: {  	_ =	shalt  }
0x66: {  	_ =	shalt  }
0x67: {  	_ =	shalt  }
0x68: {  	_ =	shalt  }
0x69: {  	_ =	shalt  }
0x6a: {  	_ =	shalt  }
0x6b: {  	_ =	shalt  }
0x6c: {  	_ =	shalt  }
0x6d: {  	_ =	shalt  }
0x6e: {  	_ =	shalt  }
0x6f: {  	_ =	shalt  }
0x70: {  	_ =	shalt  }
0x71: {  	_ =	shalt  }
0x72: {  	_ =	shalt  }
0x73: {  	_ =	shalt  }
0x74: {  	_ =	shalt  }
0x75: {  	_ =	shalt  }
0x76: {  	_ =	shalt  }
0x77: {  	_ =	shalt  }
0x78: {  	_ =	shalt  }
0x79: {  	_ =	shalt  }
0x7a: {  	_ =	shalt  }
0x7b: {  	_ =	shalt  }
0x7c: {  	_ =	shalt  }
0x7d: {  	_ =	shalt  }
0x7e: {  	_ =	shalt  }
0x7f: {  	_ =	shalt  }
0x80: {  	_ =	shalt  }
0x81: {  	_ =	shalt  }
0x82: {  	_ =	shalt  }
0x83: {  	_ =	shalt  }
0x84: {  	_ =	shalt  }
0x85: {  	_ =	shalt  }
0x86: {  	_ =	shalt  }
0x87: {  	_ =	shalt  }
.Lfunc_end0:
.L_simem_size_0:
called_computation.6_lowered:
.L_overlay_start_0:
0x88: {  	s2 =	sld [smem:$0x3FD9]  }
0x89: {  	s3 =	sld [smem:$0x3FFE];
	_ =	sdelay $0x1  }
0x8a: {  	s1 =	srdreg.scid  }
0x8b: {  	s0 =	sand.u32 $0x1, s1  }
0x8c: {  	s17 =	sshll.u32 s0, $0xA;
	s2 =	sadd.s32 s3, s2  }
0x8d: {  	s2 =	sadd.s32 s2, s17  }
0x8e: {  	[smem:$0x3FBF] =	sst s2  }
0x8f: {  	_ = 	snop  }
0x90: {  	(tm) =	ssettm $0x1  }
0x91: {  	s18 =	sld [smem:$0x3FFB];
	_ =	sdelay $0x3  }
0x92: {  	_ =	strace s18  }
0x93: {  	s2 =	sld [smem:$0x3FFC];
	_ =	sdelay $0x3  }
0x94: {  	_ =	strace s2  }
0x95: {  	s2 =	sld [smem:$0x3FFD];
	_ =	sdelay $0x3  }
0x96: {  	_ =	strace s2  }
0x97: {  	_ =	strace $0x8FFFFFFF  }
0x98: {  	s19 =	sld [smem:$0x3FDB];
	_ =	sdelay $0x1  }
0x99: {  	s20 =	simm.s32 $_scs_section_size  }
0x9a: {  	s4 =	simm.s32 $_size__tile_overlayer_lowered;
	s5 =	simm.s32 $_tile_overlayer_lowered  }
0x9b: {  	s6 =	simm.s32 $0x1BFF;
	s21 =	sshll.u32 s5, $0x1;
	s3 =	sadd.s32 s20, s19  }
0x9c: {  	s22 =	simm.s32 $0x0;
	s4 =	sshll.u32 s4, $0x1;
	s5 =	sadd.s32 s21, s3  }
0x9d: {  	[timem:s22], [sflag:s6] =	dma.local [hbm:s5], s4  }
0x9e: {  	_ =	swait.ge [sflag:s6], s4  }
0x9f: {  	s4 =	ssub.s32 $0x0, s4;
	[sflag:s6] =	ssyncset.done $0x0  }
0xa0: {  	[sflag:s6] =	ssyncadd.s32 s4;
	_ =	sdelay $0x1  }
0xa1: {  	s23 =	simm.s32 $0x1B8B  }
0xa2: {  	_ =	swait.ge [sflag:s23], $0x1  }
0xa3: {  	[sflag:s23] =	ssyncset.done $0x0  }
0xa4: {  	[sflag:s23] =	ssyncadd.s32 $0xFFFFFFFF  }
0xa5: {  	s4 =	sld [smem:$0x0]  }
0xa6: {  	s5 =	sand.u32 $0xFFFFFFFE, s1  }
0xa7: {  	p0 =	sne.s32 s1, s5  }
0xa8: {  	s5 =	sshll.u32 @p0 s5, $0xE  }
0xa9: {  	s5 =	sadd.s32 @p0 $0x11B8D, s5;
	s6 =	sshll.u32 @p0 s4, $0x11  }
0xaa: {  	s5 =	sor.u32 @p0 s6, s5  }
0xab: {  	[sflag:s5] =	ssyncadd.remote.s32 @p0 $0x1;
	_ =	sdelay $0x1  }
0xac: {  	s5 =	simm.s32 @p0 $0x1B8D  }
0xad: {  	_ =	swait.eq @p0 [sflag:s5], $0x1  }
0xae: {  	[sflag:s5] =	ssyncadd.s32 @p0 $0xFFFFFFFF  }
0xaf: {  	s6 =	sshll.u32 @!p0 s1, $0xE  }
0xb0: {  	s6 =	sor.u32 @!p0 $0x4000, s6;
	s5 =	simm.s32 @!p0 $0x1B8D  }
0xb1: {  	s4 =	sshll.u32 @!p0 s4, $0x11;
	s6 =	sadd.s32 @!p0 $0x11B8D, s6;
	_ =	swait.eq @!p0 [sflag:s5], $0x1  }
0xb2: {  	s4 =	sor.u32 @!p0 s4, s6;
	[sflag:s5] =	ssyncadd.s32 @!p0 $0xFFFFFFFF  }
0xb3: {  	s25 =	simm.s32 $0x1B8E;
	s24 =	sld [smem:$0x3FFE];
	[sflag:s4] =	ssyncadd.remote.s32 @!p0 $0x1  }
0xb4: {  	s26 =	simm.s32 $execute0_lowered;
	[smem:$0x3FD2] =	sst s25  }
0xb5: {  	s5 =	sshll.u32 s26, $0x1;
	_ =	strace $0x8000004F;
	[dreg:$0x1] =	wrdreg $0xFFFFFFFF  }
0xb6: {  	s28 =	simm.s32 $_size_execute0_lowered;
	s3 =	sadd.s32 s3, s5;
	[dreg:$0x0] =	wrdreg $0x0  }
0xb7: {  	s5 =	sshll.u32 s28, $0x1;
	[dreg:$0x2] =	wrdreg s3  }
0xb8: {  	[dreg:$0x3] =	wrdreg s5  }
0xb9: {  	[dreg:$0x4] =	wrdreg $0xC0  }
0xba: {  	_ =	task [dreg:s22], $0x5FFFF  }
0xbb: {  	[dreg:$0x1] =	wrdreg $0xFFFFFFFF  }
0xbc: {  	[dreg:$0x0] =	wrdreg $0x60  }
0xbd: {  	[dreg:$0x2] =	wrdreg s24  }
0xbe: {  	[dreg:$0x3] =	wrdreg $0xA  }
0xbf: {  	_ =	task.clear_ibuf [dreg:s22], $0x4FFFF;
	_ =	strace $0x9000004F  }
0xc0: {  	s29 =	simm.s32 $0xA;
	_ =	strace $0x80000051  }
0xc1: {  	_ =	swait.ge [sflag:s29], $0x1  }
0xc2: {  	[sflag:s29] =	ssyncadd.s32 $0xFFFFFFFF  }
0xc3: {  	_ =	strace $0x90000051  }
0xc4: {  	_ =	sfence  }
0xc5: {  	s30 =	sld [smem:$0x0];
	_ =	sdelay $0x2  }
0xc6: {  	s31 =	sshll.u32 s1, $0xD;
	s1 =	sshrl.u32 s1, $0x2  }
0xc7: {  	s4 =	sand.u32 $0x4000, s31;
	s1 =	sadd.s32 s1, s30  }
0xc8: {  	s0 =	sor.u32 s4, s0;
	s1 =	sshll.u32 s1, $0x11  }
0xc9: {  	s0 =	sor.u32 s1, s0  }
0xca: {  	s0 =	sadd.s32 $0x8F2B, s0  }
0xcb: {  	[sflag:s0] =	ssyncadd.remote.s32 $0x1  }
0xcc: {  	_ =	sfence.sel $0xFFFF  }
0xcd: {  	[dreg:$0x0] =	wrdreg $0xFFFFFFFF;
	(pc) =	sbr.abs _section_cstart, $3  }
0xce: {  	[dreg:$0x1] =	wrdreg $0xFFFFFFFF  }
0xcf: {  	_ =	task.clear_ibuf [dreg:s22], $0x2FFFF;
	_ =	strace $0x9FFFFFFF  }
0xd0: {  	(tm) =	ssettm $0x7FFFFFFF  }
0xd1: {  	_ =	shalt  }
tec
execute0_lowered:
.L_overlay_start_1:
0x0: {  	(tag) =	ssettag $0x1  }
0x1: {  	s4 =	rddreg [dreg:$0x0]  }
0x2: {  	s0 =	rddreg [dreg:$0x1];
	s1 =	stileid.u32  }
0x3: {  	s2 =	simm.s32 $0x0;
	s3 =	srdreg.scid;
	s5 =	smul.u32 $0x280, s1  }
0x4: {  	[smem:$0x7FF] =	sst s2;
	s6 =	smul.u32 $0x14000, s1;
	s7 =	sand.u32 $0x1, s3  }
0x5: {  	s3 =	sadd.s32 $0xA9C00, s4;
	s8 =	ssub.s32 $0x2, s7;
	s9 =	smul.u32 $0xA000, s7  }
0x6: {  	_ =	strace $0x80000050;
	s7 =	smul.u32 $0x140, s7;
	s10 =	sshrl.u32 s8, $0x1  }
0x7: {  	s5 =	sadd.s32 s5, s4;
	s6 =	sadd.s32 s6, s4;
	s31 =	ssub.s32 s8, s10  }
0x8: {  	s6 =	sadd.s32 s9, s6;
	s7 =	sadd.s32 s7, s5;
	s8 =	simm.s32 $0x80  }
0x9: {  	s9 =	simm.s32 $0x1;
	s10 =	simm.s32 $0x0;
	s4 =	smax.u32 s31, $0x1  }
0xa: {  	s5 =	sadd.s32 $0x489C00, s6;
	s6 =	sadd.s32 $0xEC00, s7;
	s7 =	simm.s32 $0x2  }
.LBB2_1:
0xb: {  	s11 =	sadd.s32 $0x0, s6  }
0xc: {  	[tilespmem:s2], [sflag:$0x2] =	stream.linear.gather [hbm4b:s11+s2], $0x80, $0x38;
	[tilespmem:$0x4080] =	vst v63  }
0xd: {  	_ =	swait.ge [sflag:s7], $0x80  }
0xe: {  	[sflag:s7] =	ssyncset.done $0x0  }
0xf: {  	[sflag:s7] =	ssyncadd.s32 $0xFFFFFF80  }
0x10: {  	[tilespmem:s8], [sflag:$0x1] =	stream.indirect.gather [hbm4b:s3+s8], $0x80, s2, s8, $0xb8;
	[tilespmem:$0x4080] =	vst v63  }
0x11: {  	_ =	swait.ge [sflag:s9], $0x4000  }
0x12: {  	[sflag:s9] =	ssyncset.done $0x0  }
0x13: {  	[sflag:s9] =	ssyncadd.s32 $0xFFFFC000  }
0x14: {  	[hbm4b:s5+s2] =	stream.linear.scatter [tilespmem:s8], [sflag:$0x2], $0x4000, $0x38;
	[tilespmem:$0x4080] =	vst v63  }
0x15: {  	s12 =	simm.s32 $0x10;
	_ =	swait.ge [sflag:s7], $0x4000  }
0x16: {  	s13 =	simm.s32 $0x20;
	s11 =	sadd.s32 $0x800, s5;
	[sflag:s7] =	ssyncset.done $0x0  }
.LBB2_2:
0x17: {  	s14 =	sadd.s32 s12, s6  }
0x18: {  	[sflag:s7] =	ssyncadd.s32 $0xFFFFC000;
	s12 =	smov.u32 s13;
	s15 =	sadd.s32 $0x10, s13  }
0x19: {  	[tilespmem:s2], [sflag:$0x2] =	stream.linear.gather [hbm4b:s14+s2], $0x80, $0x38;
	[tilespmem:$0x4080] =	vst v63  }
0x1a: {  	p0 =	sne.s32 s13, $0x130;
	_ =	swait.ge [sflag:s7], $0x80  }
0x1b: {  	[sflag:s7] =	ssyncset.done $0x0  }
0x1c: {  	[sflag:s7] =	ssyncadd.s32 $0xFFFFFF80  }
0x1d: {  	[tilespmem:s8], [sflag:$0x1] =	stream.indirect.gather [hbm4b:s3+s8], $0x80, s2, s8, $0xb8;
	[tilespmem:$0x4080] =	vst v63  }
0x1e: {  	_ =	swait.ge [sflag:s9], $0x4000  }
.Ltmp0:
0x1f: {  	[sflag:s9] =	ssyncset.done $0x0;
	(pc) =	sbr.rel @p0 .LBB2_2-.Ltmp0, $4  }
0x20: {  	[sflag:s9] =	ssyncadd.s32 $0xFFFFC000  }
0x21: {  	[hbm4b:s11+s2] =	stream.linear.scatter [tilespmem:s8], [sflag:$0x2], $0x4000, $0x38;
	[tilespmem:$0x4080] =	vst v63  }
0x22: {  	_ =	swait.ge [sflag:s7], $0x4000  }
0x23: {  	s13 =	smov.u32 s15;
	s11 =	sadd.s32 $0x800, s11;
	[sflag:s7] =	ssyncset.done $0x0  }
0x24: {  	s12 =	sadd.s32 s12, s6;
	[sflag:s7] =	ssyncadd.s32 $0xFFFFC000  }
0x25: {  	[tilespmem:s2], [sflag:$0x2] =	stream.linear.gather [hbm4b:s12+s2], $0x80, $0x38;
	[tilespmem:$0x4080] =	vst v63  }
0x26: {  	_ =	swait.ge [sflag:s7], $0x80  }
0x27: {  	[sflag:s7] =	ssyncset.done $0x0  }
0x28: {  	[sflag:s7] =	ssyncadd.s32 $0xFFFFFF80  }
0x29: {  	[tilespmem:s8], [sflag:$0x1] =	stream.indirect.gather [hbm4b:s3+s8], $0x80, s2, s8, $0xb8;
	[tilespmem:$0x4080] =	vst v63  }
0x2a: {  	s10 =	sadd.s32 $0x1, s10;
	_ =	swait.ge [sflag:s9], $0x4000  }
0x2b: {  	p0 =	sne.s32 s10, s4;
	[sflag:s9] =	ssyncset.done $0x0  }
.Ltmp1:
0x2c: {  	[sflag:s9] =	ssyncadd.s32 $0xFFFFC000;
	(pc) =	sbr.rel @p0 .LBB2_1-.Ltmp1, $4  }
0x2d: {  	[hbm4b:s11+s2] =	stream.linear.scatter [tilespmem:s8], [sflag:$0x2], $0x4000, $0x38;
	[tilespmem:$0x4080] =	vst v63  }
0x2e: {  	_ =	swait.ge [sflag:s7], $0x4000  }
0x2f: {  	[sflag:s7] =	ssyncset.done $0x0  }
0x30: {  	[sflag:s7] =	ssyncadd.s32 $0xFFFFC000  }
0x31: {  	_ =	sfence.sel $0x180000  }
0x32: {  	[bflag:$0x0] =	sbarrier.arrive $0xFFFF  }
0x33: {  	p0 =	sne.s32 s1, $0x0;
	_ =	strace $0x90000050  }
0x34: {  	s0 =	sadd.s32 @!p0 $0x100000, s0;
	[bflag:$0x2] =	sbarrier.arrive $0xFFFF  }
0x35: {  	[sflag:s0] =	ssyncadd.tile.s32 @!p0 $0x1;
	_ =	shalt  }
.Lfunc_end2:
_tile_overlayer_lowered:
.L_overlay_start_2:
0x36: {  	(tag) =	ssettag $0x2  }
0x37: {  	s0 =	rddreg [dreg:$0x0];
	s2 =	stileid.u32  }
0x38: {  	s1 =	rddreg [dreg:$0x1];
	p0 =	sne.s32 s2, $0x0  }
0x39: {  	s3 =	rddreg [dreg:$0x2];
	[bflag:$0x3] =	sbarrier.arrive $0xFFFF;
	s2 =	simm.s32 @!p0 $0x1C02  }
0x3a: {  	[timem:s3], [sflag:s2] =	dma.local @!p0 [hbm:s0], s1  }
0x3b: {  	s0 =	simm.s32 @!p0 $0x2  }
0x3c: {  	_ =	swait.ge @!p0 [sflag:s0], s1  }
0x3d: {  	s1 =	ssub.s32 @!p0 $0x0, s1;
	[sflag:s0] =	ssyncset.done @!p0 $0x0  }
0x3e: {  	[sflag:s0] =	ssyncadd.s32 @!p0 s1  }
0x3f: {  	[bflag:$0x3] =	sbarrier.arrive $0xFFFF  }
0x40: {  	_ =	shalt  }

// kernel: kernel.47.cloned.1.call-start
scs
__scs_entry_jumppad:
0x0: {  	(pc) =	sbr.rel $0x88, $3  }
0x1: {  	(tag) =	ssettag $0x0;
	lr =	simm.s32 $0x1  }
0x2: {  	[smem:$0x3F98] =	sst lr;
	_ =	strace $0xD0000000  }
0x3: {  	_ = 	snop  }
0x4: {  	_ = 	snop  }
0x5: {  	_ = 	snop  }
0x6: {  	_ = 	snop  }
0x7: {  	_ = 	snop  }
__scs_overlays_trampoline_lowered:
0x8: {  	[smem:$0x3FA7] =	sst s0  }
0x9: {  	[smem:$0x3FA8] =	sst s1  }
0xa: {  	[smem:$0x3FA9] =	sst s2  }
0xb: {  	[smem:$0x3FAA] =	sst s3  }
0xc: {  	[smem:$0x3FAB] =	sst s4  }
0xd: {  	[smem:$0x3FAC] =	sst s5  }
0xe: {  	[smem:$0x3FAD] =	sst s6  }
0xf: {  	[smem:$0x3FAE] =	sst s7  }
0x10: {  	[smem:$0x3FAF] =	sst s8  }
0x11: {  	[smem:$0x3FB0] =	sst s9;
	s0 =	simm.s32 @!p0 $0x0  }
0x12: {  	s1 =	sld [smem:$0x3F96];
	s0 =	simm.s32 @p0 $0x1  }
0x13: {  	[smem:$0x3FB1] =	sst s0;
	s0 =	simm.s32 @!p1 $0x0  }
0x14: {  	s2 =	sld [smem:$0x3F95];
	s0 =	simm.s32 @p1 $0x1  }
0x15: {  	[smem:$0x3FB2] =	sst s0;
	s0 =	simm.s32 @!p2 $0x0  }
0x16: {  	s3 =	sld [smem:$0x3FDB];
	s0 =	simm.s32 @p2 $0x1  }
0x17: {  	s4 =	simm.s32 $0x1BF5;
	[smem:$0x3FB4] =	sst s0  }
0x18: {  	s0 =	sld [smem:$0x3F97];
	_ =	swait.ge [sflag:s4], $0x0  }
0x19: {  	s7 =	sld [smem:$0x3F98]  }
0x1a: {  	s8 =	sadd.s32 $0xFFFFE003, lr  }
0x1b: {  	s9 =	sadd.s32 $0xFFFFFEF7, lr;
	s5 =	simm.s32 $0xFFFFFFFF;
	p2 =	slt.u32 s8, $0xFFFFF086  }
0x1c: {  	p1 =	slt.u32 s9, $0xF7A;
	s5 =	simm.s32 @!p2 $0x0  }
0x1d: {  	s5 =	simm.s32 @p1 $0x1;
	p0 =	seq.s32 s7, s2  }
0x1e: {  	s7 =	smul.u32 @!p0 $0xF7A, s2;
	p2 =	seq.s32 @!p0 s5, $0x0  }
0x1f: {  	s9 =	smul.u32 $0xF7A, s1;
	s8 =	simm.s32 @!p0 $0x1BF5;
	p2 =	por !p2, p0  }
0x20: {  	[sflag:s8] =	ssyncset.s32 @!p0 $0xFFFFF086;
	s6 =	sadd.s32 @!p0 s3, s7;
	s7 =	simm.s32 @!p0 $0x108  }
0x21: {  	s3 =	sadd.s32 s3, s9;
	s6 =	sadd.s32 @!p0 $0x88, s6;
	s7 =	simm.s32 @p2 $0x1082  }
0x22: {  	[simem:s7], [sflag:s8] =	dma.local @!p0 [hbm:s6], $0xF7A  }
0x23: {  	s9 =	sor.u32 $0xD0000000, s2;
	s6 =	simm.s32 $0x108;
	_ =	swait.ge @!p0 [sflag:s8], $0x0  }
0x24: {  	s3 =	sadd.s32 $0x88, s3;
	s6 =	simm.s32 @!p1 $0x1082;
	[sflag:s4] =	ssyncset.s32 $0xFFFFF086  }
0x25: {  	[simem:s6], [sflag:s4] =	dma.local [hbm:s3], $0xF7A  }
0x26: {  	[smem:$0x3F98] =	sst s1;
	(tag) =	ssettag s2;
	_ =	strace s9  }
0x27: {  	s1 =	sld [smem:$0x3FA8]  }
0x28: {  	s2 =	sld [smem:$0x3FA9]  }
0x29: {  	s4 =	sld [smem:$0x3FAB]  }
0x2a: {  	p0 =	seq.s32 s5, $0x0;
	s5 =	sld [smem:$0x3FAC]  }
0x2b: {  	s6 =	sld [smem:$0x3FAD]  }
0x2c: {  	s7 =	sld [smem:$0x3FAE]  }
0x2d: {  	s3 =	simm.s32 $0x108;
	s8 =	sld [smem:$0x3FAF]  }
0x2e: {  	s3 =	simm.s32 @!p0 $0x1082;
	s9 =	sld [smem:$0x3FB0]  }
0x2f: {  	lr =	sadd.s32 s0, s3;
	s0 =	sld [smem:$0x3FA7]  }
0x30: {  	s3 =	sld [smem:$0x3FAA]  }
0x31: {  	[smem:$0x3FB3] =	sst s10  }
0x32: {  	s10 =	sld [smem:$0x3FB1];
	_ =	sdelay $0x3  }
0x33: {  	p0 =	seq.s32 s10, $0x1;
	s10 =	sld [smem:$0x3FB3];
	_ =	sdelay $0x3  }
0x34: {  	[smem:$0x3FB3] =	sst s10  }
0x35: {  	s10 =	sld [smem:$0x3FB2];
	_ =	sdelay $0x3  }
0x36: {  	p1 =	seq.s32 s10, $0x1;
	s10 =	sld [smem:$0x3FB3];
	_ =	sdelay $0x3  }
0x37: {  	[smem:$0x3FB3] =	sst s10  }
0x38: {  	s10 =	sld [smem:$0x3FB4]  }
0x39: {  	_ = 	snop;
	(pc) =	sbr.ind lr, $3  }
0x3a: {  	_ = 	snop  }
0x3b: {  	_ = 	snop  }
0x3c: {  	p2 =	seq.s32 s10, $0x1;
	s10 =	sld [smem:$0x3FB3]  }
0x3d: {  	_ =	shalt  }
0x3e: {  	_ =	shalt  }
0x3f: {  	_ =	shalt  }
0x40: {  	_ =	shalt  }
0x41: {  	_ =	shalt  }
0x42: {  	_ =	shalt  }
0x43: {  	_ =	shalt  }
0x44: {  	_ =	shalt  }
0x45: {  	_ =	shalt  }
0x46: {  	_ =	shalt  }
0x47: {  	_ =	shalt  }
0x48: {  	_ =	shalt  }
0x49: {  	_ =	shalt  }
0x4a: {  	_ =	shalt  }
0x4b: {  	_ =	shalt  }
0x4c: {  	_ =	shalt  }
0x4d: {  	_ =	shalt  }
0x4e: {  	_ =	shalt  }
0x4f: {  	_ =	shalt  }
0x50: {  	_ =	shalt  }
0x51: {  	_ =	shalt  }
0x52: {  	_ =	shalt  }
0x53: {  	_ =	shalt  }
0x54: {  	_ =	shalt  }
0x55: {  	_ =	shalt  }
0x56: {  	_ =	shalt  }
0x57: {  	_ =	shalt  }
0x58: {  	_ =	shalt  }
0x59: {  	_ =	shalt  }
0x5a: {  	_ =	shalt  }
0x5b: {  	_ =	shalt  }
0x5c: {  	_ =	shalt  }
0x5d: {  	_ =	shalt  }
0x5e: {  	_ =	shalt  }
0x5f: {  	_ =	shalt  }
0x60: {  	_ =	shalt  }
0x61: {  	_ =	shalt  }
0x62: {  	_ =	shalt  }
0x63: {  	_ =	shalt  }
0x64: {  	_ =	shalt  }
0x65: {  	_ =	shalt  }
0x66: {  	_ =	shalt  }
0x67: {  	_ =	shalt  }
0x68: {  	_ =	shalt  }
0x69: {  	_ =	shalt  }
0x6a: {  	_ =	shalt  }
0x6b: {  	_ =	shalt  }
0x6c: {  	_ =	shalt  }
0x6d: {  	_ =	shalt  }
0x6e: {  	_ =	shalt  }
0x6f: {  	_ =	shalt  }
0x70: {  	_ =	shalt  }
0x71: {  	_ =	shalt  }
0x72: {  	_ =	shalt  }
0x73: {  	_ =	shalt  }
0x74: {  	_ =	shalt  }
0x75: {  	_ =	shalt  }
0x76: {  	_ =	shalt  }
0x77: {  	_ =	shalt  }
0x78: {  	_ =	shalt  }
0x79: {  	_ =	shalt  }
0x7a: {  	_ =	shalt  }
0x7b: {  	_ =	shalt  }
0x7c: {  	_ =	shalt  }
0x7d: {  	_ =	shalt  }
0x7e: {  	_ =	shalt  }
0x7f: {  	_ =	shalt  }
0x80: {  	_ =	shalt  }
0x81: {  	_ =	shalt  }
0x82: {  	_ =	shalt  }
0x83: {  	_ =	shalt  }
0x84: {  	_ =	shalt  }
0x85: {  	_ =	shalt  }
0x86: {  	_ =	shalt  }
0x87: {  	_ =	shalt  }
.Lfunc_end0:
.L_simem_size_0:
called_computation.7_lowered:
.L_overlay_start_0:
0x88: {  	s2 =	sld [smem:$0x3FD9]  }
0x89: {  	s3 =	sld [smem:$0x3FFE];
	_ =	sdelay $0x1  }
0x8a: {  	s1 =	srdreg.scid  }
0x8b: {  	s0 =	sand.u32 $0x1, s1  }
0x8c: {  	s17 =	sshll.u32 s0, $0xA;
	s2 =	sadd.s32 s3, s2  }
0x8d: {  	s2 =	sadd.s32 s2, s17  }
0x8e: {  	[smem:$0x3FBF] =	sst s2  }
0x8f: {  	_ = 	snop  }
0x90: {  	(tm) =	ssettm $0x1  }
0x91: {  	s18 =	sld [smem:$0x3FFB];
	_ =	sdelay $0x3  }
0x92: {  	_ =	strace s18  }
0x93: {  	s2 =	sld [smem:$0x3FFC];
	_ =	sdelay $0x3  }
0x94: {  	_ =	strace s2  }
0x95: {  	s2 =	sld [smem:$0x3FFD];
	_ =	sdelay $0x3  }
0x96: {  	_ =	strace s2  }
0x97: {  	_ =	strace $0x8FFFFFFF  }
0x98: {  	s19 =	sld [smem:$0x3FDB];
	_ =	sdelay $0x1  }
0x99: {  	s20 =	simm.s32 $_scs_section_size  }
0x9a: {  	s4 =	simm.s32 $_size__tile_overlayer_lowered;
	s5 =	simm.s32 $_tile_overlayer_lowered  }
0x9b: {  	s6 =	simm.s32 $0x1BFF;
	s21 =	sshll.u32 s5, $0x1;
	s3 =	sadd.s32 s20, s19  }
0x9c: {  	s22 =	simm.s32 $0x0;
	s4 =	sshll.u32 s4, $0x1;
	s5 =	sadd.s32 s21, s3  }
0x9d: {  	[timem:s22], [sflag:s6] =	dma.local [hbm:s5], s4  }
0x9e: {  	_ =	swait.ge [sflag:s6], s4  }
0x9f: {  	s4 =	ssub.s32 $0x0, s4;
	[sflag:s6] =	ssyncset.done $0x0  }
0xa0: {  	[sflag:s6] =	ssyncadd.s32 s4;
	_ =	sdelay $0x1  }
0xa1: {  	s23 =	simm.s32 $0x1B8B  }
0xa2: {  	_ =	swait.ge [sflag:s23], $0x1  }
0xa3: {  	[sflag:s23] =	ssyncset.done $0x0  }
0xa4: {  	[sflag:s23] =	ssyncadd.s32 $0xFFFFFFFF  }
0xa5: {  	s4 =	sld [smem:$0x0]  }
0xa6: {  	s5 =	sand.u32 $0xFFFFFFFE, s1  }
0xa7: {  	p0 =	sne.s32 s1, s5  }
0xa8: {  	s5 =	sshll.u32 @p0 s5, $0xE  }
0xa9: {  	s5 =	sadd.s32 @p0 $0x11B8D, s5;
	s6 =	sshll.u32 @p0 s4, $0x11  }
0xaa: {  	s5 =	sor.u32 @p0 s6, s5  }
0xab: {  	[sflag:s5] =	ssyncadd.remote.s32 @p0 $0x1;
	_ =	sdelay $0x1  }
0xac: {  	s5 =	simm.s32 @p0 $0x1B8D  }
0xad: {  	_ =	swait.eq @p0 [sflag:s5], $0x1  }
0xae: {  	[sflag:s5] =	ssyncadd.s32 @p0 $0xFFFFFFFF  }
0xaf: {  	s6 =	sshll.u32 @!p0 s1, $0xE  }
0xb0: {  	s6 =	sor.u32 @!p0 $0x4000, s6;
	s5 =	simm.s32 @!p0 $0x1B8D  }
0xb1: {  	s4 =	sshll.u32 @!p0 s4, $0x11;
	s6 =	sadd.s32 @!p0 $0x11B8D, s6;
	_ =	swait.eq @!p0 [sflag:s5], $0x1  }
0xb2: {  	s4 =	sor.u32 @!p0 s4, s6;
	[sflag:s5] =	ssyncadd.s32 @!p0 $0xFFFFFFFF  }
0xb3: {  	s25 =	simm.s32 $0x1B8E;
	s24 =	sld [smem:$0x3FFE];
	[sflag:s4] =	ssyncadd.remote.s32 @!p0 $0x1  }
0xb4: {  	s26 =	simm.s32 $execute0_lowered;
	[smem:$0x3FD2] =	sst s25  }
0xb5: {  	s5 =	sshll.u32 s26, $0x1;
	_ =	strace $0x8000005B;
	[dreg:$0x1] =	wrdreg $0xFFFFFFFF  }
0xb6: {  	s28 =	simm.s32 $_size_execute0_lowered;
	s3 =	sadd.s32 s3, s5;
	[dreg:$0x0] =	wrdreg $0x0  }
0xb7: {  	s5 =	sshll.u32 s28, $0x1;
	[dreg:$0x2] =	wrdreg s3  }
0xb8: {  	[dreg:$0x3] =	wrdreg s5  }
0xb9: {  	[dreg:$0x4] =	wrdreg $0xC0  }
0xba: {  	_ =	task [dreg:s22], $0x5FFFF  }
0xbb: {  	[dreg:$0x1] =	wrdreg $0xFFFFFFFF  }
0xbc: {  	[dreg:$0x0] =	wrdreg $0x60  }
0xbd: {  	[dreg:$0x2] =	wrdreg s24  }
0xbe: {  	[dreg:$0x3] =	wrdreg $0xA  }
0xbf: {  	_ =	task.clear_ibuf [dreg:s22], $0x4FFFF;
	_ =	strace $0x9000005B  }
0xc0: {  	s29 =	simm.s32 $0xA;
	_ =	strace $0x8000005D  }
0xc1: {  	_ =	swait.ge [sflag:s29], $0x1  }
0xc2: {  	[sflag:s29] =	ssyncadd.s32 $0xFFFFFFFF  }
0xc3: {  	_ =	strace $0x9000005D  }
0xc4: {  	_ =	sfence  }
0xc5: {  	s30 =	sld [smem:$0x0];
	_ =	sdelay $0x2  }
0xc6: {  	s31 =	sshll.u32 s1, $0xD;
	s1 =	sshrl.u32 s1, $0x2  }
0xc7: {  	s4 =	sand.u32 $0x4000, s31;
	s1 =	sadd.s32 s1, s30  }
0xc8: {  	s0 =	sor.u32 s4, s0;
	s1 =	sshll.u32 s1, $0x11  }
0xc9: {  	s0 =	sor.u32 s1, s0  }
0xca: {  	s0 =	sadd.s32 $0x8F2B, s0  }
0xcb: {  	[sflag:s0] =	ssyncadd.remote.s32 $0x1  }
0xcc: {  	_ =	sfence.sel $0xFFFF  }
0xcd: {  	[dreg:$0x0] =	wrdreg $0xFFFFFFFF;
	(pc) =	sbr.abs _section_cstart, $3  }
0xce: {  	[dreg:$0x1] =	wrdreg $0xFFFFFFFF  }
0xcf: {  	_ =	task.clear_ibuf [dreg:s22], $0x2FFFF;
	_ =	strace $0x9FFFFFFF  }
0xd0: {  	(tm) =	ssettm $0x7FFFFFFF  }
0xd1: {  	_ =	shalt  }
tec
execute0_lowered:
.L_overlay_start_1:
0x0: {  	(tag) =	ssettag $0x1  }
0x1: {  	s4 =	rddreg [dreg:$0x0]  }
0x2: {  	s0 =	rddreg [dreg:$0x1];
	s1 =	stileid.u32  }
0x3: {  	s2 =	simm.s32 $0x0;
	s3 =	srdreg.scid;
	s5 =	smul.u32 $0x280, s1  }
0x4: {  	[smem:$0x7FF] =	sst s2;
	s6 =	smul.u32 $0x14000, s1;
	s7 =	sand.u32 $0x1, s3  }
0x5: {  	s3 =	sadd.s32 $0x81400, s4;
	s8 =	ssub.s32 $0x2, s7;
	s9 =	smul.u32 $0xA000, s7  }
0x6: {  	_ =	strace $0x8000005C;
	s7 =	smul.u32 $0x140, s7;
	s10 =	sshrl.u32 s8, $0x1  }
0x7: {  	s5 =	sadd.s32 s5, s4;
	s6 =	sadd.s32 s6, s4;
	s31 =	ssub.s32 s8, s10  }
0x8: {  	s6 =	sadd.s32 s9, s6;
	s7 =	sadd.s32 s7, s5;
	s8 =	simm.s32 $0x80  }
0x9: {  	s9 =	simm.s32 $0x1;
	s10 =	simm.s32 $0x0;
	s4 =	smax.u32 s31, $0x1  }
0xa: {  	s5 =	sadd.s32 $0x489C00, s6;
	s6 =	sadd.s32 $0xDC00, s7;
	s7 =	simm.s32 $0x2  }
.LBB2_1:
0xb: {  	s11 =	sadd.s32 $0x0, s6  }
0xc: {  	[tilespmem:s2], [sflag:$0x2] =	stream.linear.gather [hbm4b:s11+s2], $0x80, $0x38;
	[tilespmem:$0x4080] =	vst v63  }
0xd: {  	_ =	swait.ge [sflag:s7], $0x80  }
0xe: {  	[sflag:s7] =	ssyncset.done $0x0  }
0xf: {  	[sflag:s7] =	ssyncadd.s32 $0xFFFFFF80  }
0x10: {  	[tilespmem:s8], [sflag:$0x1] =	stream.indirect.gather [hbm4b:s3+s8], $0x80, s2, s8, $0xb8;
	[tilespmem:$0x4080] =	vst v63  }
0x11: {  	_ =	swait.ge [sflag:s9], $0x4000  }
0x12: {  	[sflag:s9] =	ssyncset.done $0x0  }
0x13: {  	[sflag:s9] =	ssyncadd.s32 $0xFFFFC000  }
0x14: {  	[hbm4b:s5+s2] =	stream.linear.scatter [tilespmem:s8], [sflag:$0x2], $0x4000, $0x38;
	[tilespmem:$0x4080] =	vst v63  }
0x15: {  	s12 =	simm.s32 $0x10;
	_ =	swait.ge [sflag:s7], $0x4000  }
0x16: {  	s13 =	simm.s32 $0x20;
	s11 =	sadd.s32 $0x800, s5;
	[sflag:s7] =	ssyncset.done $0x0  }
.LBB2_2:
0x17: {  	s14 =	sadd.s32 s12, s6  }
0x18: {  	[sflag:s7] =	ssyncadd.s32 $0xFFFFC000;
	s12 =	smov.u32 s13;
	s15 =	sadd.s32 $0x10, s13  }
0x19: {  	[tilespmem:s2], [sflag:$0x2] =	stream.linear.gather [hbm4b:s14+s2], $0x80, $0x38;
	[tilespmem:$0x4080] =	vst v63  }
0x1a: {  	p0 =	sne.s32 s13, $0x130;
	_ =	swait.ge [sflag:s7], $0x80  }
0x1b: {  	[sflag:s7] =	ssyncset.done $0x0  }
0x1c: {  	[sflag:s7] =	ssyncadd.s32 $0xFFFFFF80  }
0x1d: {  	[tilespmem:s8], [sflag:$0x1] =	stream.indirect.gather [hbm4b:s3+s8], $0x80, s2, s8, $0xb8;
	[tilespmem:$0x4080] =	vst v63  }
0x1e: {  	_ =	swait.ge [sflag:s9], $0x4000  }
.Ltmp0:
0x1f: {  	[sflag:s9] =	ssyncset.done $0x0;
	(pc) =	sbr.rel @p0 .LBB2_2-.Ltmp0, $4  }
0x20: {  	[sflag:s9] =	ssyncadd.s32 $0xFFFFC000  }
0x21: {  	[hbm4b:s11+s2] =	stream.linear.scatter [tilespmem:s8], [sflag:$0x2], $0x4000, $0x38;
	[tilespmem:$0x4080] =	vst v63  }
0x22: {  	_ =	swait.ge [sflag:s7], $0x4000  }
0x23: {  	s13 =	smov.u32 s15;
	s11 =	sadd.s32 $0x800, s11;
	[sflag:s7] =	ssyncset.done $0x0  }
0x24: {  	s12 =	sadd.s32 s12, s6;
	[sflag:s7] =	ssyncadd.s32 $0xFFFFC000  }
0x25: {  	[tilespmem:s2], [sflag:$0x2] =	stream.linear.gather [hbm4b:s12+s2], $0x80, $0x38;
	[tilespmem:$0x4080] =	vst v63  }
0x26: {  	_ =	swait.ge [sflag:s7], $0x80  }
0x27: {  	[sflag:s7] =	ssyncset.done $0x0  }
0x28: {  	[sflag:s7] =	ssyncadd.s32 $0xFFFFFF80  }
0x29: {  	[tilespmem:s8], [sflag:$0x1] =	stream.indirect.gather [hbm4b:s3+s8], $0x80, s2, s8, $0xb8;
	[tilespmem:$0x4080] =	vst v63  }
0x2a: {  	s10 =	sadd.s32 $0x1, s10;
	_ =	swait.ge [sflag:s9], $0x4000  }
0x2b: {  	p0 =	sne.s32 s10, s4;
	[sflag:s9] =	ssyncset.done $0x0  }
.Ltmp1:
0x2c: {  	[sflag:s9] =	ssyncadd.s32 $0xFFFFC000;
	(pc) =	sbr.rel @p0 .LBB2_1-.Ltmp1, $4  }
0x2d: {  	[hbm4b:s11+s2] =	stream.linear.scatter [tilespmem:s8], [sflag:$0x2], $0x4000, $0x38;
	[tilespmem:$0x4080] =	vst v63  }
0x2e: {  	_ =	swait.ge [sflag:s7], $0x4000  }
0x2f: {  	[sflag:s7] =	ssyncset.done $0x0  }
0x30: {  	[sflag:s7] =	ssyncadd.s32 $0xFFFFC000  }
0x31: {  	_ =	sfence.sel $0x180000  }
0x32: {  	[bflag:$0x0] =	sbarrier.arrive $0xFFFF  }
0x33: {  	p0 =	sne.s32 s1, $0x0;
	_ =	strace $0x9000005C  }
0x34: {  	s0 =	sadd.s32 @!p0 $0x100000, s0;
	[bflag:$0x2] =	sbarrier.arrive $0xFFFF  }
0x35: {  	[sflag:s0] =	ssyncadd.tile.s32 @!p0 $0x1;
	_ =	shalt  }
.Lfunc_end2:
_tile_overlayer_lowered:
.L_overlay_start_2:
0x36: {  	(tag) =	ssettag $0x2  }
0x37: {  	s0 =	rddreg [dreg:$0x0];
	s2 =	stileid.u32  }
0x38: {  	s1 =	rddreg [dreg:$0x1];
	p0 =	sne.s32 s2, $0x0  }
0x39: {  	s3 =	rddreg [dreg:$0x2];
	[bflag:$0x3] =	sbarrier.arrive $0xFFFF;
	s2 =	simm.s32 @!p0 $0x1C02  }
0x3a: {  	[timem:s3], [sflag:s2] =	dma.local @!p0 [hbm:s0], s1  }
0x3b: {  	s0 =	simm.s32 @!p0 $0x2  }
0x3c: {  	_ =	swait.ge @!p0 [sflag:s0], s1  }
0x3d: {  	s1 =	ssub.s32 @!p0 $0x0, s1;
	[sflag:s0] =	ssyncset.done @!p0 $0x0  }
0x3e: {  	[sflag:s0] =	ssyncadd.s32 @!p0 s1  }
0x3f: {  	[bflag:$0x3] =	sbarrier.arrive $0xFFFF  }
0x40: {  	_ =	shalt  }

</sc_bundles>
